<compile_context>
chip_gen: v7x
topology: tpu7x:2x2x1
jax: 0.10.2.dev20260603
libtpu: 0.0.44.dev20260713+nightly
codegen_flags: <defaults>
</compile_context>

<pallas_src>
import jax
import jax.numpy as jnp
from jax import lax
from jax.experimental import pallas as pl
from jax.experimental.pallas import tpu as pltpu
from jax.experimental.pallas import tpu_sc as plsc

N = 10000
E = 320000
D = 128

NC = 2
NS = 16
NW = NC * NS
EW = E // NW
C = 80
NCH = EW // C
NP = 10240
ST = NP // NS
SZC = ST // C


def _matmul_body(x_ref, as_ref, ad_ref, w_ref, xl_ref, af_ref):
    xl = jnp.dot(x_ref[...], w_ref[...], preferred_element_type=jnp.float32)
    xl_ref[...] = xl
    a2 = jnp.concatenate([as_ref[...], ad_ref[...]], axis=0)
    af_ref[...] = lax.dot_general(
        a2, xl, (((1,), (1,)), ((), ())),
        preferred_element_type=jnp.float32)


def _finalize_body(op_ref, dp_ref, b_ref, o_ref):
    acc = op_ref[0] + op_ref[1]
    den = dp_ref[0] + dp_ref[1]
    y = acc / (den + 1e-16) + b_ref[...]
    o_ref[...] = y * 0.5 * (1.0 + lax.erf(y * 0.7071067811865476))


def _edge_body(xl_hbm, af_hbm, ei_hbm,
               outp_hbm, denp_hbm,
               asrc_v, adst_v, s_a, s_b, d_a, d_b, ee_a, ee_b,
               dsc_a, dsc_b, rows_a, rows_b, out_sh, den_sh,
               gsem0, gsem1, isem0, isem1, dsem0, dsem1, ssem0, ssem1):
    cid = lax.axis_index("c")
    sid = lax.axis_index("s")
    wid = cid * NS + sid
    stripe = sid * ST

    s2 = (s_a, s_b)
    d2 = (d_a, d_b)
    ee2 = (ee_a, ee_b)
    dsc = (dsc_a, dsc_b)
    rows_v = (rows_a, rows_b)

    pltpu.sync_copy(af_hbm.at[pl.ds(0, NP)], asrc_v)
    pltpu.sync_copy(af_hbm.at[pl.ds(NP, NP)], adst_v)

    def zrow(i, _):
        for j in range(D // 16):
            rows_a[i, pl.ds(j * 16, 16)] = jnp.zeros((16,), jnp.float32)
        return 0
    lax.fori_loop(0, C, zrow, 0)

    for sub in range(SZC):
        pltpu.sync_copy(rows_a, out_sh.at[pl.ds(stripe + sub * C, C)])
    for sub in range(ST // D):
        pltpu.sync_copy(rows_a.at[0],
                        den_sh.at[pl.ds(stripe + sub * D, D)])

    plsc.subcore_barrier()

    gsem = (gsem0, gsem1)
    isem = (isem0, isem1)
    dsem = (dsem0, dsem1)

    def istart(ch, b):
        off = wid * EW + ch * C
        pltpu.async_copy(ei_hbm.at[pl.ds(off, C)], s2[b], isem[b])
        pltpu.async_copy(ei_hbm.at[pl.ds(E + off, C)], d2[b], isem[b])

    def iwait(ch, b):
        off = wid * EW + ch * C
        pltpu.make_async_copy(ei_hbm.at[pl.ds(off, C)], s2[b],
                              isem[b]).wait()
        pltpu.make_async_copy(ei_hbm.at[pl.ds(E + off, C)], d2[b],
                              isem[b]).wait()

    def ee_compute(b):
        @plsc.parallel_loop(0, C // 16, step=1, unroll=5)
        def evec(v):
            sl = pl.ds(v * 16, 16)
            sv = s2[b][sl]
            dv = d2[b][sl]
            dsc[b][sl] = dv
            e = (plsc.load_gather(asrc_v, [sv])
                 + plsc.load_gather(adst_v, [dv]))
            e = jnp.where(e >= 0.0, e, 0.2 * e)
            ee2[b][sl] = jnp.exp(e)

    def dfire(b):
        pltpu.async_copy(ee2[b], den_sh.at[d2[b]], dsem[b], add=True)

    def dwait(b):
        pltpu.make_async_copy(ee2[b], den_sh.at[d2[b]], dsem[b]).wait()

    def gstart(b):
        pltpu.async_copy(xl_hbm.at[s2[b]], rows_v[b], gsem[b])

    def gwait(b):
        pltpu.make_async_copy(xl_hbm.at[s2[b]], rows_v[b], gsem[b]).wait()

    def scale(b):
        @plsc.parallel_loop(0, C, step=1, unroll=8)
        def srow(i):
            av = plsc.load_gather(ee2[b], [jnp.full((16,), i, jnp.int32)])
            for j in range(D // 16):
                sl = pl.ds(j * 16, 16)
                rows_v[b][i, sl] = rows_v[b][i, sl] * av

    ssem = (ssem0, ssem1)

    def sfire(b):
        pltpu.async_copy(rows_v[b], out_sh.at[dsc[b]], ssem[b], add=True)

    def swait(b):
        pltpu.make_async_copy(rows_v[b], out_sh.at[dsc[b]],
                              ssem[b]).wait()

    def finish_and_prep_next(ch, b, do_swait, has_next2):
        gwait(b)
        dwait(b)
        iwait(ch + 1, 1 - b)
        if do_swait:
            swait(1 - b)
        ee_compute(1 - b)
        dfire(1 - b)
        gstart(1 - b)
        scale(b)
        sfire(b)
        if has_next2:
            istart(ch + 2, b)

    istart(0, 0)
    iwait(0, 0)
    ee_compute(0)
    dfire(0)
    gstart(0)
    istart(1, 1)

    finish_and_prep_next(0, 0, False, True)

    def pipe(i, _):
        finish_and_prep_next(i * 2 + 1, 1, True, True)
        finish_and_prep_next(i * 2 + 2, 0, True, True)
        return 0
    lax.fori_loop(0, (NCH - 3) // 2, pipe, 0)

    finish_and_prep_next(NCH - 2, 1, True, False)
    gwait(0)
    dwait(0)
    scale(0)
    sfire(0)
    swait(1)
    swait(0)

    plsc.subcore_barrier()

    pltpu.sync_copy(out_sh.at[pl.ds(stripe, ST)],
                    outp_hbm.at[cid, pl.ds(stripe, ST)])
    pltpu.sync_copy(den_sh.at[pl.ds(stripe, ST)],
                    denp_hbm.at[pl.ds(cid * NP + stripe, ST)])


def kernel(x, edge_index, W, att_src, att_dst, bias):
    nb = 10
    bm = NP // nb
    xl, af = pl.pallas_call(
        _matmul_body,
        grid=(nb,),
        in_specs=[
            pl.BlockSpec((bm, D), lambda i: (i, 0)),
            pl.BlockSpec((1, D), lambda i: (0, 0)),
            pl.BlockSpec((1, D), lambda i: (0, 0)),
            pl.BlockSpec((D, D), lambda i: (0, 0)),
        ],
        out_specs=[
            pl.BlockSpec((bm, D), lambda i: (i, 0)),
            pl.BlockSpec((2, bm), lambda i: (0, i)),
        ],
        out_shape=[
            jax.ShapeDtypeStruct((NP, D), jnp.float32),
            jax.ShapeDtypeStruct((2, NP), jnp.float32),
        ],
    )(x, att_src, att_dst, W)

    mesh = plsc.VectorSubcoreMesh(core_axis_name="c", subcore_axis_name="s")
    outp, denp = pl.kernel(
        _edge_body,
        out_type=[
            jax.ShapeDtypeStruct((NC, NP, D), jnp.float32),
            jax.ShapeDtypeStruct((NC * NP,), jnp.float32),
        ],
        mesh=mesh,
        compiler_params=pltpu.CompilerParams(needs_layout_passes=False),
        scratch_types=[
            pltpu.VMEM((NP,), jnp.float32),
            pltpu.VMEM((NP,), jnp.float32),
            pltpu.VMEM((C,), jnp.int32),
            pltpu.VMEM((C,), jnp.int32),
            pltpu.VMEM((C,), jnp.int32),
            pltpu.VMEM((C,), jnp.int32),
            pltpu.VMEM((C,), jnp.float32),
            pltpu.VMEM((C,), jnp.float32),
            pltpu.VMEM((C,), jnp.int32),
            pltpu.VMEM((C,), jnp.int32),
            pltpu.VMEM((C, D), jnp.float32),
            pltpu.VMEM((C, D), jnp.float32),
            pltpu.VMEM_SHARED((NP, D), jnp.float32),
            pltpu.VMEM_SHARED((NP,), jnp.float32),
            pltpu.SemaphoreType.DMA,
            pltpu.SemaphoreType.DMA,
            pltpu.SemaphoreType.DMA,
            pltpu.SemaphoreType.DMA,
            pltpu.SemaphoreType.DMA,
            pltpu.SemaphoreType.DMA,
            pltpu.SemaphoreType.DMA,
            pltpu.SemaphoreType.DMA,
        ],
    )(xl, af.reshape(2 * NP), edge_index.reshape(2 * E))

    bn = 1000
    out = pl.pallas_call(
        _finalize_body,
        grid=(N // bn,),
        in_specs=[
            pl.BlockSpec((NC, bn, D), lambda i: (0, i, 0)),
            pl.BlockSpec((NC, bn, 1), lambda i: (0, i, 0)),
            pl.BlockSpec((1, D), lambda i: (0, 0)),
        ],
        out_specs=pl.BlockSpec((bn, D), lambda i: (i, 0)),
        out_shape=jax.ShapeDtypeStruct((N, D), jnp.float32),
    )(outp, denp.reshape(NC, NP, 1), bias.reshape(1, D))
    return out

# --- scband reference (transcript-rebuilt; emitter-appended) ---
"""Pipeline reference for scband-graph-attention-layer-34772055228979 (READ-ONLY COPY).

The authoritative reference and input builder live on the scoring server;
editing this copy changes nothing except your own understanding.
"""

import jax, jax.numpy as jnp
import numpy as np

N = 10000
E = 320000
IN = 128
OUT = 128
H = 1


def setup_inputs(seed: int = 0) -> dict:
    key = jax.random.key(seed)
    k1, k2, k3, k4, k5, k6 = jax.random.split(key, 6)
    x = jax.random.normal(k1, (N, IN), dtype=jnp.float32)
    edge_index = jax.random.randint(k2, (2, E), 0, N, dtype=jnp.int32)
    # learned params: GATConv lin weight, attention vectors, bias
    scale = 1.0 / np.sqrt(IN)
    W = jax.random.normal(k3, (IN, H * OUT), dtype=jnp.float32) * scale
    att_src = jax.random.normal(k4, (H, OUT), dtype=jnp.float32) * scale
    att_dst = jax.random.normal(k5, (H, OUT), dtype=jnp.float32) * scale
    bias = jnp.zeros((H * OUT,), dtype=jnp.float32)
    return {"x": x, "edge_index": edge_index, "W": W, "att_src": att_src, "att_dst": att_dst, "bias": bias}


def reference(x, edge_index, W, att_src, att_dst, bias):
    # GATConv (PyG semantics): linear -> per-edge LeakyReLU attention -> softmax over dst -> weighted aggregate
    x_lin = (x @ W).reshape(N, H, OUT)
    a_src = jnp.sum(x_lin * att_src[None, :, :], axis=-1)  # [N, H]
    a_dst = jnp.sum(x_lin * att_dst[None, :, :], axis=-1)  # [N, H]
    src = edge_index[0]
    dst = edge_index[1]
    e = a_src[src] + a_dst[dst]                     # [E, H]
    e = jax.nn.leaky_relu(e, negative_slope=0.2)
    # softmax over edges grouped by destination node
    emax = jax.ops.segment_max(e, dst, num_segments=N)
    emax = jnp.where(jnp.isfinite(emax), emax, 0.0)
    ee = jnp.exp(e - emax[dst])
    denom = jax.ops.segment_sum(ee, dst, num_segments=N)
    alpha = ee / (denom[dst] + 1e-16)               # [E, H]
    msg = x_lin[src] * alpha[:, :, None]            # [E, H, OUT]
    out = jax.ops.segment_sum(msg, dst, num_segments=N).reshape(N, H * OUT)
    out = out + bias[None, :]
    # activation: gelu (exact erf form, matching torch default)
    return jax.nn.gelu(out, approximate=False)

if __name__ == "__main__":
    import jax
    _d = setup_inputs()
    print(jax.jit(kernel)(*tuple(_d.values())))

</pallas_src>

<mosaic_0001>
#map = affine_map<(d0, d1) -> (0, 0)>
#map1 = affine_map<(d0, d1) -> (0)>
#map2 = affine_map<(d0, d1) -> (0, 0, 0)>
module attributes {stable_mosaic.version = 14 : i64} {
  func.func @_edge_body(%arg0: i32, %arg1: i32, %arg2: memref<10240x128xf32, #tpu.memory_space<hbm>>, %arg3: memref<20480xf32, #tpu.memory_space<hbm>>, %arg4: memref<640000xi32, #tpu.memory_space<hbm>>, %arg5: memref<2x10240x128xf32, #tpu.memory_space<hbm>>, %arg6: memref<20480xf32, #tpu.memory_space<hbm>>, %arg7: memref<10240xf32, #tpu.memory_space<vmem>>, %arg8: memref<10240xf32, #tpu.memory_space<vmem>>, %arg9: memref<80xi32, #tpu.memory_space<vmem>>, %arg10: memref<80xi32, #tpu.memory_space<vmem>>, %arg11: memref<80xi32, #tpu.memory_space<vmem>>, %arg12: memref<80xi32, #tpu.memory_space<vmem>>, %arg13: memref<80xf32, #tpu.memory_space<vmem>>, %arg14: memref<80xf32, #tpu.memory_space<vmem>>, %arg15: memref<80xi32, #tpu.memory_space<vmem>>, %arg16: memref<80xi32, #tpu.memory_space<vmem>>, %arg17: memref<80x128xf32, #tpu.memory_space<vmem>>, %arg18: memref<80x128xf32, #tpu.memory_space<vmem>>, %arg19: memref<10240x128xf32, #tpu.memory_space<vmem_shared>>, %arg20: memref<10240xf32, #tpu.memory_space<vmem_shared>>, %arg21: memref<!tpu.dma_semaphore, #tpu.memory_space<semaphore_mem>>, %arg22: memref<!tpu.dma_semaphore, #tpu.memory_space<semaphore_mem>>, %arg23: memref<!tpu.dma_semaphore, #tpu.memory_space<semaphore_mem>>, %arg24: memref<!tpu.dma_semaphore, #tpu.memory_space<semaphore_mem>>, %arg25: memref<!tpu.dma_semaphore, #tpu.memory_space<semaphore_mem>>, %arg26: memref<!tpu.dma_semaphore, #tpu.memory_space<semaphore_mem>>, %arg27: memref<!tpu.dma_semaphore, #tpu.memory_space<semaphore_mem>>, %arg28: memref<!tpu.dma_semaphore, #tpu.memory_space<semaphore_mem>>) attributes {dimension_semantics = [#tpu.dimension_semantics<core_parallel>, #tpu.dimension_semantics<subcore_parallel>], iteration_bounds = array<i64: 2, 16>, scalar_prefetch = 0 : i64, scratch_operands = 22 : i64, tpu.core_type = #tpu.core_type<sc_vector_subcore>, window_params = [{transform_indices = #map}, {transform_indices = #map1}, {transform_indices = #map1}, {transform_indices = #map2}, {transform_indices = #map1}]} {
    %mul3A = arith.constant 16 : i32
    %mul3A_0 = arith.muli %arg0, %mul3A : i32
    %add3A = arith.addi %mul3A_0, %arg1 : i32
    %mul3A_1 = arith.constant 640 : i32
    %mul3A_2 = arith.muli %arg1, %mul3A_1 : i32
    "tpu.region"() ({
      %run_scoped3A_173 = tpu.sem_alloc : memref<!tpu.dma_semaphore, #tpu.memory_space<semaphore_mem>>
      %dma_start3A_174 = arith.constant 0 : i32
      %dma_start3A_175 = tpu.memref_slice %arg3[%dma_start3A_174] : memref<20480xf32, #tpu.memory_space<hbm>> -> memref<10240xf32, #tpu.memory_space<hbm>>
      %dma_start3A_176 = arith.constant 0 : i32
      %dma_start3A_177 = tpu.memref_slice %arg3[%dma_start3A_176] : memref<20480xf32, #tpu.memory_space<hbm>> -> memref<10240xf32, #tpu.memory_space<hbm>>
      tpu.enqueue_dma source(%dma_start3A_177 : memref<10240xf32, #tpu.memory_space<hbm>>) target(%arg7 : memref<10240xf32, #tpu.memory_space<vmem>>) target_semaphore(%run_scoped3A_173 : memref<!tpu.dma_semaphore, #tpu.memory_space<semaphore_mem>>)
      %dma_wait3A_178 = arith.constant 0 : i32
      %dma_wait3A_179 = tpu.memref_slice %arg3[%dma_wait3A_178] : memref<20480xf32, #tpu.memory_space<hbm>> -> memref<10240xf32, #tpu.memory_space<hbm>>
      %dma_wait3A_180 = arith.constant 0 : i32
      %dma_wait3A_181 = tpu.memref_slice %arg3[%dma_wait3A_180] : memref<20480xf32, #tpu.memory_space<hbm>> -> memref<10240xf32, #tpu.memory_space<hbm>>
      tpu.wait_dma2 semaphore(%run_scoped3A_173 : memref<!tpu.dma_semaphore, #tpu.memory_space<semaphore_mem>>) src(%dma_wait3A_181 : memref<10240xf32, #tpu.memory_space<hbm>>) dst(%arg7 : memref<10240xf32, #tpu.memory_space<vmem>>)
      tpu.yield
    }) : () -> ()
    "tpu.region"() ({
      %run_scoped3A_173 = tpu.sem_alloc : memref<!tpu.dma_semaphore, #tpu.memory_space<semaphore_mem>>
      %dma_start3A_174 = arith.constant 10240 : i32
      %dma_start3A_175 = tpu.memref_slice %arg3[%dma_start3A_174] : memref<20480xf32, #tpu.memory_space<hbm>> -> memref<10240xf32, #tpu.memory_space<hbm>>
      %dma_start3A_176 = arith.constant 10240 : i32
      %dma_start3A_177 = tpu.memref_slice %arg3[%dma_start3A_176] : memref<20480xf32, #tpu.memory_space<hbm>> -> memref<10240xf32, #tpu.memory_space<hbm>>
      tpu.enqueue_dma source(%dma_start3A_177 : memref<10240xf32, #tpu.memory_space<hbm>>) target(%arg8 : memref<10240xf32, #tpu.memory_space<vmem>>) target_semaphore(%run_scoped3A_173 : memref<!tpu.dma_semaphore, #tpu.memory_space<semaphore_mem>>)
      %dma_wait3A_178 = arith.constant 10240 : i32
      %dma_wait3A_179 = tpu.memref_slice %arg3[%dma_wait3A_178] : memref<20480xf32, #tpu.memory_space<hbm>> -> memref<10240xf32, #tpu.memory_space<hbm>>
      %dma_wait3A_180 = arith.constant 10240 : i32
      %dma_wait3A_181 = tpu.memref_slice %arg3[%dma_wait3A_180] : memref<20480xf32, #tpu.memory_space<hbm>> -> memref<10240xf32, #tpu.memory_space<hbm>>
      tpu.wait_dma2 semaphore(%run_scoped3A_173 : memref<!tpu.dma_semaphore, #tpu.memory_space<semaphore_mem>>) src(%dma_wait3A_181 : memref<10240xf32, #tpu.memory_space<hbm>>) dst(%arg8 : memref<10240xf32, #tpu.memory_space<vmem>>)
      tpu.yield
    }) : () -> ()
    %scan3A = arith.constant 0 : i32
    %scan3A_3 = arith.constant 0 : i32
    %scan3A_4 = arith.constant 80 : i32
    %scan3A_5 = arith.addi %scan3A_3, %scan3A_4 : i32
    %scan3A_6 = arith.constant 1 : i32
    %scan3A_7 = scf.for %scan3A_173 = %scan3A_3 to %scan3A_5 step %scan3A_6 iter_args(%scan3A_174 = %scan3A) -> (i32)  : i32 {
      %broadcast_in_dim3A = arith.constant 0.000000e+00 : f32
      %broadcast_in_dim3A_175 = vector.broadcast %broadcast_in_dim3A : f32 to vector<16xf32>
      %swap3A = arith.index_cast %scan3A_173 : i32 to index
      %swap3A_176 = arith.constant 0 : index
      %swap3A_177 = tpu.vector_load %arg17[%swap3A, %swap3A_176] {strides = array<i32>} : memref<80x128xf32, #tpu.memory_space<vmem>>, vector<16xf32>,
      tpu.vector_store %arg17[%swap3A, %swap3A_176], %broadcast_in_dim3A_175 {strides = array<i32>} : memref<80x128xf32, #tpu.memory_space<vmem>>, vector<16xf32>,
      %broadcast_in_dim3A_178 = arith.constant 0.000000e+00 : f32
      %broadcast_in_dim3A_179 = vector.broadcast %broadcast_in_dim3A_178 : f32 to vector<16xf32>
      %swap3A_180 = arith.index_cast %scan3A_173 : i32 to index
      %swap3A_181 = arith.constant 16 : index
      %swap3A_182 = tpu.vector_load %arg17[%swap3A_180, %swap3A_181] {strides = array<i32>} : memref<80x128xf32, #tpu.memory_space<vmem>>, vector<16xf32>,
      tpu.vector_store %arg17[%swap3A_180, %swap3A_181], %broadcast_in_dim3A_179 {strides = array<i32>} : memref<80x128xf32, #tpu.memory_space<vmem>>, vector<16xf32>,
      %broadcast_in_dim3A_183 = arith.constant 0.000000e+00 : f32
      %broadcast_in_dim3A_184 = vector.broadcast %broadcast_in_dim3A_183 : f32 to vector<16xf32>
      %swap3A_185 = arith.index_cast %scan3A_173 : i32 to index
      %swap3A_186 = arith.constant 32 : index
      %swap3A_187 = tpu.vector_load %arg17[%swap3A_185, %swap3A_186] {strides = array<i32>} : memref<80x128xf32, #tpu.memory_space<vmem>>, vector<16xf32>,
      tpu.vector_store %arg17[%swap3A_185, %swap3A_186], %broadcast_in_dim3A_184 {strides = array<i32>} : memref<80x128xf32, #tpu.memory_space<vmem>>, vector<16xf32>,
      %broadcast_in_dim3A_188 = arith.constant 0.000000e+00 : f32
      %broadcast_in_dim3A_189 = vector.broadcast %broadcast_in_dim3A_188 : f32 to vector<16xf32>
      %swap3A_190 = arith.index_cast %scan3A_173 : i32 to index
      %swap3A_191 = arith.constant 48 : index
      %swap3A_192 = tpu.vector_load %arg17[%swap3A_190, %swap3A_191] {strides = array<i32>} : memref<80x128xf32, #tpu.memory_space<vmem>>, vector<16xf32>,
      tpu.vector_store %arg17[%swap3A_190, %swap3A_191], %broadcast_in_dim3A_189 {strides = array<i32>} : memref<80x128xf32, #tpu.memory_space<vmem>>, vector<16xf32>,
      %broadcast_in_dim3A_193 = arith.constant 0.000000e+00 : f32
      %broadcast_in_dim3A_194 = vector.broadcast %broadcast_in_dim3A_193 : f32 to vector<16xf32>
      %swap3A_195 = arith.index_cast %scan3A_173 : i32 to index
      %swap3A_196 = arith.constant 64 : index
      %swap3A_197 = tpu.vector_load %arg17[%swap3A_195, %swap3A_196] {strides = array<i32>} : memref<80x128xf32, #tpu.memory_space<vmem>>, vector<16xf32>,
      tpu.vector_store %arg17[%swap3A_195, %swap3A_196], %broadcast_in_dim3A_194 {strides = array<i32>} : memref<80x128xf32, #tpu.memory_space<vmem>>, vector<16xf32>,
      %broadcast_in_dim3A_198 = arith.constant 0.000000e+00 : f32
      %broadcast_in_dim3A_199 = vector.broadcast %broadcast_in_dim3A_198 : f32 to vector<16xf32>
      %swap3A_200 = arith.index_cast %scan3A_173 : i32 to index
      %swap3A_201 = arith.constant 80 : index
      %swap3A_202 = tpu.vector_load %arg17[%swap3A_200, %swap3A_201] {strides = array<i32>} : memref<80x128xf32, #tpu.memory_space<vmem>>, vector<16xf32>,
      tpu.vector_store %arg17[%swap3A_200, %swap3A_201], %broadcast_in_dim3A_199 {strides = array<i32>} : memref<80x128xf32, #tpu.memory_space<vmem>>, vector<16xf32>,
      %broadcast_in_dim3A_203 = arith.constant 0.000000e+00 : f32
      %broadcast_in_dim3A_204 = vector.broadcast %broadcast_in_dim3A_203 : f32 to vector<16xf32>
      %swap3A_205 = arith.index_cast %scan3A_173 : i32 to index
      %swap3A_206 = arith.constant 96 : index
      %swap3A_207 = tpu.vector_load %arg17[%swap3A_205, %swap3A_206] {strides = array<i32>} : memref<80x128xf32, #tpu.memory_space<vmem>>, vector<16xf32>,
      tpu.vector_store %arg17[%swap3A_205, %swap3A_206], %broadcast_in_dim3A_204 {strides = array<i32>} : memref<80x128xf32, #tpu.memory_space<vmem>>, vector<16xf32>,
      %broadcast_in_dim3A_208 = arith.constant 0.000000e+00 : f32
      %broadcast_in_dim3A_209 = vector.broadcast %broadcast_in_dim3A_208 : f32 to vector<16xf32>
      %swap3A_210 = arith.index_cast %scan3A_173 : i32 to index
      %swap3A_211 = arith.constant 112 : index
      %swap3A_212 = tpu.vector_load %arg17[%swap3A_210, %swap3A_211] {strides = array<i32>} : memref<80x128xf32, #tpu.memory_space<vmem>>, vector<16xf32>,
      tpu.vector_store %arg17[%swap3A_210, %swap3A_211], %broadcast_in_dim3A_209 {strides = array<i32>} : memref<80x128xf32, #tpu.memory_space<vmem>>, vector<16xf32>,
      %scan3A_213 = arith.constant 0 : i32
      scf.yield %scan3A_213 : i32
    }
    %scan3A_8 = arith.constant 80 : i32
    %add3A_9 = arith.constant 0 : i32
    %add3A_10 = arith.addi %mul3A_2, %add3A_9 : i32
    "tpu.region"() ({
      %run_scoped3A_173 = tpu.sem_alloc : memref<!tpu.dma_semaphore, #tpu.memory_space<semaphore_mem>>
      %dma_start3A_174 = arith.constant 0 : i32
      %dma_start3A_175 = tpu.memref_slice %arg19[%add3A_10, %dma_start3A_174] : memref<10240x128xf32, #tpu.memory_space<vmem_shared>> -> memref<80x128xf32, #tpu.memory_space<vmem_shared>>
      %dma_start3A_176 = arith.constant 0 : i32
      %dma_start3A_177 = tpu.memref_slice %arg19[%add3A_10, %dma_start3A_176] : memref<10240x128xf32, #tpu.memory_space<vmem_shared>> -> memref<80x128xf32, #tpu.memory_space<vmem_shared>>
      tpu.enqueue_dma source(%arg17 : memref<80x128xf32, #tpu.memory_space<vmem>>) target(%dma_start3A_177 : memref<80x128xf32, #tpu.memory_space<vmem_shared>>) target_semaphore(%run_scoped3A_173 : memref<!tpu.dma_semaphore, #tpu.memory_space<semaphore_mem>>)
      %dma_wait3A_178 = arith.constant 0 : i32
      %dma_wait3A_179 = tpu.memref_slice %arg19[%add3A_10, %dma_wait3A_178] : memref<10240x128xf32, #tpu.memory_space<vmem_shared>> -> memref<80x128xf32, #tpu.memory_space<vmem_shared>>
      %dma_wait3A_180 = arith.constant 0 : i32
      %dma_wait3A_181 = tpu.memref_slice %arg19[%add3A_10, %dma_wait3A_180] : memref<10240x128xf32, #tpu.memory_space<vmem_shared>> -> memref<80x128xf32, #tpu.memory_space<vmem_shared>>
      tpu.wait_dma2 semaphore(%run_scoped3A_173 : memref<!tpu.dma_semaphore, #tpu.memory_space<semaphore_mem>>) src(%arg17 : memref<80x128xf32, #tpu.memory_space<vmem>>) dst(%dma_wait3A_181 : memref<80x128xf32, #tpu.memory_space<vmem_shared>>)
      tpu.yield
    }) : () -> ()
    %add3A_11 = arith.constant 80 : i32
    %add3A_12 = arith.addi %mul3A_2, %add3A_11 : i32
    "tpu.region"() ({
      %run_scoped3A_173 = tpu.sem_alloc : memref<!tpu.dma_semaphore, #tpu.memory_space<semaphore_mem>>
      %dma_start3A_174 = arith.constant 0 : i32
      %dma_start3A_175 = tpu.memref_slice %arg19[%add3A_12, %dma_start3A_174] : memref<10240x128xf32, #tpu.memory_space<vmem_shared>> -> memref<80x128xf32, #tpu.memory_space<vmem_shared>>
      %dma_start3A_176 = arith.constant 0 : i32
      %dma_start3A_177 = tpu.memref_slice %arg19[%add3A_12, %dma_start3A_176] : memref<10240x128xf32, #tpu.memory_space<vmem_shared>> -> memref<80x128xf32, #tpu.memory_space<vmem_shared>>
      tpu.enqueue_dma source(%arg17 : memref<80x128xf32, #tpu.memory_space<vmem>>) target(%dma_start3A_177 : memref<80x128xf32, #tpu.memory_space<vmem_shared>>) target_semaphore(%run_scoped3A_173 : memref<!tpu.dma_semaphore, #tpu.memory_space<semaphore_mem>>)
      %dma_wait3A_178 = arith.constant 0 : i32
      %dma_wait3A_179 = tpu.memref_slice %arg19[%add3A_12, %dma_wait3A_178] : memref<10240x128xf32, #tpu.memory_space<vmem_shared>> -> memref<80x128xf32, #tpu.memory_space<vmem_shared>>
      %dma_wait3A_180 = arith.constant 0 : i32
      %dma_wait3A_181 = tpu.memref_slice %arg19[%add3A_12, %dma_wait3A_180] : memref<10240x128xf32, #tpu.memory_space<vmem_shared>> -> memref<80x128xf32, #tpu.memory_space<vmem_shared>>
      tpu.wait_dma2 semaphore(%run_scoped3A_173 : memref<!tpu.dma_semaphore, #tpu.memory_space<semaphore_mem>>) src(%arg17 : memref<80x128xf32, #tpu.memory_space<vmem>>) dst(%dma_wait3A_181 : memref<80x128xf32, #tpu.memory_space<vmem_shared>>)
      tpu.yield
    }) : () -> ()
    %add3A_13 = arith.constant 160 : i32
    %add3A_14 = arith.addi %mul3A_2, %add3A_13 : i32
    "tpu.region"() ({
      %run_scoped3A_173 = tpu.sem_alloc : memref<!tpu.dma_semaphore, #tpu.memory_space<semaphore_mem>>
      %dma_start3A_174 = arith.constant 0 : i32
      %dma_start3A_175 = tpu.memref_slice %arg19[%add3A_14, %dma_start3A_174] : memref<10240x128xf32, #tpu.memory_space<vmem_shared>> -> memref<80x128xf32, #tpu.memory_space<vmem_shared>>
      %dma_start3A_176 = arith.constant 0 : i32
      %dma_start3A_177 = tpu.memref_slice %arg19[%add3A_14, %dma_start3A_176] : memref<10240x128xf32, #tpu.memory_space<vmem_shared>> -> memref<80x128xf32, #tpu.memory_space<vmem_shared>>
      tpu.enqueue_dma source(%arg17 : memref<80x128xf32, #tpu.memory_space<vmem>>) target(%dma_start3A_177 : memref<80x128xf32, #tpu.memory_space<vmem_shared>>) target_semaphore(%run_scoped3A_173 : memref<!tpu.dma_semaphore, #tpu.memory_space<semaphore_mem>>)
      %dma_wait3A_178 = arith.constant 0 : i32
      %dma_wait3A_179 = tpu.memref_slice %arg19[%add3A_14, %dma_wait3A_178] : memref<10240x128xf32, #tpu.memory_space<vmem_shared>> -> memref<80x128xf32, #tpu.memory_space<vmem_shared>>
      %dma_wait3A_180 = arith.constant 0 : i32
      %dma_wait3A_181 = tpu.memref_slice %arg19[%add3A_14, %dma_wait3A_180] : memref<10240x128xf32, #tpu.memory_space<vmem_shared>> -> memref<80x128xf32, #tpu.memory_space<vmem_shared>>
      tpu.wait_dma2 semaphore(%run_scoped3A_173 : memref<!tpu.dma_semaphore, #tpu.memory_space<semaphore_mem>>) src(%arg17 : memref<80x128xf32, #tpu.memory_space<vmem>>) dst(%dma_wait3A_181 : memref<80x128xf32, #tpu.memory_space<vmem_shared>>)
      tpu.yield
    }) : () -> ()
    %add3A_15 = arith.constant 240 : i32
    %add3A_16 = arith.addi %mul3A_2, %add3A_15 : i32
    "tpu.region"() ({
      %run_scoped3A_173 = tpu.sem_alloc : memref<!tpu.dma_semaphore, #tpu.memory_space<semaphore_mem>>
      %dma_start3A_174 = arith.constant 0 : i32
      %dma_start3A_175 = tpu.memref_slice %arg19[%add3A_16, %dma_start3A_174] : memref<10240x128xf32, #tpu.memory_space<vmem_shared>> -> memref<80x128xf32, #tpu.memory_space<vmem_shared>>
      %dma_start3A_176 = arith.constant 0 : i32
      %dma_start3A_177 = tpu.memref_slice %arg19[%add3A_16, %dma_start3A_176] : memref<10240x128xf32, #tpu.memory_space<vmem_shared>> -> memref<80x128xf32, #tpu.memory_space<vmem_shared>>
      tpu.enqueue_dma source(%arg17 : memref<80x128xf32, #tpu.memory_space<vmem>>) target(%dma_start3A_177 : memref<80x128xf32, #tpu.memory_space<vmem_shared>>) target_semaphore(%run_scoped3A_173 : memref<!tpu.dma_semaphore, #tpu.memory_space<semaphore_mem>>)
      %dma_wait3A_178 = arith.constant 0 : i32
      %dma_wait3A_179 = tpu.memref_slice %arg19[%add3A_16, %dma_wait3A_178] : memref<10240x128xf32, #tpu.memory_space<vmem_shared>> -> memref<80x128xf32, #tpu.memory_space<vmem_shared>>
      %dma_wait3A_180 = arith.constant 0 : i32
      %dma_wait3A_181 = tpu.memref_slice %arg19[%add3A_16, %dma_wait3A_180] : memref<10240x128xf32, #tpu.memory_space<vmem_shared>> -> memref<80x128xf32, #tpu.memory_space<vmem_shared>>
      tpu.wait_dma2 semaphore(%run_scoped3A_173 : memref<!tpu.dma_semaphore, #tpu.memory_space<semaphore_mem>>) src(%arg17 : memref<80x128xf32, #tpu.memory_space<vmem>>) dst(%dma_wait3A_181 : memref<80x128xf32, #tpu.memory_space<vmem_shared>>)
      tpu.yield
    }) : () -> ()
    %add3A_17 = arith.constant 320 : i32
    %add3A_18 = arith.addi %mul3A_2, %add3A_17 : i32
    "tpu.region"() ({
      %run_scoped3A_173 = tpu.sem_alloc : memref<!tpu.dma_semaphore, #tpu.memory_space<semaphore_mem>>
      %dma_start3A_174 = arith.constant 0 : i32
      %dma_start3A_175 = tpu.memref_slice %arg19[%add3A_18, %dma_start3A_174] : memref<10240x128xf32, #tpu.memory_space<vmem_shared>> -> memref<80x128xf32, #tpu.memory_space<vmem_shared>>
      %dma_start3A_176 = arith.constant 0 : i32
      %dma_start3A_177 = tpu.memref_slice %arg19[%add3A_18, %dma_start3A_176] : memref<10240x128xf32, #tpu.memory_space<vmem_shared>> -> memref<80x128xf32, #tpu.memory_space<vmem_shared>>
      tpu.enqueue_dma source(%arg17 : memref<80x128xf32, #tpu.memory_space<vmem>>) target(%dma_start3A_177 : memref<80x128xf32, #tpu.memory_space<vmem_shared>>) target_semaphore(%run_scoped3A_173 : memref<!tpu.dma_semaphore, #tpu.memory_space<semaphore_mem>>)
      %dma_wait3A_178 = arith.constant 0 : i32
      %dma_wait3A_179 = tpu.memref_slice %arg19[%add3A_18, %dma_wait3A_178] : memref<10240x128xf32, #tpu.memory_space<vmem_shared>> -> memref<80x128xf32, #tpu.memory_space<vmem_shared>>
      %dma_wait3A_180 = arith.constant 0 : i32
      %dma_wait3A_181 = tpu.memref_slice %arg19[%add3A_18, %dma_wait3A_180] : memref<10240x128xf32, #tpu.memory_space<vmem_shared>> -> memref<80x128xf32, #tpu.memory_space<vmem_shared>>
      tpu.wait_dma2 semaphore(%run_scoped3A_173 : memref<!tpu.dma_semaphore, #tpu.memory_space<semaphore_mem>>) src(%arg17 : memref<80x128xf32, #tpu.memory_space<vmem>>) dst(%dma_wait3A_181 : memref<80x128xf32, #tpu.memory_space<vmem_shared>>)
      tpu.yield
    }) : () -> ()
    %add3A_19 = arith.constant 400 : i32
    %add3A_20 = arith.addi %mul3A_2, %add3A_19 : i32
    "tpu.region"() ({
      %run_scoped3A_173 = tpu.sem_alloc : memref<!tpu.dma_semaphore, #tpu.memory_space<semaphore_mem>>
      %dma_start3A_174 = arith.constant 0 : i32
      %dma_start3A_175 = tpu.memref_slice %arg19[%add3A_20, %dma_start3A_174] : memref<10240x128xf32, #tpu.memory_space<vmem_shared>> -> memref<80x128xf32, #tpu.memory_space<vmem_shared>>
      %dma_start3A_176 = arith.constant 0 : i32
      %dma_start3A_177 = tpu.memref_slice %arg19[%add3A_20, %dma_start3A_176] : memref<10240x128xf32, #tpu.memory_space<vmem_shared>> -> memref<80x128xf32, #tpu.memory_space<vmem_shared>>
      tpu.enqueue_dma source(%arg17 : memref<80x128xf32, #tpu.memory_space<vmem>>) target(%dma_start3A_177 : memref<80x128xf32, #tpu.memory_space<vmem_shared>>) target_semaphore(%run_scoped3A_173 : memref<!tpu.dma_semaphore, #tpu.memory_space<semaphore_mem>>)
      %dma_wait3A_178 = arith.constant 0 : i32
      %dma_wait3A_179 = tpu.memref_slice %arg19[%add3A_20, %dma_wait3A_178] : memref<10240x128xf32, #tpu.memory_space<vmem_shared>> -> memref<80x128xf32, #tpu.memory_space<vmem_shared>>
      %dma_wait3A_180 = arith.constant 0 : i32
      %dma_wait3A_181 = tpu.memref_slice %arg19[%add3A_20, %dma_wait3A_180] : memref<10240x128xf32, #tpu.memory_space<vmem_shared>> -> memref<80x128xf32, #tpu.memory_space<vmem_shared>>
      tpu.wait_dma2 semaphore(%run_scoped3A_173 : memref<!tpu.dma_semaphore, #tpu.memory_space<semaphore_mem>>) src(%arg17 : memref<80x128xf32, #tpu.memory_space<vmem>>) dst(%dma_wait3A_181 : memref<80x128xf32, #tpu.memory_space<vmem_shared>>)
      tpu.yield
    }) : () -> ()
    %add3A_21 = arith.constant 480 : i32
    %add3A_22 = arith.addi %mul3A_2, %add3A_21 : i32
    "tpu.region"() ({
      %run_scoped3A_173 = tpu.sem_alloc : memref<!tpu.dma_semaphore, #tpu.memory_space<semaphore_mem>>
      %dma_start3A_174 = arith.constant 0 : i32
      %dma_start3A_175 = tpu.memref_slice %arg19[%add3A_22, %dma_start3A_174] : memref<10240x128xf32, #tpu.memory_space<vmem_shared>> -> memref<80x128xf32, #tpu.memory_space<vmem_shared>>
      %dma_start3A_176 = arith.constant 0 : i32
      %dma_start3A_177 = tpu.memref_slice %arg19[%add3A_22, %dma_start3A_176] : memref<10240x128xf32, #tpu.memory_space<vmem_shared>> -> memref<80x128xf32, #tpu.memory_space<vmem_shared>>
      tpu.enqueue_dma source(%arg17 : memref<80x128xf32, #tpu.memory_space<vmem>>) target(%dma_start3A_177 : memref<80x128xf32, #tpu.memory_space<vmem_shared>>) target_semaphore(%run_scoped3A_173 : memref<!tpu.dma_semaphore, #tpu.memory_space<semaphore_mem>>)
      %dma_wait3A_178 = arith.constant 0 : i32
      %dma_wait3A_179 = tpu.memref_slice %arg19[%add3A_22, %dma_wait3A_178] : memref<10240x128xf32, #tpu.memory_space<vmem_shared>> -> memref<80x128xf32, #tpu.memory_space<vmem_shared>>
      %dma_wait3A_180 = arith.constant 0 : i32
      %dma_wait3A_181 = tpu.memref_slice %arg19[%add3A_22, %dma_wait3A_180] : memref<10240x128xf32, #tpu.memory_space<vmem_shared>> -> memref<80x128xf32, #tpu.memory_space<vmem_shared>>
      tpu.wait_dma2 semaphore(%run_scoped3A_173 : memref<!tpu.dma_semaphore, #tpu.memory_space<semaphore_mem>>) src(%arg17 : memref<80x128xf32, #tpu.memory_space<vmem>>) dst(%dma_wait3A_181 : memref<80x128xf32, #tpu.memory_space<vmem_shared>>)
      tpu.yield
    }) : () -> ()
    %add3A_23 = arith.constant 560 : i32
    %add3A_24 = arith.addi %mul3A_2, %add3A_23 : i32
    "tpu.region"() ({
      %run_scoped3A_173 = tpu.sem_alloc : memref<!tpu.dma_semaphore, #tpu.memory_space<semaphore_mem>>
      %dma_start3A_174 = arith.constant 0 : i32
      %dma_start3A_175 = tpu.memref_slice %arg19[%add3A_24, %dma_start3A_174] : memref<10240x128xf32, #tpu.memory_space<vmem_shared>> -> memref<80x128xf32, #tpu.memory_space<vmem_shared>>
      %dma_start3A_176 = arith.constant 0 : i32
      %dma_start3A_177 = tpu.memref_slice %arg19[%add3A_24, %dma_start3A_176] : memref<10240x128xf32, #tpu.memory_space<vmem_shared>> -> memref<80x128xf32, #tpu.memory_space<vmem_shared>>
      tpu.enqueue_dma source(%arg17 : memref<80x128xf32, #tpu.memory_space<vmem>>) target(%dma_start3A_177 : memref<80x128xf32, #tpu.memory_space<vmem_shared>>) target_semaphore(%run_scoped3A_173 : memref<!tpu.dma_semaphore, #tpu.memory_space<semaphore_mem>>)
      %dma_wait3A_178 = arith.constant 0 : i32
      %dma_wait3A_179 = tpu.memref_slice %arg19[%add3A_24, %dma_wait3A_178] : memref<10240x128xf32, #tpu.memory_space<vmem_shared>> -> memref<80x128xf32, #tpu.memory_space<vmem_shared>>
      %dma_wait3A_180 = arith.constant 0 : i32
      %dma_wait3A_181 = tpu.memref_slice %arg19[%add3A_24, %dma_wait3A_180] : memref<10240x128xf32, #tpu.memory_space<vmem_shared>> -> memref<80x128xf32, #tpu.memory_space<vmem_shared>>
      tpu.wait_dma2 semaphore(%run_scoped3A_173 : memref<!tpu.dma_semaphore, #tpu.memory_space<semaphore_mem>>) src(%arg17 : memref<80x128xf32, #tpu.memory_space<vmem>>) dst(%dma_wait3A_181 : memref<80x128xf32, #tpu.memory_space<vmem_shared>>)
      tpu.yield
    }) : () -> ()
    %add3A_25 = arith.constant 0 : i32
    %add3A_26 = arith.addi %mul3A_2, %add3A_25 : i32
    %run_scoped3A = arith.constant 0 : i32
    "tpu.region"() ({
      %run_scoped3A_173 = tpu.sem_alloc : memref<!tpu.dma_semaphore, #tpu.memory_space<semaphore_mem>>
      %dma_start3A_174 = arith.constant 0 : i32
      %dma_start3A_175 = tpu.memref_slice %arg17[%run_scoped3A, %dma_start3A_174] : memref<80x128xf32, #tpu.memory_space<vmem>> -> memref<1x128xf32, #tpu.memory_space<vmem>>
      %dma_start3A_176 = tpu.memref_squeeze %dma_start3A_175 : memref<1x128xf32, #tpu.memory_space<vmem>> -> memref<128xf32, #tpu.memory_space<vmem>>
      %dma_start3A_177 = tpu.memref_slice %arg20[%add3A_26] : memref<10240xf32, #tpu.memory_space<vmem_shared>> -> memref<128xf32, #tpu.memory_space<vmem_shared>>
      %dma_start3A_178 = tpu.memref_slice %arg20[%add3A_26] : memref<10240xf32, #tpu.memory_space<vmem_shared>> -> memref<128xf32, #tpu.memory_space<vmem_shared>>
      %dma_start3A_179 = arith.constant 0 : i32
      %dma_start3A_180 = tpu.memref_slice %arg17[%run_scoped3A, %dma_start3A_179] : memref<80x128xf32, #tpu.memory_space<vmem>> -> memref<1x128xf32, #tpu.memory_space<vmem>>
      %dma_start3A_181 = tpu.memref_squeeze %dma_start3A_180 : memref<1x128xf32, #tpu.memory_space<vmem>> -> memref<128xf32, #tpu.memory_space<vmem>>
      tpu.enqueue_dma source(%dma_start3A_181 : memref<128xf32, #tpu.memory_space<vmem>>) target(%dma_start3A_178 : memref<128xf32, #tpu.memory_space<vmem_shared>>) target_semaphore(%run_scoped3A_173 : memref<!tpu.dma_semaphore, #tpu.memory_space<semaphore_mem>>)
      %dma_wait3A_182 = arith.constant 0 : i32
      %dma_wait3A_183 = tpu.memref_slice %arg17[%run_scoped3A, %dma_wait3A_182] : memref<80x128xf32, #tpu.memory_space<vmem>> -> memref<1x128xf32, #tpu.memory_space<vmem>>
      %dma_wait3A_184 = tpu.memref_squeeze %dma_wait3A_183 : memref<1x128xf32, #tpu.memory_space<vmem>> -> memref<128xf32, #tpu.memory_space<vmem>>
      %dma_wait3A_185 = tpu.memref_slice %arg20[%add3A_26] : memref<10240xf32, #tpu.memory_space<vmem_shared>> -> memref<128xf32, #tpu.memory_space<vmem_shared>>
      %dma_wait3A_186 = tpu.memref_slice %arg20[%add3A_26] : memref<10240xf32, #tpu.memory_space<vmem_shared>> -> memref<128xf32, #tpu.memory_space<vmem_shared>>
      %dma_wait3A_187 = arith.constant 0 : i32
      %dma_wait3A_188 = tpu.memref_slice %arg17[%run_scoped3A, %dma_wait3A_187] : memref<80x128xf32, #tpu.memory_space<vmem>> -> memref<1x128xf32, #tpu.memory_space<vmem>>
      %dma_wait3A_189 = tpu.memref_squeeze %dma_wait3A_188 : memref<1x128xf32, #tpu.memory_space<vmem>> -> memref<128xf32, #tpu.memory_space<vmem>>
      tpu.wait_dma2 semaphore(%run_scoped3A_173 : memref<!tpu.dma_semaphore, #tpu.memory_space<semaphore_mem>>) src(%dma_wait3A_189 : memref<128xf32, #tpu.memory_space<vmem>>) dst(%dma_wait3A_186 : memref<128xf32, #tpu.memory_space<vmem_shared>>)
      tpu.yield
    }) : () -> ()
    %add3A_27 = arith.constant 128 : i32
    %add3A_28 = arith.addi %mul3A_2, %add3A_27 : i32
    %run_scoped3A_29 = arith.constant 0 : i32
    "tpu.region"() ({
      %run_scoped3A_173 = tpu.sem_alloc : memref<!tpu.dma_semaphore, #tpu.memory_space<semaphore_mem>>
      %dma_start3A_174 = arith.constant 0 : i32
      %dma_start3A_175 = tpu.memref_slice %arg17[%run_scoped3A_29, %dma_start3A_174] : memref<80x128xf32, #tpu.memory_space<vmem>> -> memref<1x128xf32, #tpu.memory_space<vmem>>
      %dma_start3A_176 = tpu.memref_squeeze %dma_start3A_175 : memref<1x128xf32, #tpu.memory_space<vmem>> -> memref<128xf32, #tpu.memory_space<vmem>>
      %dma_start3A_177 = tpu.memref_slice %arg20[%add3A_28] : memref<10240xf32, #tpu.memory_space<vmem_shared>> -> memref<128xf32, #tpu.memory_space<vmem_shared>>
      %dma_start3A_178 = tpu.memref_slice %arg20[%add3A_28] : memref<10240xf32, #tpu.memory_space<vmem_shared>> -> memref<128xf32, #tpu.memory_space<vmem_shared>>
      %dma_start3A_179 = arith.constant 0 : i32
      %dma_start3A_180 = tpu.memref_slice %arg17[%run_scoped3A_29, %dma_start3A_179] : memref<80x128xf32, #tpu.memory_space<vmem>> -> memref<1x128xf32, #tpu.memory_space<vmem>>
      %dma_start3A_181 = tpu.memref_squeeze %dma_start3A_180 : memref<1x128xf32, #tpu.memory_space<vmem>> -> memref<128xf32, #tpu.memory_space<vmem>>
      tpu.enqueue_dma source(%dma_start3A_181 : memref<128xf32, #tpu.memory_space<vmem>>) target(%dma_start3A_178 : memref<128xf32, #tpu.memory_space<vmem_shared>>) target_semaphore(%run_scoped3A_173 : memref<!tpu.dma_semaphore, #tpu.memory_space<semaphore_mem>>)
      %dma_wait3A_182 = arith.constant 0 : i32
      %dma_wait3A_183 = tpu.memref_slice %arg17[%run_scoped3A_29, %dma_wait3A_182] : memref<80x128xf32, #tpu.memory_space<vmem>> -> memref<1x128xf32, #tpu.memory_space<vmem>>
      %dma_wait3A_184 = tpu.memref_squeeze %dma_wait3A_183 : memref<1x128xf32, #tpu.memory_space<vmem>> -> memref<128xf32, #tpu.memory_space<vmem>>
      %dma_wait3A_185 = tpu.memref_slice %arg20[%add3A_28] : memref<10240xf32, #tpu.memory_space<vmem_shared>> -> memref<128xf32, #tpu.memory_space<vmem_shared>>
      %dma_wait3A_186 = tpu.memref_slice %arg20[%add3A_28] : memref<10240xf32, #tpu.memory_space<vmem_shared>> -> memref<128xf32, #tpu.memory_space<vmem_shared>>
      %dma_wait3A_187 = arith.constant 0 : i32
      %dma_wait3A_188 = tpu.memref_slice %arg17[%run_scoped3A_29, %dma_wait3A_187] : memref<80x128xf32, #tpu.memory_space<vmem>> -> memref<1x128xf32, #tpu.memory_space<vmem>>
      %dma_wait3A_189 = tpu.memref_squeeze %dma_wait3A_188 : memref<1x128xf32, #tpu.memory_space<vmem>> -> memref<128xf32, #tpu.memory_space<vmem>>
      tpu.wait_dma2 semaphore(%run_scoped3A_173 : memref<!tpu.dma_semaphore, #tpu.memory_space<semaphore_mem>>) src(%dma_wait3A_189 : memref<128xf32, #tpu.memory_space<vmem>>) dst(%dma_wait3A_186 : memref<128xf32, #tpu.memory_space<vmem_shared>>)
      tpu.yield
    }) : () -> ()
    %add3A_30 = arith.constant 256 : i32
    %add3A_31 = arith.addi %mul3A_2, %add3A_30 : i32
    %run_scoped3A_32 = arith.constant 0 : i32
    "tpu.region"() ({
      %run_scoped3A_173 = tpu.sem_alloc : memref<!tpu.dma_semaphore, #tpu.memory_space<semaphore_mem>>
      %dma_start3A_174 = arith.constant 0 : i32
      %dma_start3A_175 = tpu.memref_slice %arg17[%run_scoped3A_32, %dma_start3A_174] : memref<80x128xf32, #tpu.memory_space<vmem>> -> memref<1x128xf32, #tpu.memory_space<vmem>>
      %dma_start3A_176 = tpu.memref_squeeze %dma_start3A_175 : memref<1x128xf32, #tpu.memory_space<vmem>> -> memref<128xf32, #tpu.memory_space<vmem>>
      %dma_start3A_177 = tpu.memref_slice %arg20[%add3A_31] : memref<10240xf32, #tpu.memory_space<vmem_shared>> -> memref<128xf32, #tpu.memory_space<vmem_shared>>
      %dma_start3A_178 = tpu.memref_slice %arg20[%add3A_31] : memref<10240xf32, #tpu.memory_space<vmem_shared>> -> memref<128xf32, #tpu.memory_space<vmem_shared>>
      %dma_start3A_179 = arith.constant 0 : i32
      %dma_start3A_180 = tpu.memref_slice %arg17[%run_scoped3A_32, %dma_start3A_179] : memref<80x128xf32, #tpu.memory_space<vmem>> -> memref<1x128xf32, #tpu.memory_space<vmem>>
      %dma_start3A_181 = tpu.memref_squeeze %dma_start3A_180 : memref<1x128xf32, #tpu.memory_space<vmem>> -> memref<128xf32, #tpu.memory_space<vmem>>
      tpu.enqueue_dma source(%dma_start3A_181 : memref<128xf32, #tpu.memory_space<vmem>>) target(%dma_start3A_178 : memref<128xf32, #tpu.memory_space<vmem_shared>>) target_semaphore(%run_scoped3A_173 : memref<!tpu.dma_semaphore, #tpu.memory_space<semaphore_mem>>)
      %dma_wait3A_182 = arith.constant 0 : i32
      %dma_wait3A_183 = tpu.memref_slice %arg17[%run_scoped3A_32, %dma_wait3A_182] : memref<80x128xf32, #tpu.memory_space<vmem>> -> memref<1x128xf32, #tpu.memory_space<vmem>>
      %dma_wait3A_184 = tpu.memref_squeeze %dma_wait3A_183 : memref<1x128xf32, #tpu.memory_space<vmem>> -> memref<128xf32, #tpu.memory_space<vmem>>
      %dma_wait3A_185 = tpu.memref_slice %arg20[%add3A_31] : memref<10240xf32, #tpu.memory_space<vmem_shared>> -> memref<128xf32, #tpu.memory_space<vmem_shared>>
      %dma_wait3A_186 = tpu.memref_slice %arg20[%add3A_31] : memref<10240xf32, #tpu.memory_space<vmem_shared>> -> memref<128xf32, #tpu.memory_space<vmem_shared>>
      %dma_wait3A_187 = arith.constant 0 : i32
      %dma_wait3A_188 = tpu.memref_slice %arg17[%run_scoped3A_32, %dma_wait3A_187] : memref<80x128xf32, #tpu.memory_space<vmem>> -> memref<1x128xf32, #tpu.memory_space<vmem>>
      %dma_wait3A_189 = tpu.memref_squeeze %dma_wait3A_188 : memref<1x128xf32, #tpu.memory_space<vmem>> -> memref<128xf32, #tpu.memory_space<vmem>>
      tpu.wait_dma2 semaphore(%run_scoped3A_173 : memref<!tpu.dma_semaphore, #tpu.memory_space<semaphore_mem>>) src(%dma_wait3A_189 : memref<128xf32, #tpu.memory_space<vmem>>) dst(%dma_wait3A_186 : memref<128xf32, #tpu.memory_space<vmem_shared>>)
      tpu.yield
    }) : () -> ()
    %add3A_33 = arith.constant 384 : i32
    %add3A_34 = arith.addi %mul3A_2, %add3A_33 : i32
    %run_scoped3A_35 = arith.constant 0 : i32
    "tpu.region"() ({
      %run_scoped3A_173 = tpu.sem_alloc : memref<!tpu.dma_semaphore, #tpu.memory_space<semaphore_mem>>
      %dma_start3A_174 = arith.constant 0 : i32
      %dma_start3A_175 = tpu.memref_slice %arg17[%run_scoped3A_35, %dma_start3A_174] : memref<80x128xf32, #tpu.memory_space<vmem>> -> memref<1x128xf32, #tpu.memory_space<vmem>>
      %dma_start3A_176 = tpu.memref_squeeze %dma_start3A_175 : memref<1x128xf32, #tpu.memory_space<vmem>> -> memref<128xf32, #tpu.memory_space<vmem>>
      %dma_start3A_177 = tpu.memref_slice %arg20[%add3A_34] : memref<10240xf32, #tpu.memory_space<vmem_shared>> -> memref<128xf32, #tpu.memory_space<vmem_shared>>
      %dma_start3A_178 = tpu.memref_slice %arg20[%add3A_34] : memref<10240xf32, #tpu.memory_space<vmem_shared>> -> memref<128xf32, #tpu.memory_space<vmem_shared>>
      %dma_start3A_179 = arith.constant 0 : i32
      %dma_start3A_180 = tpu.memref_slice %arg17[%run_scoped3A_35, %dma_start3A_179] : memref<80x128xf32, #tpu.memory_space<vmem>> -> memref<1x128xf32, #tpu.memory_space<vmem>>
      %dma_start3A_181 = tpu.memref_squeeze %dma_start3A_180 : memref<1x128xf32, #tpu.memory_space<vmem>> -> memref<128xf32, #tpu.memory_space<vmem>>
      tpu.enqueue_dma source(%dma_start3A_181 : memref<128xf32, #tpu.memory_space<vmem>>) target(%dma_start3A_178 : memref<128xf32, #tpu.memory_space<vmem_shared>>) target_semaphore(%run_scoped3A_173 : memref<!tpu.dma_semaphore, #tpu.memory_space<semaphore_mem>>)
      %dma_wait3A_182 = arith.constant 0 : i32
      %dma_wait3A_183 = tpu.memref_slice %arg17[%run_scoped3A_35, %dma_wait3A_182] : memref<80x128xf32, #tpu.memory_space<vmem>> -> memref<1x128xf32, #tpu.memory_space<vmem>>
      %dma_wait3A_184 = tpu.memref_squeeze %dma_wait3A_183 : memref<1x128xf32, #tpu.memory_space<vmem>> -> memref<128xf32, #tpu.memory_space<vmem>>
      %dma_wait3A_185 = tpu.memref_slice %arg20[%add3A_34] : memref<10240xf32, #tpu.memory_space<vmem_shared>> -> memref<128xf32, #tpu.memory_space<vmem_shared>>
      %dma_wait3A_186 = tpu.memref_slice %arg20[%add3A_34] : memref<10240xf32, #tpu.memory_space<vmem_shared>> -> memref<128xf32, #tpu.memory_space<vmem_shared>>
      %dma_wait3A_187 = arith.constant 0 : i32
      %dma_wait3A_188 = tpu.memref_slice %arg17[%run_scoped3A_35, %dma_wait3A_187] : memref<80x128xf32, #tpu.memory_space<vmem>> -> memref<1x128xf32, #tpu.memory_space<vmem>>
      %dma_wait3A_189 = tpu.memref_squeeze %dma_wait3A_188 : memref<1x128xf32, #tpu.memory_space<vmem>> -> memref<128xf32, #tpu.memory_space<vmem>>
      tpu.wait_dma2 semaphore(%run_scoped3A_173 : memref<!tpu.dma_semaphore, #tpu.memory_space<semaphore_mem>>) src(%dma_wait3A_189 : memref<128xf32, #tpu.memory_space<vmem>>) dst(%dma_wait3A_186 : memref<128xf32, #tpu.memory_space<vmem_shared>>)
      tpu.yield
    }) : () -> ()
    %add3A_36 = arith.constant 512 : i32
    %add3A_37 = arith.addi %mul3A_2, %add3A_36 : i32
    %run_scoped3A_38 = arith.constant 0 : i32
    "tpu.region"() ({
      %run_scoped3A_173 = tpu.sem_alloc : memref<!tpu.dma_semaphore, #tpu.memory_space<semaphore_mem>>
      %dma_start3A_174 = arith.constant 0 : i32
      %dma_start3A_175 = tpu.memref_slice %arg17[%run_scoped3A_38, %dma_start3A_174] : memref<80x128xf32, #tpu.memory_space<vmem>> -> memref<1x128xf32, #tpu.memory_space<vmem>>
      %dma_start3A_176 = tpu.memref_squeeze %dma_start3A_175 : memref<1x128xf32, #tpu.memory_space<vmem>> -> memref<128xf32, #tpu.memory_space<vmem>>
      %dma_start3A_177 = tpu.memref_slice %arg20[%add3A_37] : memref<10240xf32, #tpu.memory_space<vmem_shared>> -> memref<128xf32, #tpu.memory_space<vmem_shared>>
      %dma_start3A_178 = tpu.memref_slice %arg20[%add3A_37] : memref<10240xf32, #tpu.memory_space<vmem_shared>> -> memref<128xf32, #tpu.memory_space<vmem_shared>>
      %dma_start3A_179 = arith.constant 0 : i32
      %dma_start3A_180 = tpu.memref_slice %arg17[%run_scoped3A_38, %dma_start3A_179] : memref<80x128xf32, #tpu.memory_space<vmem>> -> memref<1x128xf32, #tpu.memory_space<vmem>>
      %dma_start3A_181 = tpu.memref_squeeze %dma_start3A_180 : memref<1x128xf32, #tpu.memory_space<vmem>> -> memref<128xf32, #tpu.memory_space<vmem>>
      tpu.enqueue_dma source(%dma_start3A_181 : memref<128xf32, #tpu.memory_space<vmem>>) target(%dma_start3A_178 : memref<128xf32, #tpu.memory_space<vmem_shared>>) target_semaphore(%run_scoped3A_173 : memref<!tpu.dma_semaphore, #tpu.memory_space<semaphore_mem>>)
      %dma_wait3A_182 = arith.constant 0 : i32
      %dma_wait3A_183 = tpu.memref_slice %arg17[%run_scoped3A_38, %dma_wait3A_182] : memref<80x128xf32, #tpu.memory_space<vmem>> -> memref<1x128xf32, #tpu.memory_space<vmem>>
      %dma_wait3A_184 = tpu.memref_squeeze %dma_wait3A_183 : memref<1x128xf32, #tpu.memory_space<vmem>> -> memref<128xf32, #tpu.memory_space<vmem>>
      %dma_wait3A_185 = tpu.memref_slice %arg20[%add3A_37] : memref<10240xf32, #tpu.memory_space<vmem_shared>> -> memref<128xf32, #tpu.memory_space<vmem_shared>>
      %dma_wait3A_186 = tpu.memref_slice %arg20[%add3A_37] : memref<10240xf32, #tpu.memory_space<vmem_shared>> -> memref<128xf32, #tpu.memory_space<vmem_shared>>
      %dma_wait3A_187 = arith.constant 0 : i32
      %dma_wait3A_188 = tpu.memref_slice %arg17[%run_scoped3A_38, %dma_wait3A_187] : memref<80x128xf32, #tpu.memory_space<vmem>> -> memref<1x128xf32, #tpu.memory_space<vmem>>
      %dma_wait3A_189 = tpu.memref_squeeze %dma_wait3A_188 : memref<1x128xf32, #tpu.memory_space<vmem>> -> memref<128xf32, #tpu.memory_space<vmem>>
      tpu.wait_dma2 semaphore(%run_scoped3A_173 : memref<!tpu.dma_semaphore, #tpu.memory_space<semaphore_mem>>) src(%dma_wait3A_189 : memref<128xf32, #tpu.memory_space<vmem>>) dst(%dma_wait3A_186 : memref<128xf32, #tpu.memory_space<vmem_shared>>)
      tpu.yield
    }) : () -> ()
    %barrier3A = arith.constant 0 : index
    tpu.barrier barrier_id(%barrier3A)
    %mul3A_39 = arith.constant 10000 : i32
    %mul3A_40 = arith.muli %add3A, %mul3A_39 : i32
    %add3A_41 = arith.constant 0 : i32
    %add3A_42 = arith.addi %mul3A_40, %add3A_41 : i32
    %dma_start3A = tpu.memref_slice %arg4[%add3A_42] : memref<640000xi32, #tpu.memory_space<hbm>> -> memref<80xi32, #tpu.memory_space<hbm>>
    %dma_start3A_43 = tpu.memref_slice %arg4[%add3A_42] : memref<640000xi32, #tpu.memory_space<hbm>> -> memref<80xi32, #tpu.memory_space<hbm>>
    tpu.enqueue_dma source(%dma_start3A_43 : memref<80xi32, #tpu.memory_space<hbm>>) target(%arg9 : memref<80xi32, #tpu.memory_space<vmem>>) target_semaphore(%arg23 : memref<!tpu.dma_semaphore, #tpu.memory_space<semaphore_mem>>)
    %add3A_44 = arith.constant 320000 : i32
    %add3A_45 = arith.addi %add3A_44, %add3A_42 : i32
    %dma_start3A_46 = tpu.memref_slice %arg4[%add3A_45] : memref<640000xi32, #tpu.memory_space<hbm>> -> memref<80xi32, #tpu.memory_space<hbm>>
    %dma_start3A_47 = tpu.memref_slice %arg4[%add3A_45] : memref<640000xi32, #tpu.memory_space<hbm>> -> memref<80xi32, #tpu.memory_space<hbm>>
    tpu.enqueue_dma source(%dma_start3A_47 : memref<80xi32, #tpu.memory_space<hbm>>) target(%arg11 : memref<80xi32, #tpu.memory_space<vmem>>) target_semaphore(%arg23 : memref<!tpu.dma_semaphore, #tpu.memory_space<semaphore_mem>>)
    %mul3A_48 = arith.constant 10000 : i32
    %mul3A_49 = arith.muli %add3A, %mul3A_48 : i32
    %add3A_50 = arith.constant 0 : i32
    %add3A_51 = arith.addi %mul3A_49, %add3A_50 : i32
    %dma_wait3A = tpu.memref_slice %arg4[%add3A_51] : memref<640000xi32, #tpu.memory_space<hbm>> -> memref<80xi32, #tpu.memory_space<hbm>>
    %dma_wait3A_52 = tpu.memref_slice %arg4[%add3A_51] : memref<640000xi32, #tpu.memory_space<hbm>> -> memref<80xi32, #tpu.memory_space<hbm>>
    tpu.wait_dma2 semaphore(%arg23 : memref<!tpu.dma_semaphore, #tpu.memory_space<semaphore_mem>>) src(%dma_wait3A_52 : memref<80xi32, #tpu.memory_space<hbm>>) dst(%arg9 : memref<80xi32, #tpu.memory_space<vmem>>)
    %add3A_53 = arith.constant 320000 : i32
    %add3A_54 = arith.addi %add3A_53, %add3A_51 : i32
    %dma_wait3A_55 = tpu.memref_slice %arg4[%add3A_54] : memref<640000xi32, #tpu.memory_space<hbm>> -> memref<80xi32, #tpu.memory_space<hbm>>
    %dma_wait3A_56 = tpu.memref_slice %arg4[%add3A_54] : memref<640000xi32, #tpu.memory_space<hbm>> -> memref<80xi32, #tpu.memory_space<hbm>>
    tpu.wait_dma2 semaphore(%arg23 : memref<!tpu.dma_semaphore, #tpu.memory_space<semaphore_mem>>) src(%dma_wait3A_56 : memref<80xi32, #tpu.memory_space<hbm>>) dst(%arg11 : memref<80xi32, #tpu.memory_space<vmem>>)
    %parallel_loop3A = arith.constant 0 : i32
    %parallel_loop3A_57 = arith.constant 5 : i32
    %parallel_loop3A_58 = arith.constant 1 : i32
    scf.for %parallel_loop3A_173 = %parallel_loop3A to %parallel_loop3A_57 step %parallel_loop3A_58  : i32 {
      %parallel_loop3A_174 = arith.constant 16 : i32
      %parallel_loop3A_175 = arith.muli %parallel_loop3A_173, %parallel_loop3A_174 : i32
      %parallel_loop3A_176 = arith.index_cast %parallel_loop3A_175 : i32 to index
      %parallel_loop3A_177 = tpu.vector_load %arg9[%parallel_loop3A_176] {strides = array<i32>} : memref<80xi32, #tpu.memory_space<vmem>>, vector<16xi32>,
      %parallel_loop3A_178 = arith.index_cast %parallel_loop3A_175 : i32 to index
      %parallel_loop3A_179 = tpu.vector_load %arg11[%parallel_loop3A_178] {strides = array<i32>} : memref<80xi32, #tpu.memory_space<vmem>>, vector<16xi32>,
      %parallel_loop3A_180 = arith.index_cast %parallel_loop3A_175 : i32 to index
      %parallel_loop3A_181 = tpu.vector_load %arg15[%parallel_loop3A_180] {strides = array<i32>} : memref<80xi32, #tpu.memory_space<vmem>>, vector<16xi32>,
      tpu.vector_store %arg15[%parallel_loop3A_180], %parallel_loop3A_179 {strides = array<i32>} : memref<80xi32, #tpu.memory_space<vmem>>, vector<16xi32>,
      %parallel_loop3A_182 = tpu.vector_load_idx %arg7[%parallel_loop3A_177] : memref<10240xf32, #tpu.memory_space<vmem>>[vector<16xi32>], vector<16xf32>,
      %parallel_loop3A_183 = tpu.vector_load_idx %arg8[%parallel_loop3A_179] : memref<10240xf32, #tpu.memory_space<vmem>>[vector<16xi32>], vector<16xf32>,
      %parallel_loop3A_184 = arith.addf %parallel_loop3A_182, %parallel_loop3A_183 : vector<16xf32>
      %parallel_loop3A_185 = arith.constant 0.000000e+00 : f32
      %parallel_loop3A_186 = vector.broadcast %parallel_loop3A_185 : f32 to vector<16xf32>
      %parallel_loop3A_187 = arith.cmpf oge, %parallel_loop3A_184, %parallel_loop3A_186 : vector<16xf32>
      %parallel_loop3A_188 = arith.constant 2.000000e-01 : f32
      %parallel_loop3A_189 = vector.broadcast %parallel_loop3A_188 : f32 to vector<16xf32>
      %parallel_loop3A_190 = arith.mulf %parallel_loop3A_189, %parallel_loop3A_184 : vector<16xf32>
      %parallel_loop3A_191 = arith.select %parallel_loop3A_187, %parallel_loop3A_184, %parallel_loop3A_190 : vector<16xi1>, vector<16xf32>
      %parallel_loop3A_192 = math.exp %parallel_loop3A_191 : vector<16xf32>
      %parallel_loop3A_193 = arith.index_cast %parallel_loop3A_175 : i32 to index
      %parallel_loop3A_194 = tpu.vector_load %arg13[%parallel_loop3A_193] {strides = array<i32>} : memref<80xf32, #tpu.memory_space<vmem>>, vector<16xf32>,
      tpu.vector_store %arg13[%parallel_loop3A_193], %parallel_loop3A_192 {strides = array<i32>} : memref<80xf32, #tpu.memory_space<vmem>>, vector<16xf32>,
    } {sc.loop_unroll_factor = 5 : i64, sc.parallel_access}
    %dma_start3A_59 = arith.constant 0 : i32
    %dma_start3A_60 = tpu.memref_slice %arg20[%dma_start3A_59] : memref<10240xf32, #tpu.memory_space<vmem_shared>> -> memref<10240xf32, #tpu.memory_space<vmem_shared>>
    tpu.enqueue_indirect_dma source(%arg13 : memref<80xf32, #tpu.memory_space<vmem>>) target(%dma_start3A_60 : memref<10240xf32, #tpu.memory_space<vmem_shared>>) offsets(%arg11 : memref<80xi32, #tpu.memory_space<vmem>>) semaphore(%arg25 : memref<!tpu.dma_semaphore, #tpu.memory_space<semaphore_mem>>) {add = true}
    %dma_start3A_61 = arith.constant 0 : i32
    %dma_start3A_62 = arith.constant 0 : i32
    %dma_start3A_63 = tpu.memref_slice %arg2[%dma_start3A_61, %dma_start3A_62] : memref<10240x128xf32, #tpu.memory_space<hbm>> -> memref<10240x128xf32, #tpu.memory_space<hbm>>
    tpu.enqueue_indirect_dma source(%dma_start3A_63 : memref<10240x128xf32, #tpu.memory_space<hbm>>) target(%arg17 : memref<80x128xf32, #tpu.memory_space<vmem>>) offsets(%arg9 : memref<80xi32, #tpu.memory_space<vmem>>) semaphore(%arg21 : memref<!tpu.dma_semaphore, #tpu.memory_space<semaphore_mem>>)
    %mul3A_64 = arith.constant 10000 : i32
    %mul3A_65 = arith.muli %add3A, %mul3A_64 : i32
    %add3A_66 = arith.constant 80 : i32
    %add3A_67 = arith.addi %mul3A_65, %add3A_66 : i32
    %dma_start3A_68 = tpu.memref_slice %arg4[%add3A_67] : memref<640000xi32, #tpu.memory_space<hbm>> -> memref<80xi32, #tpu.memory_space<hbm>>
    %dma_start3A_69 = tpu.memref_slice %arg4[%add3A_67] : memref<640000xi32, #tpu.memory_space<hbm>> -> memref<80xi32, #tpu.memory_space<hbm>>
    tpu.enqueue_dma source(%dma_start3A_69 : memref<80xi32, #tpu.memory_space<hbm>>) target(%arg10 : memref<80xi32, #tpu.memory_space<vmem>>) target_semaphore(%arg24 : memref<!tpu.dma_semaphore, #tpu.memory_space<semaphore_mem>>)
    %add3A_70 = arith.constant 320000 : i32
    %add3A_71 = arith.addi %add3A_70, %add3A_67 : i32
    %dma_start3A_72 = tpu.memref_slice %arg4[%add3A_71] : memref<640000xi32, #tpu.memory_space<hbm>> -> memref<80xi32, #tpu.memory_space<hbm>>
    %dma_start3A_73 = tpu.memref_slice %arg4[%add3A_71] : memref<640000xi32, #tpu.memory_space<hbm>> -> memref<80xi32, #tpu.memory_space<hbm>>
    tpu.enqueue_dma source(%dma_start3A_73 : memref<80xi32, #tpu.memory_space<hbm>>) target(%arg12 : memref<80xi32, #tpu.memory_space<vmem>>) target_semaphore(%arg24 : memref<!tpu.dma_semaphore, #tpu.memory_space<semaphore_mem>>)
    %dma_wait3A_74 = arith.constant 0 : i32
    %dma_wait3A_75 = arith.constant 0 : i32
    %dma_wait3A_76 = tpu.memref_slice %arg2[%dma_wait3A_74, %dma_wait3A_75] : memref<10240x128xf32, #tpu.memory_space<hbm>> -> memref<10240x128xf32, #tpu.memory_space<hbm>>
    tpu.wait_indirect_dma semaphore(%arg21 : memref<!tpu.dma_semaphore, #tpu.memory_space<semaphore_mem>>) src(%dma_wait3A_76 : memref<10240x128xf32, #tpu.memory_space<hbm>>) dst(%arg17 : memref<80x128xf32, #tpu.memory_space<vmem>>)
    %dma_wait3A_77 = arith.constant 0 : i32
    %dma_wait3A_78 = tpu.memref_slice %arg20[%dma_wait3A_77] : memref<10240xf32, #tpu.memory_space<vmem_shared>> -> memref<10240xf32, #tpu.memory_space<vmem_shared>>
    tpu.wait_indirect_dma semaphore(%arg25 : memref<!tpu.dma_semaphore, #tpu.memory_space<semaphore_mem>>) src(%arg13 : memref<80xf32, #tpu.memory_space<vmem>>) dst(%dma_wait3A_78 : memref<10240xf32, #tpu.memory_space<vmem_shared>>)
    %mul3A_79 = arith.constant 10000 : i32
    %mul3A_80 = arith.muli %add3A, %mul3A_79 : i32
    %add3A_81 = arith.constant 80 : i32
    %add3A_82 = arith.addi %mul3A_80, %add3A_81 : i32
    %dma_wait3A_83 = tpu.memref_slice %arg4[%add3A_82] : memref<640000xi32, #tpu.memory_space<hbm>> -> memref<80xi32, #tpu.memory_space<hbm>>
    %dma_wait3A_84 = tpu.memref_slice %arg4[%add3A_82] : memref<640000xi32, #tpu.memory_space<hbm>> -> memref<80xi32, #tpu.memory_space<hbm>>
    tpu.wait_dma2 semaphore(%arg24 : memref<!tpu.dma_semaphore, #tpu.memory_space<semaphore_mem>>) src(%dma_wait3A_84 : memref<80xi32, #tpu.memory_space<hbm>>) dst(%arg10 : memref<80xi32, #tpu.memory_space<vmem>>)
    %add3A_85 = arith.constant 320000 : i32
    %add3A_86 = arith.addi %add3A_85, %add3A_82 : i32
    %dma_wait3A_87 = tpu.memref_slice %arg4[%add3A_86] : memref<640000xi32, #tpu.memory_space<hbm>> -> memref<80xi32, #tpu.memory_space<hbm>>
    %dma_wait3A_88 = tpu.memref_slice %arg4[%add3A_86] : memref<640000xi32, #tpu.memory_space<hbm>> -> memref<80xi32, #tpu.memory_space<hbm>>
    tpu.wait_dma2 semaphore(%arg24 : memref<!tpu.dma_semaphore, #tpu.memory_space<semaphore_mem>>) src(%dma_wait3A_88 : memref<80xi32, #tpu.memory_space<hbm>>) dst(%arg12 : memref<80xi32, #tpu.memory_space<vmem>>)
    %parallel_loop3A_89 = arith.constant 0 : i32
    %parallel_loop3A_90 = arith.constant 5 : i32
    %parallel_loop3A_91 = arith.constant 1 : i32
    scf.for %parallel_loop3A_173 = %parallel_loop3A_89 to %parallel_loop3A_90 step %parallel_loop3A_91  : i32 {
      %parallel_loop3A_174 = arith.constant 16 : i32
      %parallel_loop3A_175 = arith.muli %parallel_loop3A_173, %parallel_loop3A_174 : i32
      %parallel_loop3A_176 = arith.index_cast %parallel_loop3A_175 : i32 to index
      %parallel_loop3A_177 = tpu.vector_load %arg10[%parallel_loop3A_176] {strides = array<i32>} : memref<80xi32, #tpu.memory_space<vmem>>, vector<16xi32>,
      %parallel_loop3A_178 = arith.index_cast %parallel_loop3A_175 : i32 to index
      %parallel_loop3A_179 = tpu.vector_load %arg12[%parallel_loop3A_178] {strides = array<i32>} : memref<80xi32, #tpu.memory_space<vmem>>, vector<16xi32>,
      %parallel_loop3A_180 = arith.index_cast %parallel_loop3A_175 : i32 to index
      %parallel_loop3A_181 = tpu.vector_load %arg16[%parallel_loop3A_180] {strides = array<i32>} : memref<80xi32, #tpu.memory_space<vmem>>, vector<16xi32>,
      tpu.vector_store %arg16[%parallel_loop3A_180], %parallel_loop3A_179 {strides = array<i32>} : memref<80xi32, #tpu.memory_space<vmem>>, vector<16xi32>,
      %parallel_loop3A_182 = tpu.vector_load_idx %arg7[%parallel_loop3A_177] : memref<10240xf32, #tpu.memory_space<vmem>>[vector<16xi32>], vector<16xf32>,
      %parallel_loop3A_183 = tpu.vector_load_idx %arg8[%parallel_loop3A_179] : memref<10240xf32, #tpu.memory_space<vmem>>[vector<16xi32>], vector<16xf32>,
      %parallel_loop3A_184 = arith.addf %parallel_loop3A_182, %parallel_loop3A_183 : vector<16xf32>
      %parallel_loop3A_185 = arith.constant 0.000000e+00 : f32
      %parallel_loop3A_186 = vector.broadcast %parallel_loop3A_185 : f32 to vector<16xf32>
      %parallel_loop3A_187 = arith.cmpf oge, %parallel_loop3A_184, %parallel_loop3A_186 : vector<16xf32>
      %parallel_loop3A_188 = arith.constant 2.000000e-01 : f32
      %parallel_loop3A_189 = vector.broadcast %parallel_loop3A_188 : f32 to vector<16xf32>
      %parallel_loop3A_190 = arith.mulf %parallel_loop3A_189, %parallel_loop3A_184 : vector<16xf32>
      %parallel_loop3A_191 = arith.select %parallel_loop3A_187, %parallel_loop3A_184, %parallel_loop3A_190 : vector<16xi1>, vector<16xf32>
      %parallel_loop3A_192 = math.exp %parallel_loop3A_191 : vector<16xf32>
      %parallel_loop3A_193 = arith.index_cast %parallel_loop3A_175 : i32 to index
      %parallel_loop3A_194 = tpu.vector_load %arg14[%parallel_loop3A_193] {strides = array<i32>} : memref<80xf32, #tpu.memory_space<vmem>>, vector<16xf32>,
      tpu.vector_store %arg14[%parallel_loop3A_193], %parallel_loop3A_192 {strides = array<i32>} : memref<80xf32, #tpu.memory_space<vmem>>, vector<16xf32>,
    } {sc.loop_unroll_factor = 5 : i64, sc.parallel_access}
    %dma_start3A_92 = arith.constant 0 : i32
    %dma_start3A_93 = tpu.memref_slice %arg20[%dma_start3A_92] : memref<10240xf32, #tpu.memory_space<vmem_shared>> -> memref<10240xf32, #tpu.memory_space<vmem_shared>>
    tpu.enqueue_indirect_dma source(%arg14 : memref<80xf32, #tpu.memory_space<vmem>>) target(%dma_start3A_93 : memref<10240xf32, #tpu.memory_space<vmem_shared>>) offsets(%arg12 : memref<80xi32, #tpu.memory_space<vmem>>) semaphore(%arg26 : memref<!tpu.dma_semaphore, #tpu.memory_space<semaphore_mem>>) {add = true}
    %dma_start3A_94 = arith.constant 0 : i32
    %dma_start3A_95 = arith.constant 0 : i32
    %dma_start3A_96 = tpu.memref_slice %arg2[%dma_start3A_94, %dma_start3A_95] : memref<10240x128xf32, #tpu.memory_space<hbm>> -> memref<10240x128xf32, #tpu.memory_space<hbm>>
    tpu.enqueue_indirect_dma source(%dma_start3A_96 : memref<10240x128xf32, #tpu.memory_space<hbm>>) target(%arg18 : memref<80x128xf32, #tpu.memory_space<vmem>>) offsets(%arg10 : memref<80xi32, #tpu.memory_space<vmem>>) semaphore(%arg22 : memref<!tpu.dma_semaphore, #tpu.memory_space<semaphore_mem>>)
    %parallel_loop3A_97 = arith.constant 0 : i32
    %parallel_loop3A_98 = arith.constant 80 : i32
    %parallel_loop3A_99 = arith.constant 1 : i32
    scf.for %parallel_loop3A_173 = %parallel_loop3A_97 to %parallel_loop3A_98 step %parallel_loop3A_99  : i32 {
      %parallel_loop3A_174 = vector.broadcast %parallel_loop3A_173 : i32 to vector<16xi32>
      %parallel_loop3A_175 = tpu.vector_load_idx %arg13[%parallel_loop3A_174] : memref<80xf32, #tpu.memory_space<vmem>>[vector<16xi32>], vector<16xf32>,
      %parallel_loop3A_176 = arith.index_cast %parallel_loop3A_173 : i32 to index
      %parallel_loop3A_177 = arith.constant 0 : index
      %parallel_loop3A_178 = tpu.vector_load %arg17[%parallel_loop3A_176, %parallel_loop3A_177] {strides = array<i32>} : memref<80x128xf32, #tpu.memory_space<vmem>>, vector<16xf32>,
      %parallel_loop3A_179 = arith.mulf %parallel_loop3A_178, %parallel_loop3A_175 : vector<16xf32>
      %parallel_loop3A_180 = arith.index_cast %parallel_loop3A_173 : i32 to index
      %parallel_loop3A_181 = arith.constant 0 : index
      %parallel_loop3A_182 = tpu.vector_load %arg17[%parallel_loop3A_180, %parallel_loop3A_181] {strides = array<i32>} : memref<80x128xf32, #tpu.memory_space<vmem>>, vector<16xf32>,
      tpu.vector_store %arg17[%parallel_loop3A_180, %parallel_loop3A_181], %parallel_loop3A_179 {strides = array<i32>} : memref<80x128xf32, #tpu.memory_space<vmem>>, vector<16xf32>,
      %parallel_loop3A_183 = arith.index_cast %parallel_loop3A_173 : i32 to index
      %parallel_loop3A_184 = arith.constant 16 : index
      %parallel_loop3A_185 = tpu.vector_load %arg17[%parallel_loop3A_183, %parallel_loop3A_184] {strides = array<i32>} : memref<80x128xf32, #tpu.memory_space<vmem>>, vector<16xf32>,
      %parallel_loop3A_186 = arith.mulf %parallel_loop3A_185, %parallel_loop3A_175 : vector<16xf32>
      %parallel_loop3A_187 = arith.index_cast %parallel_loop3A_173 : i32 to index
      %parallel_loop3A_188 = arith.constant 16 : index
      %parallel_loop3A_189 = tpu.vector_load %arg17[%parallel_loop3A_187, %parallel_loop3A_188] {strides = array<i32>} : memref<80x128xf32, #tpu.memory_space<vmem>>, vector<16xf32>,
      tpu.vector_store %arg17[%parallel_loop3A_187, %parallel_loop3A_188], %parallel_loop3A_186 {strides = array<i32>} : memref<80x128xf32, #tpu.memory_space<vmem>>, vector<16xf32>,
      %parallel_loop3A_190 = arith.index_cast %parallel_loop3A_173 : i32 to index
      %parallel_loop3A_191 = arith.constant 32 : index
      %parallel_loop3A_192 = tpu.vector_load %arg17[%parallel_loop3A_190, %parallel_loop3A_191] {strides = array<i32>} : memref<80x128xf32, #tpu.memory_space<vmem>>, vector<16xf32>,
      %parallel_loop3A_193 = arith.mulf %parallel_loop3A_192, %parallel_loop3A_175 : vector<16xf32>
      %parallel_loop3A_194 = arith.index_cast %parallel_loop3A_173 : i32 to index
      %parallel_loop3A_195 = arith.constant 32 : index
      %parallel_loop3A_196 = tpu.vector_load %arg17[%parallel_loop3A_194, %parallel_loop3A_195] {strides = array<i32>} : memref<80x128xf32, #tpu.memory_space<vmem>>, vector<16xf32>,
      tpu.vector_store %arg17[%parallel_loop3A_194, %parallel_loop3A_195], %parallel_loop3A_193 {strides = array<i32>} : memref<80x128xf32, #tpu.memory_space<vmem>>, vector<16xf32>,
      %parallel_loop3A_197 = arith.index_cast %parallel_loop3A_173 : i32 to index
      %parallel_loop3A_198 = arith.constant 48 : index
      %parallel_loop3A_199 = tpu.vector_load %arg17[%parallel_loop3A_197, %parallel_loop3A_198] {strides = array<i32>} : memref<80x128xf32, #tpu.memory_space<vmem>>, vector<16xf32>,
      %parallel_loop3A_200 = arith.mulf %parallel_loop3A_199, %parallel_loop3A_175 : vector<16xf32>
      %parallel_loop3A_201 = arith.index_cast %parallel_loop3A_173 : i32 to index
      %parallel_loop3A_202 = arith.constant 48 : index
      %parallel_loop3A_203 = tpu.vector_load %arg17[%parallel_loop3A_201, %parallel_loop3A_202] {strides = array<i32>} : memref<80x128xf32, #tpu.memory_space<vmem>>, vector<16xf32>,
      tpu.vector_store %arg17[%parallel_loop3A_201, %parallel_loop3A_202], %parallel_loop3A_200 {strides = array<i32>} : memref<80x128xf32, #tpu.memory_space<vmem>>, vector<16xf32>,
      %parallel_loop3A_204 = arith.index_cast %parallel_loop3A_173 : i32 to index
      %parallel_loop3A_205 = arith.constant 64 : index
      %parallel_loop3A_206 = tpu.vector_load %arg17[%parallel_loop3A_204, %parallel_loop3A_205] {strides = array<i32>} : memref<80x128xf32, #tpu.memory_space<vmem>>, vector<16xf32>,
      %parallel_loop3A_207 = arith.mulf %parallel_loop3A_206, %parallel_loop3A_175 : vector<16xf32>
      %parallel_loop3A_208 = arith.index_cast %parallel_loop3A_173 : i32 to index
      %parallel_loop3A_209 = arith.constant 64 : index
      %parallel_loop3A_210 = tpu.vector_load %arg17[%parallel_loop3A_208, %parallel_loop3A_209] {strides = array<i32>} : memref<80x128xf32, #tpu.memory_space<vmem>>, vector<16xf32>,
      tpu.vector_store %arg17[%parallel_loop3A_208, %parallel_loop3A_209], %parallel_loop3A_207 {strides = array<i32>} : memref<80x128xf32, #tpu.memory_space<vmem>>, vector<16xf32>,
      %parallel_loop3A_211 = arith.index_cast %parallel_loop3A_173 : i32 to index
      %parallel_loop3A_212 = arith.constant 80 : index
      %parallel_loop3A_213 = tpu.vector_load %arg17[%parallel_loop3A_211, %parallel_loop3A_212] {strides = array<i32>} : memref<80x128xf32, #tpu.memory_space<vmem>>, vector<16xf32>,
      %parallel_loop3A_214 = arith.mulf %parallel_loop3A_213, %parallel_loop3A_175 : vector<16xf32>
      %parallel_loop3A_215 = arith.index_cast %parallel_loop3A_173 : i32 to index
      %parallel_loop3A_216 = arith.constant 80 : index
      %parallel_loop3A_217 = tpu.vector_load %arg17[%parallel_loop3A_215, %parallel_loop3A_216] {strides = array<i32>} : memref<80x128xf32, #tpu.memory_space<vmem>>, vector<16xf32>,
      tpu.vector_store %arg17[%parallel_loop3A_215, %parallel_loop3A_216], %parallel_loop3A_214 {strides = array<i32>} : memref<80x128xf32, #tpu.memory_space<vmem>>, vector<16xf32>,
      %parallel_loop3A_218 = arith.index_cast %parallel_loop3A_173 : i32 to index
      %parallel_loop3A_219 = arith.constant 96 : index
      %parallel_loop3A_220 = tpu.vector_load %arg17[%parallel_loop3A_218, %parallel_loop3A_219] {strides = array<i32>} : memref<80x128xf32, #tpu.memory_space<vmem>>, vector<16xf32>,
      %parallel_loop3A_221 = arith.mulf %parallel_loop3A_220, %parallel_loop3A_175 : vector<16xf32>
      %parallel_loop3A_222 = arith.index_cast %parallel_loop3A_173 : i32 to index
      %parallel_loop3A_223 = arith.constant 96 : index
      %parallel_loop3A_224 = tpu.vector_load %arg17[%parallel_loop3A_222, %parallel_loop3A_223] {strides = array<i32>} : memref<80x128xf32, #tpu.memory_space<vmem>>, vector<16xf32>,
      tpu.vector_store %arg17[%parallel_loop3A_222, %parallel_loop3A_223], %parallel_loop3A_221 {strides = array<i32>} : memref<80x128xf32, #tpu.memory_space<vmem>>, vector<16xf32>,
      %parallel_loop3A_225 = arith.index_cast %parallel_loop3A_173 : i32 to index
      %parallel_loop3A_226 = arith.constant 112 : index
      %parallel_loop3A_227 = tpu.vector_load %arg17[%parallel_loop3A_225, %parallel_loop3A_226] {strides = array<i32>} : memref<80x128xf32, #tpu.memory_space<vmem>>, vector<16xf32>,
      %parallel_loop3A_228 = arith.mulf %parallel_loop3A_227, %parallel_loop3A_175 : vector<16xf32>
      %parallel_loop3A_229 = arith.index_cast %parallel_loop3A_173 : i32 to index
      %parallel_loop3A_230 = arith.constant 112 : index
      %parallel_loop3A_231 = tpu.vector_load %arg17[%parallel_loop3A_229, %parallel_loop3A_230] {strides = array<i32>} : memref<80x128xf32, #tpu.memory_space<vmem>>, vector<16xf32>,
      tpu.vector_store %arg17[%parallel_loop3A_229, %parallel_loop3A_230], %parallel_loop3A_228 {strides = array<i32>} : memref<80x128xf32, #tpu.memory_space<vmem>>, vector<16xf32>,
    } {sc.loop_unroll_factor = 8 : i64, sc.parallel_access}
    %dma_start3A_100 = arith.constant 0 : i32
    %dma_start3A_101 = arith.constant 0 : i32
    %dma_start3A_102 = tpu.memref_slice %arg19[%dma_start3A_100, %dma_start3A_101] : memref<10240x128xf32, #tpu.memory_space<vmem_shared>> -> memref<10240x128xf32, #tpu.memory_space<vmem_shared>>
    tpu.enqueue_indirect_dma source(%arg17 : memref<80x128xf32, #tpu.memory_space<vmem>>) target(%dma_start3A_102 : memref<10240x128xf32, #tpu.memory_space<vmem_shared>>) offsets(%arg15 : memref<80xi32, #tpu.memory_space<vmem>>) semaphore(%arg27 : memref<!tpu.dma_semaphore, #tpu.memory_space<semaphore_mem>>) {add = true}
    %mul3A_103 = arith.constant 10000 : i32
    %mul3A_104 = arith.muli %add3A, %mul3A_103 : i32
    %add3A_105 = arith.constant 160 : i32
    %add3A_106 = arith.addi %mul3A_104, %add3A_105 : i32
    %dma_start3A_107 = tpu.memref_slice %arg4[%add3A_106] : memref<640000xi32, #tpu.memory_space<hbm>> -> memref<80xi32, #tpu.memory_space<hbm>>
    %dma_start3A_108 = tpu.memref_slice %arg4[%add3A_106] : memref<640000xi32, #tpu.memory_space<hbm>> -> memref<80xi32, #tpu.memory_space<hbm>>
    tpu.enqueue_dma source(%dma_start3A_108 : memref<80xi32, #tpu.memory_space<hbm>>) target(%arg9 : memref<80xi32, #tpu.memory_space<vmem>>) target_semaphore(%arg23 : memref<!tpu.dma_semaphore, #tpu.memory_space<semaphore_mem>>)
    %add3A_109 = arith.constant 320000 : i32
    %add3A_110 = arith.addi %add3A_109, %add3A_106 : i32
    %dma_start3A_111 = tpu.memref_slice %arg4[%add3A_110] : memref<640000xi32, #tpu.memory_space<hbm>> -> memref<80xi32, #tpu.memory_space<hbm>>
    %dma_start3A_112 = tpu.memref_slice %arg4[%add3A_110] : memref<640000xi32, #tpu.memory_space<hbm>> -> memref<80xi32, #tpu.memory_space<hbm>>
    tpu.enqueue_dma source(%dma_start3A_112 : memref<80xi32, #tpu.memory_space<hbm>>) target(%arg11 : memref<80xi32, #tpu.memory_space<vmem>>) target_semaphore(%arg23 : memref<!tpu.dma_semaphore, #tpu.memory_space<semaphore_mem>>)
    %scan3A_113 = arith.constant 0 : i32
    %scan3A_114 = arith.constant 0 : i32
    %scan3A_115 = arith.constant 61 : i32
    %scan3A_116 = arith.addi %scan3A_114, %scan3A_115 : i32
    %scan3A_117 = arith.constant 1 : i32
    %scan3A_118 = scf.for %scan3A_173 = %scan3A_114 to %scan3A_116 step %scan3A_117 iter_args(%scan3A_174 = %scan3A_113) -> (i32)  : i32 {
      %mul3A_175 = arith.constant 2 : i32
      %mul3A_176 = arith.muli %scan3A_173, %mul3A_175 : i32
      %add3A_177 = arith.constant 1 : i32
      %add3A_178 = arith.addi %mul3A_176, %add3A_177 : i32
      %dma_wait3A_179 = arith.constant 0 : i32
      %dma_wait3A_180 = arith.constant 0 : i32
      %dma_wait3A_181 = tpu.memref_slice %arg2[%dma_wait3A_179, %dma_wait3A_180] : memref<10240x128xf32, #tpu.memory_space<hbm>> -> memref<10240x128xf32, #tpu.memory_space<hbm>>
      tpu.wait_indirect_dma semaphore(%arg22 : memref<!tpu.dma_semaphore, #tpu.memory_space<semaphore_mem>>) src(%dma_wait3A_181 : memref<10240x128xf32, #tpu.memory_space<hbm>>) dst(%arg18 : memref<80x128xf32, #tpu.memory_space<vmem>>)
      %dma_wait3A_182 = arith.constant 0 : i32
      %dma_wait3A_183 = tpu.memref_slice %arg20[%dma_wait3A_182] : memref<10240xf32, #tpu.memory_space<vmem_shared>> -> memref<10240xf32, #tpu.memory_space<vmem_shared>>
      tpu.wait_indirect_dma semaphore(%arg26 : memref<!tpu.dma_semaphore, #tpu.memory_space<semaphore_mem>>) src(%arg14 : memref<80xf32, #tpu.memory_space<vmem>>) dst(%dma_wait3A_183 : memref<10240xf32, #tpu.memory_space<vmem_shared>>)
      %add3A_184 = arith.constant 1 : i32
      %add3A_185 = arith.addi %add3A_178, %add3A_184 : i32
      %mul3A_186 = arith.constant 10000 : i32
      %mul3A_187 = arith.muli %add3A, %mul3A_186 : i32
      %mul3A_188 = arith.constant 80 : i32
      %mul3A_189 = arith.muli %add3A_185, %mul3A_188 : i32
      %add3A_190 = arith.addi %mul3A_187, %mul3A_189 : i32
      %dma_wait3A_191 = tpu.memref_slice %arg4[%add3A_190] : memref<640000xi32, #tpu.memory_space<hbm>> -> memref<80xi32, #tpu.memory_space<hbm>>
      %dma_wait3A_192 = tpu.memref_slice %arg4[%add3A_190] : memref<640000xi32, #tpu.memory_space<hbm>> -> memref<80xi32, #tpu.memory_space<hbm>>
      tpu.wait_dma2 semaphore(%arg23 : memref<!tpu.dma_semaphore, #tpu.memory_space<semaphore_mem>>) src(%dma_wait3A_192 : memref<80xi32, #tpu.memory_space<hbm>>) dst(%arg9 : memref<80xi32, #tpu.memory_space<vmem>>)
      %add3A_193 = arith.constant 320000 : i32
      %add3A_194 = arith.addi %add3A_193, %add3A_190 : i32
      %dma_wait3A_195 = tpu.memref_slice %arg4[%add3A_194] : memref<640000xi32, #tpu.memory_space<hbm>> -> memref<80xi32, #tpu.memory_space<hbm>>
      %dma_wait3A_196 = tpu.memref_slice %arg4[%add3A_194] : memref<640000xi32, #tpu.memory_space<hbm>> -> memref<80xi32, #tpu.memory_space<hbm>>
      tpu.wait_dma2 semaphore(%arg23 : memref<!tpu.dma_semaphore, #tpu.memory_space<semaphore_mem>>) src(%dma_wait3A_196 : memref<80xi32, #tpu.memory_space<hbm>>) dst(%arg11 : memref<80xi32, #tpu.memory_space<vmem>>)
      %dma_wait3A_197 = arith.constant 0 : i32
      %dma_wait3A_198 = arith.constant 0 : i32
      %dma_wait3A_199 = tpu.memref_slice %arg19[%dma_wait3A_197, %dma_wait3A_198] : memref<10240x128xf32, #tpu.memory_space<vmem_shared>> -> memref<10240x128xf32, #tpu.memory_space<vmem_shared>>
      tpu.wait_indirect_dma semaphore(%arg27 : memref<!tpu.dma_semaphore, #tpu.memory_space<semaphore_mem>>) src(%arg17 : memref<80x128xf32, #tpu.memory_space<vmem>>) dst(%dma_wait3A_199 : memref<10240x128xf32, #tpu.memory_space<vmem_shared>>)
      %parallel_loop3A_200 = arith.constant 0 : i32
      %parallel_loop3A_201 = arith.constant 5 : i32
      %parallel_loop3A_202 = arith.constant 1 : i32
      scf.for %parallel_loop3A_280 = %parallel_loop3A_200 to %parallel_loop3A_201 step %parallel_loop3A_202  : i32 {
        %parallel_loop3A_281 = arith.constant 16 : i32
        %parallel_loop3A_282 = arith.muli %parallel_loop3A_280, %parallel_loop3A_281 : i32
        %parallel_loop3A_283 = arith.index_cast %parallel_loop3A_282 : i32 to index
        %parallel_loop3A_284 = tpu.vector_load %arg9[%parallel_loop3A_283] {strides = array<i32>} : memref<80xi32, #tpu.memory_space<vmem>>, vector<16xi32>,
        %parallel_loop3A_285 = arith.index_cast %parallel_loop3A_282 : i32 to index
        %parallel_loop3A_286 = tpu.vector_load %arg11[%parallel_loop3A_285] {strides = array<i32>} : memref<80xi32, #tpu.memory_space<vmem>>, vector<16xi32>,
        %parallel_loop3A_287 = arith.index_cast %parallel_loop3A_282 : i32 to index
        %parallel_loop3A_288 = tpu.vector_load %arg15[%parallel_loop3A_287] {strides = array<i32>} : memref<80xi32, #tpu.memory_space<vmem>>, vector<16xi32>,
        tpu.vector_store %arg15[%parallel_loop3A_287], %parallel_loop3A_286 {strides = array<i32>} : memref<80xi32, #tpu.memory_space<vmem>>, vector<16xi32>,
        %parallel_loop3A_289 = tpu.vector_load_idx %arg7[%parallel_loop3A_284] : memref<10240xf32, #tpu.memory_space<vmem>>[vector<16xi32>], vector<16xf32>,
        %parallel_loop3A_290 = tpu.vector_load_idx %arg8[%parallel_loop3A_286] : memref<10240xf32, #tpu.memory_space<vmem>>[vector<16xi32>], vector<16xf32>,
        %parallel_loop3A_291 = arith.addf %parallel_loop3A_289, %parallel_loop3A_290 : vector<16xf32>
        %parallel_loop3A_292 = arith.constant 0.000000e+00 : f32
        %parallel_loop3A_293 = vector.broadcast %parallel_loop3A_292 : f32 to vector<16xf32>
        %parallel_loop3A_294 = arith.cmpf oge, %parallel_loop3A_291, %parallel_loop3A_293 : vector<16xf32>
        %parallel_loop3A_295 = arith.constant 2.000000e-01 : f32
        %parallel_loop3A_296 = vector.broadcast %parallel_loop3A_295 : f32 to vector<16xf32>
        %parallel_loop3A_297 = arith.mulf %parallel_loop3A_296, %parallel_loop3A_291 : vector<16xf32>
        %parallel_loop3A_298 = arith.select %parallel_loop3A_294, %parallel_loop3A_291, %parallel_loop3A_297 : vector<16xi1>, vector<16xf32>
        %parallel_loop3A_299 = math.exp %parallel_loop3A_298 : vector<16xf32>
        %parallel_loop3A_300 = arith.index_cast %parallel_loop3A_282 : i32 to index
        %parallel_loop3A_301 = tpu.vector_load %arg13[%parallel_loop3A_300] {strides = array<i32>} : memref<80xf32, #tpu.memory_space<vmem>>, vector<16xf32>,
        tpu.vector_store %arg13[%parallel_loop3A_300], %parallel_loop3A_299 {strides = array<i32>} : memref<80xf32, #tpu.memory_space<vmem>>, vector<16xf32>,
      } {sc.loop_unroll_factor = 5 : i64, sc.parallel_access}
      %dma_start3A_203 = arith.constant 0 : i32
      %dma_start3A_204 = tpu.memref_slice %arg20[%dma_start3A_203] : memref<10240xf32, #tpu.memory_space<vmem_shared>> -> memref<10240xf32, #tpu.memory_space<vmem_shared>>
      tpu.enqueue_indirect_dma source(%arg13 : memref<80xf32, #tpu.memory_space<vmem>>) target(%dma_start3A_204 : memref<10240xf32, #tpu.memory_space<vmem_shared>>) offsets(%arg11 : memref<80xi32, #tpu.memory_space<vmem>>) semaphore(%arg25 : memref<!tpu.dma_semaphore, #tpu.memory_space<semaphore_mem>>) {add = true}
      %dma_start3A_205 = arith.constant 0 : i32
      %dma_start3A_206 = arith.constant 0 : i32
      %dma_start3A_207 = tpu.memref_slice %arg2[%dma_start3A_205, %dma_start3A_206] : memref<10240x128xf32, #tpu.memory_space<hbm>> -> memref<10240x128xf32, #tpu.memory_space<hbm>>
      tpu.enqueue_indirect_dma source(%dma_start3A_207 : memref<10240x128xf32, #tpu.memory_space<hbm>>) target(%arg17 : memref<80x128xf32, #tpu.memory_space<vmem>>) offsets(%arg9 : memref<80xi32, #tpu.memory_space<vmem>>) semaphore(%arg21 : memref<!tpu.dma_semaphore, #tpu.memory_space<semaphore_mem>>)
      %parallel_loop3A_208 = arith.constant 0 : i32
      %parallel_loop3A_209 = arith.constant 80 : i32
      %parallel_loop3A_210 = arith.constant 1 : i32
      scf.for %parallel_loop3A_280 = %parallel_loop3A_208 to %parallel_loop3A_209 step %parallel_loop3A_210  : i32 {
        %parallel_loop3A_281 = vector.broadcast %parallel_loop3A_280 : i32 to vector<16xi32>
        %parallel_loop3A_282 = tpu.vector_load_idx %arg14[%parallel_loop3A_281] : memref<80xf32, #tpu.memory_space<vmem>>[vector<16xi32>], vector<16xf32>,
        %parallel_loop3A_283 = arith.index_cast %parallel_loop3A_280 : i32 to index
        %parallel_loop3A_284 = arith.constant 0 : index
        %parallel_loop3A_285 = tpu.vector_load %arg18[%parallel_loop3A_283, %parallel_loop3A_284] {strides = array<i32>} : memref<80x128xf32, #tpu.memory_space<vmem>>, vector<16xf32>,
        %parallel_loop3A_286 = arith.mulf %parallel_loop3A_285, %parallel_loop3A_282 : vector<16xf32>
        %parallel_loop3A_287 = arith.index_cast %parallel_loop3A_280 : i32 to index
        %parallel_loop3A_288 = arith.constant 0 : index
        %parallel_loop3A_289 = tpu.vector_load %arg18[%parallel_loop3A_287, %parallel_loop3A_288] {strides = array<i32>} : memref<80x128xf32, #tpu.memory_space<vmem>>, vector<16xf32>,
        tpu.vector_store %arg18[%parallel_loop3A_287, %parallel_loop3A_288], %parallel_loop3A_286 {strides = array<i32>} : memref<80x128xf32, #tpu.memory_space<vmem>>, vector<16xf32>,
        %parallel_loop3A_290 = arith.index_cast %parallel_loop3A_280 : i32 to index
        %parallel_loop3A_291 = arith.constant 16 : index
        %parallel_loop3A_292 = tpu.vector_load %arg18[%parallel_loop3A_290, %parallel_loop3A_291] {strides = array<i32>} : memref<80x128xf32, #tpu.memory_space<vmem>>, vector<16xf32>,
        %parallel_loop3A_293 = arith.mulf %parallel_loop3A_292, %parallel_loop3A_282 : vector<16xf32>
        %parallel_loop3A_294 = arith.index_cast %parallel_loop3A_280 : i32 to index
        %parallel_loop3A_295 = arith.constant 16 : index
        %parallel_loop3A_296 = tpu.vector_load %arg18[%parallel_loop3A_294, %parallel_loop3A_295] {strides = array<i32>} : memref<80x128xf32, #tpu.memory_space<vmem>>, vector<16xf32>,
        tpu.vector_store %arg18[%parallel_loop3A_294, %parallel_loop3A_295], %parallel_loop3A_293 {strides = array<i32>} : memref<80x128xf32, #tpu.memory_space<vmem>>, vector<16xf32>,
        %parallel_loop3A_297 = arith.index_cast %parallel_loop3A_280 : i32 to index
        %parallel_loop3A_298 = arith.constant 32 : index
        %parallel_loop3A_299 = tpu.vector_load %arg18[%parallel_loop3A_297, %parallel_loop3A_298] {strides = array<i32>} : memref<80x128xf32, #tpu.memory_space<vmem>>, vector<16xf32>,
        %parallel_loop3A_300 = arith.mulf %parallel_loop3A_299, %parallel_loop3A_282 : vector<16xf32>
        %parallel_loop3A_301 = arith.index_cast %parallel_loop3A_280 : i32 to index
        %parallel_loop3A_302 = arith.constant 32 : index
        %parallel_loop3A_303 = tpu.vector_load %arg18[%parallel_loop3A_301, %parallel_loop3A_302] {strides = array<i32>} : memref<80x128xf32, #tpu.memory_space<vmem>>, vector<16xf32>,
        tpu.vector_store %arg18[%parallel_loop3A_301, %parallel_loop3A_302], %parallel_loop3A_300 {strides = array<i32>} : memref<80x128xf32, #tpu.memory_space<vmem>>, vector<16xf32>,
        %parallel_loop3A_304 = arith.index_cast %parallel_loop3A_280 : i32 to index
        %parallel_loop3A_305 = arith.constant 48 : index
        %parallel_loop3A_306 = tpu.vector_load %arg18[%parallel_loop3A_304, %parallel_loop3A_305] {strides = array<i32>} : memref<80x128xf32, #tpu.memory_space<vmem>>, vector<16xf32>,
        %parallel_loop3A_307 = arith.mulf %parallel_loop3A_306, %parallel_loop3A_282 : vector<16xf32>
        %parallel_loop3A_308 = arith.index_cast %parallel_loop3A_280 : i32 to index
        %parallel_loop3A_309 = arith.constant 48 : index
        %parallel_loop3A_310 = tpu.vector_load %arg18[%parallel_loop3A_308, %parallel_loop3A_309] {strides = array<i32>} : memref<80x128xf32, #tpu.memory_space<vmem>>, vector<16xf32>,
        tpu.vector_store %arg18[%parallel_loop3A_308, %parallel_loop3A_309], %parallel_loop3A_307 {strides = array<i32>} : memref<80x128xf32, #tpu.memory_space<vmem>>, vector<16xf32>,
        %parallel_loop3A_311 = arith.index_cast %parallel_loop3A_280 : i32 to index
        %parallel_loop3A_312 = arith.constant 64 : index
        %parallel_loop3A_313 = tpu.vector_load %arg18[%parallel_loop3A_311, %parallel_loop3A_312] {strides = array<i32>} : memref<80x128xf32, #tpu.memory_space<vmem>>, vector<16xf32>,
        %parallel_loop3A_314 = arith.mulf %parallel_loop3A_313, %parallel_loop3A_282 : vector<16xf32>
        %parallel_loop3A_315 = arith.index_cast %parallel_loop3A_280 : i32 to index
        %parallel_loop3A_316 = arith.constant 64 : index
        %parallel_loop3A_317 = tpu.vector_load %arg18[%parallel_loop3A_315, %parallel_loop3A_316] {strides = array<i32>} : memref<80x128xf32, #tpu.memory_space<vmem>>, vector<16xf32>,
        tpu.vector_store %arg18[%parallel_loop3A_315, %parallel_loop3A_316], %parallel_loop3A_314 {strides = array<i32>} : memref<80x128xf32, #tpu.memory_space<vmem>>, vector<16xf32>,
        %parallel_loop3A_318 = arith.index_cast %parallel_loop3A_280 : i32 to index
        %parallel_loop3A_319 = arith.constant 80 : index
        %parallel_loop3A_320 = tpu.vector_load %arg18[%parallel_loop3A_318, %parallel_loop3A_319] {strides = array<i32>} : memref<80x128xf32, #tpu.memory_space<vmem>>, vector<16xf32>,
        %parallel_loop3A_321 = arith.mulf %parallel_loop3A_320, %parallel_loop3A_282 : vector<16xf32>
        %parallel_loop3A_322 = arith.index_cast %parallel_loop3A_280 : i32 to index
        %parallel_loop3A_323 = arith.constant 80 : index
        %parallel_loop3A_324 = tpu.vector_load %arg18[%parallel_loop3A_322, %parallel_loop3A_323] {strides = array<i32>} : memref<80x128xf32, #tpu.memory_space<vmem>>, vector<16xf32>,
        tpu.vector_store %arg18[%parallel_loop3A_322, %parallel_loop3A_323], %parallel_loop3A_321 {strides = array<i32>} : memref<80x128xf32, #tpu.memory_space<vmem>>, vector<16xf32>,
        %parallel_loop3A_325 = arith.index_cast %parallel_loop3A_280 : i32 to index
        %parallel_loop3A_326 = arith.constant 96 : index
        %parallel_loop3A_327 = tpu.vector_load %arg18[%parallel_loop3A_325, %parallel_loop3A_326] {strides = array<i32>} : memref<80x128xf32, #tpu.memory_space<vmem>>, vector<16xf32>,
        %parallel_loop3A_328 = arith.mulf %parallel_loop3A_327, %parallel_loop3A_282 : vector<16xf32>
        %parallel_loop3A_329 = arith.index_cast %parallel_loop3A_280 : i32 to index
        %parallel_loop3A_330 = arith.constant 96 : index
        %parallel_loop3A_331 = tpu.vector_load %arg18[%parallel_loop3A_329, %parallel_loop3A_330] {strides = array<i32>} : memref<80x128xf32, #tpu.memory_space<vmem>>, vector<16xf32>,
        tpu.vector_store %arg18[%parallel_loop3A_329, %parallel_loop3A_330], %parallel_loop3A_328 {strides = array<i32>} : memref<80x128xf32, #tpu.memory_space<vmem>>, vector<16xf32>,
        %parallel_loop3A_332 = arith.index_cast %parallel_loop3A_280 : i32 to index
        %parallel_loop3A_333 = arith.constant 112 : index
        %parallel_loop3A_334 = tpu.vector_load %arg18[%parallel_loop3A_332, %parallel_loop3A_333] {strides = array<i32>} : memref<80x128xf32, #tpu.memory_space<vmem>>, vector<16xf32>,
        %parallel_loop3A_335 = arith.mulf %parallel_loop3A_334, %parallel_loop3A_282 : vector<16xf32>
        %parallel_loop3A_336 = arith.index_cast %parallel_loop3A_280 : i32 to index
        %parallel_loop3A_337 = arith.constant 112 : index
        %parallel_loop3A_338 = tpu.vector_load %arg18[%parallel_loop3A_336, %parallel_loop3A_337] {strides = array<i32>} : memref<80x128xf32, #tpu.memory_space<vmem>>, vector<16xf32>,
        tpu.vector_store %arg18[%parallel_loop3A_336, %parallel_loop3A_337], %parallel_loop3A_335 {strides = array<i32>} : memref<80x128xf32, #tpu.memory_space<vmem>>, vector<16xf32>,
      } {sc.loop_unroll_factor = 8 : i64, sc.parallel_access}
      %dma_start3A_211 = arith.constant 0 : i32
      %dma_start3A_212 = arith.constant 0 : i32
      %dma_start3A_213 = tpu.memref_slice %arg19[%dma_start3A_211, %dma_start3A_212] : memref<10240x128xf32, #tpu.memory_space<vmem_shared>> -> memref<10240x128xf32, #tpu.memory_space<vmem_shared>>
      tpu.enqueue_indirect_dma source(%arg18 : memref<80x128xf32, #tpu.memory_space<vmem>>) target(%dma_start3A_213 : memref<10240x128xf32, #tpu.memory_space<vmem_shared>>) offsets(%arg16 : memref<80xi32, #tpu.memory_space<vmem>>) semaphore(%arg28 : memref<!tpu.dma_semaphore, #tpu.memory_space<semaphore_mem>>) {add = true}
      %add3A_214 = arith.constant 2 : i32
      %add3A_215 = arith.addi %add3A_178, %add3A_214 : i32
      %mul3A_216 = arith.constant 10000 : i32
      %mul3A_217 = arith.muli %add3A, %mul3A_216 : i32
      %mul3A_218 = arith.constant 80 : i32
      %mul3A_219 = arith.muli %add3A_215, %mul3A_218 : i32
      %add3A_220 = arith.addi %mul3A_217, %mul3A_219 : i32
      %dma_start3A_221 = tpu.memref_slice %arg4[%add3A_220] : memref<640000xi32, #tpu.memory_space<hbm>> -> memref<80xi32, #tpu.memory_space<hbm>>
      %dma_start3A_222 = tpu.memref_slice %arg4[%add3A_220] : memref<640000xi32, #tpu.memory_space<hbm>> -> memref<80xi32, #tpu.memory_space<hbm>>
      tpu.enqueue_dma source(%dma_start3A_222 : memref<80xi32, #tpu.memory_space<hbm>>) target(%arg10 : memref<80xi32, #tpu.memory_space<vmem>>) target_semaphore(%arg24 : memref<!tpu.dma_semaphore, #tpu.memory_space<semaphore_mem>>)
      %add3A_223 = arith.constant 320000 : i32
      %add3A_224 = arith.addi %add3A_223, %add3A_220 : i32
      %dma_start3A_225 = tpu.memref_slice %arg4[%add3A_224] : memref<640000xi32, #tpu.memory_space<hbm>> -> memref<80xi32, #tpu.memory_space<hbm>>
      %dma_start3A_226 = tpu.memref_slice %arg4[%add3A_224] : memref<640000xi32, #tpu.memory_space<hbm>> -> memref<80xi32, #tpu.memory_space<hbm>>
      tpu.enqueue_dma source(%dma_start3A_226 : memref<80xi32, #tpu.memory_space<hbm>>) target(%arg12 : memref<80xi32, #tpu.memory_space<vmem>>) target_semaphore(%arg24 : memref<!tpu.dma_semaphore, #tpu.memory_space<semaphore_mem>>)
      %mul3A_227 = arith.constant 2 : i32
      %mul3A_228 = arith.muli %scan3A_173, %mul3A_227 : i32
      %add3A_229 = arith.constant 2 : i32
      %add3A_230 = arith.addi %mul3A_228, %add3A_229 : i32
      %dma_wait3A_231 = arith.constant 0 : i32
      %dma_wait3A_232 = arith.constant 0 : i32
      %dma_wait3A_233 = tpu.memref_slice %arg2[%dma_wait3A_231, %dma_wait3A_232] : memref<10240x128xf32, #tpu.memory_space<hbm>> -> memref<10240x128xf32, #tpu.memory_space<hbm>>
      tpu.wait_indirect_dma semaphore(%arg21 : memref<!tpu.dma_semaphore, #tpu.memory_space<semaphore_mem>>) src(%dma_wait3A_233 : memref<10240x128xf32, #tpu.memory_space<hbm>>) dst(%arg17 : memref<80x128xf32, #tpu.memory_space<vmem>>)
      %dma_wait3A_234 = arith.constant 0 : i32
      %dma_wait3A_235 = tpu.memref_slice %arg20[%dma_wait3A_234] : memref<10240xf32, #tpu.memory_space<vmem_shared>> -> memref<10240xf32, #tpu.memory_space<vmem_shared>>
      tpu.wait_indirect_dma semaphore(%arg25 : memref<!tpu.dma_semaphore, #tpu.memory_space<semaphore_mem>>) src(%arg13 : memref<80xf32, #tpu.memory_space<vmem>>) dst(%dma_wait3A_235 : memref<10240xf32, #tpu.memory_space<vmem_shared>>)
      %add3A_236 = arith.constant 1 : i32
      %add3A_237 = arith.addi %add3A_230, %add3A_236 : i32
      %mul3A_238 = arith.constant 10000 : i32
      %mul3A_239 = arith.muli %add3A, %mul3A_238 : i32
      %mul3A_240 = arith.constant 80 : i32
      %mul3A_241 = arith.muli %add3A_237, %mul3A_240 : i32
      %add3A_242 = arith.addi %mul3A_239, %mul3A_241 : i32
      %dma_wait3A_243 = tpu.memref_slice %arg4[%add3A_242] : memref<640000xi32, #tpu.memory_space<hbm>> -> memref<80xi32, #tpu.memory_space<hbm>>
      %dma_wait3A_244 = tpu.memref_slice %arg4[%add3A_242] : memref<640000xi32, #tpu.memory_space<hbm>> -> memref<80xi32, #tpu.memory_space<hbm>>
      tpu.wait_dma2 semaphore(%arg24 : memref<!tpu.dma_semaphore, #tpu.memory_space<semaphore_mem>>) src(%dma_wait3A_244 : memref<80xi32, #tpu.memory_space<hbm>>) dst(%arg10 : memref<80xi32, #tpu.memory_space<vmem>>)
      %add3A_245 = arith.constant 320000 : i32
      %add3A_246 = arith.addi %add3A_245, %add3A_242 : i32
      %dma_wait3A_247 = tpu.memref_slice %arg4[%add3A_246] : memref<640000xi32, #tpu.memory_space<hbm>> -> memref<80xi32, #tpu.memory_space<hbm>>
      %dma_wait3A_248 = tpu.memref_slice %arg4[%add3A_246] : memref<640000xi32, #tpu.memory_space<hbm>> -> memref<80xi32, #tpu.memory_space<hbm>>
      tpu.wait_dma2 semaphore(%arg24 : memref<!tpu.dma_semaphore, #tpu.memory_space<semaphore_mem>>) src(%dma_wait3A_248 : memref<80xi32, #tpu.memory_space<hbm>>) dst(%arg12 : memref<80xi32, #tpu.memory_space<vmem>>)
      %dma_wait3A_249 = arith.constant 0 : i32
      %dma_wait3A_250 = arith.constant 0 : i32
      %dma_wait3A_251 = tpu.memref_slice %arg19[%dma_wait3A_249, %dma_wait3A_250] : memref<10240x128xf32, #tpu.memory_space<vmem_shared>> -> memref<10240x128xf32, #tpu.memory_space<vmem_shared>>
      tpu.wait_indirect_dma semaphore(%arg28 : memref<!tpu.dma_semaphore, #tpu.memory_space<semaphore_mem>>) src(%arg18 : memref<80x128xf32, #tpu.memory_space<vmem>>) dst(%dma_wait3A_251 : memref<10240x128xf32, #tpu.memory_space<vmem_shared>>)
      %parallel_loop3A_252 = arith.constant 0 : i32
      %parallel_loop3A_253 = arith.constant 5 : i32
      %parallel_loop3A_254 = arith.constant 1 : i32
      scf.for %parallel_loop3A_280 = %parallel_loop3A_252 to %parallel_loop3A_253 step %parallel_loop3A_254  : i32 {
        %parallel_loop3A_281 = arith.constant 16 : i32
        %parallel_loop3A_282 = arith.muli %parallel_loop3A_280, %parallel_loop3A_281 : i32
        %parallel_loop3A_283 = arith.index_cast %parallel_loop3A_282 : i32 to index
        %parallel_loop3A_284 = tpu.vector_load %arg10[%parallel_loop3A_283] {strides = array<i32>} : memref<80xi32, #tpu.memory_space<vmem>>, vector<16xi32>,
        %parallel_loop3A_285 = arith.index_cast %parallel_loop3A_282 : i32 to index
        %parallel_loop3A_286 = tpu.vector_load %arg12[%parallel_loop3A_285] {strides = array<i32>} : memref<80xi32, #tpu.memory_space<vmem>>, vector<16xi32>,
        %parallel_loop3A_287 = arith.index_cast %parallel_loop3A_282 : i32 to index
        %parallel_loop3A_288 = tpu.vector_load %arg16[%parallel_loop3A_287] {strides = array<i32>} : memref<80xi32, #tpu.memory_space<vmem>>, vector<16xi32>,
        tpu.vector_store %arg16[%parallel_loop3A_287], %parallel_loop3A_286 {strides = array<i32>} : memref<80xi32, #tpu.memory_space<vmem>>, vector<16xi32>,
        %parallel_loop3A_289 = tpu.vector_load_idx %arg7[%parallel_loop3A_284] : memref<10240xf32, #tpu.memory_space<vmem>>[vector<16xi32>], vector<16xf32>,
        %parallel_loop3A_290 = tpu.vector_load_idx %arg8[%parallel_loop3A_286] : memref<10240xf32, #tpu.memory_space<vmem>>[vector<16xi32>], vector<16xf32>,
        %parallel_loop3A_291 = arith.addf %parallel_loop3A_289, %parallel_loop3A_290 : vector<16xf32>
        %parallel_loop3A_292 = arith.constant 0.000000e+00 : f32
        %parallel_loop3A_293 = vector.broadcast %parallel_loop3A_292 : f32 to vector<16xf32>
        %parallel_loop3A_294 = arith.cmpf oge, %parallel_loop3A_291, %parallel_loop3A_293 : vector<16xf32>
        %parallel_loop3A_295 = arith.constant 2.000000e-01 : f32
        %parallel_loop3A_296 = vector.broadcast %parallel_loop3A_295 : f32 to vector<16xf32>
        %parallel_loop3A_297 = arith.mulf %parallel_loop3A_296, %parallel_loop3A_291 : vector<16xf32>
        %parallel_loop3A_298 = arith.select %parallel_loop3A_294, %parallel_loop3A_291, %parallel_loop3A_297 : vector<16xi1>, vector<16xf32>
        %parallel_loop3A_299 = math.exp %parallel_loop3A_298 : vector<16xf32>
        %parallel_loop3A_300 = arith.index_cast %parallel_loop3A_282 : i32 to index
        %parallel_loop3A_301 = tpu.vector_load %arg14[%parallel_loop3A_300] {strides = array<i32>} : memref<80xf32, #tpu.memory_space<vmem>>, vector<16xf32>,
        tpu.vector_store %arg14[%parallel_loop3A_300], %parallel_loop3A_299 {strides = array<i32>} : memref<80xf32, #tpu.memory_space<vmem>>, vector<16xf32>,
      } {sc.loop_unroll_factor = 5 : i64, sc.parallel_access}
      %dma_start3A_255 = arith.constant 0 : i32
      %dma_start3A_256 = tpu.memref_slice %arg20[%dma_start3A_255] : memref<10240xf32, #tpu.memory_space<vmem_shared>> -> memref<10240xf32, #tpu.memory_space<vmem_shared>>
      tpu.enqueue_indirect_dma source(%arg14 : memref<80xf32, #tpu.memory_space<vmem>>) target(%dma_start3A_256 : memref<10240xf32, #tpu.memory_space<vmem_shared>>) offsets(%arg12 : memref<80xi32, #tpu.memory_space<vmem>>) semaphore(%arg26 : memref<!tpu.dma_semaphore, #tpu.memory_space<semaphore_mem>>) {add = true}
      %dma_start3A_257 = arith.constant 0 : i32
      %dma_start3A_258 = arith.constant 0 : i32
      %dma_start3A_259 = tpu.memref_slice %arg2[%dma_start3A_257, %dma_start3A_258] : memref<10240x128xf32, #tpu.memory_space<hbm>> -> memref<10240x128xf32, #tpu.memory_space<hbm>>
      tpu.enqueue_indirect_dma source(%dma_start3A_259 : memref<10240x128xf32, #tpu.memory_space<hbm>>) target(%arg18 : memref<80x128xf32, #tpu.memory_space<vmem>>) offsets(%arg10 : memref<80xi32, #tpu.memory_space<vmem>>) semaphore(%arg22 : memref<!tpu.dma_semaphore, #tpu.memory_space<semaphore_mem>>)
      %parallel_loop3A_260 = arith.constant 0 : i32
      %parallel_loop3A_261 = arith.constant 80 : i32
      %parallel_loop3A_262 = arith.constant 1 : i32
      scf.for %parallel_loop3A_280 = %parallel_loop3A_260 to %parallel_loop3A_261 step %parallel_loop3A_262  : i32 {
        %parallel_loop3A_281 = vector.broadcast %parallel_loop3A_280 : i32 to vector<16xi32>
        %parallel_loop3A_282 = tpu.vector_load_idx %arg13[%parallel_loop3A_281] : memref<80xf32, #tpu.memory_space<vmem>>[vector<16xi32>], vector<16xf32>,
        %parallel_loop3A_283 = arith.index_cast %parallel_loop3A_280 : i32 to index
        %parallel_loop3A_284 = arith.constant 0 : index
        %parallel_loop3A_285 = tpu.vector_load %arg17[%parallel_loop3A_283, %parallel_loop3A_284] {strides = array<i32>} : memref<80x128xf32, #tpu.memory_space<vmem>>, vector<16xf32>,
        %parallel_loop3A_286 = arith.mulf %parallel_loop3A_285, %parallel_loop3A_282 : vector<16xf32>
        %parallel_loop3A_287 = arith.index_cast %parallel_loop3A_280 : i32 to index
        %parallel_loop3A_288 = arith.constant 0 : index
        %parallel_loop3A_289 = tpu.vector_load %arg17[%parallel_loop3A_287, %parallel_loop3A_288] {strides = array<i32>} : memref<80x128xf32, #tpu.memory_space<vmem>>, vector<16xf32>,
        tpu.vector_store %arg17[%parallel_loop3A_287, %parallel_loop3A_288], %parallel_loop3A_286 {strides = array<i32>} : memref<80x128xf32, #tpu.memory_space<vmem>>, vector<16xf32>,
        %parallel_loop3A_290 = arith.index_cast %parallel_loop3A_280 : i32 to index
        %parallel_loop3A_291 = arith.constant 16 : index
        %parallel_loop3A_292 = tpu.vector_load %arg17[%parallel_loop3A_290, %parallel_loop3A_291] {strides = array<i32>} : memref<80x128xf32, #tpu.memory_space<vmem>>, vector<16xf32>,
        %parallel_loop3A_293 = arith.mulf %parallel_loop3A_292, %parallel_loop3A_282 : vector<16xf32>
        %parallel_loop3A_294 = arith.index_cast %parallel_loop3A_280 : i32 to index
        %parallel_loop3A_295 = arith.constant 16 : index
        %parallel_loop3A_296 = tpu.vector_load %arg17[%parallel_loop3A_294, %parallel_loop3A_295] {strides = array<i32>} : memref<80x128xf32, #tpu.memory_space<vmem>>, vector<16xf32>,
        tpu.vector_store %arg17[%parallel_loop3A_294, %parallel_loop3A_295], %parallel_loop3A_293 {strides = array<i32>} : memref<80x128xf32, #tpu.memory_space<vmem>>, vector<16xf32>,
        %parallel_loop3A_297 = arith.index_cast %parallel_loop3A_280 : i32 to index
        %parallel_loop3A_298 = arith.constant 32 : index
        %parallel_loop3A_299 = tpu.vector_load %arg17[%parallel_loop3A_297, %parallel_loop3A_298] {strides = array<i32>} : memref<80x128xf32, #tpu.memory_space<vmem>>, vector<16xf32>,
        %parallel_loop3A_300 = arith.mulf %parallel_loop3A_299, %parallel_loop3A_282 : vector<16xf32>
        %parallel_loop3A_301 = arith.index_cast %parallel_loop3A_280 : i32 to index
        %parallel_loop3A_302 = arith.constant 32 : index
        %parallel_loop3A_303 = tpu.vector_load %arg17[%parallel_loop3A_301, %parallel_loop3A_302] {strides = array<i32>} : memref<80x128xf32, #tpu.memory_space<vmem>>, vector<16xf32>,
        tpu.vector_store %arg17[%parallel_loop3A_301, %parallel_loop3A_302], %parallel_loop3A_300 {strides = array<i32>} : memref<80x128xf32, #tpu.memory_space<vmem>>, vector<16xf32>,
        %parallel_loop3A_304 = arith.index_cast %parallel_loop3A_280 : i32 to index
        %parallel_loop3A_305 = arith.constant 48 : index
        %parallel_loop3A_306 = tpu.vector_load %arg17[%parallel_loop3A_304, %parallel_loop3A_305] {strides = array<i32>} : memref<80x128xf32, #tpu.memory_space<vmem>>, vector<16xf32>,
        %parallel_loop3A_307 = arith.mulf %parallel_loop3A_306, %parallel_loop3A_282 : vector<16xf32>
        %parallel_loop3A_308 = arith.index_cast %parallel_loop3A_280 : i32 to index
        %parallel_loop3A_309 = arith.constant 48 : index
        %parallel_loop3A_310 = tpu.vector_load %arg17[%parallel_loop3A_308, %parallel_loop3A_309] {strides = array<i32>} : memref<80x128xf32, #tpu.memory_space<vmem>>, vector<16xf32>,
        tpu.vector_store %arg17[%parallel_loop3A_308, %parallel_loop3A_309], %parallel_loop3A_307 {strides = array<i32>} : memref<80x128xf32, #tpu.memory_space<vmem>>, vector<16xf32>,
        %parallel_loop3A_311 = arith.index_cast %parallel_loop3A_280 : i32 to index
        %parallel_loop3A_312 = arith.constant 64 : index
        %parallel_loop3A_313 = tpu.vector_load %arg17[%parallel_loop3A_311, %parallel_loop3A_312] {strides = array<i32>} : memref<80x128xf32, #tpu.memory_space<vmem>>, vector<16xf32>,
        %parallel_loop3A_314 = arith.mulf %parallel_loop3A_313, %parallel_loop3A_282 : vector<16xf32>
        %parallel_loop3A_315 = arith.index_cast %parallel_loop3A_280 : i32 to index
        %parallel_loop3A_316 = arith.constant 64 : index
        %parallel_loop3A_317 = tpu.vector_load %arg17[%parallel_loop3A_315, %parallel_loop3A_316] {strides = array<i32>} : memref<80x128xf32, #tpu.memory_space<vmem>>, vector<16xf32>,
        tpu.vector_store %arg17[%parallel_loop3A_315, %parallel_loop3A_316], %parallel_loop3A_314 {strides = array<i32>} : memref<80x128xf32, #tpu.memory_space<vmem>>, vector<16xf32>,
        %parallel_loop3A_318 = arith.index_cast %parallel_loop3A_280 : i32 to index
        %parallel_loop3A_319 = arith.constant 80 : index
        %parallel_loop3A_320 = tpu.vector_load %arg17[%parallel_loop3A_318, %parallel_loop3A_319] {strides = array<i32>} : memref<80x128xf32, #tpu.memory_space<vmem>>, vector<16xf32>,
        %parallel_loop3A_321 = arith.mulf %parallel_loop3A_320, %parallel_loop3A_282 : vector<16xf32>
        %parallel_loop3A_322 = arith.index_cast %parallel_loop3A_280 : i32 to index
        %parallel_loop3A_323 = arith.constant 80 : index
        %parallel_loop3A_324 = tpu.vector_load %arg17[%parallel_loop3A_322, %parallel_loop3A_323] {strides = array<i32>} : memref<80x128xf32, #tpu.memory_space<vmem>>, vector<16xf32>,
        tpu.vector_store %arg17[%parallel_loop3A_322, %parallel_loop3A_323], %parallel_loop3A_321 {strides = array<i32>} : memref<80x128xf32, #tpu.memory_space<vmem>>, vector<16xf32>,
        %parallel_loop3A_325 = arith.index_cast %parallel_loop3A_280 : i32 to index
        %parallel_loop3A_326 = arith.constant 96 : index
        %parallel_loop3A_327 = tpu.vector_load %arg17[%parallel_loop3A_325, %parallel_loop3A_326] {strides = array<i32>} : memref<80x128xf32, #tpu.memory_space<vmem>>, vector<16xf32>,
        %parallel_loop3A_328 = arith.mulf %parallel_loop3A_327, %parallel_loop3A_282 : vector<16xf32>
        %parallel_loop3A_329 = arith.index_cast %parallel_loop3A_280 : i32 to index
        %parallel_loop3A_330 = arith.constant 96 : index
        %parallel_loop3A_331 = tpu.vector_load %arg17[%parallel_loop3A_329, %parallel_loop3A_330] {strides = array<i32>} : memref<80x128xf32, #tpu.memory_space<vmem>>, vector<16xf32>,
        tpu.vector_store %arg17[%parallel_loop3A_329, %parallel_loop3A_330], %parallel_loop3A_328 {strides = array<i32>} : memref<80x128xf32, #tpu.memory_space<vmem>>, vector<16xf32>,
        %parallel_loop3A_332 = arith.index_cast %parallel_loop3A_280 : i32 to index
        %parallel_loop3A_333 = arith.constant 112 : index
        %parallel_loop3A_334 = tpu.vector_load %arg17[%parallel_loop3A_332, %parallel_loop3A_333] {strides = array<i32>} : memref<80x128xf32, #tpu.memory_space<vmem>>, vector<16xf32>,
        %parallel_loop3A_335 = arith.mulf %parallel_loop3A_334, %parallel_loop3A_282 : vector<16xf32>
        %parallel_loop3A_336 = arith.index_cast %parallel_loop3A_280 : i32 to index
        %parallel_loop3A_337 = arith.constant 112 : index
        %parallel_loop3A_338 = tpu.vector_load %arg17[%parallel_loop3A_336, %parallel_loop3A_337] {strides = array<i32>} : memref<80x128xf32, #tpu.memory_space<vmem>>, vector<16xf32>,
        tpu.vector_store %arg17[%parallel_loop3A_336, %parallel_loop3A_337], %parallel_loop3A_335 {strides = array<i32>} : memref<80x128xf32, #tpu.memory_space<vmem>>, vector<16xf32>,
      } {sc.loop_unroll_factor = 8 : i64, sc.parallel_access}
      %dma_start3A_263 = arith.constant 0 : i32
      %dma_start3A_264 = arith.constant 0 : i32
      %dma_start3A_265 = tpu.memref_slice %arg19[%dma_start3A_263, %dma_start3A_264] : memref<10240x128xf32, #tpu.memory_space<vmem_shared>> -> memref<10240x128xf32, #tpu.memory_space<vmem_shared>>
      tpu.enqueue_indirect_dma source(%arg17 : memref<80x128xf32, #tpu.memory_space<vmem>>) target(%dma_start3A_265 : memref<10240x128xf32, #tpu.memory_space<vmem_shared>>) offsets(%arg15 : memref<80xi32, #tpu.memory_space<vmem>>) semaphore(%arg27 : memref<!tpu.dma_semaphore, #tpu.memory_space<semaphore_mem>>) {add = true}
      %add3A_266 = arith.constant 2 : i32
      %add3A_267 = arith.addi %add3A_230, %add3A_266 : i32
      %mul3A_268 = arith.constant 10000 : i32
      %mul3A_269 = arith.muli %add3A, %mul3A_268 : i32
      %mul3A_270 = arith.constant 80 : i32
      %mul3A_271 = arith.muli %add3A_267, %mul3A_270 : i32
      %add3A_272 = arith.addi %mul3A_269, %mul3A_271 : i32
      %dma_start3A_273 = tpu.memref_slice %arg4[%add3A_272] : memref<640000xi32, #tpu.memory_space<hbm>> -> memref<80xi32, #tpu.memory_space<hbm>>
      %dma_start3A_274 = tpu.memref_slice %arg4[%add3A_272] : memref<640000xi32, #tpu.memory_space<hbm>> -> memref<80xi32, #tpu.memory_space<hbm>>
      tpu.enqueue_dma source(%dma_start3A_274 : memref<80xi32, #tpu.memory_space<hbm>>) target(%arg9 : memref<80xi32, #tpu.memory_space<vmem>>) target_semaphore(%arg23 : memref<!tpu.dma_semaphore, #tpu.memory_space<semaphore_mem>>)
      %add3A_275 = arith.constant 320000 : i32
      %add3A_276 = arith.addi %add3A_275, %add3A_272 : i32
      %dma_start3A_277 = tpu.memref_slice %arg4[%add3A_276] : memref<640000xi32, #tpu.memory_space<hbm>> -> memref<80xi32, #tpu.memory_space<hbm>>
      %dma_start3A_278 = tpu.memref_slice %arg4[%add3A_276] : memref<640000xi32, #tpu.memory_space<hbm>> -> memref<80xi32, #tpu.memory_space<hbm>>
      tpu.enqueue_dma source(%dma_start3A_278 : memref<80xi32, #tpu.memory_space<hbm>>) target(%arg11 : memref<80xi32, #tpu.memory_space<vmem>>) target_semaphore(%arg23 : memref<!tpu.dma_semaphore, #tpu.memory_space<semaphore_mem>>)
      %scan3A_279 = arith.constant 0 : i32
      scf.yield %scan3A_279 : i32
    }
    %scan3A_119 = arith.constant 61 : i32
    %dma_wait3A_120 = arith.constant 0 : i32
    %dma_wait3A_121 = arith.constant 0 : i32
    %dma_wait3A_122 = tpu.memref_slice %arg2[%dma_wait3A_120, %dma_wait3A_121] : memref<10240x128xf32, #tpu.memory_space<hbm>> -> memref<10240x128xf32, #tpu.memory_space<hbm>>
    tpu.wait_indirect_dma semaphore(%arg22 : memref<!tpu.dma_semaphore, #tpu.memory_space<semaphore_mem>>) src(%dma_wait3A_122 : memref<10240x128xf32, #tpu.memory_space<hbm>>) dst(%arg18 : memref<80x128xf32, #tpu.memory_space<vmem>>)
    %dma_wait3A_123 = arith.constant 0 : i32
    %dma_wait3A_124 = tpu.memref_slice %arg20[%dma_wait3A_123] : memref<10240xf32, #tpu.memory_space<vmem_shared>> -> memref<10240xf32, #tpu.memory_space<vmem_shared>>
    tpu.wait_indirect_dma semaphore(%arg26 : memref<!tpu.dma_semaphore, #tpu.memory_space<semaphore_mem>>) src(%arg14 : memref<80xf32, #tpu.memory_space<vmem>>) dst(%dma_wait3A_124 : memref<10240xf32, #tpu.memory_space<vmem_shared>>)
    %mul3A_125 = arith.constant 10000 : i32
    %mul3A_126 = arith.muli %add3A, %mul3A_125 : i32
    %add3A_127 = arith.constant 9920 : i32
    %add3A_128 = arith.addi %mul3A_126, %add3A_127 : i32
    %dma_wait3A_129 = tpu.memref_slice %arg4[%add3A_128] : memref<640000xi32, #tpu.memory_space<hbm>> -> memref<80xi32, #tpu.memory_space<hbm>>
    %dma_wait3A_130 = tpu.memref_slice %arg4[%add3A_128] : memref<640000xi32, #tpu.memory_space<hbm>> -> memref<80xi32, #tpu.memory_space<hbm>>
    tpu.wait_dma2 semaphore(%arg23 : memref<!tpu.dma_semaphore, #tpu.memory_space<semaphore_mem>>) src(%dma_wait3A_130 : memref<80xi32, #tpu.memory_space<hbm>>) dst(%arg9 : memref<80xi32, #tpu.memory_space<vmem>>)
    %add3A_131 = arith.constant 320000 : i32
    %add3A_132 = arith.addi %add3A_131, %add3A_128 : i32
    %dma_wait3A_133 = tpu.memref_slice %arg4[%add3A_132] : memref<640000xi32, #tpu.memory_space<hbm>> -> memref<80xi32, #tpu.memory_space<hbm>>
    %dma_wait3A_134 = tpu.memref_slice %arg4[%add3A_132] : memref<640000xi32, #tpu.memory_space<hbm>> -> memref<80xi32, #tpu.memory_space<hbm>>
    tpu.wait_dma2 semaphore(%arg23 : memref<!tpu.dma_semaphore, #tpu.memory_space<semaphore_mem>>) src(%dma_wait3A_134 : memref<80xi32, #tpu.memory_space<hbm>>) dst(%arg11 : memref<80xi32, #tpu.memory_space<vmem>>)
    %dma_wait3A_135 = arith.constant 0 : i32
    %dma_wait3A_136 = arith.constant 0 : i32
    %dma_wait3A_137 = tpu.memref_slice %arg19[%dma_wait3A_135, %dma_wait3A_136] : memref<10240x128xf32, #tpu.memory_space<vmem_shared>> -> memref<10240x128xf32, #tpu.memory_space<vmem_shared>>
    tpu.wait_indirect_dma semaphore(%arg27 : memref<!tpu.dma_semaphore, #tpu.memory_space<semaphore_mem>>) src(%arg17 : memref<80x128xf32, #tpu.memory_space<vmem>>) dst(%dma_wait3A_137 : memref<10240x128xf32, #tpu.memory_space<vmem_shared>>)
    %parallel_loop3A_138 = arith.constant 0 : i32
    %parallel_loop3A_139 = arith.constant 5 : i32
    %parallel_loop3A_140 = arith.constant 1 : i32
    scf.for %parallel_loop3A_173 = %parallel_loop3A_138 to %parallel_loop3A_139 step %parallel_loop3A_140  : i32 {
      %parallel_loop3A_174 = arith.constant 16 : i32
      %parallel_loop3A_175 = arith.muli %parallel_loop3A_173, %parallel_loop3A_174 : i32
      %parallel_loop3A_176 = arith.index_cast %parallel_loop3A_175 : i32 to index
      %parallel_loop3A_177 = tpu.vector_load %arg9[%parallel_loop3A_176] {strides = array<i32>} : memref<80xi32, #tpu.memory_space<vmem>>, vector<16xi32>,
      %parallel_loop3A_178 = arith.index_cast %parallel_loop3A_175 : i32 to index
      %parallel_loop3A_179 = tpu.vector_load %arg11[%parallel_loop3A_178] {strides = array<i32>} : memref<80xi32, #tpu.memory_space<vmem>>, vector<16xi32>,
      %parallel_loop3A_180 = arith.index_cast %parallel_loop3A_175 : i32 to index
      %parallel_loop3A_181 = tpu.vector_load %arg15[%parallel_loop3A_180] {strides = array<i32>} : memref<80xi32, #tpu.memory_space<vmem>>, vector<16xi32>,
      tpu.vector_store %arg15[%parallel_loop3A_180], %parallel_loop3A_179 {strides = array<i32>} : memref<80xi32, #tpu.memory_space<vmem>>, vector<16xi32>,
      %parallel_loop3A_182 = tpu.vector_load_idx %arg7[%parallel_loop3A_177] : memref<10240xf32, #tpu.memory_space<vmem>>[vector<16xi32>], vector<16xf32>,
      %parallel_loop3A_183 = tpu.vector_load_idx %arg8[%parallel_loop3A_179] : memref<10240xf32, #tpu.memory_space<vmem>>[vector<16xi32>], vector<16xf32>,
      %parallel_loop3A_184 = arith.addf %parallel_loop3A_182, %parallel_loop3A_183 : vector<16xf32>
      %parallel_loop3A_185 = arith.constant 0.000000e+00 : f32
      %parallel_loop3A_186 = vector.broadcast %parallel_loop3A_185 : f32 to vector<16xf32>
      %parallel_loop3A_187 = arith.cmpf oge, %parallel_loop3A_184, %parallel_loop3A_186 : vector<16xf32>
      %parallel_loop3A_188 = arith.constant 2.000000e-01 : f32
      %parallel_loop3A_189 = vector.broadcast %parallel_loop3A_188 : f32 to vector<16xf32>
      %parallel_loop3A_190 = arith.mulf %parallel_loop3A_189, %parallel_loop3A_184 : vector<16xf32>
      %parallel_loop3A_191 = arith.select %parallel_loop3A_187, %parallel_loop3A_184, %parallel_loop3A_190 : vector<16xi1>, vector<16xf32>
      %parallel_loop3A_192 = math.exp %parallel_loop3A_191 : vector<16xf32>
      %parallel_loop3A_193 = arith.index_cast %parallel_loop3A_175 : i32 to index
      %parallel_loop3A_194 = tpu.vector_load %arg13[%parallel_loop3A_193] {strides = array<i32>} : memref<80xf32, #tpu.memory_space<vmem>>, vector<16xf32>,
      tpu.vector_store %arg13[%parallel_loop3A_193], %parallel_loop3A_192 {strides = array<i32>} : memref<80xf32, #tpu.memory_space<vmem>>, vector<16xf32>,
    } {sc.loop_unroll_factor = 5 : i64, sc.parallel_access}
    %dma_start3A_141 = arith.constant 0 : i32
    %dma_start3A_142 = tpu.memref_slice %arg20[%dma_start3A_141] : memref<10240xf32, #tpu.memory_space<vmem_shared>> -> memref<10240xf32, #tpu.memory_space<vmem_shared>>
    tpu.enqueue_indirect_dma source(%arg13 : memref<80xf32, #tpu.memory_space<vmem>>) target(%dma_start3A_142 : memref<10240xf32, #tpu.memory_space<vmem_shared>>) offsets(%arg11 : memref<80xi32, #tpu.memory_space<vmem>>) semaphore(%arg25 : memref<!tpu.dma_semaphore, #tpu.memory_space<semaphore_mem>>) {add = true}
    %dma_start3A_143 = arith.constant 0 : i32
    %dma_start3A_144 = arith.constant 0 : i32
    %dma_start3A_145 = tpu.memref_slice %arg2[%dma_start3A_143, %dma_start3A_144] : memref<10240x128xf32, #tpu.memory_space<hbm>> -> memref<10240x128xf32, #tpu.memory_space<hbm>>
    tpu.enqueue_indirect_dma source(%dma_start3A_145 : memref<10240x128xf32, #tpu.memory_space<hbm>>) target(%arg17 : memref<80x128xf32, #tpu.memory_space<vmem>>) offsets(%arg9 : memref<80xi32, #tpu.memory_space<vmem>>) semaphore(%arg21 : memref<!tpu.dma_semaphore, #tpu.memory_space<semaphore_mem>>)
    %parallel_loop3A_146 = arith.constant 0 : i32
    %parallel_loop3A_147 = arith.constant 80 : i32
    %parallel_loop3A_148 = arith.constant 1 : i32
    scf.for %parallel_loop3A_173 = %parallel_loop3A_146 to %parallel_loop3A_147 step %parallel_loop3A_148  : i32 {
      %parallel_loop3A_174 = vector.broadcast %parallel_loop3A_173 : i32 to vector<16xi32>
      %parallel_loop3A_175 = tpu.vector_load_idx %arg14[%parallel_loop3A_174] : memref<80xf32, #tpu.memory_space<vmem>>[vector<16xi32>], vector<16xf32>,
      %parallel_loop3A_176 = arith.index_cast %parallel_loop3A_173 : i32 to index
      %parallel_loop3A_177 = arith.constant 0 : index
      %parallel_loop3A_178 = tpu.vector_load %arg18[%parallel_loop3A_176, %parallel_loop3A_177] {strides = array<i32>} : memref<80x128xf32, #tpu.memory_space<vmem>>, vector<16xf32>,
      %parallel_loop3A_179 = arith.mulf %parallel_loop3A_178, %parallel_loop3A_175 : vector<16xf32>
      %parallel_loop3A_180 = arith.index_cast %parallel_loop3A_173 : i32 to index
      %parallel_loop3A_181 = arith.constant 0 : index
      %parallel_loop3A_182 = tpu.vector_load %arg18[%parallel_loop3A_180, %parallel_loop3A_181] {strides = array<i32>} : memref<80x128xf32, #tpu.memory_space<vmem>>, vector<16xf32>,
      tpu.vector_store %arg18[%parallel_loop3A_180, %parallel_loop3A_181], %parallel_loop3A_179 {strides = array<i32>} : memref<80x128xf32, #tpu.memory_space<vmem>>, vector<16xf32>,
      %parallel_loop3A_183 = arith.index_cast %parallel_loop3A_173 : i32 to index
      %parallel_loop3A_184 = arith.constant 16 : index
      %parallel_loop3A_185 = tpu.vector_load %arg18[%parallel_loop3A_183, %parallel_loop3A_184] {strides = array<i32>} : memref<80x128xf32, #tpu.memory_space<vmem>>, vector<16xf32>,
      %parallel_loop3A_186 = arith.mulf %parallel_loop3A_185, %parallel_loop3A_175 : vector<16xf32>
      %parallel_loop3A_187 = arith.index_cast %parallel_loop3A_173 : i32 to index
      %parallel_loop3A_188 = arith.constant 16 : index
      %parallel_loop3A_189 = tpu.vector_load %arg18[%parallel_loop3A_187, %parallel_loop3A_188] {strides = array<i32>} : memref<80x128xf32, #tpu.memory_space<vmem>>, vector<16xf32>,
      tpu.vector_store %arg18[%parallel_loop3A_187, %parallel_loop3A_188], %parallel_loop3A_186 {strides = array<i32>} : memref<80x128xf32, #tpu.memory_space<vmem>>, vector<16xf32>,
      %parallel_loop3A_190 = arith.index_cast %parallel_loop3A_173 : i32 to index
      %parallel_loop3A_191 = arith.constant 32 : index
      %parallel_loop3A_192 = tpu.vector_load %arg18[%parallel_loop3A_190, %parallel_loop3A_191] {strides = array<i32>} : memref<80x128xf32, #tpu.memory_space<vmem>>, vector<16xf32>,
      %parallel_loop3A_193 = arith.mulf %parallel_loop3A_192, %parallel_loop3A_175 : vector<16xf32>
      %parallel_loop3A_194 = arith.index_cast %parallel_loop3A_173 : i32 to index
      %parallel_loop3A_195 = arith.constant 32 : index
      %parallel_loop3A_196 = tpu.vector_load %arg18[%parallel_loop3A_194, %parallel_loop3A_195] {strides = array<i32>} : memref<80x128xf32, #tpu.memory_space<vmem>>, vector<16xf32>,
      tpu.vector_store %arg18[%parallel_loop3A_194, %parallel_loop3A_195], %parallel_loop3A_193 {strides = array<i32>} : memref<80x128xf32, #tpu.memory_space<vmem>>, vector<16xf32>,
      %parallel_loop3A_197 = arith.index_cast %parallel_loop3A_173 : i32 to index
      %parallel_loop3A_198 = arith.constant 48 : index
      %parallel_loop3A_199 = tpu.vector_load %arg18[%parallel_loop3A_197, %parallel_loop3A_198] {strides = array<i32>} : memref<80x128xf32, #tpu.memory_space<vmem>>, vector<16xf32>,
      %parallel_loop3A_200 = arith.mulf %parallel_loop3A_199, %parallel_loop3A_175 : vector<16xf32>
      %parallel_loop3A_201 = arith.index_cast %parallel_loop3A_173 : i32 to index
      %parallel_loop3A_202 = arith.constant 48 : index
      %parallel_loop3A_203 = tpu.vector_load %arg18[%parallel_loop3A_201, %parallel_loop3A_202] {strides = array<i32>} : memref<80x128xf32, #tpu.memory_space<vmem>>, vector<16xf32>,
      tpu.vector_store %arg18[%parallel_loop3A_201, %parallel_loop3A_202], %parallel_loop3A_200 {strides = array<i32>} : memref<80x128xf32, #tpu.memory_space<vmem>>, vector<16xf32>,
      %parallel_loop3A_204 = arith.index_cast %parallel_loop3A_173 : i32 to index
      %parallel_loop3A_205 = arith.constant 64 : index
      %parallel_loop3A_206 = tpu.vector_load %arg18[%parallel_loop3A_204, %parallel_loop3A_205] {strides = array<i32>} : memref<80x128xf32, #tpu.memory_space<vmem>>, vector<16xf32>,
      %parallel_loop3A_207 = arith.mulf %parallel_loop3A_206, %parallel_loop3A_175 : vector<16xf32>
      %parallel_loop3A_208 = arith.index_cast %parallel_loop3A_173 : i32 to index
      %parallel_loop3A_209 = arith.constant 64 : index
      %parallel_loop3A_210 = tpu.vector_load %arg18[%parallel_loop3A_208, %parallel_loop3A_209] {strides = array<i32>} : memref<80x128xf32, #tpu.memory_space<vmem>>, vector<16xf32>,
      tpu.vector_store %arg18[%parallel_loop3A_208, %parallel_loop3A_209], %parallel_loop3A_207 {strides = array<i32>} : memref<80x128xf32, #tpu.memory_space<vmem>>, vector<16xf32>,
      %parallel_loop3A_211 = arith.index_cast %parallel_loop3A_173 : i32 to index
      %parallel_loop3A_212 = arith.constant 80 : index
      %parallel_loop3A_213 = tpu.vector_load %arg18[%parallel_loop3A_211, %parallel_loop3A_212] {strides = array<i32>} : memref<80x128xf32, #tpu.memory_space<vmem>>, vector<16xf32>,
      %parallel_loop3A_214 = arith.mulf %parallel_loop3A_213, %parallel_loop3A_175 : vector<16xf32>
      %parallel_loop3A_215 = arith.index_cast %parallel_loop3A_173 : i32 to index
      %parallel_loop3A_216 = arith.constant 80 : index
      %parallel_loop3A_217 = tpu.vector_load %arg18[%parallel_loop3A_215, %parallel_loop3A_216] {strides = array<i32>} : memref<80x128xf32, #tpu.memory_space<vmem>>, vector<16xf32>,
      tpu.vector_store %arg18[%parallel_loop3A_215, %parallel_loop3A_216], %parallel_loop3A_214 {strides = array<i32>} : memref<80x128xf32, #tpu.memory_space<vmem>>, vector<16xf32>,
      %parallel_loop3A_218 = arith.index_cast %parallel_loop3A_173 : i32 to index
      %parallel_loop3A_219 = arith.constant 96 : index
      %parallel_loop3A_220 = tpu.vector_load %arg18[%parallel_loop3A_218, %parallel_loop3A_219] {strides = array<i32>} : memref<80x128xf32, #tpu.memory_space<vmem>>, vector<16xf32>,
      %parallel_loop3A_221 = arith.mulf %parallel_loop3A_220, %parallel_loop3A_175 : vector<16xf32>
      %parallel_loop3A_222 = arith.index_cast %parallel_loop3A_173 : i32 to index
      %parallel_loop3A_223 = arith.constant 96 : index
      %parallel_loop3A_224 = tpu.vector_load %arg18[%parallel_loop3A_222, %parallel_loop3A_223] {strides = array<i32>} : memref<80x128xf32, #tpu.memory_space<vmem>>, vector<16xf32>,
      tpu.vector_store %arg18[%parallel_loop3A_222, %parallel_loop3A_223], %parallel_loop3A_221 {strides = array<i32>} : memref<80x128xf32, #tpu.memory_space<vmem>>, vector<16xf32>,
      %parallel_loop3A_225 = arith.index_cast %parallel_loop3A_173 : i32 to index
      %parallel_loop3A_226 = arith.constant 112 : index
      %parallel_loop3A_227 = tpu.vector_load %arg18[%parallel_loop3A_225, %parallel_loop3A_226] {strides = array<i32>} : memref<80x128xf32, #tpu.memory_space<vmem>>, vector<16xf32>,
      %parallel_loop3A_228 = arith.mulf %parallel_loop3A_227, %parallel_loop3A_175 : vector<16xf32>
      %parallel_loop3A_229 = arith.index_cast %parallel_loop3A_173 : i32 to index
      %parallel_loop3A_230 = arith.constant 112 : index
      %parallel_loop3A_231 = tpu.vector_load %arg18[%parallel_loop3A_229, %parallel_loop3A_230] {strides = array<i32>} : memref<80x128xf32, #tpu.memory_space<vmem>>, vector<16xf32>,
      tpu.vector_store %arg18[%parallel_loop3A_229, %parallel_loop3A_230], %parallel_loop3A_228 {strides = array<i32>} : memref<80x128xf32, #tpu.memory_space<vmem>>, vector<16xf32>,
    } {sc.loop_unroll_factor = 8 : i64, sc.parallel_access}
    %dma_start3A_149 = arith.constant 0 : i32
    %dma_start3A_150 = arith.constant 0 : i32
    %dma_start3A_151 = tpu.memref_slice %arg19[%dma_start3A_149, %dma_start3A_150] : memref<10240x128xf32, #tpu.memory_space<vmem_shared>> -> memref<10240x128xf32, #tpu.memory_space<vmem_shared>>
    tpu.enqueue_indirect_dma source(%arg18 : memref<80x128xf32, #tpu.memory_space<vmem>>) target(%dma_start3A_151 : memref<10240x128xf32, #tpu.memory_space<vmem_shared>>) offsets(%arg16 : memref<80xi32, #tpu.memory_space<vmem>>) semaphore(%arg28 : memref<!tpu.dma_semaphore, #tpu.memory_space<semaphore_mem>>) {add = true}
    %dma_wait3A_152 = arith.constant 0 : i32
    %dma_wait3A_153 = arith.constant 0 : i32
    %dma_wait3A_154 = tpu.memref_slice %arg2[%dma_wait3A_152, %dma_wait3A_153] : memref<10240x128xf32, #tpu.memory_space<hbm>> -> memref<10240x128xf32, #tpu.memory_space<hbm>>
    tpu.wait_indirect_dma semaphore(%arg21 : memref<!tpu.dma_semaphore, #tpu.memory_space<semaphore_mem>>) src(%dma_wait3A_154 : memref<10240x128xf32, #tpu.memory_space<hbm>>) dst(%arg17 : memref<80x128xf32, #tpu.memory_space<vmem>>)
    %dma_wait3A_155 = arith.constant 0 : i32
    %dma_wait3A_156 = tpu.memref_slice %arg20[%dma_wait3A_155] : memref<10240xf32, #tpu.memory_space<vmem_shared>> -> memref<10240xf32, #tpu.memory_space<vmem_shared>>
    tpu.wait_indirect_dma semaphore(%arg25 : memref<!tpu.dma_semaphore, #tpu.memory_space<semaphore_mem>>) src(%arg13 : memref<80xf32, #tpu.memory_space<vmem>>) dst(%dma_wait3A_156 : memref<10240xf32, #tpu.memory_space<vmem_shared>>)
    %parallel_loop3A_157 = arith.constant 0 : i32
    %parallel_loop3A_158 = arith.constant 80 : i32
    %parallel_loop3A_159 = arith.constant 1 : i32
    scf.for %parallel_loop3A_173 = %parallel_loop3A_157 to %parallel_loop3A_158 step %parallel_loop3A_159  : i32 {
      %parallel_loop3A_174 = vector.broadcast %parallel_loop3A_173 : i32 to vector<16xi32>
      %parallel_loop3A_175 = tpu.vector_load_idx %arg13[%parallel_loop3A_174] : memref<80xf32, #tpu.memory_space<vmem>>[vector<16xi32>], vector<16xf32>,
      %parallel_loop3A_176 = arith.index_cast %parallel_loop3A_173 : i32 to index
      %parallel_loop3A_177 = arith.constant 0 : index
      %parallel_loop3A_178 = tpu.vector_load %arg17[%parallel_loop3A_176, %parallel_loop3A_177] {strides = array<i32>} : memref<80x128xf32, #tpu.memory_space<vmem>>, vector<16xf32>,
      %parallel_loop3A_179 = arith.mulf %parallel_loop3A_178, %parallel_loop3A_175 : vector<16xf32>
      %parallel_loop3A_180 = arith.index_cast %parallel_loop3A_173 : i32 to index
      %parallel_loop3A_181 = arith.constant 0 : index
      %parallel_loop3A_182 = tpu.vector_load %arg17[%parallel_loop3A_180, %parallel_loop3A_181] {strides = array<i32>} : memref<80x128xf32, #tpu.memory_space<vmem>>, vector<16xf32>,
      tpu.vector_store %arg17[%parallel_loop3A_180, %parallel_loop3A_181], %parallel_loop3A_179 {strides = array<i32>} : memref<80x128xf32, #tpu.memory_space<vmem>>, vector<16xf32>,
      %parallel_loop3A_183 = arith.index_cast %parallel_loop3A_173 : i32 to index
      %parallel_loop3A_184 = arith.constant 16 : index
      %parallel_loop3A_185 = tpu.vector_load %arg17[%parallel_loop3A_183, %parallel_loop3A_184] {strides = array<i32>} : memref<80x128xf32, #tpu.memory_space<vmem>>, vector<16xf32>,
      %parallel_loop3A_186 = arith.mulf %parallel_loop3A_185, %parallel_loop3A_175 : vector<16xf32>
      %parallel_loop3A_187 = arith.index_cast %parallel_loop3A_173 : i32 to index
      %parallel_loop3A_188 = arith.constant 16 : index
      %parallel_loop3A_189 = tpu.vector_load %arg17[%parallel_loop3A_187, %parallel_loop3A_188] {strides = array<i32>} : memref<80x128xf32, #tpu.memory_space<vmem>>, vector<16xf32>,
      tpu.vector_store %arg17[%parallel_loop3A_187, %parallel_loop3A_188], %parallel_loop3A_186 {strides = array<i32>} : memref<80x128xf32, #tpu.memory_space<vmem>>, vector<16xf32>,
      %parallel_loop3A_190 = arith.index_cast %parallel_loop3A_173 : i32 to index
      %parallel_loop3A_191 = arith.constant 32 : index
      %parallel_loop3A_192 = tpu.vector_load %arg17[%parallel_loop3A_190, %parallel_loop3A_191] {strides = array<i32>} : memref<80x128xf32, #tpu.memory_space<vmem>>, vector<16xf32>,
      %parallel_loop3A_193 = arith.mulf %parallel_loop3A_192, %parallel_loop3A_175 : vector<16xf32>
      %parallel_loop3A_194 = arith.index_cast %parallel_loop3A_173 : i32 to index
      %parallel_loop3A_195 = arith.constant 32 : index
      %parallel_loop3A_196 = tpu.vector_load %arg17[%parallel_loop3A_194, %parallel_loop3A_195] {strides = array<i32>} : memref<80x128xf32, #tpu.memory_space<vmem>>, vector<16xf32>,
      tpu.vector_store %arg17[%parallel_loop3A_194, %parallel_loop3A_195], %parallel_loop3A_193 {strides = array<i32>} : memref<80x128xf32, #tpu.memory_space<vmem>>, vector<16xf32>,
      %parallel_loop3A_197 = arith.index_cast %parallel_loop3A_173 : i32 to index
      %parallel_loop3A_198 = arith.constant 48 : index
      %parallel_loop3A_199 = tpu.vector_load %arg17[%parallel_loop3A_197, %parallel_loop3A_198] {strides = array<i32>} : memref<80x128xf32, #tpu.memory_space<vmem>>, vector<16xf32>,
      %parallel_loop3A_200 = arith.mulf %parallel_loop3A_199, %parallel_loop3A_175 : vector<16xf32>
      %parallel_loop3A_201 = arith.index_cast %parallel_loop3A_173 : i32 to index
      %parallel_loop3A_202 = arith.constant 48 : index
      %parallel_loop3A_203 = tpu.vector_load %arg17[%parallel_loop3A_201, %parallel_loop3A_202] {strides = array<i32>} : memref<80x128xf32, #tpu.memory_space<vmem>>, vector<16xf32>,
      tpu.vector_store %arg17[%parallel_loop3A_201, %parallel_loop3A_202], %parallel_loop3A_200 {strides = array<i32>} : memref<80x128xf32, #tpu.memory_space<vmem>>, vector<16xf32>,
      %parallel_loop3A_204 = arith.index_cast %parallel_loop3A_173 : i32 to index
      %parallel_loop3A_205 = arith.constant 64 : index
      %parallel_loop3A_206 = tpu.vector_load %arg17[%parallel_loop3A_204, %parallel_loop3A_205] {strides = array<i32>} : memref<80x128xf32, #tpu.memory_space<vmem>>, vector<16xf32>,
      %parallel_loop3A_207 = arith.mulf %parallel_loop3A_206, %parallel_loop3A_175 : vector<16xf32>
      %parallel_loop3A_208 = arith.index_cast %parallel_loop3A_173 : i32 to index
      %parallel_loop3A_209 = arith.constant 64 : index
      %parallel_loop3A_210 = tpu.vector_load %arg17[%parallel_loop3A_208, %parallel_loop3A_209] {strides = array<i32>} : memref<80x128xf32, #tpu.memory_space<vmem>>, vector<16xf32>,
      tpu.vector_store %arg17[%parallel_loop3A_208, %parallel_loop3A_209], %parallel_loop3A_207 {strides = array<i32>} : memref<80x128xf32, #tpu.memory_space<vmem>>, vector<16xf32>,
      %parallel_loop3A_211 = arith.index_cast %parallel_loop3A_173 : i32 to index
      %parallel_loop3A_212 = arith.constant 80 : index
      %parallel_loop3A_213 = tpu.vector_load %arg17[%parallel_loop3A_211, %parallel_loop3A_212] {strides = array<i32>} : memref<80x128xf32, #tpu.memory_space<vmem>>, vector<16xf32>,
      %parallel_loop3A_214 = arith.mulf %parallel_loop3A_213, %parallel_loop3A_175 : vector<16xf32>
      %parallel_loop3A_215 = arith.index_cast %parallel_loop3A_173 : i32 to index
      %parallel_loop3A_216 = arith.constant 80 : index
      %parallel_loop3A_217 = tpu.vector_load %arg17[%parallel_loop3A_215, %parallel_loop3A_216] {strides = array<i32>} : memref<80x128xf32, #tpu.memory_space<vmem>>, vector<16xf32>,
      tpu.vector_store %arg17[%parallel_loop3A_215, %parallel_loop3A_216], %parallel_loop3A_214 {strides = array<i32>} : memref<80x128xf32, #tpu.memory_space<vmem>>, vector<16xf32>,
      %parallel_loop3A_218 = arith.index_cast %parallel_loop3A_173 : i32 to index
      %parallel_loop3A_219 = arith.constant 96 : index
      %parallel_loop3A_220 = tpu.vector_load %arg17[%parallel_loop3A_218, %parallel_loop3A_219] {strides = array<i32>} : memref<80x128xf32, #tpu.memory_space<vmem>>, vector<16xf32>,
      %parallel_loop3A_221 = arith.mulf %parallel_loop3A_220, %parallel_loop3A_175 : vector<16xf32>
      %parallel_loop3A_222 = arith.index_cast %parallel_loop3A_173 : i32 to index
      %parallel_loop3A_223 = arith.constant 96 : index
      %parallel_loop3A_224 = tpu.vector_load %arg17[%parallel_loop3A_222, %parallel_loop3A_223] {strides = array<i32>} : memref<80x128xf32, #tpu.memory_space<vmem>>, vector<16xf32>,
      tpu.vector_store %arg17[%parallel_loop3A_222, %parallel_loop3A_223], %parallel_loop3A_221 {strides = array<i32>} : memref<80x128xf32, #tpu.memory_space<vmem>>, vector<16xf32>,
      %parallel_loop3A_225 = arith.index_cast %parallel_loop3A_173 : i32 to index
      %parallel_loop3A_226 = arith.constant 112 : index
      %parallel_loop3A_227 = tpu.vector_load %arg17[%parallel_loop3A_225, %parallel_loop3A_226] {strides = array<i32>} : memref<80x128xf32, #tpu.memory_space<vmem>>, vector<16xf32>,
      %parallel_loop3A_228 = arith.mulf %parallel_loop3A_227, %parallel_loop3A_175 : vector<16xf32>
      %parallel_loop3A_229 = arith.index_cast %parallel_loop3A_173 : i32 to index
      %parallel_loop3A_230 = arith.constant 112 : index
      %parallel_loop3A_231 = tpu.vector_load %arg17[%parallel_loop3A_229, %parallel_loop3A_230] {strides = array<i32>} : memref<80x128xf32, #tpu.memory_space<vmem>>, vector<16xf32>,
      tpu.vector_store %arg17[%parallel_loop3A_229, %parallel_loop3A_230], %parallel_loop3A_228 {strides = array<i32>} : memref<80x128xf32, #tpu.memory_space<vmem>>, vector<16xf32>,
    } {sc.loop_unroll_factor = 8 : i64, sc.parallel_access}
    %dma_start3A_160 = arith.constant 0 : i32
    %dma_start3A_161 = arith.constant 0 : i32
    %dma_start3A_162 = tpu.memref_slice %arg19[%dma_start3A_160, %dma_start3A_161] : memref<10240x128xf32, #tpu.memory_space<vmem_shared>> -> memref<10240x128xf32, #tpu.memory_space<vmem_shared>>
    tpu.enqueue_indirect_dma source(%arg17 : memref<80x128xf32, #tpu.memory_space<vmem>>) target(%dma_start3A_162 : memref<10240x128xf32, #tpu.memory_space<vmem_shared>>) offsets(%arg15 : memref<80xi32, #tpu.memory_space<vmem>>) semaphore(%arg27 : memref<!tpu.dma_semaphore, #tpu.memory_space<semaphore_mem>>) {add = true}
    %dma_wait3A_163 = arith.constant 0 : i32
    %dma_wait3A_164 = arith.constant 0 : i32
    %dma_wait3A_165 = tpu.memref_slice %arg19[%dma_wait3A_163, %dma_wait3A_164] : memref<10240x128xf32, #tpu.memory_space<vmem_shared>> -> memref<10240x128xf32, #tpu.memory_space<vmem_shared>>
    tpu.wait_indirect_dma semaphore(%arg28 : memref<!tpu.dma_semaphore, #tpu.memory_space<semaphore_mem>>) src(%arg18 : memref<80x128xf32, #tpu.memory_space<vmem>>) dst(%dma_wait3A_165 : memref<10240x128xf32, #tpu.memory_space<vmem_shared>>)
    %dma_wait3A_166 = arith.constant 0 : i32
    %dma_wait3A_167 = arith.constant 0 : i32
    %dma_wait3A_168 = tpu.memref_slice %arg19[%dma_wait3A_166, %dma_wait3A_167] : memref<10240x128xf32, #tpu.memory_space<vmem_shared>> -> memref<10240x128xf32, #tpu.memory_space<vmem_shared>>
    tpu.wait_indirect_dma semaphore(%arg27 : memref<!tpu.dma_semaphore, #tpu.memory_space<semaphore_mem>>) src(%arg17 : memref<80x128xf32, #tpu.memory_space<vmem>>) dst(%dma_wait3A_168 : memref<10240x128xf32, #tpu.memory_space<vmem_shared>>)
    %barrier3A_169 = arith.constant 0 : index
    tpu.barrier barrier_id(%barrier3A_169)
    "tpu.region"() ({
      %run_scoped3A_173 = tpu.sem_alloc : memref<!tpu.dma_semaphore, #tpu.memory_space<semaphore_mem>>
      %dma_start3A_174 = arith.constant 0 : i32
      %dma_start3A_175 = tpu.memref_slice %arg5[%arg0, %mul3A_2, %dma_start3A_174] : memref<2x10240x128xf32, #tpu.memory_space<hbm>> -> memref<1x640x128xf32, #tpu.memory_space<hbm>>
      %dma_start3A_176 = tpu.memref_squeeze %dma_start3A_175 : memref<1x640x128xf32, #tpu.memory_space<hbm>> -> memref<640x128xf32, #tpu.memory_space<hbm>>
      %dma_start3A_177 = arith.constant 0 : i32
      %dma_start3A_178 = tpu.memref_slice %arg19[%mul3A_2, %dma_start3A_177] : memref<10240x128xf32, #tpu.memory_space<vmem_shared>> -> memref<640x128xf32, #tpu.memory_space<vmem_shared>>
      tpu.enqueue_dma source(%dma_start3A_178 : memref<640x128xf32, #tpu.memory_space<vmem_shared>>) target(%dma_start3A_176 : memref<640x128xf32, #tpu.memory_space<hbm>>) target_semaphore(%run_scoped3A_173 : memref<!tpu.dma_semaphore, #tpu.memory_space<semaphore_mem>>)
      %dma_wait3A_179 = arith.constant 0 : i32
      %dma_wait3A_180 = tpu.memref_slice %arg5[%arg0, %mul3A_2, %dma_wait3A_179] : memref<2x10240x128xf32, #tpu.memory_space<hbm>> -> memref<1x640x128xf32, #tpu.memory_space<hbm>>
      %dma_wait3A_181 = tpu.memref_squeeze %dma_wait3A_180 : memref<1x640x128xf32, #tpu.memory_space<hbm>> -> memref<640x128xf32, #tpu.memory_space<hbm>>
      %dma_wait3A_182 = arith.constant 0 : i32
      %dma_wait3A_183 = tpu.memref_slice %arg19[%mul3A_2, %dma_wait3A_182] : memref<10240x128xf32, #tpu.memory_space<vmem_shared>> -> memref<640x128xf32, #tpu.memory_space<vmem_shared>>
      tpu.wait_dma2 semaphore(%run_scoped3A_173 : memref<!tpu.dma_semaphore, #tpu.memory_space<semaphore_mem>>) src(%dma_wait3A_183 : memref<640x128xf32, #tpu.memory_space<vmem_shared>>) dst(%dma_wait3A_181 : memref<640x128xf32, #tpu.memory_space<hbm>>)
      tpu.yield
    }) : () -> ()
    %mul3A_170 = arith.constant 10240 : i32
    %mul3A_171 = arith.muli %arg0, %mul3A_170 : i32
    %add3A_172 = arith.addi %mul3A_171, %mul3A_2 : i32
    "tpu.region"() ({
      %run_scoped3A_173 = tpu.sem_alloc : memref<!tpu.dma_semaphore, #tpu.memory_space<semaphore_mem>>
      %dma_start3A_174 = tpu.memref_slice %arg6[%add3A_172] : memref<20480xf32, #tpu.memory_space<hbm>> -> memref<640xf32, #tpu.memory_space<hbm>>
      %dma_start3A_175 = tpu.memref_slice %arg20[%mul3A_2] : memref<10240xf32, #tpu.memory_space<vmem_shared>> -> memref<640xf32, #tpu.memory_space<vmem_shared>>
      tpu.enqueue_dma source(%dma_start3A_175 : memref<640xf32, #tpu.memory_space<vmem_shared>>) target(%dma_start3A_174 : memref<640xf32, #tpu.memory_space<hbm>>) target_semaphore(%run_scoped3A_173 : memref<!tpu.dma_semaphore, #tpu.memory_space<semaphore_mem>>)
      %dma_wait3A_176 = tpu.memref_slice %arg6[%add3A_172] : memref<20480xf32, #tpu.memory_space<hbm>> -> memref<640xf32, #tpu.memory_space<hbm>>
      %dma_wait3A_177 = tpu.memref_slice %arg20[%mul3A_2] : memref<10240xf32, #tpu.memory_space<vmem_shared>> -> memref<640xf32, #tpu.memory_space<vmem_shared>>
      tpu.wait_dma2 semaphore(%run_scoped3A_173 : memref<!tpu.dma_semaphore, #tpu.memory_space<semaphore_mem>>) src(%dma_wait3A_177 : memref<640xf32, #tpu.memory_space<vmem_shared>>) dst(%dma_wait3A_176 : memref<640xf32, #tpu.memory_space<hbm>>)
      tpu.yield
    }) : () -> ()
    return
  }
}

module attributes {stable_mosaic.version = 14 : i64} {
  func.func @_matmul_body(%arg0: i32, %arg1: memref<1024x128xf32, #tpu.memory_space<vmem>>, %arg2: memref<1x128xf32, #tpu.memory_space<vmem>>, %arg3: memref<1x128xf32, #tpu.memory_space<vmem>>, %arg4: memref<128x128xf32, #tpu.memory_space<vmem>>, %arg5: memref<1024x128xf32, #tpu.memory_space<vmem>>, %arg6: memref<2x1024xf32, #tpu.memory_space<vmem>>) attributes {dimension_semantics = [#tpu.dimension_semantics<arbitrary>], iteration_bounds = array<i64: 10>, scalar_prefetch = 0 : i64, scratch_operands = 0 : i64, tpu.core_type = #tpu.core_type<tc>, window_params = [{transform_indices = @transform_0, window_bounds = array<i64: 1024, 128>}, {pipeline_mode = #tpu.pipeline_mode<synchronous>, transform_indices = @transform_1, window_bounds = array<i64: 1, 128>}, {pipeline_mode = #tpu.pipeline_mode<synchronous>, transform_indices = @transform_2, window_bounds = array<i64: 1, 128>}, {pipeline_mode = #tpu.pipeline_mode<synchronous>, transform_indices = @transform_3, window_bounds = array<i64: 128, 128>}, {transform_indices = @transform_4, window_bounds = array<i64: 1024, 128>}, {transform_indices = @transform_5, window_bounds = array<i64: 2, 1024>}]} {
    %get3A = arith.constant 0 : index
    %get3A_0 = arith.constant 0 : index
    %get3A_1 = vector.load %arg1[%get3A, %get3A_0] : memref<1024x128xf32, #tpu.memory_space<vmem>>, vector<1024x128xf32>
    %get3A_2 = arith.constant 0 : index
    %get3A_3 = arith.constant 0 : index
    %get3A_4 = vector.load %arg4[%get3A_2, %get3A_3] : memref<128x128xf32, #tpu.memory_space<vmem>>, vector<128x128xf32>
    %dot_general3A = arith.constant dense<0.000000e+00> : vector<1024x128xf32>
    %dot_general3A_5 = tpu.matmul %get3A_1, %get3A_4, %dot_general3A {dimension_numbers = #tpu.dot_dimension_numbers<[1], [0], [0], [1], [0, 0, 1, 1], [], []>, transpose_lhs_hint = false} : vector<1024x128xf32>, vector<128x128xf32>, vector<1024x128xf32> -> vector<1024x128xf32>
    %swap3A = arith.constant 0 : index
    %swap3A_6 = arith.constant 0 : index
    %swap3A_7 = vector.load %arg5[%swap3A, %swap3A_6] : memref<1024x128xf32, #tpu.memory_space<vmem>>, vector<1024x128xf32>
    tpu.vector_store %arg5[%swap3A, %swap3A_6], %dot_general3A_5 {strides = array<i32>} : memref<1024x128xf32, #tpu.memory_space<vmem>>, vector<1024x128xf32>,
    %get3A_8 = arith.constant 0 : index
    %get3A_9 = arith.constant 0 : index
    %get3A_10 = vector.load %arg2[%get3A_8, %get3A_9] : memref<1x128xf32, #tpu.memory_space<vmem>>, vector<1x128xf32>
    %get3A_11 = arith.constant 0 : index
    %get3A_12 = arith.constant 0 : index
    %get3A_13 = vector.load %arg3[%get3A_11, %get3A_12] : memref<1x128xf32, #tpu.memory_space<vmem>>, vector<1x128xf32>
    %concatenate3A = tpu.concatenate %get3A_10, %get3A_13 in 0 : vector<1x128xf32>, vector<1x128xf32> -> vector<2x128xf32>
    %dot_general3A_14 = arith.constant dense<0.000000e+00> : vector<2x1024xf32>
    %dot_general3A_15 = tpu.matmul %concatenate3A, %dot_general3A_5, %dot_general3A_14 {dimension_numbers = #tpu.dot_dimension_numbers<[1], [1], [0], [0], [0, 0, 1, 0], [], []>, transpose_lhs_hint = false} : vector<2x128xf32>, vector<1024x128xf32>, vector<2x1024xf32> -> vector<2x1024xf32>
    %swap3A_16 = arith.constant 0 : index
    %swap3A_17 = arith.constant 0 : index
    %swap3A_18 = vector.load %arg6[%swap3A_16, %swap3A_17] : memref<2x1024xf32, #tpu.memory_space<vmem>>, vector<2x1024xf32>
    tpu.vector_store %arg6[%swap3A_16, %swap3A_17], %dot_general3A_15 {strides = array<i32>} : memref<2x1024xf32, #tpu.memory_space<vmem>>, vector<2x1024xf32>,
    return
  }
  func.func @transform_0(%arg0: i32) -> (i32, i32) {
    %c0_i32 = arith.constant 0 : i32
    %c0_i32_0 = arith.constant 0 : i32
    return %arg0, %c0_i32 : i32, i32
  }
  func.func @transform_1(%arg0: i32) -> (i32, i32) {
    %c0_i32 = arith.constant 0 : i32
    %c0_i32_0 = arith.constant 0 : i32
    %c0_i32_1 = arith.constant 0 : i32
    return %c0_i32, %c0_i32_0 : i32, i32
  }
  func.func @transform_2(%arg0: i32) -> (i32, i32) {
    %c0_i32 = arith.constant 0 : i32
    %c0_i32_0 = arith.constant 0 : i32
    %c0_i32_1 = arith.constant 0 : i32
    return %c0_i32, %c0_i32_0 : i32, i32
  }
  func.func @transform_3(%arg0: i32) -> (i32, i32) {
    %c0_i32 = arith.constant 0 : i32
    %c0_i32_0 = arith.constant 0 : i32
    %c0_i32_1 = arith.constant 0 : i32
    return %c0_i32, %c0_i32_0 : i32, i32
  }
  func.func @transform_4(%arg0: i32) -> (i32, i32) {
    %c0_i32 = arith.constant 0 : i32
    %c0_i32_0 = arith.constant 0 : i32
    return %arg0, %c0_i32 : i32, i32
  }
  func.func @transform_5(%arg0: i32) -> (i32, i32) {
    %c0_i32 = arith.constant 0 : i32
    %c0_i32_0 = arith.constant 0 : i32
    return %c0_i32, %arg0 : i32, i32
  }
}

module attributes {stable_mosaic.version = 14 : i64} {
  func.func @_finalize_body(%arg0: i32, %arg1: memref<2x1000x128xf32, #tpu.memory_space<vmem>>, %arg2: memref<2x1000x1xf32, #tpu.memory_space<vmem>>, %arg3: memref<1x128xf32, #tpu.memory_space<vmem>>, %arg4: memref<1000x128xf32, #tpu.memory_space<vmem>>) attributes {dimension_semantics = [#tpu.dimension_semantics<arbitrary>], iteration_bounds = array<i64: 10>, scalar_prefetch = 0 : i64, scratch_operands = 0 : i64, tpu.core_type = #tpu.core_type<tc>, window_params = [{transform_indices = @transform_0, window_bounds = array<i64: 2, 1000, 128>}, {transform_indices = @transform_1, window_bounds = array<i64: 2, 1000, 1>}, {pipeline_mode = #tpu.pipeline_mode<synchronous>, transform_indices = @transform_2, window_bounds = array<i64: 1, 128>}, {transform_indices = @transform_3, window_bounds = array<i64: 1000, 128>}]} {
    %get3A = arith.constant 0 : index
    %get3A_0 = arith.constant 0 : index
    %get3A_1 = arith.constant 0 : index
    %get3A_2 = vector.load %arg1[%get3A, %get3A_0, %get3A_1] : memref<2x1000x128xf32, #tpu.memory_space<vmem>>, vector<1x1000x128xf32>
    %get3A_3 = vector.shape_cast %get3A_2 : vector<1x1000x128xf32> to vector<1000x128xf32>
    %get3A_4 = arith.constant 1 : index
    %get3A_5 = arith.constant 0 : index
    %get3A_6 = arith.constant 0 : index
    %get3A_7 = vector.load %arg1[%get3A_4, %get3A_5, %get3A_6] : memref<2x1000x128xf32, #tpu.memory_space<vmem>>, vector<1x1000x128xf32>
    %get3A_8 = vector.shape_cast %get3A_7 : vector<1x1000x128xf32> to vector<1000x128xf32>
    %add3A = arith.addf %get3A_3, %get3A_8 : vector<1000x128xf32>
    %get3A_9 = arith.constant 0 : index
    %get3A_10 = arith.constant 0 : index
    %get3A_11 = arith.constant 0 : index
    %get3A_12 = vector.load %arg2[%get3A_9, %get3A_10, %get3A_11] : memref<2x1000x1xf32, #tpu.memory_space<vmem>>, vector<1x1000x1xf32>
    %get3A_13 = vector.shape_cast %get3A_12 : vector<1x1000x1xf32> to vector<1000x1xf32>
    %get3A_14 = arith.constant 1 : index
    %get3A_15 = arith.constant 0 : index
    %get3A_16 = arith.constant 0 : index
    %get3A_17 = vector.load %arg2[%get3A_14, %get3A_15, %get3A_16] : memref<2x1000x1xf32, #tpu.memory_space<vmem>>, vector<1x1000x1xf32>
    %get3A_18 = vector.shape_cast %get3A_17 : vector<1x1000x1xf32> to vector<1000x1xf32>
    %add3A_19 = arith.addf %get3A_13, %get3A_18 : vector<1000x1xf32>
    %add3A_20 = arith.constant 1.000000e-16 : f32
    %add3A_21 = vector.broadcast %add3A_20 : f32 to vector<1000x1xf32>
    %add3A_22 = arith.addf %add3A_19, %add3A_21 : vector<1000x1xf32>
    %div3A = vector.broadcast %add3A_22 : vector<1000x1xf32> to vector<1000x128xf32>
    %div3A_23 = arith.divf %add3A, %div3A : vector<1000x128xf32>
    %get3A_24 = arith.constant 0 : index
    %get3A_25 = arith.constant 0 : index
    %get3A_26 = vector.load %arg3[%get3A_24, %get3A_25] : memref<1x128xf32, #tpu.memory_space<vmem>>, vector<1x128xf32>
    %add3A_27 = vector.broadcast %get3A_26 : vector<1x128xf32> to vector<1000x128xf32>
    %add3A_28 = arith.addf %div3A_23, %add3A_27 : vector<1000x128xf32>
    %mul3A = arith.constant 5.000000e-01 : f32
    %mul3A_29 = vector.broadcast %mul3A : f32 to vector<1000x128xf32>
    %mul3A_30 = arith.mulf %add3A_28, %mul3A_29 : vector<1000x128xf32>
    %mul3A_31 = arith.constant 0.707106769 : f32
    %mul3A_32 = vector.broadcast %mul3A_31 : f32 to vector<1000x128xf32>
    %mul3A_33 = arith.mulf %add3A_28, %mul3A_32 : vector<1000x128xf32>
    %erf3A = math.erf %mul3A_33 : vector<1000x128xf32>
    %add3A_34 = arith.constant 1.000000e+00 : f32
    %add3A_35 = vector.broadcast %add3A_34 : f32 to vector<1000x128xf32>
    %add3A_36 = arith.addf %add3A_35, %erf3A : vector<1000x128xf32>
    %mul3A_37 = arith.mulf %mul3A_30, %add3A_36 : vector<1000x128xf32>
    %swap3A = arith.constant 0 : index
    %swap3A_38 = arith.constant 0 : index
    %swap3A_39 = vector.load %arg4[%swap3A, %swap3A_38] : memref<1000x128xf32, #tpu.memory_space<vmem>>, vector<1000x128xf32>
    tpu.vector_store %arg4[%swap3A, %swap3A_38], %mul3A_37 {strides = array<i32>} : memref<1000x128xf32, #tpu.memory_space<vmem>>, vector<1000x128xf32>,
    return
  }
  func.func @transform_0(%arg0: i32) -> (i32, i32, i32) {
    %c0_i32 = arith.constant 0 : i32
    %c0_i32_0 = arith.constant 0 : i32
    %c0_i32_1 = arith.constant 0 : i32
    return %c0_i32, %arg0, %c0_i32_0 : i32, i32, i32
  }
  func.func @transform_1(%arg0: i32) -> (i32, i32, i32) {
    %c0_i32 = arith.constant 0 : i32
    %c0_i32_0 = arith.constant 0 : i32
    %c0_i32_1 = arith.constant 0 : i32
    return %c0_i32, %arg0, %c0_i32_0 : i32, i32, i32
  }
  func.func @transform_2(%arg0: i32) -> (i32, i32) {
    %c0_i32 = arith.constant 0 : i32
    %c0_i32_0 = arith.constant 0 : i32
    %c0_i32_1 = arith.constant 0 : i32
    return %c0_i32, %c0_i32_0 : i32, i32
  }
  func.func @transform_3(%arg0: i32) -> (i32, i32) {
    %c0_i32 = arith.constant 0 : i32
    %c0_i32_0 = arith.constant 0 : i32
    return %arg0, %c0_i32 : i32, i32
  }
}

</mosaic_0001>

<sc_bundles>
// kernel: kernel.5.cloned.1.call-start
scs
__scs_entry_jumppad:
0x0: {  	(pc) =	sbr.rel $0x88, $3  }
0x1: {  	(tag) =	ssettag $0x0;
	lr =	simm.s32 $0x1  }
0x2: {  	[smem:$0x3F9B] =	sst lr;
	_ =	strace $0xD0000000  }
0x3: {  	_ = 	snop  }
0x4: {  	_ = 	snop  }
0x5: {  	_ = 	snop  }
0x6: {  	_ = 	snop  }
0x7: {  	_ = 	snop  }
__scs_overlays_trampoline_lowered:
0x8: {  	[smem:$0x3FAA] =	sst s0  }
0x9: {  	[smem:$0x3FAB] =	sst s1  }
0xa: {  	[smem:$0x3FAC] =	sst s2  }
0xb: {  	[smem:$0x3FAD] =	sst s3  }
0xc: {  	[smem:$0x3FAE] =	sst s4  }
0xd: {  	[smem:$0x3FAF] =	sst s5  }
0xe: {  	[smem:$0x3FB0] =	sst s6  }
0xf: {  	[smem:$0x3FB1] =	sst s7  }
0x10: {  	[smem:$0x3FB2] =	sst s8  }
0x11: {  	[smem:$0x3FB3] =	sst s9;
	s0 =	simm.s32 @!p0 $0x0  }
0x12: {  	s1 =	sld [smem:$0x3F99];
	s0 =	simm.s32 @p0 $0x1  }
0x13: {  	[smem:$0x3FB4] =	sst s0;
	s0 =	simm.s32 @!p1 $0x0  }
0x14: {  	s2 =	sld [smem:$0x3F98];
	s0 =	simm.s32 @p1 $0x1  }
0x15: {  	[smem:$0x3FB5] =	sst s0;
	s0 =	simm.s32 @!p2 $0x0  }
0x16: {  	s3 =	sld [smem:$0x3FDB];
	s0 =	simm.s32 @p2 $0x1  }
0x17: {  	s4 =	simm.s32 $0x1BF5;
	[smem:$0x3FB7] =	sst s0  }
0x18: {  	s0 =	sld [smem:$0x3F9A];
	_ =	swait.ge [sflag:s4], $0x0  }
0x19: {  	s7 =	sld [smem:$0x3F9B]  }
0x1a: {  	s8 =	sadd.s32 $0xFFFFE003, lr  }
0x1b: {  	s9 =	sadd.s32 $0xFFFFFEF7, lr;
	s5 =	simm.s32 $0xFFFFFFFF;
	p2 =	slt.u32 s8, $0xFFFFF086  }
0x1c: {  	p1 =	slt.u32 s9, $0xF7A;
	s5 =	simm.s32 @!p2 $0x0  }
0x1d: {  	s5 =	simm.s32 @p1 $0x1;
	p0 =	seq.s32 s7, s2  }
0x1e: {  	s7 =	smul.u32 @!p0 $0xF7A, s2;
	p2 =	seq.s32 @!p0 s5, $0x0  }
0x1f: {  	s9 =	smul.u32 $0xF7A, s1;
	s8 =	simm.s32 @!p0 $0x1BF5;
	p2 =	por !p2, p0  }
0x20: {  	[sflag:s8] =	ssyncset.s32 @!p0 $0xFFFFF086;
	s6 =	sadd.s32 @!p0 s3, s7;
	s7 =	simm.s32 @!p0 $0x108  }
0x21: {  	s3 =	sadd.s32 s3, s9;
	s6 =	sadd.s32 @!p0 $0x88, s6;
	s7 =	simm.s32 @p2 $0x1082  }
0x22: {  	[simem:s7], [sflag:s8] =	dma.local @!p0 [hbm:s6], $0xF7A  }
0x23: {  	s9 =	sor.u32 $0xD0000000, s2;
	s6 =	simm.s32 $0x108;
	_ =	swait.ge @!p0 [sflag:s8], $0x0  }
0x24: {  	s3 =	sadd.s32 $0x88, s3;
	s6 =	simm.s32 @!p1 $0x1082;
	[sflag:s4] =	ssyncset.s32 $0xFFFFF086  }
0x25: {  	[simem:s6], [sflag:s4] =	dma.local [hbm:s3], $0xF7A  }
0x26: {  	[smem:$0x3F9B] =	sst s1;
	(tag) =	ssettag s2;
	_ =	strace s9  }
0x27: {  	s1 =	sld [smem:$0x3FAB]  }
0x28: {  	s2 =	sld [smem:$0x3FAC]  }
0x29: {  	s4 =	sld [smem:$0x3FAE]  }
0x2a: {  	p0 =	seq.s32 s5, $0x0;
	s5 =	sld [smem:$0x3FAF]  }
0x2b: {  	s6 =	sld [smem:$0x3FB0]  }
0x2c: {  	s7 =	sld [smem:$0x3FB1]  }
0x2d: {  	s3 =	simm.s32 $0x108;
	s8 =	sld [smem:$0x3FB2]  }
0x2e: {  	s3 =	simm.s32 @!p0 $0x1082;
	s9 =	sld [smem:$0x3FB3]  }
0x2f: {  	lr =	sadd.s32 s0, s3;
	s0 =	sld [smem:$0x3FAA]  }
0x30: {  	s3 =	sld [smem:$0x3FAD]  }
0x31: {  	[smem:$0x3FB6] =	sst s10  }
0x32: {  	s10 =	sld [smem:$0x3FB4];
	_ =	sdelay $0x3  }
0x33: {  	p0 =	seq.s32 s10, $0x1;
	s10 =	sld [smem:$0x3FB6];
	_ =	sdelay $0x3  }
0x34: {  	[smem:$0x3FB6] =	sst s10  }
0x35: {  	s10 =	sld [smem:$0x3FB5];
	_ =	sdelay $0x3  }
0x36: {  	p1 =	seq.s32 s10, $0x1;
	s10 =	sld [smem:$0x3FB6];
	_ =	sdelay $0x3  }
0x37: {  	[smem:$0x3FB6] =	sst s10  }
0x38: {  	s10 =	sld [smem:$0x3FB7]  }
0x39: {  	_ = 	snop;
	(pc) =	sbr.ind lr, $3  }
0x3a: {  	_ = 	snop  }
0x3b: {  	_ = 	snop  }
0x3c: {  	p2 =	seq.s32 s10, $0x1;
	s10 =	sld [smem:$0x3FB6]  }
0x3d: {  	_ =	shalt  }
0x3e: {  	_ =	shalt  }
0x3f: {  	_ =	shalt  }
0x40: {  	_ =	shalt  }
0x41: {  	_ =	shalt  }
0x42: {  	_ =	shalt  }
0x43: {  	_ =	shalt  }
0x44: {  	_ =	shalt  }
0x45: {  	_ =	shalt  }
0x46: {  	_ =	shalt  }
0x47: {  	_ =	shalt  }
0x48: {  	_ =	shalt  }
0x49: {  	_ =	shalt  }
0x4a: {  	_ =	shalt  }
0x4b: {  	_ =	shalt  }
0x4c: {  	_ =	shalt  }
0x4d: {  	_ =	shalt  }
0x4e: {  	_ =	shalt  }
0x4f: {  	_ =	shalt  }
0x50: {  	_ =	shalt  }
0x51: {  	_ =	shalt  }
0x52: {  	_ =	shalt  }
0x53: {  	_ =	shalt  }
0x54: {  	_ =	shalt  }
0x55: {  	_ =	shalt  }
0x56: {  	_ =	shalt  }
0x57: {  	_ =	shalt  }
0x58: {  	_ =	shalt  }
0x59: {  	_ =	shalt  }
0x5a: {  	_ =	shalt  }
0x5b: {  	_ =	shalt  }
0x5c: {  	_ =	shalt  }
0x5d: {  	_ =	shalt  }
0x5e: {  	_ =	shalt  }
0x5f: {  	_ =	shalt  }
0x60: {  	_ =	shalt  }
0x61: {  	_ =	shalt  }
0x62: {  	_ =	shalt  }
0x63: {  	_ =	shalt  }
0x64: {  	_ =	shalt  }
0x65: {  	_ =	shalt  }
0x66: {  	_ =	shalt  }
0x67: {  	_ =	shalt  }
0x68: {  	_ =	shalt  }
0x69: {  	_ =	shalt  }
0x6a: {  	_ =	shalt  }
0x6b: {  	_ =	shalt  }
0x6c: {  	_ =	shalt  }
0x6d: {  	_ =	shalt  }
0x6e: {  	_ =	shalt  }
0x6f: {  	_ =	shalt  }
0x70: {  	_ =	shalt  }
0x71: {  	_ =	shalt  }
0x72: {  	_ =	shalt  }
0x73: {  	_ =	shalt  }
0x74: {  	_ =	shalt  }
0x75: {  	_ =	shalt  }
0x76: {  	_ =	shalt  }
0x77: {  	_ =	shalt  }
0x78: {  	_ =	shalt  }
0x79: {  	_ =	shalt  }
0x7a: {  	_ =	shalt  }
0x7b: {  	_ =	shalt  }
0x7c: {  	_ =	shalt  }
0x7d: {  	_ =	shalt  }
0x7e: {  	_ =	shalt  }
0x7f: {  	_ =	shalt  }
0x80: {  	_ =	shalt  }
0x81: {  	_ =	shalt  }
0x82: {  	_ =	shalt  }
0x83: {  	_ =	shalt  }
0x84: {  	_ =	shalt  }
0x85: {  	_ =	shalt  }
0x86: {  	_ =	shalt  }
0x87: {  	_ =	shalt  }
.Lfunc_end0:
.L_simem_size_0:
called_computation_lowered:
.L_overlay_start_0:
0x88: {  	s2 =	sld [smem:$0x3FD9]  }
0x89: {  	s3 =	sld [smem:$0x3FFE];
	_ =	sdelay $0x1  }
0x8a: {  	s1 =	srdreg.scid  }
0x8b: {  	s0 =	sand.u32 $0x1, s1  }
0x8c: {  	s17 =	sshll.u32 s0, $0xA;
	s2 =	sadd.s32 s3, s2  }
0x8d: {  	s2 =	sadd.s32 s2, s17  }
0x8e: {  	[smem:$0x3FC2] =	sst s2  }
0x8f: {  	_ = 	snop  }
0x90: {  	s2 =	sld [smem:$0x3FD0];
	(tm) =	ssettm $0x1  }
0x91: {  	s18 =	sld [smem:$0x3FFB];
	_ =	sdelay $0x3  }
0x92: {  	_ =	strace s18  }
0x93: {  	s3 =	sld [smem:$0x3FFC];
	_ =	sdelay $0x3  }
0x94: {  	_ =	strace s3  }
0x95: {  	s3 =	sld [smem:$0x3FFD];
	_ =	sdelay $0x3  }
0x96: {  	_ =	strace s3  }
0x97: {  	_ =	strace $0x8FFFFFFF  }
0x98: {  	s19 =	sld [smem:$0x3FDB];
	_ =	sdelay $0x1  }
0x99: {  	s4 =	simm.s32 $_scs_section_size  }
0x9a: {  	s5 =	simm.s32 $_size__tile_overlayer_lowered;
	s6 =	simm.s32 $_tile_overlayer_lowered  }
0x9b: {  	s22 =	simm.s32 $0x1BFF;
	s21 =	sshll.u32 s6, $0x1;
	s3 =	sadd.s32 s4, s19  }
0x9c: {  	s7 =	simm.s32 $0x0;
	s20 =	sshll.u32 s5, $0x1;
	s5 =	sadd.s32 s21, s3  }
0x9d: {  	[timem:s7], [sflag:s22] =	dma.local [hbm:s5], s20  }
0x9e: {  	_ =	swait.ge [sflag:s22], s20  }
0x9f: {  	s4 =	ssub.s32 $0x0, s20;
	[sflag:s22] =	ssyncset.done $0x0  }
0xa0: {  	[sflag:s22] =	ssyncadd.s32 s4;
	_ =	sdelay $0x1  }
0xa1: {  	s23 =	simm.s32 $0x1B8B  }
0xa2: {  	_ =	swait.ge [sflag:s23], $0x1  }
0xa3: {  	[sflag:s23] =	ssyncset.done $0x0  }
0xa4: {  	s25 =	simm.s32 $0x1B8E;
	s24 =	sld [smem:$0x3FFE];
	[sflag:s23] =	ssyncadd.s32 $0xFFFFFFFF  }
0xa5: {  	s26 =	simm.s32 $execute0_lowered;
	[smem:$0x3FD2] =	sst s25  }
0xa6: {  	s5 =	sshll.u32 s26, $0x1;
	_ =	strace $0x80000046;
	[dreg:$0x1] =	wrdreg $0xFFFFFFFF  }
0xa7: {  	s28 =	simm.s32 $_size_execute0_lowered;
	s3 =	sadd.s32 s3, s5;
	[dreg:$0x0] =	wrdreg $0x0  }
0xa8: {  	s5 =	sshll.u32 s28, $0x1;
	[dreg:$0x2] =	wrdreg s3  }
0xa9: {  	[dreg:$0x3] =	wrdreg s5  }
0xaa: {  	[dreg:$0x4] =	wrdreg $0xC0  }
0xab: {  	_ =	task [dreg:s7], $0x5FFFF  }
0xac: {  	[dreg:$0x1] =	wrdreg $0xFFFFFFFF  }
0xad: {  	[dreg:$0x0] =	wrdreg $0x60  }
0xae: {  	[dreg:$0x2] =	wrdreg s24  }
0xaf: {  	[dreg:$0x3] =	wrdreg s2  }
0xb0: {  	[dreg:$0x4] =	wrdreg $0xA4000  }
0xb1: {  	[dreg:$0x5] =	wrdreg $0x1E4000  }
0xb2: {  	[dreg:$0x6] =	wrdreg $0x9  }
0xb3: {  	_ =	task.clear_ibuf [dreg:s7], $0x7FFFF;
	_ =	strace $0x90000046  }
0xb4: {  	s29 =	simm.s32 $0x9;
	_ =	strace $0x80000048  }
0xb5: {  	_ =	swait.ge [sflag:s29], $0x1  }
0xb6: {  	[sflag:s29] =	ssyncadd.s32 $0xFFFFFFFF  }
0xb7: {  	_ =	strace $0x90000048  }
0xb8: {  	_ =	sfence  }
0xb9: {  	s30 =	sld [smem:$0x0];
	_ =	sdelay $0x2  }
0xba: {  	s31 =	sshll.u32 s1, $0xD;
	s1 =	sshrl.u32 s1, $0x2  }
0xbb: {  	s3 =	sand.u32 $0x4000, s31;
	s1 =	sadd.s32 s1, s30  }
0xbc: {  	s0 =	sor.u32 s3, s0;
	s1 =	sshll.u32 s1, $0x11  }
0xbd: {  	s0 =	sor.u32 s1, s0  }
0xbe: {  	s0 =	sadd.s32 $0x8F2B, s0  }
0xbf: {  	[sflag:s0] =	ssyncadd.remote.s32 $0x1  }
0xc0: {  	_ =	sfence.sel $0xFFFF  }
0xc1: {  	[dreg:$0x0] =	wrdreg $0xFFFFFFFF;
	(pc) =	sbr.abs _section_cstart, $3  }
0xc2: {  	[dreg:$0x1] =	wrdreg $0xFFFFFFFF  }
0xc3: {  	_ =	task.clear_ibuf [dreg:s7], $0x2FFFF;
	_ =	strace $0x9FFFFFFF  }
0xc4: {  	(tm) =	ssettm $0x7FFFFFFF  }
0xc5: {  	_ =	shalt  }
tec
execute0_lowered:
.L_overlay_start_1:
0x0: {  	(tag) =	ssettag $0x1  }
0x1: {  	s0 =	rddreg [dreg:$0x0]  }
0x2: {  	s21 =	rddreg [dreg:$0x1]  }
0x3: {  	s2 =	srdreg.scid;
	s1 =	stileid.u32  }
0x4: {  	s3 =	rddreg [dreg:$0x2];
	s8 =	smul.u32 $0x14000, s1  }
0x5: {  	s4 =	rddreg [dreg:$0x3];
	s5 =	simm.s32 $0x0;
	s9 =	smul.u32 $0x280, s1  }
0x6: {  	s29 =	simm.s32 $0x2;
	s2 =	sand.u32 $0x1, s2;
	s19 =	smul.u32 $0x50000, s1  }
0x7: {  	[smem:$0x7FF] =	sst s5;
	s11 =	sadd.s32 $0x29800, s0;
	s10 =	smul.u32 $0x2800, s2  }
0x8: {  	s7 =	smul.u32 $0x140000, s2;
	_ =	strace $0x80000047;
	s20 =	ssub.s32 $0x2, s2  }
0x9: {  	[dreg:$0x5] =	wrdreg s11;
	s12 =	sshrl.u32 s20, $0x1;
	s18 =	sadd.s32 s9, s10  }
0xa: {  	s10 =	sshrl.u32 s19, $0x2;
	s11 =	ssub.s32 s20, s12;
	s20 =	sadd.s32 s9, s4  }
0xb: {  	s16 =	sadd.s32 s10, s3;
	s10 =	sadd.s32 $0x80, s20;
	[dreg:$0xe] =	wrdreg s20  }
0xc: {  	s7 =	sadd.s32 s8, s7;
	s12 =	sadd.s32 $0x100, s20;
	[dreg:$0x10] =	wrdreg s10  }
0xd: {  	s8 =	sshrl.u32 s18, $0x3;
	s18 =	smax.u32 s11, $0x1;
	[dreg:$0x11] =	wrdreg s12  }
0xe: {  	s7 =	sshrl.u32 s7, $0x3;
	s19 =	sadd.s32 $0x180, s20;
	[dreg:$0x17] =	wrdreg s18  }
0xf: {  	s6 =	sadd.s32 $0x1800, s0;
	s7 =	sadd.s32 s7, s0;
	[dreg:$0x18] =	wrdreg s19  }
0x10: {  	s8 =	sadd.s32 s8, s0;
	s0 =	sadd.s32 $0x29D00, s0;
	[dreg:$0x6] =	wrdreg s16  }
0x11: {  	s30 =	simm.s32 $0x6;
	s22 =	sadd.s32 $0x2800, s16;
	[dreg:$0x7] =	wrdreg s0  }
0x12: {  	s31 =	simm.s32 $0x7;
	s23 =	sadd.s32 $0x5000, s16;
	[dreg:$0x8] =	wrdreg s22  }
0x13: {  	s2 =	sshll.u32 s2, $0x4;
	s24 =	sadd.s32 $0x7800, s16;
	[dreg:$0x9] =	wrdreg s23  }
0x14: {  	s2 =	sor.u32 s1, s2;
	s25 =	sadd.s32 $0xA000, s16;
	[dreg:$0xa] =	wrdreg s24  }
0x15: {  	s26 =	smul.u32 $0x2710, s2;
	s28 =	sadd.s32 $0xC800, s16;
	[dreg:$0xb] =	wrdreg s25  }
0x16: {  	s11 =	simm.s32 $0x5000;
	s2 =	sadd.s32 $0xF000, s16;
	[dreg:$0xc] =	wrdreg s28  }
0x17: {  	s9 =	sadd.s32 $0x11800, s16;
	s14 =	sadd.s32 $0xF0, s26;
	[dreg:$0xd] =	wrdreg s2  }
0x18: {  	s10 =	simm.s32 $0x5400;
	s12 =	simm.s32 $0x5100;
	[dreg:$0xf] =	wrdreg s9  }
0x19: {  	s18 =	simm.s32 $0x5180;
	[dreg:$0x13] =	wrdreg s14;
	s0 =	sadd.s32 $0x140, s26  }
0x1a: {  	s19 =	simm.s32 $0x1;
	s15 =	sadd.s32 $0x2AC00, s7;
	[dreg:$0x14] =	wrdreg s0  }
0x1b: {  	s2 =	sshrl.u32 s26, $0x3;
	s17 =	sadd.s32 $0x2A200, s8;
	[dreg:$0x15] =	wrdreg s15  }
0x1c: {  	s22 =	sadd.s32 $0x200, s20;
	s9 =	simm.s32 $0x2800;
	[dreg:$0x16] =	wrdreg s17  }
0x1d: {  	s14 =	simm.s32 $0x50;
	s13 =	sadd.s32 s21, s2;
	[dreg:$0x19] =	wrdreg s22  }
0x1e: {  	s22 =	simm.s32 $0x9;
	s23 =	sadd.s32 $0x9C40, s13;
	[dreg:$0x12] =	wrdreg s13  }
0x1f: {  	s15 =	simm.s32 $0x5200;
	s24 =	sadd.s32 $0xA, s13;
	[dreg:$0x1a] =	wrdreg s23  }
0x20: {  	s17 =	simm.s32 $0x5080;
	s25 =	sadd.s32 $0x9C4A, s13;
	[dreg:$0x1b] =	wrdreg s24  }
0x21: {  	s0 =	simm.s32 $0x8;
	s26 =	sadd.s32 $0x14, s13;
	[dreg:$0x1c] =	wrdreg s25  }
0x22: {  	s2 =	simm.s32 $0x0;
	s28 =	sadd.s32 $0x9C54, s13;
	[dreg:$0x1d] =	wrdreg s26  }
0x23: {  	s13 =	simm.s32 $0x3;
	[dreg:$0x1e] =	wrdreg s28;
	s23 =	simm.s32 $0x5  }
0x24: {  	v0 =	vimm.f32 $0.0e+00;
	s24 =	simm.s32 $0x4;
	s25 =	simm.s32 $0x5280;
	s26 =	simm.s32 $0x7C00  }
.LBB2_1:
0x25: {  	[dreg:$0x1f] =	wrdreg s2  }
0x26: {  	s1 =	rddreg [dreg:$0x5]  }
0x27: {  	[tilespmem:s5], [sflag:$0x9] =	stream.linear.gather [hbm4b:s1+s5], $0x2800, $0x38;
	[tilespmem:$0x1E680] =	vst v63  }
0x28: {  	_ =	swait.ge [sflag:s22], $0x2800  }
0x29: {  	[sflag:s22] =	ssyncset.done $0x0  }
0x2a: {  	s28 =	rddreg [dreg:$0x7];
	[sflag:s22] =	ssyncadd.s32 $0xFFFFD800  }
0x2b: {  	[tilespmem:s9], [sflag:$0x9] =	stream.linear.gather [hbm4b:s28+s5], $0x2800, $0x38;
	[tilespmem:$0x1E680] =	vst v63  }
0x2c: {  	_ =	swait.ge [sflag:s22], $0x2800  }
0x2d: {  	[sflag:s22] =	ssyncset.done $0x0  }
0x2e: {  	s2 =	simm.s32 $0x0;
	s8 =	simm.s32 $0x200;
	[sflag:s22] =	ssyncadd.s32 $0xFFFFD800  }
.LBB2_2:
0x2f: {  	p0 =	sne.s32 s8, $0x9E00;
	[tilespmem:s2+$0x5470] =	vst v0  }
0x30: {  	[tilespmem:s2+$0x5400] =	vst v0  }
0x31: {  	[tilespmem:s2+$0x5410] =	vst v0  }
.Ltmp0:
0x32: {  	[tilespmem:s2+$0x5420] =	vst v0;
	(pc) =	sbr.rel @p0 .LBB2_2-.Ltmp0, $4  }
0x33: {  	[tilespmem:s2+$0x5430] =	vst v0  }
0x34: {  	[tilespmem:s2+$0x5440] =	vst v0  }
0x35: {  	[tilespmem:s2+$0x5450] =	vst v0  }
0x36: {  	[tilespmem:s2+$0x5460] =	vst v0;
	s2 =	sshra.s32 s8, $0x2;
	s8 =	sadd.s32 $0x200, s8  }
0x37: {  	[tilespmem:s2+$0x5470] =	vst v0  }
0x38: {  	[tilespmem:s2+$0x5400] =	vst v0  }
0x39: {  	[tilespmem:s2+$0x5410] =	vst v0  }
0x3a: {  	[tilespmem:s2+$0x5420] =	vst v0  }
0x3b: {  	[tilespmem:s2+$0x5430] =	vst v0  }
0x3c: {  	[tilespmem:s2+$0x5440] =	vst v0  }
0x3d: {  	[tilespmem:s2+$0x5450] =	vst v0  }
0x3e: {  	[tilespmem:s2+$0x5460] =	vst v0  }
0x3f: {  	[spmem:s16] =	stream.linear.scatter [tilespmem:s10], [sflag:$0x9], $0x2800, $0x38;
	[tilespmem:$0x1E680] =	vst v63  }
0x40: {  	_ =	swait.ge [sflag:s22], $0x2800  }
0x41: {  	[sflag:s22] =	ssyncset.done $0x0  }
0x42: {  	s1 =	rddreg [dreg:$0x8];
	[sflag:s22] =	ssyncadd.s32 $0xFFFFD800  }
0x43: {  	[spmem:s1] =	stream.linear.scatter [tilespmem:s10], [sflag:$0x9], $0x2800, $0x38;
	[tilespmem:$0x1E680] =	vst v63  }
0x44: {  	_ =	swait.ge [sflag:s22], $0x2800  }
0x45: {  	[sflag:s22] =	ssyncset.done $0x0  }
0x46: {  	s2 =	rddreg [dreg:$0x9];
	[sflag:s22] =	ssyncadd.s32 $0xFFFFD800  }
0x47: {  	[spmem:s2] =	stream.linear.scatter [tilespmem:s10], [sflag:$0x9], $0x2800, $0x38;
	[tilespmem:$0x1E680] =	vst v63  }
0x48: {  	_ =	swait.ge [sflag:s22], $0x2800  }
0x49: {  	[sflag:s22] =	ssyncset.done $0x0  }
0x4a: {  	s7 =	rddreg [dreg:$0xa];
	[sflag:s22] =	ssyncadd.s32 $0xFFFFD800  }
0x4b: {  	[spmem:s7] =	stream.linear.scatter [tilespmem:s10], [sflag:$0x9], $0x2800, $0x38;
	[tilespmem:$0x1E680] =	vst v63  }
0x4c: {  	_ =	swait.ge [sflag:s22], $0x2800  }
0x4d: {  	[sflag:s22] =	ssyncset.done $0x0  }
0x4e: {  	s8 =	rddreg [dreg:$0xb];
	[sflag:s22] =	ssyncadd.s32 $0xFFFFD800  }
0x4f: {  	[spmem:s8] =	stream.linear.scatter [tilespmem:s10], [sflag:$0x9], $0x2800, $0x38;
	[tilespmem:$0x1E680] =	vst v63  }
0x50: {  	_ =	swait.ge [sflag:s22], $0x2800  }
0x51: {  	[sflag:s22] =	ssyncset.done $0x0  }
0x52: {  	s16 =	rddreg [dreg:$0xc];
	[sflag:s22] =	ssyncadd.s32 $0xFFFFD800  }
0x53: {  	[spmem:s16] =	stream.linear.scatter [tilespmem:s10], [sflag:$0x9], $0x2800, $0x38;
	[tilespmem:$0x1E680] =	vst v63  }
0x54: {  	_ =	swait.ge [sflag:s22], $0x2800  }
0x55: {  	[sflag:s22] =	ssyncset.done $0x0  }
0x56: {  	s28 =	rddreg [dreg:$0xd];
	[sflag:s22] =	ssyncadd.s32 $0xFFFFD800  }
0x57: {  	[spmem:s28] =	stream.linear.scatter [tilespmem:s10], [sflag:$0x9], $0x2800, $0x38;
	[tilespmem:$0x1E680] =	vst v63  }
0x58: {  	_ =	swait.ge [sflag:s22], $0x2800  }
0x59: {  	[sflag:s22] =	ssyncset.done $0x0  }
0x5a: {  	s2 =	rddreg [dreg:$0xf];
	[sflag:s22] =	ssyncadd.s32 $0xFFFFD800  }
0x5b: {  	[spmem:s2] =	stream.linear.scatter [tilespmem:s10], [sflag:$0x9], $0x2800, $0x38;
	[tilespmem:$0x1E680] =	vst v63  }
0x5c: {  	_ =	swait.ge [sflag:s22], $0x2800  }
0x5d: {  	[sflag:s22] =	ssyncset.done $0x0  }
0x5e: {  	[sflag:s22] =	ssyncadd.s32 $0xFFFFD800  }
0x5f: {  	[spmem:s20] =	stream.linear.scatter [tilespmem:s10], [sflag:$0x9], $0x80, $0x38;
	[tilespmem:$0x1E680] =	vst v63  }
0x60: {  	_ =	swait.ge [sflag:s22], $0x80  }
0x61: {  	[sflag:s22] =	ssyncset.done $0x0  }
0x62: {  	s7 =	rddreg [dreg:$0x10];
	[sflag:s22] =	ssyncadd.s32 $0xFFFFFF80  }
0x63: {  	[spmem:s7] =	stream.linear.scatter [tilespmem:s10], [sflag:$0x9], $0x80, $0x38;
	[tilespmem:$0x1E680] =	vst v63  }
0x64: {  	_ =	swait.ge [sflag:s22], $0x80  }
0x65: {  	[sflag:s22] =	ssyncset.done $0x0  }
0x66: {  	s8 =	rddreg [dreg:$0x11];
	[sflag:s22] =	ssyncadd.s32 $0xFFFFFF80  }
0x67: {  	[spmem:s8] =	stream.linear.scatter [tilespmem:s10], [sflag:$0x9], $0x80, $0x38;
	[tilespmem:$0x1E680] =	vst v63  }
0x68: {  	_ =	swait.ge [sflag:s22], $0x80  }
0x69: {  	[sflag:s22] =	ssyncset.done $0x0  }
0x6a: {  	s16 =	rddreg [dreg:$0x18];
	[sflag:s22] =	ssyncadd.s32 $0xFFFFFF80  }
0x6b: {  	[spmem:s16] =	stream.linear.scatter [tilespmem:s10], [sflag:$0x9], $0x80, $0x38;
	[tilespmem:$0x1E680] =	vst v63  }
0x6c: {  	_ =	swait.ge [sflag:s22], $0x80  }
0x6d: {  	[sflag:s22] =	ssyncset.done $0x0  }
0x6e: {  	s20 =	rddreg [dreg:$0x19];
	[sflag:s22] =	ssyncadd.s32 $0xFFFFFF80  }
0x6f: {  	[spmem:s20] =	stream.linear.scatter [tilespmem:s10], [sflag:$0x9], $0x80, $0x38;
	[tilespmem:$0x1E680] =	vst v63  }
0x70: {  	_ =	swait.ge [sflag:s22], $0x80  }
0x71: {  	[sflag:s22] =	ssyncset.done $0x0  }
0x72: {  	[sflag:s22] =	ssyncadd.s32 $0xFFFFFF80  }
0x73: {  	[bflag:$0x0] =	sbarrier.arrive $0xFFFF  }
0x74: {  	s28 =	simm.s32 $0x0;
	s7 =	rddreg [dreg:$0x12]  }
0x75: {  	[tilespmem:s11], [sflag:$0x3] =	stream.linear.gather [hbm4b:s7+s28], $0x50, $0x38;
	[tilespmem:$0x1E680] =	vst v63  }
0x76: {  	s8 =	rddreg [dreg:$0x1a]  }
0x77: {  	[tilespmem:s12], [sflag:$0x3] =	stream.linear.gather [hbm4b:s8+s28], $0x50, $0x38;
	[tilespmem:$0x1E680] =	vst v63  }
0x78: {  	_ =	swait.ge [sflag:s13], $0x50  }
0x79: {  	[sflag:s13] =	ssyncset.done $0x0  }
0x7a: {  	[sflag:s13] =	ssyncadd.s32 $0xFFFFFFB0  }
0x7b: {  	_ =	swait.ge [sflag:s13], $0x50  }
0x7c: {  	[sflag:s13] =	ssyncset.done $0x0  }
0x7d: {  	[sflag:s13] =	ssyncadd.s32 $0xFFFFFFB0  }
0x7e: {  	v1 =	vld [tilespmem:$0x5000]  }
0x7f: {  	v2 =	vld [tilespmem:$0x5100]  }
0x80: {  	v3 =	vld [tilespmem:$0x5010]  }
0x81: {  	v4 =	vld [tilespmem:$0x5110]  }
0x82: {  	v5 =	vld [tilespmem:$0x5020]  }
0x83: {  	v6 =	vld [tilespmem:$0x5120]  }
0x84: {  	v7 =	vld [tilespmem:$0x5030]  }
0x85: {  	v8 =	vld [tilespmem:$0x5130]  }
0x86: {  	v9 =	vld [tilespmem:$0x5040]  }
0x87: {  	v10 =	vld [tilespmem:$0x5140];
	[tilespmem:$0x5300] =	vst v2  }
0x88: {  	v1 =	vld.idx.msk [tilespmem:v1+s28+$0x0], $0xffff  }
0x89: {  	[tilespmem:$0x5310] =	vst v4;
	v2 =	vld.idx.msk [tilespmem:v2+s9+$0x0], $0xffff  }
0x8a: {  	v3 =	vld.idx.msk [tilespmem:v3+s28+$0x0], $0xffff  }
0x8b: {  	[tilespmem:$0x5320] =	vst v6;
	v4 =	vld.idx.msk [tilespmem:v4+s9+$0x0], $0xffff  }
0x8c: {  	v5 =	vld.idx.msk [tilespmem:v5+s28+$0x0], $0xffff  }
0x8d: {  	[tilespmem:$0x5340] =	vst v10;
	v6 =	vld.idx.msk [tilespmem:v6+s9+$0x0], $0xffff  }
0x8e: {  	[tilespmem:$0x5330] =	vst v8;
	v9 =	vld.idx.msk [tilespmem:v9+s28+$0x0], $0xffff;
	v1 =	vadd.f32 v2, v1  }
0x8f: {  	v2 =	vld.idx.msk [tilespmem:v7+s28+$0x0], $0xffff  }
0x90: {  	v7 =	vld.idx.msk [tilespmem:v8+s9+$0x0], $0xffff;
	v8 =	vmul.f32 $2.000000030e-01, v1  }
0x91: {  	v10 =	vld.idx.msk [tilespmem:v10+s9+$0x0], $0xffff;
	vm0 =	vge.f32 v1, $0.0e+00  }
0x92: {  	v3 =	vadd.f32 v4, v3;
	v1 =	vsel vm0, v1, v8  }
0x93: {  	v1 =	vmul.f32 $1.442695020e+00, v1  }
0x94: {  	v5 =	vadd.f32 v6, v5;
	v4 =	vmul.f32 $2.000000030e-01, v3  }
0x95: {  	vm7 =	vge.f32 v3, $0.0e+00;
	(erf) = vpow2.f32 v1;
	v1 =	vadd.f32 v7, v2  }
0x96: {  	v2 =	vsel vm7, v3, v4;
	v3 =	vmul.f32 $2.000000030e-01, v5;
	v4 =	vadd.f32 v10, v9  }
0x97: {  	vm8 =	vge.f32 v5, $0.0e+00;
	v2 =	vmul.f32 $1.442695020e+00, v2;
	v6 =	vmul.f32 $2.000000030e-01, v1  }
0x98: {  	v3 =	vsel vm8, v5, v3;
	vm9 =	vge.f32 v1, $0.0e+00;
	v5 =	vmul.f32 $2.000000030e-01, v4  }
0x99: {  	vm10 =	vge.f32 v4, $0.0e+00;
	v3 =	vmul.f32 $1.442695020e+00, v3;
	v1 =	vsel vm9, v1, v6  }
0x9a: {  	(erf) = vpow2.f32 v2;
	v2 =	vsel vm10, v4, v5;
	v1 =	vmul.f32 $1.442695020e+00, v1  }
0x9b: {  	(erf) = vpow2.f32 v3;
	v2 =	vmul.f32 $1.442695020e+00, v2  }
0x9c: {  	(erf) = vpow2.f32 v1  }
0x9d: {  	(erf) = vpow2.f32 v2;
	_ =	sdelay $0x4  }
0x9e: {  	v1 =	vpop (erf)  }
0x9f: {  	[tilespmem:$0x5200] =	vst v1;
	v1 =	vpop (erf)  }
0xa0: {  	[tilespmem:$0x5210] =	vst v1;
	v1 =	vpop (erf)  }
0xa1: {  	[tilespmem:$0x5220] =	vst v1;
	v1 =	vpop (erf)  }
0xa2: {  	[tilespmem:$0x5230] =	vst v1;
	v1 =	vpop (erf)  }
0xa3: {  	[tilespmem:$0x5240] =	vst v1  }
0xa4: {  	[spmem:s4] =	stream.indirect.scatter.add.f32 [tilespmem:s15], [sflag:$0x5], $0x1, s12, s14, $0xb8;
	[tilespmem:$0x1E680] =	vst v63  }
0xa5: {  	_ = 	snop  }
0xa6: {  	[tilespmem:s10], [sflag:$0x1] =	stream.indirect.gather [hbm4b:s6+s14], $0x80, s11, s14, $0xb8;
	[tilespmem:$0x1E680] =	vst v63  }
0xa7: {  	s16 =	rddreg [dreg:$0x1b]  }
0xa8: {  	[tilespmem:s17], [sflag:$0x4] =	stream.linear.gather [hbm4b:s16+s28], $0x50, $0x38;
	[tilespmem:$0x1E680] =	vst v63  }
0xa9: {  	s20 =	rddreg [dreg:$0x1c]  }
0xaa: {  	[tilespmem:s18], [sflag:$0x4] =	stream.linear.gather [hbm4b:s20+s28], $0x50, $0x38;
	[tilespmem:$0x1E680] =	vst v63  }
0xab: {  	_ =	swait.ge [sflag:s19], $0x2800  }
0xac: {  	[sflag:s19] =	ssyncset.done $0x0  }
0xad: {  	[sflag:s19] =	ssyncadd.s32 $0xFFFFD800  }
0xae: {  	_ =	swait.ge [sflag:s23], $0x50  }
0xaf: {  	[sflag:s23] =	ssyncset.done $0x0  }
0xb0: {  	[sflag:s23] =	ssyncadd.s32 $0xFFFFFFB0  }
0xb1: {  	_ =	swait.ge [sflag:s24], $0x50  }
0xb2: {  	[sflag:s24] =	ssyncset.done $0x0  }
0xb3: {  	[sflag:s24] =	ssyncadd.s32 $0xFFFFFFB0  }
0xb4: {  	_ =	swait.ge [sflag:s24], $0x50  }
0xb5: {  	[sflag:s24] =	ssyncset.done $0x0  }
0xb6: {  	[sflag:s24] =	ssyncadd.s32 $0xFFFFFFB0  }
0xb7: {  	v1 =	vld [tilespmem:$0x5080]  }
0xb8: {  	v2 =	vld [tilespmem:$0x5180]  }
0xb9: {  	v3 =	vld [tilespmem:$0x5090]  }
0xba: {  	v4 =	vld [tilespmem:$0x5190]  }
0xbb: {  	v5 =	vld [tilespmem:$0x50A0]  }
0xbc: {  	v6 =	vld [tilespmem:$0x51A0]  }
0xbd: {  	v7 =	vld [tilespmem:$0x50B0]  }
0xbe: {  	v8 =	vld [tilespmem:$0x51B0]  }
0xbf: {  	v9 =	vld [tilespmem:$0x50C0]  }
0xc0: {  	v10 =	vld [tilespmem:$0x51C0];
	[tilespmem:$0x5380] =	vst v2  }
0xc1: {  	v1 =	vld.idx.msk [tilespmem:v1+s28+$0x0], $0xffff  }
0xc2: {  	[tilespmem:$0x5390] =	vst v4;
	v2 =	vld.idx.msk [tilespmem:v2+s9+$0x0], $0xffff  }
0xc3: {  	v3 =	vld.idx.msk [tilespmem:v3+s28+$0x0], $0xffff  }
0xc4: {  	[tilespmem:$0x53A0] =	vst v6;
	v4 =	vld.idx.msk [tilespmem:v4+s9+$0x0], $0xffff  }
0xc5: {  	v5 =	vld.idx.msk [tilespmem:v5+s28+$0x0], $0xffff  }
0xc6: {  	[tilespmem:$0x53C0] =	vst v10;
	v6 =	vld.idx.msk [tilespmem:v6+s9+$0x0], $0xffff  }
0xc7: {  	[tilespmem:$0x53B0] =	vst v8;
	v9 =	vld.idx.msk [tilespmem:v9+s28+$0x0], $0xffff;
	v1 =	vadd.f32 v2, v1  }
0xc8: {  	v2 =	vld.idx.msk [tilespmem:v7+s28+$0x0], $0xffff  }
0xc9: {  	v7 =	vld.idx.msk [tilespmem:v8+s9+$0x0], $0xffff;
	v8 =	vmul.f32 $2.000000030e-01, v1  }
0xca: {  	v10 =	vld.idx.msk [tilespmem:v10+s9+$0x0], $0xffff;
	vm11 =	vge.f32 v1, $0.0e+00  }
0xcb: {  	v3 =	vadd.f32 v4, v3;
	v1 =	vsel vm11, v1, v8  }
0xcc: {  	v1 =	vmul.f32 $1.442695020e+00, v1  }
0xcd: {  	v5 =	vadd.f32 v6, v5;
	v4 =	vmul.f32 $2.000000030e-01, v3  }
0xce: {  	vm12 =	vge.f32 v3, $0.0e+00;
	(erf) = vpow2.f32 v1;
	v1 =	vadd.f32 v7, v2  }
0xcf: {  	v2 =	vsel vm12, v3, v4;
	v3 =	vmul.f32 $2.000000030e-01, v5;
	v4 =	vadd.f32 v10, v9  }
0xd0: {  	vm13 =	vge.f32 v5, $0.0e+00;
	v2 =	vmul.f32 $1.442695020e+00, v2;
	v6 =	vmul.f32 $2.000000030e-01, v1  }
0xd1: {  	v3 =	vsel vm13, v5, v3;
	vm14 =	vge.f32 v1, $0.0e+00;
	v5 =	vmul.f32 $2.000000030e-01, v4  }
0xd2: {  	vm15 =	vge.f32 v4, $0.0e+00;
	v3 =	vmul.f32 $1.442695020e+00, v3;
	v1 =	vsel vm14, v1, v6  }
0xd3: {  	(erf) = vpow2.f32 v2;
	v2 =	vsel vm15, v4, v5;
	v1 =	vmul.f32 $1.442695020e+00, v1  }
0xd4: {  	(erf) = vpow2.f32 v3;
	v2 =	vmul.f32 $1.442695020e+00, v2  }
0xd5: {  	(erf) = vpow2.f32 v1  }
0xd6: {  	(erf) = vpow2.f32 v2;
	_ =	sdelay $0x4  }
0xd7: {  	v1 =	vpop (erf)  }
0xd8: {  	s22 =	simm.s32 $0x6;
	[tilespmem:$0x5280] =	vst v1;
	v1 =	vmov s28;
	v2 =	vpop (erf)  }
0xd9: {  	v1 =	vand.u32 $0xFFFFFFF8, v1;
	[tilespmem:$0x5290] =	vst v2;
	v2 =	vmov s22;
	v3 =	vpop (erf)  }
0xda: {  	v1 =	vbroadcast v1, $0x0;
	v2 =	vand.u32 $0xFFFFFFFE, v2;
	[tilespmem:$0x52A0] =	vst v3;
	v4 =	vpop (erf)  }
0xdb: {  	v2 =	vbroadcast v2, $0x0;
	[tilespmem:$0x52B0] =	vst v4;
	v3 =	vpop (erf)  }
0xdc: {  	[tilespmem:$0x52C0] =	vst v3  }
0xdd: {  	[spmem:s4] =	stream.indirect.scatter.add.f32 [tilespmem:s25], [sflag:$0x6], $0x1, s18, s14, $0xb8;
	[tilespmem:$0x1E680] =	vst v63  }
0xde: {  	_ = 	snop  }
0xdf: {  	[tilespmem:s26], [sflag:$0x2] =	stream.indirect.gather [hbm4b:s6+s14], $0x80, s17, s14, $0xb8;
	[tilespmem:$0x1E680] =	vst v63  }
0xe0: {  	v1 =	vld.idx.msk [tilespmem:v1+s15+$0x0], $0xffff  }
0xe1: {  	s8 =	simm.s32 $0x5600;
	v2 =	vld.idx.msk [tilespmem:v2+s15+$0x0], $0xffff  }
0xe2: {  	v4 =	vld [tilespmem:s8+$0x170]  }
0xe3: {  	v5 =	vld [tilespmem:s8+$0xFFFFFE00]  }
0xe4: {  	v6 =	vld [tilespmem:s8+$0xFFFFFE10]  }
0xe5: {  	v7 =	vld [tilespmem:s8+$0xFFFFFE20]  }
0xe6: {  	s28 =	simm.s32 $0x1;
	v8 =	vld [tilespmem:s8+$0xFFFFFE30]  }
0xe7: {  	v3 =	vmov s28;
	v9 =	vld [tilespmem:s8+$0xFFFFFE40]  }
0xe8: {  	v3 =	vand.u32 $0xFFFFFFF9, v3;
	v10 =	vld [tilespmem:s8+$0xFFFFFE50]  }
0xe9: {  	v3 =	vbroadcast v3, $0x0;
	v11 =	vld [tilespmem:s8+$0xFFFFFE60]  }
0xea: {  	v12 =	vld [tilespmem:s8+$0xFFFFFE70]  }
0xeb: {  	v13 =	vld [tilespmem:s8+$0xFFFFFE80]  }
0xec: {  	v14 =	vld [tilespmem:s8+$0xFFFFFE90];
	v5 =	vmul.f32 v5, v1  }
0xed: {  	v15 =	vld [tilespmem:s8+$0xFFFFFEA0];
	v4 =	vmul.f32 v4, v2  }
0xee: {  	v16 =	vld [tilespmem:s8+$0xFFFFFEB0];
	v6 =	vmul.f32 v6, v1;
	[tilespmem:s8+$0xFFFFFE00] =	vst v5  }
0xef: {  	s1 =	simm.s32 $0x2;
	v3 =	vld.idx.msk [tilespmem:v3+s15+$0x0], $0xffff;
	v8 =	vmul.f32 v8, v1;
	[tilespmem:s8+$0x170] =	vst v4  }
0xf0: {  	v9 =	vmul.f32 v9, v1;
	v5 =	vmov s1;
	v4 =	vmul.f32 v7, v1;
	v7 =	vld [tilespmem:s8+$0xFFFFFEC0];
	[tilespmem:s8+$0xFFFFFE10] =	vst v6  }
0xf1: {  	[tilespmem:s8+$0xFFFFFE30] =	vst v8;
	v8 =	vmul.f32 v10, v1;
	v10 =	vld [tilespmem:s8+$0xFFFFFEF0];
	v5 =	vand.u32 $0xFFFFFFFA, v5  }
0xf2: {  	[tilespmem:s8+$0xFFFFFE40] =	vst v9;
	v9 =	vmul.f32 v11, v1;
	v11 =	vld [tilespmem:s8+$0xFFFFFF00];
	v5 =	vbroadcast v5, $0x0  }
0xf3: {  	v1 =	vmul.f32 v12, v1;
	v12 =	vld [tilespmem:s8+$0xFFFFFF20];
	[tilespmem:s8+$0xFFFFFE20] =	vst v4  }
0xf4: {  	v6 =	vmul.f32 v13, v3;
	v13 =	vld [tilespmem:s8+$0xFFFFFED0];
	[tilespmem:s8+$0xFFFFFE50] =	vst v8  }
0xf5: {  	s7 =	simm.s32 $0x3;
	v4 =	vld [tilespmem:s8+$0xFFFFFEE0];
	[tilespmem:s8+$0xFFFFFE60] =	vst v9  }
0xf6: {  	v8 =	vld [tilespmem:s8+$0xFFFFFF10];
	v9 =	vmul.f32 v14, v3;
	[tilespmem:s8+$0xFFFFFE80] =	vst v6;
	v6 =	vmov s7  }
0xf7: {  	[tilespmem:s8+$0xFFFFFE70] =	vst v1;
	v1 =	vmul.f32 v15, v3;
	v14 =	vld [tilespmem:s8+$0xFFFFFF30];
	v6 =	vand.u32 $0xFFFFFFFB, v6  }
0xf8: {  	[tilespmem:s8+$0xFFFFFE90] =	vst v9;
	v9 =	vmul.f32 v16, v3;
	v6 =	vbroadcast v6, $0x0;
	v5 =	vld.idx.msk [tilespmem:v5+s15+$0x0], $0xffff  }
0xf9: {  	v15 =	vld [tilespmem:s8+$0xFFFFFF40];
	[tilespmem:s8+$0xFFFFFEA0] =	vst v1;
	v7 =	vmul.f32 v7, v3  }
0xfa: {  	[tilespmem:s8+$0xFFFFFEB0] =	vst v9;
	v9 =	vld [tilespmem:s8+$0xFFFFFF60];
	v13 =	vmul.f32 v13, v3  }
0xfb: {  	[tilespmem:s8+$0xFFFFFEC0] =	vst v7;
	v4 =	vmul.f32 v4, v3;
	v7 =	vld [tilespmem:s8+$0xFFFFFF70]  }
0xfc: {  	v3 =	vmul.f32 v10, v3;
	v10 =	vld [tilespmem:s8+$0xFFFFFF80];
	[tilespmem:s8+$0xFFFFFED0] =	vst v13  }
0xfd: {  	[tilespmem:s8+$0xFFFFFEE0] =	vst v4;
	v13 =	vld [tilespmem:s8+$0xFFFFFFB0];
	v1 =	vmul.f32 v11, v5  }
0xfe: {  	[tilespmem:s8+$0xFFFFFEF0] =	vst v3;
	v6 =	vld.idx.msk [tilespmem:v6+s15+$0x0], $0xffff;
	v4 =	vmul.f32 v8, v5  }
0xff: {  	s16 =	simm.s32 $0x4;
	v11 =	vld [tilespmem:s8+$0xFFFFFF50];
	v3 =	vmul.f32 v12, v5;
	[tilespmem:s8+$0xFFFFFF00] =	vst v1  }
0x100: {  	v8 =	vld [tilespmem:s8+$0xFFFFFF90];
	v9 =	vmul.f32 v9, v5;
	v1 =	vmov s16;
	[tilespmem:s8+$0xFFFFFF10] =	vst v4  }
0x101: {  	v12 =	vld [tilespmem:s8+$0xFFFFFFA0];
	v4 =	vmul.f32 v14, v5;
	[tilespmem:s8+$0xFFFFFF20] =	vst v3;
	v1 =	vand.u32 $0xFFFFFFFC, v1  }
0x102: {  	v3 =	vmul.f32 v15, v5;
	v14 =	vld [tilespmem:s8+$0xFFFFFFC0];
	[tilespmem:s8+$0xFFFFFF60] =	vst v9;
	v1 =	vbroadcast v1, $0x0  }
0x103: {  	v9 =	vld [tilespmem:s8+$0x0];
	[tilespmem:s8+$0xFFFFFF30] =	vst v4;
	v4 =	vmul.f32 v10, v6  }
0x104: {  	s20 =	simm.s32 $0x5;
	v10 =	vld [tilespmem:s8+$0xFFFFFFD0];
	[tilespmem:s8+$0xFFFFFF40] =	vst v3;
	v11 =	vmul.f32 v11, v5  }
0x105: {  	v3 =	vld [tilespmem:s8+$0xFFFFFFE0];
	v5 =	vmul.f32 v7, v5;
	[tilespmem:s8+$0xFFFFFF80] =	vst v4;
	v4 =	vmov s20  }
0x106: {  	v7 =	vld [tilespmem:s8+$0xFFFFFFF0];
	v8 =	vmul.f32 v8, v6;
	[tilespmem:s8+$0xFFFFFF50] =	vst v11;
	v4 =	vand.u32 $0xFFFFFFFD, v4  }
0x107: {  	[tilespmem:s8+$0xFFFFFF70] =	vst v5;
	v5 =	vmul.f32 v12, v6;
	v11 =	vld [tilespmem:s8+$0x10];
	v4 =	vbroadcast v4, $0x0  }
0x108: {  	[tilespmem:s8+$0xFFFFFF90] =	vst v8;
	v8 =	vmul.f32 v13, v6;
	v1 =	vld.idx.msk [tilespmem:v1+s15+$0x0], $0xffff  }
0x109: {  	v12 =	vld [tilespmem:s8+$0x20];
	[tilespmem:s8+$0xFFFFFFA0] =	vst v5;
	v5 =	vmul.f32 v14, v6  }
0x10a: {  	v13 =	vld [tilespmem:s8+$0x30];
	[tilespmem:s8+$0xFFFFFFB0] =	vst v8;
	v8 =	vmul.f32 v10, v6  }
0x10b: {  	v10 =	vld [tilespmem:s8+$0x40];
	v3 =	vmul.f32 v3, v6;
	[tilespmem:s8+$0xFFFFFFC0] =	vst v5  }
0x10c: {  	v6 =	vmul.f32 v7, v6;
	[tilespmem:s8+$0xFFFFFFD0] =	vst v8;
	v8 =	vld [tilespmem:s8+$0x60]  }
0x10d: {  	[tilespmem:s8+$0xFFFFFFE0] =	vst v3;
	v4 =	vld.idx.msk [tilespmem:v4+s15+$0x0], $0xffff;
	v5 =	vmul.f32 v9, v1  }
0x10e: {  	[tilespmem:s8+$0xFFFFFFF0] =	vst v6;
	v9 =	vld [tilespmem:s8+$0x50];
	v6 =	vmul.f32 v12, v1  }
0x10f: {  	v3 =	vmul.f32 v11, v1;
	v11 =	vld [tilespmem:s8+$0x90];
	[tilespmem:s8+$0x0] =	vst v5  }
0x110: {  	v7 =	vld [tilespmem:s8+$0x80];
	[tilespmem:s8+$0x20] =	vst v6;
	v6 =	vmul.f32 v10, v1  }
0x111: {  	v5 =	vld [tilespmem:s8+$0x70];
	[tilespmem:s8+$0x10] =	vst v3;
	v3 =	vmul.f32 v13, v1  }
0x112: {  	v10 =	vld [tilespmem:s8+$0xA0];
	[tilespmem:s8+$0x40] =	vst v6;
	v6 =	vmul.f32 v8, v1  }
0x113: {  	[tilespmem:s8+$0x30] =	vst v3;
	v8 =	vld [tilespmem:s8+$0xC0];
	v3 =	vmul.f32 v9, v1  }
0x114: {  	v9 =	vld [tilespmem:s8+$0xB0];
	v11 =	vmul.f32 v11, v4;
	[tilespmem:s8+$0x60] =	vst v6  }
0x115: {  	v6 =	vld [tilespmem:s8+$0xE0];
	[tilespmem:s8+$0x50] =	vst v3;
	v3 =	vmul.f32 v7, v4  }
0x116: {  	v7 =	vld [tilespmem:s8+$0xD0];
	v5 =	vmul.f32 v5, v1;
	[tilespmem:s8+$0x90] =	vst v11  }
0x117: {  	v11 =	vld [tilespmem:s8+$0x150];
	[tilespmem:s8+$0x80] =	vst v3  }
0x118: {  	[tilespmem:s8+$0x70] =	vst v5;
	v3 =	vmul.f32 v10, v4;
	v5 =	vld [tilespmem:s8+$0xF0]  }
0x119: {  	v10 =	vld [tilespmem:s8+$0x100];
	v9 =	vmul.f32 v9, v4  }
0x11a: {  	s22 =	simm.s32 $0x7;
	[tilespmem:s8+$0xA0] =	vst v3;
	v3 =	vmul.f32 v8, v4;
	v8 =	vld [tilespmem:s8+$0x110]  }
0x11b: {  	v14 =	vld [tilespmem:s8+$0x180];
	v12 =	vmov s22;
	[tilespmem:s8+$0xB0] =	vst v9;
	v7 =	vmul.f32 v7, v4  }
0x11c: {  	v9 =	vld [tilespmem:s8+$0x120];
	v11 =	vmul.f32 v11, v2;
	[tilespmem:s8+$0xC0] =	vst v3  }
0x11d: {  	s22 =	simm.s32 $0xC;
	v3 =	vmul.f32 v6, v4;
	v6 =	vld [tilespmem:s8+$0x130];
	[tilespmem:s8+$0xD0] =	vst v7;
	v4 =	vmul.f32 v5, v4  }
0x11e: {  	s28 =	simm.s32 $0x8;
	v15 =	vmov s22;
	v5 =	vld [tilespmem:s8+$0x140];
	[tilespmem:s8+$0x150] =	vst v11  }
0x11f: {  	s7 =	simm.s32 $0x9;
	s16 =	simm.s32 $0xA;
	v7 =	vmov s28;
	v10 =	vmul.f32 v10, v2;
	[tilespmem:s8+$0xF0] =	vst v4;
	v4 =	vmul.f32 v8, v2;
	v8 =	vld [tilespmem:s8+$0x160]  }
0x120: {  	s1 =	simm.s32 $0xF;
	v13 =	vmov s16;
	v1 =	vld.idx.msk [tilespmem:v12+s15+$0x0], $0xffff;
	v12 =	vmov s7;
	s28 =	simm.s32 $0xD;
	[tilespmem:s8+$0xE0] =	vst v3;
	v7 =	vand.u32 $0xFFFFFFF8, v7  }
0x121: {  	v17 =	vld [tilespmem:s8+$0x190];
	s20 =	simm.s32 $0xB;
	v3 =	vmov s1;
	v18 =	vmov s28;
	[tilespmem:s8+$0x100] =	vst v10;
	v9 =	vmul.f32 v9, v2  }
0x122: {  	v10 =	vmov s20;
	[tilespmem:s8+$0x110] =	vst v4;
	v16 =	vmul.f32 v6, v2;
	v4 =	vbroadcast v7, $0x0;
	v6 =	vld [tilespmem:s8+$0x1A0]  }
0x123: {  	v7 =	vld [tilespmem:s8+$0x1B0];
	[tilespmem:s8+$0x120] =	vst v9;
	v9 =	vmul.f32 v5, v2;
	v5 =	vand.u32 $0xFFFFFFF9, v12;
	v12 =	vand.u32 $0xFFFFFFFA, v13  }
0x124: {  	v13 =	vand.u32 $0xFFFFFFFB, v10;
	[tilespmem:s8+$0x130] =	vst v16;
	v5 =	vbroadcast v5, $0x0;
	v16 =	vmul.f32 v8, v2;
	v8 =	vld [tilespmem:s8+$0x1C0]  }
0x125: {  	v10 =	vbroadcast v12, $0x0;
	[tilespmem:s8+$0x140] =	vst v9;
	v2 =	vand.u32 $0xFFFFFFFC, v15;
	v15 =	vmul.f32 v14, v1;
	v9 =	vld [tilespmem:s8+$0x1D0]  }
0x126: {  	s2 =	simm.s32 $0x10;
	s16 =	simm.s32 $0xE;
	v11 =	vld [tilespmem:s8+$0x1E0];
	v12 =	vbroadcast v13, $0x0;
	v13 =	vmul.f32 v17, v1;
	v14 =	vand.u32 $0xFFFFFFFD, v18;
	[tilespmem:s8+$0x160] =	vst v16  }
.LBB2_4:
0x127: {  	p0 =	slt.u32 s2, $0x48;
	v2 =	vbroadcast v2, $0x0;
	v16 =	vmov s16;
	[tilespmem:s8+$0x180] =	vst v15;
	v6 =	vmul.f32 v6, v1;
	v15 =	vld [tilespmem:s8+$0x1F0]  }
0x128: {  	v14 =	vbroadcast v14, $0x0;
	v16 =	vand.u32 $0xFFFFFFFE, v16;
	v17 =	vld.idx.msk [tilespmem:v3+s15+$0x0], $0xffff;
	[tilespmem:s8+$0x190] =	vst v13;
	v3 =	vmul.f32 v7, v1  }
0x129: {  	v7 =	vld.idx.msk [tilespmem:v4+s15+$0x0], $0xffff;
	v13 =	vbroadcast v16, $0x0;
	[tilespmem:s8+$0x1A0] =	vst v6;
	v4 =	vmul.f32 v8, v1  }
0x12a: {  	v6 =	vld.idx.msk [tilespmem:v5+s15+$0x0], $0xffff;
	[tilespmem:s8+$0x1B0] =	vst v3;
	v3 =	vmul.f32 v9, v1  }
0x12b: {  	v8 =	vld.idx.msk [tilespmem:v10+s15+$0x0], $0xffff;
	[tilespmem:s8+$0x1C0] =	vst v4;
	v9 =	vmul.f32 v11, v1  }
0x12c: {  	v5 =	vld.idx.msk [tilespmem:v12+s15+$0x0], $0xffff;
	[tilespmem:s8+$0x1D0] =	vst v3;
	v10 =	vmul.f32 v15, v1  }
0x12d: {  	v4 =	vld.idx.msk [tilespmem:v2+s15+$0x0], $0xffff;
	[tilespmem:s8+$0x1E0] =	vst v9  }
0x12e: {  	v1 =	vmov v17;
	v3 =	vld.idx.msk [tilespmem:v14+s15+$0x0], $0xffff;
	[tilespmem:s8+$0x1F0] =	vst v10  }
0x12f: {  	s8 =	sadd.s32 $0x400, s8;
	v2 =	vld.idx.msk [tilespmem:v13+s15+$0x0], $0xffff  }
0x130: {  	v9 =	vld [tilespmem:s8+$0x170]  }
0x131: {  	v10 =	vld [tilespmem:s8+$0xFFFFFE00]  }
0x132: {  	v11 =	vld [tilespmem:s8+$0xFFFFFE10]  }
0x133: {  	v12 =	vld [tilespmem:s8+$0xFFFFFE20]  }
0x134: {  	v13 =	vld [tilespmem:s8+$0xFFFFFE30]  }
0x135: {  	v14 =	vld [tilespmem:s8+$0xFFFFFE40];
	v9 =	vmul.f32 v9, v2  }
0x136: {  	v10 =	vmul.f32 v10, v7;
	v15 =	vld [tilespmem:s8+$0xFFFFFE50]  }
0x137: {  	v11 =	vmul.f32 v11, v7;
	v16 =	vld [tilespmem:s8+$0xFFFFFE60];
	[tilespmem:s8+$0x170] =	vst v9  }
0x138: {  	[tilespmem:s8+$0xFFFFFE00] =	vst v10;
	v9 =	vmul.f32 v12, v7;
	v10 =	vld [tilespmem:s8+$0xFFFFFE70]  }
0x139: {  	[tilespmem:s8+$0xFFFFFE10] =	vst v11;
	v11 =	vmul.f32 v13, v7;
	v12 =	vld [tilespmem:s8+$0xFFFFFE80]  }
0x13a: {  	[tilespmem:s8+$0xFFFFFE20] =	vst v9;
	v9 =	vmul.f32 v14, v7;
	v13 =	vld [tilespmem:s8+$0xFFFFFE90]  }
0x13b: {  	[tilespmem:s8+$0xFFFFFE30] =	vst v11;
	v11 =	vmul.f32 v15, v7;
	v14 =	vld [tilespmem:s8+$0xFFFFFEA0]  }
0x13c: {  	[tilespmem:s8+$0xFFFFFE40] =	vst v9;
	v9 =	vmul.f32 v16, v7;
	v15 =	vld [tilespmem:s8+$0xFFFFFEB0]  }
0x13d: {  	[tilespmem:s8+$0xFFFFFE50] =	vst v11;
	v7 =	vmul.f32 v10, v7;
	v10 =	vld [tilespmem:s8+$0xFFFFFEC0]  }
0x13e: {  	[tilespmem:s8+$0xFFFFFE60] =	vst v9;
	v9 =	vmul.f32 v12, v6;
	v11 =	vld [tilespmem:s8+$0xFFFFFED0]  }
0x13f: {  	[tilespmem:s8+$0xFFFFFE70] =	vst v7;
	v7 =	vmul.f32 v13, v6;
	v12 =	vld [tilespmem:s8+$0xFFFFFEE0]  }
0x140: {  	[tilespmem:s8+$0xFFFFFE80] =	vst v9;
	v9 =	vmul.f32 v14, v6;
	v13 =	vld [tilespmem:s8+$0xFFFFFEF0]  }
0x141: {  	[tilespmem:s8+$0xFFFFFE90] =	vst v7;
	v7 =	vmul.f32 v15, v6;
	v14 =	vld [tilespmem:s8+$0xFFFFFF00]  }
0x142: {  	[tilespmem:s8+$0xFFFFFEA0] =	vst v9;
	v9 =	vmul.f32 v10, v6;
	v10 =	vld [tilespmem:s8+$0xFFFFFF10]  }
0x143: {  	[tilespmem:s8+$0xFFFFFEB0] =	vst v7;
	v7 =	vmul.f32 v11, v6;
	v11 =	vld [tilespmem:s8+$0xFFFFFF20]  }
0x144: {  	[tilespmem:s8+$0xFFFFFEC0] =	vst v9;
	v9 =	vmul.f32 v12, v6;
	v12 =	vld [tilespmem:s8+$0xFFFFFF30]  }
0x145: {  	[tilespmem:s8+$0xFFFFFED0] =	vst v7;
	v6 =	vmul.f32 v13, v6;
	v7 =	vld [tilespmem:s8+$0xFFFFFF40]  }
0x146: {  	[tilespmem:s8+$0xFFFFFEE0] =	vst v9;
	v9 =	vmul.f32 v14, v8;
	v13 =	vld [tilespmem:s8+$0xFFFFFF50]  }
0x147: {  	[tilespmem:s8+$0xFFFFFEF0] =	vst v6;
	v6 =	vmul.f32 v10, v8;
	v10 =	vld [tilespmem:s8+$0xFFFFFF60]  }
0x148: {  	[tilespmem:s8+$0xFFFFFF00] =	vst v9;
	v9 =	vmul.f32 v11, v8;
	v11 =	vld [tilespmem:s8+$0xFFFFFF70]  }
0x149: {  	[tilespmem:s8+$0xFFFFFF10] =	vst v6;
	v6 =	vmul.f32 v12, v8;
	v12 =	vld [tilespmem:s8+$0xFFFFFF80]  }
0x14a: {  	[tilespmem:s8+$0xFFFFFF20] =	vst v9;
	v7 =	vmul.f32 v7, v8;
	v9 =	vld [tilespmem:s8+$0xFFFFFF90]  }
0x14b: {  	[tilespmem:s8+$0xFFFFFF30] =	vst v6;
	v6 =	vmul.f32 v13, v8;
	v13 =	vld [tilespmem:s8+$0xFFFFFFA0]  }
0x14c: {  	[tilespmem:s8+$0xFFFFFF40] =	vst v7;
	v7 =	vmul.f32 v10, v8;
	v10 =	vld [tilespmem:s8+$0xFFFFFFB0]  }
0x14d: {  	[tilespmem:s8+$0xFFFFFF50] =	vst v6;
	v6 =	vmul.f32 v11, v8;
	v8 =	vld [tilespmem:s8+$0xFFFFFFC0]  }
0x14e: {  	[tilespmem:s8+$0xFFFFFF60] =	vst v7;
	v7 =	vmul.f32 v12, v5;
	v11 =	vld [tilespmem:s8+$0xFFFFFFD0]  }
0x14f: {  	[tilespmem:s8+$0xFFFFFF70] =	vst v6;
	v6 =	vmul.f32 v9, v5;
	v9 =	vld [tilespmem:s8+$0xFFFFFFE0]  }
0x150: {  	[tilespmem:s8+$0xFFFFFF80] =	vst v7;
	v7 =	vmul.f32 v13, v5;
	v12 =	vld [tilespmem:s8+$0xFFFFFFF0]  }
0x151: {  	[tilespmem:s8+$0xFFFFFF90] =	vst v6;
	v6 =	vmul.f32 v10, v5;
	v10 =	vld [tilespmem:s8+$0x0]  }
0x152: {  	[tilespmem:s8+$0xFFFFFFA0] =	vst v7;
	v7 =	vmul.f32 v8, v5;
	v8 =	vld [tilespmem:s8+$0x10]  }
0x153: {  	[tilespmem:s8+$0xFFFFFFB0] =	vst v6;
	v6 =	vmul.f32 v11, v5;
	v11 =	vld [tilespmem:s8+$0x20]  }
0x154: {  	[tilespmem:s8+$0xFFFFFFC0] =	vst v7;
	v7 =	vmul.f32 v9, v5;
	v9 =	vld [tilespmem:s8+$0x30]  }
0x155: {  	[tilespmem:s8+$0xFFFFFFD0] =	vst v6;
	v5 =	vmul.f32 v12, v5;
	v6 =	vld [tilespmem:s8+$0x40]  }
0x156: {  	[tilespmem:s8+$0xFFFFFFE0] =	vst v7;
	v7 =	vmul.f32 v10, v4;
	v10 =	vld [tilespmem:s8+$0x50]  }
0x157: {  	[tilespmem:s8+$0xFFFFFFF0] =	vst v5;
	v5 =	vmul.f32 v8, v4;
	v8 =	vld [tilespmem:s8+$0x60]  }
0x158: {  	[tilespmem:s8+$0x0] =	vst v7;
	v7 =	vmul.f32 v11, v4;
	v11 =	vld [tilespmem:s8+$0x70]  }
0x159: {  	[tilespmem:s8+$0x10] =	vst v5;
	v5 =	vmul.f32 v9, v4;
	v9 =	vld [tilespmem:s8+$0x80]  }
0x15a: {  	[tilespmem:s8+$0x20] =	vst v7;
	v6 =	vmul.f32 v6, v4;
	v7 =	vld [tilespmem:s8+$0x90]  }
0x15b: {  	[tilespmem:s8+$0x30] =	vst v5;
	v5 =	vmul.f32 v10, v4;
	v10 =	vld [tilespmem:s8+$0xA0]  }
0x15c: {  	[tilespmem:s8+$0x40] =	vst v6;
	v6 =	vmul.f32 v8, v4;
	v8 =	vld [tilespmem:s8+$0xB0]  }
0x15d: {  	[tilespmem:s8+$0x50] =	vst v5;
	v4 =	vmul.f32 v11, v4;
	v5 =	vld [tilespmem:s8+$0xC0]  }
0x15e: {  	[tilespmem:s8+$0x60] =	vst v6;
	v6 =	vmul.f32 v9, v3;
	v9 =	vld [tilespmem:s8+$0xD0]  }
0x15f: {  	[tilespmem:s8+$0x70] =	vst v4;
	v4 =	vmul.f32 v7, v3;
	v7 =	vld [tilespmem:s8+$0xE0]  }
0x160: {  	[tilespmem:s8+$0x80] =	vst v6;
	v6 =	vmul.f32 v10, v3;
	v10 =	vld [tilespmem:s8+$0xF0]  }
0x161: {  	[tilespmem:s8+$0x90] =	vst v4;
	v4 =	vmul.f32 v8, v3;
	v8 =	vld [tilespmem:s8+$0x100]  }
0x162: {  	[tilespmem:s8+$0xA0] =	vst v6;
	v5 =	vmul.f32 v5, v3;
	v6 =	vld [tilespmem:s8+$0x110]  }
0x163: {  	[tilespmem:s8+$0xB0] =	vst v4;
	v4 =	vmul.f32 v9, v3;
	v9 =	vld [tilespmem:s8+$0x120]  }
0x164: {  	[tilespmem:s8+$0xC0] =	vst v5;
	v5 =	vmul.f32 v7, v3;
	v7 =	vld [tilespmem:s8+$0x130]  }
0x165: {  	[tilespmem:s8+$0xD0] =	vst v4;
	v4 =	vmul.f32 v10, v3;
	v10 =	vld [tilespmem:s8+$0x140]  }
0x166: {  	s7 =	sadd.s32 $0x7, s2;
	v3 =	vmov s2;
	[tilespmem:s8+$0xE0] =	vst v5;
	v5 =	vmul.f32 v8, v2;
	v8 =	vld [tilespmem:s8+$0x150]  }
0x167: {  	s16 =	sadd.s32 $0x1, s2;
	s20 =	sadd.s32 $0x2, s2;
	v11 =	vand.u32 $0xFFFFFFF8, v3;
	v3 =	vmov s7;
	[tilespmem:s8+$0xF0] =	vst v4;
	v4 =	vmul.f32 v6, v2;
	v12 =	vld [tilespmem:s8+$0x160]  }
0x168: {  	v14 =	vmov s20;
	v13 =	vmov s16;
	s16 =	sadd.s32 $0x4, s2;
	s7 =	sadd.s32 $0x3, s2;
	[tilespmem:s8+$0x100] =	vst v5;
	v5 =	vmul.f32 v9, v2;
	v9 =	vld [tilespmem:s8+$0x180]  }
0x169: {  	v16 =	vmov s16;
	v15 =	vmov s7;
	s7 =	sadd.s32 $0x5, s2;
	[tilespmem:s8+$0x110] =	vst v4;
	v7 =	vmul.f32 v7, v2;
	v17 =	vld [tilespmem:s8+$0x190]  }
.Ltmp1:
0x16a: {  	v4 =	vbroadcast v11, $0x0;
	v11 =	vmov s7;
	[tilespmem:s8+$0x120] =	vst v5;
	v10 =	vmul.f32 v10, v2;
	v6 =	vld [tilespmem:s8+$0x1A0];
	(pc) =	sbr.rel @p0 .LBB2_4-.Ltmp1, $4  }
0x16b: {  	v5 =	vand.u32 $0xFFFFFFF9, v13;
	v13 =	vand.u32 $0xFFFFFFFA, v14;
	[tilespmem:s8+$0x130] =	vst v7;
	v14 =	vmul.f32 v8, v2;
	v7 =	vld [tilespmem:s8+$0x1B0]  }
0x16c: {  	v18 =	vand.u32 $0xFFFFFFFB, v15;
	v5 =	vbroadcast v5, $0x0;
	[tilespmem:s8+$0x140] =	vst v10;
	v19 =	vmul.f32 v12, v2;
	v8 =	vld [tilespmem:s8+$0x1C0]  }
0x16d: {  	v10 =	vbroadcast v13, $0x0;
	v2 =	vand.u32 $0xFFFFFFFC, v16;
	[tilespmem:s8+$0x150] =	vst v14;
	v15 =	vmul.f32 v9, v1;
	v9 =	vld [tilespmem:s8+$0x1D0]  }
0x16e: {  	s16 =	sadd.s32 $0x6, s2;
	s2 =	sadd.s32 $0x8, s2;
	v12 =	vbroadcast v18, $0x0;
	v14 =	vand.u32 $0xFFFFFFFD, v11;
	[tilespmem:s8+$0x160] =	vst v19;
	v13 =	vmul.f32 v17, v1;
	v11 =	vld [tilespmem:s8+$0x1E0]  }
0x16f: {  	_ =	sdelay $0x2  }
0x170: {  	v16 =	vld [tilespmem:s8+$0x1F0]  }
0x171: {  	v18 =	vld.idx.msk [tilespmem:v4+s15+$0x0], $0xffff  }
0x172: {  	v23 =	vld.idx.msk [tilespmem:v5+s15+$0x0], $0xffff  }
0x173: {  	v22 =	vbroadcast v2, $0x0;
	v2 =	vmov s16;
	v10 =	vld.idx.msk [tilespmem:v10+s15+$0x0], $0xffff  }
0x174: {  	v17 =	vand.u32 $0xFFFFFFFE, v2;
	v2 =	vld.idx.msk [tilespmem:v3+s15+$0x0], $0xffff  }
0x175: {  	s2 =	sadd.s32 $0x400, s8;
	v12 =	vld.idx.msk [tilespmem:v12+s15+$0x0], $0xffff  }
0x176: {  	v24 =	vld [tilespmem:s2+$0x170]  }
0x177: {  	v26 =	vld [tilespmem:s2+$0xFFFFFE00]  }
0x178: {  	v28 =	vld [tilespmem:s2+$0xFFFFFE10]  }
0x179: {  	[tilespmem:s8+$0x180] =	vst v15;
	v6 =	vmul.f32 v6, v1;
	v30 =	vld [tilespmem:s2+$0xFFFFFE20]  }
0x17a: {  	[tilespmem:s8+$0x190] =	vst v13;
	v7 =	vmul.f32 v7, v1;
	v31 =	vld [tilespmem:s2+$0xFFFFFE30]  }
0x17b: {  	v32 =	vld [tilespmem:s2+$0xFFFFFE40];
	[tilespmem:s8+$0x1A0] =	vst v6;
	v25 =	vmul.f32 v8, v1  }
0x17c: {  	v33 =	vld [tilespmem:s2+$0xFFFFFE50];
	[tilespmem:s8+$0x1B0] =	vst v7;
	v27 =	vmul.f32 v9, v1  }
0x17d: {  	v34 =	vld [tilespmem:s2+$0xFFFFFE60];
	[tilespmem:s8+$0x1C0] =	vst v25;
	v29 =	vmul.f32 v11, v1  }
0x17e: {  	v35 =	vld [tilespmem:s2+$0xFFFFFE70];
	[tilespmem:s8+$0x1D0] =	vst v27;
	v1 =	vmul.f32 v16, v1  }
0x17f: {  	v36 =	vld [tilespmem:s2+$0xFFFFFE80];
	[tilespmem:s8+$0x1E0] =	vst v29;
	v9 =	vmul.f32 v28, v18  }
0x180: {  	v37 =	vld [tilespmem:s2+$0xFFFFFE90];
	[tilespmem:s8+$0x1F0] =	vst v1;
	v1 =	vmul.f32 v26, v18  }
0x181: {  	v39 =	vld [tilespmem:s2+$0xFFFFFEA0];
	v7 =	vmul.f32 v31, v18;
	[tilespmem:s2+$0xFFFFFE10] =	vst v9  }
0x182: {  	v40 =	vld [tilespmem:s2+$0xFFFFFEB0];
	[tilespmem:s2+$0xFFFFFE00] =	vst v1;
	v1 =	vmul.f32 v30, v18  }
0x183: {  	v42 =	vld [tilespmem:s2+$0xFFFFFEC0];
	v38 =	vmul.f32 v33, v18;
	[tilespmem:s2+$0xFFFFFE30] =	vst v7  }
0x184: {  	v43 =	vld [tilespmem:s2+$0xFFFFFED0];
	[tilespmem:s2+$0xFFFFFE20] =	vst v1;
	v1 =	vmul.f32 v32, v18  }
0x185: {  	v44 =	vld [tilespmem:s2+$0xFFFFFEE0];
	v41 =	vmul.f32 v35, v18;
	[tilespmem:s2+$0xFFFFFE50] =	vst v38  }
0x186: {  	v45 =	vld [tilespmem:s2+$0xFFFFFEF0];
	[tilespmem:s2+$0xFFFFFE40] =	vst v1;
	v1 =	vmul.f32 v34, v18  }
0x187: {  	v47 =	vld [tilespmem:s2+$0xFFFFFF00];
	v6 =	vmul.f32 v37, v23;
	[tilespmem:s2+$0xFFFFFE70] =	vst v41  }
0x188: {  	v48 =	vld [tilespmem:s2+$0xFFFFFF10];
	[tilespmem:s2+$0xFFFFFE60] =	vst v1;
	v1 =	vmul.f32 v36, v23  }
0x189: {  	v50 =	vld [tilespmem:s2+$0xFFFFFF20];
	v46 =	vmul.f32 v40, v23;
	[tilespmem:s2+$0xFFFFFE90] =	vst v6  }
0x18a: {  	v51 =	vld [tilespmem:s2+$0xFFFFFF30];
	[tilespmem:s2+$0xFFFFFE80] =	vst v1;
	v1 =	vmul.f32 v39, v23  }
0x18b: {  	v53 =	vld [tilespmem:s2+$0xFFFFFF40];
	v49 =	vmul.f32 v43, v23;
	[tilespmem:s2+$0xFFFFFEB0] =	vst v46  }
0x18c: {  	v54 =	vld [tilespmem:s2+$0xFFFFFF50];
	[tilespmem:s2+$0xFFFFFEA0] =	vst v1;
	v1 =	vmul.f32 v42, v23  }
0x18d: {  	v56 =	vld [tilespmem:s2+$0xFFFFFF60];
	v52 =	vmul.f32 v45, v23;
	[tilespmem:s2+$0xFFFFFED0] =	vst v49  }
0x18e: {  	v57 =	vld [tilespmem:s2+$0xFFFFFF70];
	[tilespmem:s2+$0xFFFFFEC0] =	vst v1;
	v1 =	vmul.f32 v44, v23  }
0x18f: {  	v14 =	vbroadcast v14, $0x0;
	v59 =	vld [tilespmem:s2+$0xFFFFFF80];
	v55 =	vmul.f32 v48, v10;
	[tilespmem:s2+$0xFFFFFEF0] =	vst v52  }
0x190: {  	v60 =	vld [tilespmem:s2+$0xFFFFFF90];
	[tilespmem:s2+$0xFFFFFEE0] =	vst v1;
	v1 =	vmul.f32 v47, v10  }
0x191: {  	v62 =	vld [tilespmem:s2+$0xFFFFFFA0];
	v58 =	vmul.f32 v51, v10;
	[tilespmem:s2+$0xFFFFFF10] =	vst v55  }
0x192: {  	v63 =	vld [tilespmem:s2+$0xFFFFFFB0];
	v3 =	vbroadcast v17, $0x0;
	[tilespmem:s2+$0xFFFFFF00] =	vst v1;
	v1 =	vmul.f32 v50, v10  }
0x193: {  	v15 =	vld [tilespmem:s2+$0xFFFFFFC0];
	v61 =	vmul.f32 v54, v10;
	[tilespmem:s2+$0xFFFFFF30] =	vst v58  }
0x194: {  	v19 =	vld [tilespmem:s2+$0xFFFFFFF0];
	[tilespmem:s2+$0xFFFFFF20] =	vst v1;
	v1 =	vmul.f32 v53, v10  }
0x195: {  	v4 =	vld.idx.msk [tilespmem:v14+s15+$0x0], $0xffff;
	v14 =	vmul.f32 v57, v10;
	[tilespmem:s2+$0xFFFFFF50] =	vst v61  }
0x196: {  	v5 =	vld.idx.msk [tilespmem:v22+s15+$0x0], $0xffff;
	[tilespmem:s2+$0xFFFFFF40] =	vst v1;
	v1 =	vmul.f32 v56, v10  }
0x197: {  	v17 =	vmul.f32 v60, v12;
	v22 =	vld [tilespmem:s2+$0x10];
	[tilespmem:s2+$0xFFFFFF70] =	vst v14  }
0x198: {  	v3 =	vld.idx.msk [tilespmem:v3+s15+$0x0], $0xffff;
	[tilespmem:s2+$0xFFFFFF60] =	vst v1;
	v1 =	vmul.f32 v59, v12  }
0x199: {  	v20 =	vmul.f32 v63, v12;
	[tilespmem:s2+$0xFFFFFF90] =	vst v17;
	v18 =	vld [tilespmem:s2+$0xFFFFFFE0]  }
0x19a: {  	v25 =	vld [tilespmem:s2+$0x30];
	[tilespmem:s2+$0xFFFFFF80] =	vst v1;
	v1 =	vmul.f32 v62, v12  }
0x19b: {  	v21 =	vld [tilespmem:s2+$0x0];
	v26 =	vmul.f32 v19, v12;
	[tilespmem:s2+$0xFFFFFFB0] =	vst v20  }
0x19c: {  	v28 =	vld [tilespmem:s2+$0x50];
	[tilespmem:s2+$0xFFFFFFA0] =	vst v1;
	v1 =	vmul.f32 v15, v12  }
0x19d: {  	[tilespmem:s2+$0xFFFFFFF0] =	vst v26;
	v29 =	vmul.f32 v22, v5;
	v13 =	vmul.f32 v24, v3;
	v24 =	vld [tilespmem:s2+$0x20]  }
0x19e: {  	v37 =	vld [tilespmem:s2+$0xB0];
	[tilespmem:s2+$0xFFFFFFC0] =	vst v1;
	v1 =	vmul.f32 v18, v12  }
0x19f: {  	v27 =	vld [tilespmem:s2+$0x40];
	v32 =	vmul.f32 v25, v5;
	[tilespmem:s2+$0x10] =	vst v29  }
0x1a0: {  	[tilespmem:s2+$0xFFFFFFE0] =	vst v1;
	v1 =	vmul.f32 v21, v5  }
0x1a1: {  	v30 =	vld [tilespmem:s2+$0x60];
	v35 =	vmul.f32 v28, v5;
	[tilespmem:s2+$0x30] =	vst v32  }
0x1a2: {  	v45 =	vld [tilespmem:s2+$0x110];
	[tilespmem:s2+$0x0] =	vst v1;
	v1 =	vmul.f32 v24, v5  }
0x1a3: {  	v33 =	vld [tilespmem:s2+$0x80];
	v43 =	vmul.f32 v37, v4;
	[tilespmem:s2+$0x50] =	vst v35  }
0x1a4: {  	v48 =	vld [tilespmem:s2+$0x130];
	[tilespmem:s2+$0x20] =	vst v1;
	v1 =	vmul.f32 v27, v5  }
0x1a5: {  	[tilespmem:s2+$0xB0] =	vst v43;
	v36 =	vld [tilespmem:s2+$0xA0]  }
0x1a6: {  	v34 =	vld [tilespmem:s2+$0x90];
	[tilespmem:s2+$0x40] =	vst v1;
	v1 =	vmul.f32 v30, v5  }
0x1a7: {  	v38 =	vld [tilespmem:s2+$0xC0];
	v51 =	vmul.f32 v45, v3;
	[tilespmem:s2+$0x170] =	vst v13  }
0x1a8: {  	v16 =	vld [tilespmem:s2+$0xFFFFFFD0];
	[tilespmem:s2+$0x60] =	vst v1;
	v1 =	vmul.f32 v33, v4  }
0x1a9: {  	v41 =	vld [tilespmem:s2+$0xE0];
	v54 =	vmul.f32 v48, v3;
	[tilespmem:s2+$0x110] =	vst v51  }
0x1aa: {  	v39 =	vld [tilespmem:s2+$0xD0];
	[tilespmem:s2+$0x80] =	vst v1;
	v1 =	vmul.f32 v36, v4  }
0x1ab: {  	[tilespmem:s2+$0x130] =	vst v54;
	v40 =	vmul.f32 v34, v4;
	v44 =	vld [tilespmem:s2+$0x100]  }
0x1ac: {  	v50 =	vld [tilespmem:s2+$0x150];
	[tilespmem:s2+$0xA0] =	vst v1;
	v1 =	vmul.f32 v38, v4  }
0x1ad: {  	[tilespmem:s2+$0x90] =	vst v40;
	v23 =	vmul.f32 v16, v12;
	v47 =	vld [tilespmem:s2+$0x120]  }
0x1ae: {  	v53 =	vld [tilespmem:s2+$0x180];
	[tilespmem:s2+$0xC0] =	vst v1;
	v1 =	vmul.f32 v41, v4  }
0x1af: {  	v49 =	vld [tilespmem:s2+$0x140];
	v46 =	vmul.f32 v39, v4;
	[tilespmem:s2+$0xFFFFFFD0] =	vst v23  }
0x1b0: {  	v56 =	vld [tilespmem:s2+$0x1A0];
	[tilespmem:s2+$0xE0] =	vst v1;
	v1 =	vmul.f32 v44, v3  }
0x1b1: {  	v52 =	vld [tilespmem:s2+$0x160];
	[tilespmem:s2+$0xD0] =	vst v46;
	v57 =	vmul.f32 v50, v3  }
0x1b2: {  	v31 =	vld [tilespmem:s2+$0x70];
	[tilespmem:s2+$0x100] =	vst v1;
	v1 =	vmul.f32 v47, v3  }
0x1b3: {  	v55 =	vld [tilespmem:s2+$0x190];
	[tilespmem:s2+$0x150] =	vst v57;
	v59 =	vmul.f32 v53, v2  }
0x1b4: {  	v42 =	vld [tilespmem:s2+$0xF0];
	[tilespmem:s2+$0x120] =	vst v1;
	v1 =	vmul.f32 v49, v3  }
0x1b5: {  	v58 =	vld [tilespmem:s2+$0x1B0];
	[tilespmem:s2+$0x180] =	vst v59;
	v62 =	vmul.f32 v56, v2  }
0x1b6: {  	[tilespmem:s2+$0x140] =	vst v1;
	v1 =	vmul.f32 v52, v3;
	v3 =	vld [tilespmem:s2+$0x1C0]  }
0x1b7: {  	v60 =	vld [tilespmem:s2+$0x1D0];
	[tilespmem:s2+$0x1A0] =	vst v62;
	v5 =	vmul.f32 v31, v5  }
0x1b8: {  	v61 =	vld [tilespmem:s2+$0x1E0];
	[tilespmem:s2+$0x160] =	vst v1;
	v1 =	vmul.f32 v55, v2  }
0x1b9: {  	v63 =	vld [tilespmem:s2+$0x1F0];
	[tilespmem:s2+$0x70] =	vst v5;
	v4 =	vmul.f32 v42, v4  }
0x1ba: {  	[tilespmem:s2+$0x190] =	vst v1;
	v1 =	vmul.f32 v58, v2  }
0x1bb: {  	[tilespmem:s2+$0xF0] =	vst v4;
	v3 =	vmul.f32 v3, v2  }
0x1bc: {  	[tilespmem:s2+$0x1B0] =	vst v1;
	v1 =	vmul.f32 v60, v2  }
0x1bd: {  	[tilespmem:s2+$0x1C0] =	vst v3;
	v3 =	vmul.f32 v61, v2  }
0x1be: {  	[tilespmem:s2+$0x1D0] =	vst v1;
	v1 =	vmul.f32 v63, v2  }
0x1bf: {  	[tilespmem:s2+$0x1E0] =	vst v3  }
0x1c0: {  	s1 =	simm.s32 $0x5300;
	[tilespmem:s2+$0x1F0] =	vst v1  }
0x1c1: {  	[spmem:s3] =	stream.indirect.scatter.add.f32 [tilespmem:s10], [sflag:$0x7], $0x80, s1, s14, $0xb8;
	[tilespmem:$0x1E680] =	vst v63  }
0x1c2: {  	s16 =	simm.s32 $0x0;
	s22 =	rddreg [dreg:$0x1d]  }
0x1c3: {  	[tilespmem:s11], [sflag:$0x3] =	stream.linear.gather [hbm4b:s22+s16], $0x50, $0x38;
	[tilespmem:$0x1E680] =	vst v63  }
0x1c4: {  	s8 =	simm.s32 $0x0;
	s28 =	rddreg [dreg:$0x1e]  }
0x1c5: {  	[tilespmem:s12], [sflag:$0x3] =	stream.linear.gather [hbm4b:s28+s16], $0x50, $0x38;
	[tilespmem:$0x1E680] =	vst v63  }
.LBB2_6:
0x1c6: {  	_ =	swait.ge [sflag:s29], $0x2800  }
0x1c7: {  	[sflag:s29] =	ssyncset.done $0x0  }
0x1c8: {  	[sflag:s29] =	ssyncadd.s32 $0xFFFFD800  }
0x1c9: {  	_ =	swait.ge [sflag:s30], $0x50  }
0x1ca: {  	[sflag:s30] =	ssyncset.done $0x0  }
0x1cb: {  	[sflag:s30] =	ssyncadd.s32 $0xFFFFFFB0  }
0x1cc: {  	_ =	swait.ge [sflag:s13], $0x50  }
0x1cd: {  	[sflag:s13] =	ssyncset.done $0x0  }
0x1ce: {  	[sflag:s13] =	ssyncadd.s32 $0xFFFFFFB0  }
0x1cf: {  	_ =	swait.ge [sflag:s13], $0x50  }
0x1d0: {  	[sflag:s13] =	ssyncset.done $0x0  }
0x1d1: {  	[sflag:s13] =	ssyncadd.s32 $0xFFFFFFB0  }
0x1d2: {  	_ =	swait.ge [sflag:s31], $0x2800  }
0x1d3: {  	[sflag:s31] =	ssyncset.done $0x0  }
0x1d4: {  	[sflag:s31] =	ssyncadd.s32 $0xFFFFD800  }
0x1d5: {  	v1 =	vld [tilespmem:$0x5000]  }
0x1d6: {  	v2 =	vld [tilespmem:$0x5100]  }
0x1d7: {  	v3 =	vld [tilespmem:$0x5010]  }
0x1d8: {  	v4 =	vld [tilespmem:$0x5110]  }
0x1d9: {  	v5 =	vld [tilespmem:$0x5020]  }
0x1da: {  	v6 =	vld [tilespmem:$0x5120]  }
0x1db: {  	v7 =	vld [tilespmem:$0x5030]  }
0x1dc: {  	v8 =	vld [tilespmem:$0x5130]  }
0x1dd: {  	v9 =	vld [tilespmem:$0x5040]  }
0x1de: {  	v10 =	vld [tilespmem:$0x5140];
	[tilespmem:$0x5300] =	vst v2  }
0x1df: {  	v1 =	vld.idx.msk [tilespmem:v1+s16+$0x0], $0xffff  }
0x1e0: {  	[tilespmem:$0x5310] =	vst v4;
	v2 =	vld.idx.msk [tilespmem:v2+s9+$0x0], $0xffff  }
0x1e1: {  	v3 =	vld.idx.msk [tilespmem:v3+s16+$0x0], $0xffff  }
0x1e2: {  	[tilespmem:$0x5320] =	vst v6;
	v4 =	vld.idx.msk [tilespmem:v4+s9+$0x0], $0xffff  }
0x1e3: {  	v5 =	vld.idx.msk [tilespmem:v5+s16+$0x0], $0xffff  }
0x1e4: {  	[tilespmem:$0x5340] =	vst v10;
	v6 =	vld.idx.msk [tilespmem:v6+s9+$0x0], $0xffff  }
0x1e5: {  	[tilespmem:$0x5330] =	vst v8;
	v9 =	vld.idx.msk [tilespmem:v9+s16+$0x0], $0xffff;
	v1 =	vadd.f32 v2, v1  }
0x1e6: {  	v2 =	vld.idx.msk [tilespmem:v7+s16+$0x0], $0xffff  }
0x1e7: {  	v7 =	vld.idx.msk [tilespmem:v8+s9+$0x0], $0xffff;
	v8 =	vmul.f32 $2.000000030e-01, v1  }
0x1e8: {  	v10 =	vld.idx.msk [tilespmem:v10+s9+$0x0], $0xffff;
	vm0 =	vge.f32 v1, $0.0e+00  }
0x1e9: {  	v3 =	vadd.f32 v4, v3;
	v1 =	vsel vm0, v1, v8  }
0x1ea: {  	v1 =	vmul.f32 $1.442695020e+00, v1  }
0x1eb: {  	v5 =	vadd.f32 v6, v5;
	v4 =	vmul.f32 $2.000000030e-01, v3  }
0x1ec: {  	vm12 =	vge.f32 v3, $0.0e+00;
	(erf) = vpow2.f32 v1;
	v1 =	vadd.f32 v7, v2  }
0x1ed: {  	v2 =	vsel vm12, v3, v4;
	v3 =	vmul.f32 $2.000000030e-01, v5;
	v4 =	vadd.f32 v10, v9  }
0x1ee: {  	vm13 =	vge.f32 v5, $0.0e+00;
	v2 =	vmul.f32 $1.442695020e+00, v2;
	v6 =	vmul.f32 $2.000000030e-01, v1  }
0x1ef: {  	v3 =	vsel vm13, v5, v3;
	vm14 =	vge.f32 v1, $0.0e+00;
	v5 =	vmul.f32 $2.000000030e-01, v4  }
0x1f0: {  	vm15 =	vge.f32 v4, $0.0e+00;
	v3 =	vmul.f32 $1.442695020e+00, v3;
	v1 =	vsel vm14, v1, v6  }
0x1f1: {  	(erf) = vpow2.f32 v2;
	v2 =	vsel vm15, v4, v5;
	v1 =	vmul.f32 $1.442695020e+00, v1  }
0x1f2: {  	(erf) = vpow2.f32 v3;
	v2 =	vmul.f32 $1.442695020e+00, v2  }
0x1f3: {  	(erf) = vpow2.f32 v1  }
0x1f4: {  	(erf) = vpow2.f32 v2;
	_ =	sdelay $0x4  }
0x1f5: {  	v1 =	vpop (erf)  }
0x1f6: {  	s2 =	simm.s32 $0x6;
	[tilespmem:$0x5200] =	vst v1;
	v1 =	vmov s16;
	v2 =	vpop (erf)  }
0x1f7: {  	v1 =	vand.u32 $0xFFFFFFF8, v1;
	[tilespmem:$0x5210] =	vst v2;
	v2 =	vmov s2;
	v3 =	vpop (erf)  }
0x1f8: {  	v1 =	vbroadcast v1, $0x0;
	v2 =	vand.u32 $0xFFFFFFFE, v2;
	[tilespmem:$0x5220] =	vst v3;
	v4 =	vpop (erf)  }
0x1f9: {  	v2 =	vbroadcast v2, $0x0;
	[tilespmem:$0x5230] =	vst v4;
	v3 =	vpop (erf)  }
0x1fa: {  	[tilespmem:$0x5240] =	vst v3  }
0x1fb: {  	[spmem:s4] =	stream.indirect.scatter.add.f32 [tilespmem:s15], [sflag:$0x5], $0x1, s12, s14, $0xb8;
	[tilespmem:$0x1E680] =	vst v63  }
0x1fc: {  	_ = 	snop  }
0x1fd: {  	[tilespmem:s10], [sflag:$0x1] =	stream.indirect.gather [hbm4b:s6+s14], $0x80, s11, s14, $0xb8;
	[tilespmem:$0x1E680] =	vst v63  }
0x1fe: {  	v1 =	vld.idx.msk [tilespmem:v1+s25+$0x0], $0xffff  }
0x1ff: {  	s20 =	simm.s32 $0x7E00;
	v2 =	vld.idx.msk [tilespmem:v2+s25+$0x0], $0xffff  }
0x200: {  	v4 =	vld [tilespmem:s20+$0x170]  }
0x201: {  	v5 =	vld [tilespmem:s20+$0xFFFFFE00]  }
0x202: {  	v6 =	vld [tilespmem:s20+$0xFFFFFE10]  }
0x203: {  	v7 =	vld [tilespmem:s20+$0xFFFFFE20]  }
0x204: {  	s22 =	simm.s32 $0x1;
	v8 =	vld [tilespmem:s20+$0xFFFFFE30]  }
0x205: {  	v3 =	vmov s22;
	v9 =	vld [tilespmem:s20+$0xFFFFFE40]  }
0x206: {  	v3 =	vand.u32 $0xFFFFFFF9, v3;
	v10 =	vld [tilespmem:s20+$0xFFFFFE50]  }
0x207: {  	v3 =	vbroadcast v3, $0x0;
	v11 =	vld [tilespmem:s20+$0xFFFFFE60]  }
0x208: {  	v12 =	vld [tilespmem:s20+$0xFFFFFE70]  }
0x209: {  	v13 =	vld [tilespmem:s20+$0xFFFFFE80]  }
0x20a: {  	v14 =	vld [tilespmem:s20+$0xFFFFFE90];
	v5 =	vmul.f32 v5, v1  }
0x20b: {  	v15 =	vld [tilespmem:s20+$0xFFFFFEA0];
	v4 =	vmul.f32 v4, v2  }
0x20c: {  	v16 =	vld [tilespmem:s20+$0xFFFFFEB0];
	v6 =	vmul.f32 v6, v1;
	[tilespmem:s20+$0xFFFFFE00] =	vst v5  }
0x20d: {  	s1 =	simm.s32 $0x2;
	v3 =	vld.idx.msk [tilespmem:v3+s25+$0x0], $0xffff;
	v8 =	vmul.f32 v8, v1;
	[tilespmem:s20+$0x170] =	vst v4  }
0x20e: {  	v9 =	vmul.f32 v9, v1;
	v5 =	vmov s1;
	v4 =	vmul.f32 v7, v1;
	v7 =	vld [tilespmem:s20+$0xFFFFFEC0];
	[tilespmem:s20+$0xFFFFFE10] =	vst v6  }
0x20f: {  	[tilespmem:s20+$0xFFFFFE30] =	vst v8;
	v8 =	vmul.f32 v10, v1;
	v10 =	vld [tilespmem:s20+$0xFFFFFEF0];
	v5 =	vand.u32 $0xFFFFFFFA, v5  }
0x210: {  	[tilespmem:s20+$0xFFFFFE40] =	vst v9;
	v9 =	vmul.f32 v11, v1;
	v11 =	vld [tilespmem:s20+$0xFFFFFF00];
	v5 =	vbroadcast v5, $0x0  }
0x211: {  	v1 =	vmul.f32 v12, v1;
	v12 =	vld [tilespmem:s20+$0xFFFFFF20];
	[tilespmem:s20+$0xFFFFFE20] =	vst v4  }
0x212: {  	v6 =	vmul.f32 v13, v3;
	v13 =	vld [tilespmem:s20+$0xFFFFFED0];
	[tilespmem:s20+$0xFFFFFE50] =	vst v8  }
0x213: {  	s7 =	simm.s32 $0x3;
	v4 =	vld [tilespmem:s20+$0xFFFFFEE0];
	[tilespmem:s20+$0xFFFFFE60] =	vst v9  }
0x214: {  	v8 =	vld [tilespmem:s20+$0xFFFFFF10];
	v9 =	vmul.f32 v14, v3;
	[tilespmem:s20+$0xFFFFFE80] =	vst v6;
	v6 =	vmov s7  }
0x215: {  	[tilespmem:s20+$0xFFFFFE70] =	vst v1;
	v1 =	vmul.f32 v15, v3;
	v14 =	vld [tilespmem:s20+$0xFFFFFF30];
	v6 =	vand.u32 $0xFFFFFFFB, v6  }
0x216: {  	[tilespmem:s20+$0xFFFFFE90] =	vst v9;
	v9 =	vmul.f32 v16, v3;
	v6 =	vbroadcast v6, $0x0;
	v5 =	vld.idx.msk [tilespmem:v5+s25+$0x0], $0xffff  }
0x217: {  	v15 =	vld [tilespmem:s20+$0xFFFFFF40];
	[tilespmem:s20+$0xFFFFFEA0] =	vst v1;
	v7 =	vmul.f32 v7, v3  }
0x218: {  	[tilespmem:s20+$0xFFFFFEB0] =	vst v9;
	v9 =	vld [tilespmem:s20+$0xFFFFFF60];
	v13 =	vmul.f32 v13, v3  }
0x219: {  	[tilespmem:s20+$0xFFFFFEC0] =	vst v7;
	v4 =	vmul.f32 v4, v3;
	v7 =	vld [tilespmem:s20+$0xFFFFFF70]  }
0x21a: {  	v3 =	vmul.f32 v10, v3;
	v10 =	vld [tilespmem:s20+$0xFFFFFF80];
	[tilespmem:s20+$0xFFFFFED0] =	vst v13  }
0x21b: {  	[tilespmem:s20+$0xFFFFFEE0] =	vst v4;
	v13 =	vld [tilespmem:s20+$0xFFFFFFB0];
	v1 =	vmul.f32 v11, v5  }
0x21c: {  	[tilespmem:s20+$0xFFFFFEF0] =	vst v3;
	v6 =	vld.idx.msk [tilespmem:v6+s25+$0x0], $0xffff;
	v4 =	vmul.f32 v8, v5  }
0x21d: {  	s22 =	simm.s32 $0x4;
	v11 =	vld [tilespmem:s20+$0xFFFFFF50];
	v3 =	vmul.f32 v12, v5;
	[tilespmem:s20+$0xFFFFFF00] =	vst v1  }
0x21e: {  	v8 =	vld [tilespmem:s20+$0xFFFFFF90];
	v9 =	vmul.f32 v9, v5;
	v1 =	vmov s22;
	[tilespmem:s20+$0xFFFFFF10] =	vst v4  }
0x21f: {  	v12 =	vld [tilespmem:s20+$0xFFFFFFA0];
	v4 =	vmul.f32 v14, v5;
	[tilespmem:s20+$0xFFFFFF20] =	vst v3;
	v1 =	vand.u32 $0xFFFFFFFC, v1  }
0x220: {  	v3 =	vmul.f32 v15, v5;
	v14 =	vld [tilespmem:s20+$0xFFFFFFC0];
	[tilespmem:s20+$0xFFFFFF60] =	vst v9;
	v1 =	vbroadcast v1, $0x0  }
0x221: {  	v9 =	vld [tilespmem:s20+$0x0];
	[tilespmem:s20+$0xFFFFFF30] =	vst v4;
	v4 =	vmul.f32 v10, v6  }
0x222: {  	s1 =	simm.s32 $0x5;
	v10 =	vld [tilespmem:s20+$0xFFFFFFD0];
	[tilespmem:s20+$0xFFFFFF40] =	vst v3;
	v11 =	vmul.f32 v11, v5  }
0x223: {  	v3 =	vld [tilespmem:s20+$0xFFFFFFE0];
	v5 =	vmul.f32 v7, v5;
	[tilespmem:s20+$0xFFFFFF80] =	vst v4;
	v4 =	vmov s1  }
0x224: {  	v7 =	vld [tilespmem:s20+$0xFFFFFFF0];
	v8 =	vmul.f32 v8, v6;
	[tilespmem:s20+$0xFFFFFF50] =	vst v11;
	v4 =	vand.u32 $0xFFFFFFFD, v4  }
0x225: {  	[tilespmem:s20+$0xFFFFFF70] =	vst v5;
	v5 =	vmul.f32 v12, v6;
	v11 =	vld [tilespmem:s20+$0x10];
	v4 =	vbroadcast v4, $0x0  }
0x226: {  	[tilespmem:s20+$0xFFFFFF90] =	vst v8;
	v8 =	vmul.f32 v13, v6;
	v1 =	vld.idx.msk [tilespmem:v1+s25+$0x0], $0xffff  }
0x227: {  	v12 =	vld [tilespmem:s20+$0x20];
	[tilespmem:s20+$0xFFFFFFA0] =	vst v5;
	v5 =	vmul.f32 v14, v6  }
0x228: {  	v13 =	vld [tilespmem:s20+$0x30];
	[tilespmem:s20+$0xFFFFFFB0] =	vst v8;
	v8 =	vmul.f32 v10, v6  }
0x229: {  	v10 =	vld [tilespmem:s20+$0x40];
	v3 =	vmul.f32 v3, v6;
	[tilespmem:s20+$0xFFFFFFC0] =	vst v5  }
0x22a: {  	v6 =	vmul.f32 v7, v6;
	[tilespmem:s20+$0xFFFFFFD0] =	vst v8;
	v8 =	vld [tilespmem:s20+$0x60]  }
0x22b: {  	[tilespmem:s20+$0xFFFFFFE0] =	vst v3;
	v4 =	vld.idx.msk [tilespmem:v4+s25+$0x0], $0xffff;
	v5 =	vmul.f32 v9, v1  }
0x22c: {  	[tilespmem:s20+$0xFFFFFFF0] =	vst v6;
	v9 =	vld [tilespmem:s20+$0x50];
	v6 =	vmul.f32 v12, v1  }
0x22d: {  	v3 =	vmul.f32 v11, v1;
	v11 =	vld [tilespmem:s20+$0x90];
	[tilespmem:s20+$0x0] =	vst v5  }
0x22e: {  	v7 =	vld [tilespmem:s20+$0x80];
	[tilespmem:s20+$0x20] =	vst v6;
	v6 =	vmul.f32 v10, v1  }
0x22f: {  	v5 =	vld [tilespmem:s20+$0x70];
	[tilespmem:s20+$0x10] =	vst v3;
	v3 =	vmul.f32 v13, v1  }
0x230: {  	v10 =	vld [tilespmem:s20+$0xA0];
	[tilespmem:s20+$0x40] =	vst v6;
	v6 =	vmul.f32 v8, v1  }
0x231: {  	[tilespmem:s20+$0x30] =	vst v3;
	v8 =	vld [tilespmem:s20+$0xC0];
	v3 =	vmul.f32 v9, v1  }
0x232: {  	v9 =	vld [tilespmem:s20+$0xB0];
	v11 =	vmul.f32 v11, v4;
	[tilespmem:s20+$0x60] =	vst v6  }
0x233: {  	v6 =	vld [tilespmem:s20+$0xE0];
	[tilespmem:s20+$0x50] =	vst v3;
	v3 =	vmul.f32 v7, v4  }
0x234: {  	v7 =	vld [tilespmem:s20+$0xD0];
	v5 =	vmul.f32 v5, v1;
	[tilespmem:s20+$0x90] =	vst v11  }
0x235: {  	v11 =	vld [tilespmem:s20+$0x150];
	[tilespmem:s20+$0x80] =	vst v3  }
0x236: {  	[tilespmem:s20+$0x70] =	vst v5;
	v3 =	vmul.f32 v10, v4;
	v5 =	vld [tilespmem:s20+$0xF0]  }
0x237: {  	v10 =	vld [tilespmem:s20+$0x100];
	v9 =	vmul.f32 v9, v4  }
0x238: {  	s7 =	simm.s32 $0x7;
	[tilespmem:s20+$0xA0] =	vst v3;
	v3 =	vmul.f32 v8, v4;
	v8 =	vld [tilespmem:s20+$0x110]  }
0x239: {  	v14 =	vld [tilespmem:s20+$0x180];
	v12 =	vmov s7;
	[tilespmem:s20+$0xB0] =	vst v9;
	v7 =	vmul.f32 v7, v4  }
0x23a: {  	v9 =	vld [tilespmem:s20+$0x120];
	v11 =	vmul.f32 v11, v2;
	[tilespmem:s20+$0xC0] =	vst v3  }
0x23b: {  	s28 =	simm.s32 $0xA;
	v3 =	vmul.f32 v6, v4;
	v6 =	vld [tilespmem:s20+$0x130];
	[tilespmem:s20+$0xD0] =	vst v7;
	v4 =	vmul.f32 v5, v4  }
0x23c: {  	s22 =	simm.s32 $0x8;
	v13 =	vmov s28;
	v5 =	vld [tilespmem:s20+$0x140];
	[tilespmem:s20+$0x150] =	vst v11  }
0x23d: {  	s1 =	simm.s32 $0xF;
	s7 =	simm.s32 $0x9;
	v7 =	vmov s22;
	v10 =	vmul.f32 v10, v2;
	[tilespmem:s20+$0xF0] =	vst v4;
	v4 =	vmul.f32 v8, v2;
	v8 =	vld [tilespmem:s20+$0x160]  }
0x23e: {  	v1 =	vld.idx.msk [tilespmem:v12+s25+$0x0], $0xffff;
	v12 =	vmov s7;
	s22 =	simm.s32 $0xB;
	[tilespmem:s20+$0xE0] =	vst v3;
	v7 =	vand.u32 $0xFFFFFFF8, v7;
	v3 =	vmov s1;
	s1 =	simm.s32 $0xC  }
0x23f: {  	v17 =	vld [tilespmem:s20+$0x190];
	[tilespmem:s20+$0x100] =	vst v10;
	v10 =	vmov s22;
	v15 =	vmov s1;
	s22 =	simm.s32 $0xD;
	v9 =	vmul.f32 v9, v2  }
0x240: {  	v18 =	vmov s22;
	[tilespmem:s20+$0x110] =	vst v4;
	v16 =	vmul.f32 v6, v2;
	v4 =	vbroadcast v7, $0x0;
	v6 =	vld [tilespmem:s20+$0x1A0]  }
0x241: {  	v7 =	vld [tilespmem:s20+$0x1B0];
	[tilespmem:s20+$0x120] =	vst v9;
	v9 =	vmul.f32 v5, v2;
	v5 =	vand.u32 $0xFFFFFFF9, v12;
	v12 =	vand.u32 $0xFFFFFFFA, v13  }
0x242: {  	v13 =	vand.u32 $0xFFFFFFFB, v10;
	[tilespmem:s20+$0x130] =	vst v16;
	v5 =	vbroadcast v5, $0x0;
	v16 =	vmul.f32 v8, v2;
	v8 =	vld [tilespmem:s20+$0x1C0]  }
0x243: {  	v10 =	vbroadcast v12, $0x0;
	[tilespmem:s20+$0x140] =	vst v9;
	v2 =	vand.u32 $0xFFFFFFFC, v15;
	v15 =	vmul.f32 v14, v1;
	v9 =	vld [tilespmem:s20+$0x1D0]  }
0x244: {  	s2 =	simm.s32 $0x10;
	s28 =	simm.s32 $0xE;
	v11 =	vld [tilespmem:s20+$0x1E0];
	v12 =	vbroadcast v13, $0x0;
	v13 =	vmul.f32 v17, v1;
	v14 =	vand.u32 $0xFFFFFFFD, v18;
	[tilespmem:s20+$0x160] =	vst v16  }
.LBB2_7:
0x245: {  	p0 =	slt.u32 s2, $0x48;
	v2 =	vbroadcast v2, $0x0;
	v16 =	vmov s28;
	[tilespmem:s20+$0x180] =	vst v15;
	v6 =	vmul.f32 v6, v1;
	v15 =	vld [tilespmem:s20+$0x1F0]  }
0x246: {  	v14 =	vbroadcast v14, $0x0;
	v16 =	vand.u32 $0xFFFFFFFE, v16;
	v17 =	vld.idx.msk [tilespmem:v3+s25+$0x0], $0xffff;
	[tilespmem:s20+$0x190] =	vst v13;
	v3 =	vmul.f32 v7, v1  }
0x247: {  	v7 =	vld.idx.msk [tilespmem:v4+s25+$0x0], $0xffff;
	v13 =	vbroadcast v16, $0x0;
	[tilespmem:s20+$0x1A0] =	vst v6;
	v4 =	vmul.f32 v8, v1  }
0x248: {  	v6 =	vld.idx.msk [tilespmem:v5+s25+$0x0], $0xffff;
	[tilespmem:s20+$0x1B0] =	vst v3;
	v3 =	vmul.f32 v9, v1  }
0x249: {  	v8 =	vld.idx.msk [tilespmem:v10+s25+$0x0], $0xffff;
	[tilespmem:s20+$0x1C0] =	vst v4;
	v9 =	vmul.f32 v11, v1  }
0x24a: {  	v5 =	vld.idx.msk [tilespmem:v12+s25+$0x0], $0xffff;
	[tilespmem:s20+$0x1D0] =	vst v3;
	v10 =	vmul.f32 v15, v1  }
0x24b: {  	v4 =	vld.idx.msk [tilespmem:v2+s25+$0x0], $0xffff;
	[tilespmem:s20+$0x1E0] =	vst v9  }
0x24c: {  	v1 =	vmov v17;
	v3 =	vld.idx.msk [tilespmem:v14+s25+$0x0], $0xffff;
	[tilespmem:s20+$0x1F0] =	vst v10  }
0x24d: {  	s20 =	sadd.s32 $0x400, s20;
	v2 =	vld.idx.msk [tilespmem:v13+s25+$0x0], $0xffff  }
0x24e: {  	v9 =	vld [tilespmem:s20+$0x170]  }
0x24f: {  	v10 =	vld [tilespmem:s20+$0xFFFFFE00]  }
0x250: {  	v11 =	vld [tilespmem:s20+$0xFFFFFE10]  }
0x251: {  	v12 =	vld [tilespmem:s20+$0xFFFFFE20]  }
0x252: {  	v13 =	vld [tilespmem:s20+$0xFFFFFE30]  }
0x253: {  	v14 =	vld [tilespmem:s20+$0xFFFFFE40];
	v9 =	vmul.f32 v9, v2  }
0x254: {  	v10 =	vmul.f32 v10, v7;
	v15 =	vld [tilespmem:s20+$0xFFFFFE50]  }
0x255: {  	v11 =	vmul.f32 v11, v7;
	v16 =	vld [tilespmem:s20+$0xFFFFFE60];
	[tilespmem:s20+$0x170] =	vst v9  }
0x256: {  	[tilespmem:s20+$0xFFFFFE00] =	vst v10;
	v9 =	vmul.f32 v12, v7;
	v10 =	vld [tilespmem:s20+$0xFFFFFE70]  }
0x257: {  	[tilespmem:s20+$0xFFFFFE10] =	vst v11;
	v11 =	vmul.f32 v13, v7;
	v12 =	vld [tilespmem:s20+$0xFFFFFE80]  }
0x258: {  	[tilespmem:s20+$0xFFFFFE20] =	vst v9;
	v9 =	vmul.f32 v14, v7;
	v13 =	vld [tilespmem:s20+$0xFFFFFE90]  }
0x259: {  	[tilespmem:s20+$0xFFFFFE30] =	vst v11;
	v11 =	vmul.f32 v15, v7;
	v14 =	vld [tilespmem:s20+$0xFFFFFEA0]  }
0x25a: {  	[tilespmem:s20+$0xFFFFFE40] =	vst v9;
	v9 =	vmul.f32 v16, v7;
	v15 =	vld [tilespmem:s20+$0xFFFFFEB0]  }
0x25b: {  	[tilespmem:s20+$0xFFFFFE50] =	vst v11;
	v7 =	vmul.f32 v10, v7;
	v10 =	vld [tilespmem:s20+$0xFFFFFEC0]  }
0x25c: {  	[tilespmem:s20+$0xFFFFFE60] =	vst v9;
	v9 =	vmul.f32 v12, v6;
	v11 =	vld [tilespmem:s20+$0xFFFFFED0]  }
0x25d: {  	[tilespmem:s20+$0xFFFFFE70] =	vst v7;
	v7 =	vmul.f32 v13, v6;
	v12 =	vld [tilespmem:s20+$0xFFFFFEE0]  }
0x25e: {  	[tilespmem:s20+$0xFFFFFE80] =	vst v9;
	v9 =	vmul.f32 v14, v6;
	v13 =	vld [tilespmem:s20+$0xFFFFFEF0]  }
0x25f: {  	[tilespmem:s20+$0xFFFFFE90] =	vst v7;
	v7 =	vmul.f32 v15, v6;
	v14 =	vld [tilespmem:s20+$0xFFFFFF00]  }
0x260: {  	[tilespmem:s20+$0xFFFFFEA0] =	vst v9;
	v9 =	vmul.f32 v10, v6;
	v10 =	vld [tilespmem:s20+$0xFFFFFF10]  }
0x261: {  	[tilespmem:s20+$0xFFFFFEB0] =	vst v7;
	v7 =	vmul.f32 v11, v6;
	v11 =	vld [tilespmem:s20+$0xFFFFFF20]  }
0x262: {  	[tilespmem:s20+$0xFFFFFEC0] =	vst v9;
	v9 =	vmul.f32 v12, v6;
	v12 =	vld [tilespmem:s20+$0xFFFFFF30]  }
0x263: {  	[tilespmem:s20+$0xFFFFFED0] =	vst v7;
	v6 =	vmul.f32 v13, v6;
	v7 =	vld [tilespmem:s20+$0xFFFFFF40]  }
0x264: {  	[tilespmem:s20+$0xFFFFFEE0] =	vst v9;
	v9 =	vmul.f32 v14, v8;
	v13 =	vld [tilespmem:s20+$0xFFFFFF50]  }
0x265: {  	[tilespmem:s20+$0xFFFFFEF0] =	vst v6;
	v6 =	vmul.f32 v10, v8;
	v10 =	vld [tilespmem:s20+$0xFFFFFF60]  }
0x266: {  	[tilespmem:s20+$0xFFFFFF00] =	vst v9;
	v9 =	vmul.f32 v11, v8;
	v11 =	vld [tilespmem:s20+$0xFFFFFF70]  }
0x267: {  	[tilespmem:s20+$0xFFFFFF10] =	vst v6;
	v6 =	vmul.f32 v12, v8;
	v12 =	vld [tilespmem:s20+$0xFFFFFF80]  }
0x268: {  	[tilespmem:s20+$0xFFFFFF20] =	vst v9;
	v7 =	vmul.f32 v7, v8;
	v9 =	vld [tilespmem:s20+$0xFFFFFF90]  }
0x269: {  	[tilespmem:s20+$0xFFFFFF30] =	vst v6;
	v6 =	vmul.f32 v13, v8;
	v13 =	vld [tilespmem:s20+$0xFFFFFFA0]  }
0x26a: {  	[tilespmem:s20+$0xFFFFFF40] =	vst v7;
	v7 =	vmul.f32 v10, v8;
	v10 =	vld [tilespmem:s20+$0xFFFFFFB0]  }
0x26b: {  	[tilespmem:s20+$0xFFFFFF50] =	vst v6;
	v6 =	vmul.f32 v11, v8;
	v8 =	vld [tilespmem:s20+$0xFFFFFFC0]  }
0x26c: {  	[tilespmem:s20+$0xFFFFFF60] =	vst v7;
	v7 =	vmul.f32 v12, v5;
	v11 =	vld [tilespmem:s20+$0xFFFFFFD0]  }
0x26d: {  	[tilespmem:s20+$0xFFFFFF70] =	vst v6;
	v6 =	vmul.f32 v9, v5;
	v9 =	vld [tilespmem:s20+$0xFFFFFFE0]  }
0x26e: {  	[tilespmem:s20+$0xFFFFFF80] =	vst v7;
	v7 =	vmul.f32 v13, v5;
	v12 =	vld [tilespmem:s20+$0xFFFFFFF0]  }
0x26f: {  	[tilespmem:s20+$0xFFFFFF90] =	vst v6;
	v6 =	vmul.f32 v10, v5;
	v10 =	vld [tilespmem:s20+$0x0]  }
0x270: {  	[tilespmem:s20+$0xFFFFFFA0] =	vst v7;
	v7 =	vmul.f32 v8, v5;
	v8 =	vld [tilespmem:s20+$0x10]  }
0x271: {  	[tilespmem:s20+$0xFFFFFFB0] =	vst v6;
	v6 =	vmul.f32 v11, v5;
	v11 =	vld [tilespmem:s20+$0x20]  }
0x272: {  	[tilespmem:s20+$0xFFFFFFC0] =	vst v7;
	v7 =	vmul.f32 v9, v5;
	v9 =	vld [tilespmem:s20+$0x30]  }
0x273: {  	[tilespmem:s20+$0xFFFFFFD0] =	vst v6;
	v5 =	vmul.f32 v12, v5;
	v6 =	vld [tilespmem:s20+$0x40]  }
0x274: {  	[tilespmem:s20+$0xFFFFFFE0] =	vst v7;
	v7 =	vmul.f32 v10, v4;
	v10 =	vld [tilespmem:s20+$0x50]  }
0x275: {  	[tilespmem:s20+$0xFFFFFFF0] =	vst v5;
	v5 =	vmul.f32 v8, v4;
	v8 =	vld [tilespmem:s20+$0x60]  }
0x276: {  	[tilespmem:s20+$0x0] =	vst v7;
	v7 =	vmul.f32 v11, v4;
	v11 =	vld [tilespmem:s20+$0x70]  }
0x277: {  	[tilespmem:s20+$0x10] =	vst v5;
	v5 =	vmul.f32 v9, v4;
	v9 =	vld [tilespmem:s20+$0x80]  }
0x278: {  	[tilespmem:s20+$0x20] =	vst v7;
	v6 =	vmul.f32 v6, v4;
	v7 =	vld [tilespmem:s20+$0x90]  }
0x279: {  	[tilespmem:s20+$0x30] =	vst v5;
	v5 =	vmul.f32 v10, v4;
	v10 =	vld [tilespmem:s20+$0xA0]  }
0x27a: {  	[tilespmem:s20+$0x40] =	vst v6;
	v6 =	vmul.f32 v8, v4;
	v8 =	vld [tilespmem:s20+$0xB0]  }
0x27b: {  	[tilespmem:s20+$0x50] =	vst v5;
	v4 =	vmul.f32 v11, v4;
	v5 =	vld [tilespmem:s20+$0xC0]  }
0x27c: {  	[tilespmem:s20+$0x60] =	vst v6;
	v6 =	vmul.f32 v9, v3;
	v9 =	vld [tilespmem:s20+$0xD0]  }
0x27d: {  	[tilespmem:s20+$0x70] =	vst v4;
	v4 =	vmul.f32 v7, v3;
	v7 =	vld [tilespmem:s20+$0xE0]  }
0x27e: {  	[tilespmem:s20+$0x80] =	vst v6;
	v6 =	vmul.f32 v10, v3;
	v10 =	vld [tilespmem:s20+$0xF0]  }
0x27f: {  	[tilespmem:s20+$0x90] =	vst v4;
	v4 =	vmul.f32 v8, v3;
	v8 =	vld [tilespmem:s20+$0x100]  }
0x280: {  	[tilespmem:s20+$0xA0] =	vst v6;
	v5 =	vmul.f32 v5, v3;
	v6 =	vld [tilespmem:s20+$0x110]  }
0x281: {  	[tilespmem:s20+$0xB0] =	vst v4;
	v4 =	vmul.f32 v9, v3;
	v9 =	vld [tilespmem:s20+$0x120]  }
0x282: {  	[tilespmem:s20+$0xC0] =	vst v5;
	v5 =	vmul.f32 v7, v3;
	v7 =	vld [tilespmem:s20+$0x130]  }
0x283: {  	[tilespmem:s20+$0xD0] =	vst v4;
	v4 =	vmul.f32 v10, v3;
	v10 =	vld [tilespmem:s20+$0x140]  }
0x284: {  	s7 =	sadd.s32 $0x7, s2;
	v3 =	vmov s2;
	[tilespmem:s20+$0xE0] =	vst v5;
	v5 =	vmul.f32 v8, v2;
	v8 =	vld [tilespmem:s20+$0x150]  }
0x285: {  	s28 =	sadd.s32 $0x1, s2;
	s1 =	sadd.s32 $0x2, s2;
	v11 =	vand.u32 $0xFFFFFFF8, v3;
	v3 =	vmov s7;
	[tilespmem:s20+$0xF0] =	vst v4;
	v4 =	vmul.f32 v6, v2;
	v12 =	vld [tilespmem:s20+$0x160]  }
0x286: {  	v14 =	vmov s1;
	s1 =	sadd.s32 $0x3, s2;
	v13 =	vmov s28;
	s7 =	sadd.s32 $0x4, s2;
	[tilespmem:s20+$0x100] =	vst v5;
	v5 =	vmul.f32 v9, v2;
	v9 =	vld [tilespmem:s20+$0x180]  }
0x287: {  	v15 =	vmov s1;
	s1 =	sadd.s32 $0x5, s2;
	v16 =	vmov s7;
	[tilespmem:s20+$0x110] =	vst v4;
	v7 =	vmul.f32 v7, v2;
	v17 =	vld [tilespmem:s20+$0x190]  }
.Ltmp2:
0x288: {  	v4 =	vbroadcast v11, $0x0;
	v11 =	vmov s1;
	[tilespmem:s20+$0x120] =	vst v5;
	v10 =	vmul.f32 v10, v2;
	v6 =	vld [tilespmem:s20+$0x1A0];
	(pc) =	sbr.rel @p0 .LBB2_7-.Ltmp2, $4  }
0x289: {  	v5 =	vand.u32 $0xFFFFFFF9, v13;
	v13 =	vand.u32 $0xFFFFFFFA, v14;
	[tilespmem:s20+$0x130] =	vst v7;
	v14 =	vmul.f32 v8, v2;
	v7 =	vld [tilespmem:s20+$0x1B0]  }
0x28a: {  	v18 =	vand.u32 $0xFFFFFFFB, v15;
	v5 =	vbroadcast v5, $0x0;
	[tilespmem:s20+$0x140] =	vst v10;
	v19 =	vmul.f32 v12, v2;
	v8 =	vld [tilespmem:s20+$0x1C0]  }
0x28b: {  	v10 =	vbroadcast v13, $0x0;
	v2 =	vand.u32 $0xFFFFFFFC, v16;
	[tilespmem:s20+$0x150] =	vst v14;
	v15 =	vmul.f32 v9, v1;
	v9 =	vld [tilespmem:s20+$0x1D0]  }
0x28c: {  	s28 =	sadd.s32 $0x6, s2;
	s2 =	sadd.s32 $0x8, s2;
	v12 =	vbroadcast v18, $0x0;
	v14 =	vand.u32 $0xFFFFFFFD, v11;
	[tilespmem:s20+$0x160] =	vst v19;
	v13 =	vmul.f32 v17, v1;
	v11 =	vld [tilespmem:s20+$0x1E0]  }
0x28d: {  	_ =	sdelay $0x2  }
0x28e: {  	v16 =	vld [tilespmem:s20+$0x1F0]  }
0x28f: {  	v18 =	vld.idx.msk [tilespmem:v4+s25+$0x0], $0xffff  }
0x290: {  	[tilespmem:s20+$0x180] =	vst v15;
	v15 =	vbroadcast v2, $0x0;
	v2 =	vmov s28;
	v10 =	vld.idx.msk [tilespmem:v10+s25+$0x0], $0xffff  }
0x291: {  	v17 =	vand.u32 $0xFFFFFFFE, v2;
	v2 =	vld.idx.msk [tilespmem:v3+s25+$0x0], $0xffff  }
0x292: {  	s2 =	sadd.s32 $0x400, s20;
	v12 =	vld.idx.msk [tilespmem:v12+s25+$0x0], $0xffff  }
0x293: {  	v14 =	vbroadcast v14, $0x0;
	v6 =	vmul.f32 v6, v1;
	[tilespmem:s20+$0x190] =	vst v13;
	v13 =	vld [tilespmem:s2+$0x170]  }
0x294: {  	v7 =	vmul.f32 v7, v1;
	v3 =	vbroadcast v17, $0x0;
	v17 =	vld.idx.msk [tilespmem:v5+s25+$0x0], $0xffff  }
0x295: {  	[tilespmem:s20+$0x1A0] =	vst v6;
	v6 =	vmul.f32 v8, v1;
	v8 =	vld [tilespmem:s2+$0xFFFFFE00]  }
0x296: {  	[tilespmem:s20+$0x1B0] =	vst v7;
	v7 =	vmul.f32 v9, v1;
	v9 =	vld [tilespmem:s2+$0xFFFFFE10]  }
0x297: {  	[tilespmem:s20+$0x1C0] =	vst v6;
	v6 =	vmul.f32 v11, v1;
	v11 =	vld [tilespmem:s2+$0xFFFFFE20]  }
0x298: {  	[tilespmem:s20+$0x1D0] =	vst v7;
	v7 =	vld [tilespmem:s2+$0xFFFFFE30]  }
0x299: {  	v5 =	vld.idx.msk [tilespmem:v15+s25+$0x0], $0xffff  }
0x29a: {  	v1 =	vmul.f32 v16, v1;
	v4 =	vld.idx.msk [tilespmem:v14+s25+$0x0], $0xffff  }
0x29b: {  	[tilespmem:s20+$0x1E0] =	vst v6;
	v6 =	vld [tilespmem:s2+$0xFFFFFE40]  }
0x29c: {  	[tilespmem:s20+$0x1F0] =	vst v1;
	v1 =	vmul.f32 v8, v18;
	v3 =	vld.idx.msk [tilespmem:v3+s25+$0x0], $0xffff  }
0x29d: {  	v8 =	vld [tilespmem:s2+$0xFFFFFE50];
	v9 =	vmul.f32 v9, v18  }
0x29e: {  	v14 =	vld [tilespmem:s2+$0xFFFFFE60];
	[tilespmem:s2+$0xFFFFFE00] =	vst v1;
	v1 =	vmul.f32 v11, v18  }
0x29f: {  	v11 =	vld [tilespmem:s2+$0xFFFFFE70];
	[tilespmem:s2+$0xFFFFFE10] =	vst v9;
	v7 =	vmul.f32 v7, v18  }
0x2a0: {  	v9 =	vld [tilespmem:s2+$0xFFFFFE80];
	[tilespmem:s2+$0xFFFFFE20] =	vst v1;
	v1 =	vmul.f32 v6, v18  }
0x2a1: {  	v6 =	vld [tilespmem:s2+$0xFFFFFE90];
	[tilespmem:s2+$0xFFFFFE30] =	vst v7;
	v13 =	vmul.f32 v13, v3  }
0x2a2: {  	v7 =	vmul.f32 v8, v18;
	v8 =	vld [tilespmem:s2+$0xFFFFFEA0];
	[tilespmem:s2+$0xFFFFFE40] =	vst v1  }
0x2a3: {  	v1 =	vmul.f32 v14, v18;
	[tilespmem:s2+$0x170] =	vst v13;
	v13 =	vld [tilespmem:s2+$0xFFFFFEB0]  }
0x2a4: {  	[tilespmem:s2+$0xFFFFFE50] =	vst v7;
	v7 =	vmul.f32 v11, v18;
	v11 =	vld [tilespmem:s2+$0xFFFFFEC0]  }
0x2a5: {  	[tilespmem:s2+$0xFFFFFE60] =	vst v1;
	v1 =	vmul.f32 v9, v17;
	v9 =	vld [tilespmem:s2+$0xFFFFFED0]  }
0x2a6: {  	[tilespmem:s2+$0xFFFFFE70] =	vst v7;
	v6 =	vmul.f32 v6, v17;
	v7 =	vld [tilespmem:s2+$0xFFFFFEE0]  }
0x2a7: {  	[tilespmem:s2+$0xFFFFFE80] =	vst v1;
	v1 =	vmul.f32 v8, v17;
	v8 =	vld [tilespmem:s2+$0xFFFFFEF0]  }
0x2a8: {  	[tilespmem:s2+$0xFFFFFE90] =	vst v6;
	v6 =	vmul.f32 v13, v17;
	v13 =	vld [tilespmem:s2+$0xFFFFFF00]  }
0x2a9: {  	[tilespmem:s2+$0xFFFFFEA0] =	vst v1;
	v1 =	vmul.f32 v11, v17;
	v11 =	vld [tilespmem:s2+$0xFFFFFF10]  }
0x2aa: {  	[tilespmem:s2+$0xFFFFFEB0] =	vst v6;
	v6 =	vmul.f32 v9, v17;
	v9 =	vld [tilespmem:s2+$0xFFFFFF20]  }
0x2ab: {  	[tilespmem:s2+$0xFFFFFEC0] =	vst v1;
	v1 =	vmul.f32 v7, v17;
	v7 =	vld [tilespmem:s2+$0xFFFFFF30]  }
0x2ac: {  	[tilespmem:s2+$0xFFFFFED0] =	vst v6;
	v6 =	vmul.f32 v8, v17;
	v8 =	vld [tilespmem:s2+$0xFFFFFF40]  }
0x2ad: {  	[tilespmem:s2+$0xFFFFFEE0] =	vst v1;
	v1 =	vmul.f32 v13, v10;
	v13 =	vld [tilespmem:s2+$0xFFFFFF50]  }
0x2ae: {  	[tilespmem:s2+$0xFFFFFEF0] =	vst v6;
	v6 =	vmul.f32 v11, v10;
	v11 =	vld [tilespmem:s2+$0xFFFFFF60]  }
0x2af: {  	[tilespmem:s2+$0xFFFFFF00] =	vst v1;
	v1 =	vmul.f32 v9, v10;
	v9 =	vld [tilespmem:s2+$0xFFFFFF70]  }
0x2b0: {  	[tilespmem:s2+$0xFFFFFF10] =	vst v6;
	v6 =	vmul.f32 v7, v10;
	v7 =	vld [tilespmem:s2+$0xFFFFFF80]  }
0x2b1: {  	[tilespmem:s2+$0xFFFFFF20] =	vst v1;
	v1 =	vmul.f32 v8, v10;
	v8 =	vld [tilespmem:s2+$0xFFFFFF90]  }
0x2b2: {  	[tilespmem:s2+$0xFFFFFF30] =	vst v6;
	v6 =	vmul.f32 v13, v10;
	v13 =	vld [tilespmem:s2+$0xFFFFFFA0]  }
0x2b3: {  	[tilespmem:s2+$0xFFFFFF40] =	vst v1;
	v1 =	vmul.f32 v11, v10;
	v11 =	vld [tilespmem:s2+$0xFFFFFFB0]  }
0x2b4: {  	[tilespmem:s2+$0xFFFFFF50] =	vst v6;
	v6 =	vmul.f32 v9, v10;
	v9 =	vld [tilespmem:s2+$0xFFFFFFC0]  }
0x2b5: {  	[tilespmem:s2+$0xFFFFFF60] =	vst v1;
	v1 =	vmul.f32 v7, v12;
	v7 =	vld [tilespmem:s2+$0xFFFFFFD0]  }
0x2b6: {  	[tilespmem:s2+$0xFFFFFF70] =	vst v6;
	v6 =	vmul.f32 v8, v12;
	v8 =	vld [tilespmem:s2+$0xFFFFFFE0]  }
0x2b7: {  	v10 =	vld [tilespmem:s2+$0xFFFFFFF0];
	[tilespmem:s2+$0xFFFFFF80] =	vst v1;
	v1 =	vmul.f32 v13, v12  }
0x2b8: {  	[tilespmem:s2+$0xFFFFFF90] =	vst v6;
	v6 =	vmul.f32 v11, v12;
	v11 =	vld [tilespmem:s2+$0x0]  }
0x2b9: {  	[tilespmem:s2+$0xFFFFFFA0] =	vst v1;
	v1 =	vmul.f32 v9, v12;
	v9 =	vld [tilespmem:s2+$0x10]  }
0x2ba: {  	[tilespmem:s2+$0xFFFFFFB0] =	vst v6;
	v6 =	vmul.f32 v7, v12;
	v7 =	vld [tilespmem:s2+$0x20]  }
0x2bb: {  	[tilespmem:s2+$0xFFFFFFC0] =	vst v1;
	v1 =	vmul.f32 v8, v12;
	v8 =	vld [tilespmem:s2+$0x30]  }
0x2bc: {  	[tilespmem:s2+$0xFFFFFFD0] =	vst v6;
	v6 =	vmul.f32 v10, v12;
	v10 =	vld [tilespmem:s2+$0x40]  }
0x2bd: {  	[tilespmem:s2+$0xFFFFFFE0] =	vst v1;
	v1 =	vmul.f32 v11, v5;
	v11 =	vld [tilespmem:s2+$0x50]  }
0x2be: {  	[tilespmem:s2+$0xFFFFFFF0] =	vst v6;
	v6 =	vmul.f32 v9, v5;
	v9 =	vld [tilespmem:s2+$0x60]  }
0x2bf: {  	[tilespmem:s2+$0x0] =	vst v1;
	v1 =	vmul.f32 v7, v5;
	v7 =	vld [tilespmem:s2+$0x70]  }
0x2c0: {  	[tilespmem:s2+$0x10] =	vst v6;
	v6 =	vmul.f32 v8, v5;
	v8 =	vld [tilespmem:s2+$0x80]  }
0x2c1: {  	[tilespmem:s2+$0x20] =	vst v1;
	v1 =	vmul.f32 v10, v5;
	v10 =	vld [tilespmem:s2+$0x90]  }
0x2c2: {  	[tilespmem:s2+$0x30] =	vst v6;
	v6 =	vmul.f32 v11, v5;
	v11 =	vld [tilespmem:s2+$0xA0]  }
0x2c3: {  	[tilespmem:s2+$0x40] =	vst v1;
	v1 =	vmul.f32 v9, v5;
	v9 =	vld [tilespmem:s2+$0xB0]  }
0x2c4: {  	[tilespmem:s2+$0x50] =	vst v6;
	v5 =	vmul.f32 v7, v5;
	v6 =	vld [tilespmem:s2+$0xC0]  }
0x2c5: {  	v7 =	vld [tilespmem:s2+$0xD0];
	[tilespmem:s2+$0x60] =	vst v1;
	v1 =	vmul.f32 v8, v4  }
0x2c6: {  	v8 =	vld [tilespmem:s2+$0xE0];
	[tilespmem:s2+$0x70] =	vst v5;
	v5 =	vmul.f32 v10, v4  }
0x2c7: {  	v10 =	vld [tilespmem:s2+$0xF0];
	[tilespmem:s2+$0x80] =	vst v1;
	v1 =	vmul.f32 v11, v4  }
0x2c8: {  	[tilespmem:s2+$0x90] =	vst v5;
	v5 =	vmul.f32 v9, v4;
	v9 =	vld [tilespmem:s2+$0x100]  }
0x2c9: {  	[tilespmem:s2+$0xA0] =	vst v1;
	v1 =	vmul.f32 v6, v4;
	v6 =	vld [tilespmem:s2+$0x110]  }
0x2ca: {  	[tilespmem:s2+$0xB0] =	vst v5;
	v5 =	vmul.f32 v7, v4;
	v7 =	vld [tilespmem:s2+$0x120]  }
0x2cb: {  	[tilespmem:s2+$0xC0] =	vst v1;
	v1 =	vmul.f32 v8, v4;
	v8 =	vld [tilespmem:s2+$0x130]  }
0x2cc: {  	v4 =	vmul.f32 v10, v4;
	[tilespmem:s2+$0xD0] =	vst v5;
	v5 =	vld [tilespmem:s2+$0x140]  }
0x2cd: {  	[tilespmem:s2+$0xE0] =	vst v1;
	v1 =	vmul.f32 v9, v3;
	v9 =	vld [tilespmem:s2+$0x150]  }
0x2ce: {  	[tilespmem:s2+$0xF0] =	vst v4;
	v4 =	vmul.f32 v6, v3;
	v6 =	vld [tilespmem:s2+$0x160]  }
0x2cf: {  	[tilespmem:s2+$0x100] =	vst v1;
	v1 =	vmul.f32 v7, v3;
	v7 =	vld [tilespmem:s2+$0x180]  }
0x2d0: {  	[tilespmem:s2+$0x110] =	vst v4;
	v4 =	vmul.f32 v8, v3;
	v8 =	vld [tilespmem:s2+$0x190]  }
0x2d1: {  	[tilespmem:s2+$0x120] =	vst v1;
	v1 =	vmul.f32 v5, v3;
	v5 =	vld [tilespmem:s2+$0x1A0]  }
0x2d2: {  	[tilespmem:s2+$0x130] =	vst v4;
	v4 =	vmul.f32 v9, v3;
	v9 =	vld [tilespmem:s2+$0x1B0]  }
0x2d3: {  	[tilespmem:s2+$0x140] =	vst v1;
	v1 =	vmul.f32 v6, v3;
	v3 =	vld [tilespmem:s2+$0x1C0]  }
0x2d4: {  	v6 =	vld [tilespmem:s2+$0x1D0];
	[tilespmem:s2+$0x150] =	vst v4;
	v4 =	vmul.f32 v7, v2  }
0x2d5: {  	v7 =	vld [tilespmem:s2+$0x1E0];
	[tilespmem:s2+$0x160] =	vst v1;
	v1 =	vmul.f32 v8, v2  }
0x2d6: {  	[tilespmem:s2+$0x180] =	vst v4;
	v4 =	vmul.f32 v5, v2;
	v5 =	vld [tilespmem:s2+$0x1F0]  }
0x2d7: {  	[tilespmem:s2+$0x190] =	vst v1;
	v1 =	vmul.f32 v9, v2  }
0x2d8: {  	[tilespmem:s2+$0x1A0] =	vst v4;
	v3 =	vmul.f32 v3, v2  }
0x2d9: {  	[tilespmem:s2+$0x1B0] =	vst v1;
	v1 =	vmul.f32 v6, v2  }
0x2da: {  	[tilespmem:s2+$0x1C0] =	vst v3;
	v3 =	vmul.f32 v7, v2  }
0x2db: {  	[tilespmem:s2+$0x1D0] =	vst v1;
	v1 =	vmul.f32 v5, v2  }
0x2dc: {  	[tilespmem:s2+$0x1E0] =	vst v3  }
0x2dd: {  	s1 =	simm.s32 $0x5380;
	s20 =	smul.u32 $0xA0, s8;
	[tilespmem:s2+$0x1F0] =	vst v1  }
0x2de: {  	[spmem:s3] =	stream.indirect.scatter.add.f32 [tilespmem:s26], [sflag:$0x8], $0x80, s1, s14, $0xb8;
	[tilespmem:$0x1E680] =	vst v63  }
0x2df: {  	s7 =	rddreg [dreg:$0x13]  }
0x2e0: {  	s1 =	sadd.s32 s20, s7  }
0x2e1: {  	s1 =	sshrl.u32 s1, $0x3  }
0x2e2: {  	s22 =	smov.u32 s21;
	s1 =	sadd.s32 s21, s1;
	s21 =	simm.s32 $0x0  }
0x2e3: {  	[tilespmem:s17], [sflag:$0x4] =	stream.linear.gather [hbm4b:s1+s21], $0x50, $0x38;
	[tilespmem:$0x1E680] =	vst v63  }
0x2e4: {  	s1 =	sadd.s32 $0x9C40, s1  }
0x2e5: {  	[tilespmem:s18], [sflag:$0x4] =	stream.linear.gather [hbm4b:s1+s21], $0x50, $0x38;
	[tilespmem:$0x1E680] =	vst v63  }
0x2e6: {  	_ =	swait.ge [sflag:s19], $0x2800  }
0x2e7: {  	[sflag:s19] =	ssyncset.done $0x0  }
0x2e8: {  	[sflag:s19] =	ssyncadd.s32 $0xFFFFD800  }
0x2e9: {  	_ =	swait.ge [sflag:s23], $0x50  }
0x2ea: {  	[sflag:s23] =	ssyncset.done $0x0  }
0x2eb: {  	[sflag:s23] =	ssyncadd.s32 $0xFFFFFFB0  }
0x2ec: {  	_ =	swait.ge [sflag:s24], $0x50  }
0x2ed: {  	[sflag:s24] =	ssyncset.done $0x0  }
0x2ee: {  	[sflag:s24] =	ssyncadd.s32 $0xFFFFFFB0  }
0x2ef: {  	_ =	swait.ge [sflag:s24], $0x50  }
0x2f0: {  	[sflag:s24] =	ssyncset.done $0x0  }
0x2f1: {  	[sflag:s24] =	ssyncadd.s32 $0xFFFFFFB0  }
0x2f2: {  	_ =	swait.ge [sflag:s0], $0x2800  }
0x2f3: {  	[sflag:s0] =	ssyncset.done $0x0  }
0x2f4: {  	[sflag:s0] =	ssyncadd.s32 $0xFFFFD800  }
0x2f5: {  	v1 =	vld [tilespmem:$0x5080]  }
0x2f6: {  	v2 =	vld [tilespmem:$0x5180]  }
0x2f7: {  	v3 =	vld [tilespmem:$0x5090]  }
0x2f8: {  	v4 =	vld [tilespmem:$0x5190]  }
0x2f9: {  	v5 =	vld [tilespmem:$0x50A0]  }
0x2fa: {  	v6 =	vld [tilespmem:$0x51A0]  }
0x2fb: {  	v7 =	vld [tilespmem:$0x50B0]  }
0x2fc: {  	v8 =	vld [tilespmem:$0x51B0]  }
0x2fd: {  	v9 =	vld [tilespmem:$0x50C0]  }
0x2fe: {  	v10 =	vld [tilespmem:$0x51C0];
	[tilespmem:$0x5380] =	vst v2  }
0x2ff: {  	v1 =	vld.idx.msk [tilespmem:v1+s21+$0x0], $0xffff  }
0x300: {  	[tilespmem:$0x5390] =	vst v4;
	v2 =	vld.idx.msk [tilespmem:v2+s9+$0x0], $0xffff  }
0x301: {  	v3 =	vld.idx.msk [tilespmem:v3+s21+$0x0], $0xffff  }
0x302: {  	[tilespmem:$0x53A0] =	vst v6;
	v4 =	vld.idx.msk [tilespmem:v4+s9+$0x0], $0xffff  }
0x303: {  	v5 =	vld.idx.msk [tilespmem:v5+s21+$0x0], $0xffff  }
0x304: {  	[tilespmem:$0x53C0] =	vst v10;
	v6 =	vld.idx.msk [tilespmem:v6+s9+$0x0], $0xffff  }
0x305: {  	[tilespmem:$0x53B0] =	vst v8;
	v9 =	vld.idx.msk [tilespmem:v9+s21+$0x0], $0xffff;
	v1 =	vadd.f32 v2, v1  }
0x306: {  	v2 =	vld.idx.msk [tilespmem:v7+s21+$0x0], $0xffff  }
0x307: {  	v7 =	vld.idx.msk [tilespmem:v8+s9+$0x0], $0xffff;
	v8 =	vmul.f32 $2.000000030e-01, v1  }
0x308: {  	v10 =	vld.idx.msk [tilespmem:v10+s9+$0x0], $0xffff;
	vm0 =	vge.f32 v1, $0.0e+00  }
0x309: {  	v3 =	vadd.f32 v4, v3;
	v1 =	vsel vm0, v1, v8  }
0x30a: {  	v1 =	vmul.f32 $1.442695020e+00, v1  }
0x30b: {  	v5 =	vadd.f32 v6, v5;
	v4 =	vmul.f32 $2.000000030e-01, v3  }
0x30c: {  	vm12 =	vge.f32 v3, $0.0e+00;
	(erf) = vpow2.f32 v1;
	v1 =	vadd.f32 v7, v2  }
0x30d: {  	v2 =	vsel vm12, v3, v4;
	v3 =	vmul.f32 $2.000000030e-01, v5;
	v4 =	vadd.f32 v10, v9  }
0x30e: {  	vm13 =	vge.f32 v5, $0.0e+00;
	v2 =	vmul.f32 $1.442695020e+00, v2;
	v6 =	vmul.f32 $2.000000030e-01, v1  }
0x30f: {  	v3 =	vsel vm13, v5, v3;
	vm14 =	vge.f32 v1, $0.0e+00;
	v5 =	vmul.f32 $2.000000030e-01, v4  }
0x310: {  	vm15 =	vge.f32 v4, $0.0e+00;
	v3 =	vmul.f32 $1.442695020e+00, v3;
	v1 =	vsel vm14, v1, v6  }
0x311: {  	(erf) = vpow2.f32 v2;
	v2 =	vsel vm15, v4, v5;
	v1 =	vmul.f32 $1.442695020e+00, v1  }
0x312: {  	(erf) = vpow2.f32 v3;
	v2 =	vmul.f32 $1.442695020e+00, v2  }
0x313: {  	(erf) = vpow2.f32 v1  }
0x314: {  	(erf) = vpow2.f32 v2;
	_ =	sdelay $0x4  }
0x315: {  	v1 =	vpop (erf)  }
0x316: {  	s2 =	simm.s32 $0x6;
	[tilespmem:$0x5280] =	vst v1;
	v1 =	vmov s21;
	v2 =	vpop (erf)  }
0x317: {  	v1 =	vand.u32 $0xFFFFFFF8, v1;
	[tilespmem:$0x5290] =	vst v2;
	v2 =	vmov s2;
	v3 =	vpop (erf)  }
0x318: {  	v1 =	vbroadcast v1, $0x0;
	v2 =	vand.u32 $0xFFFFFFFE, v2;
	[tilespmem:$0x52A0] =	vst v3;
	v4 =	vpop (erf)  }
0x319: {  	v2 =	vbroadcast v2, $0x0;
	[tilespmem:$0x52B0] =	vst v4;
	v3 =	vpop (erf)  }
0x31a: {  	[tilespmem:$0x52C0] =	vst v3  }
0x31b: {  	[spmem:s4] =	stream.indirect.scatter.add.f32 [tilespmem:s25], [sflag:$0x6], $0x1, s18, s14, $0xb8;
	[tilespmem:$0x1E680] =	vst v63  }
0x31c: {  	_ = 	snop  }
0x31d: {  	[tilespmem:s26], [sflag:$0x2] =	stream.indirect.gather [hbm4b:s6+s14], $0x80, s17, s14, $0xb8;
	[tilespmem:$0x1E680] =	vst v63  }
0x31e: {  	v1 =	vld.idx.msk [tilespmem:v1+s15+$0x0], $0xffff  }
0x31f: {  	s2 =	simm.s32 $0x5600;
	v2 =	vld.idx.msk [tilespmem:v2+s15+$0x0], $0xffff  }
0x320: {  	v4 =	vld [tilespmem:s2+$0x170]  }
0x321: {  	v5 =	vld [tilespmem:s2+$0xFFFFFE00]  }
0x322: {  	v6 =	vld [tilespmem:s2+$0xFFFFFE10]  }
0x323: {  	v7 =	vld [tilespmem:s2+$0xFFFFFE20]  }
0x324: {  	s7 =	simm.s32 $0x1;
	v8 =	vld [tilespmem:s2+$0xFFFFFE30]  }
0x325: {  	v3 =	vmov s7;
	v9 =	vld [tilespmem:s2+$0xFFFFFE40]  }
0x326: {  	v3 =	vand.u32 $0xFFFFFFF9, v3;
	v10 =	vld [tilespmem:s2+$0xFFFFFE50]  }
0x327: {  	v3 =	vbroadcast v3, $0x0;
	v11 =	vld [tilespmem:s2+$0xFFFFFE60]  }
0x328: {  	v12 =	vld [tilespmem:s2+$0xFFFFFE70]  }
0x329: {  	v13 =	vld [tilespmem:s2+$0xFFFFFE80]  }
0x32a: {  	v14 =	vld [tilespmem:s2+$0xFFFFFE90];
	v5 =	vmul.f32 v5, v1  }
0x32b: {  	v15 =	vld [tilespmem:s2+$0xFFFFFEA0];
	v4 =	vmul.f32 v4, v2  }
0x32c: {  	v16 =	vld [tilespmem:s2+$0xFFFFFEB0];
	v6 =	vmul.f32 v6, v1;
	[tilespmem:s2+$0xFFFFFE00] =	vst v5  }
0x32d: {  	s21 =	simm.s32 $0x2;
	v3 =	vld.idx.msk [tilespmem:v3+s15+$0x0], $0xffff;
	v8 =	vmul.f32 v8, v1;
	[tilespmem:s2+$0x170] =	vst v4  }
0x32e: {  	v9 =	vmul.f32 v9, v1;
	v5 =	vmov s21;
	v4 =	vmul.f32 v7, v1;
	v7 =	vld [tilespmem:s2+$0xFFFFFEC0];
	[tilespmem:s2+$0xFFFFFE10] =	vst v6  }
0x32f: {  	[tilespmem:s2+$0xFFFFFE30] =	vst v8;
	v8 =	vmul.f32 v10, v1;
	v10 =	vld [tilespmem:s2+$0xFFFFFEF0];
	v5 =	vand.u32 $0xFFFFFFFA, v5  }
0x330: {  	[tilespmem:s2+$0xFFFFFE40] =	vst v9;
	v9 =	vmul.f32 v11, v1;
	v11 =	vld [tilespmem:s2+$0xFFFFFF00];
	v5 =	vbroadcast v5, $0x0  }
0x331: {  	v1 =	vmul.f32 v12, v1;
	v12 =	vld [tilespmem:s2+$0xFFFFFF20];
	[tilespmem:s2+$0xFFFFFE20] =	vst v4  }
0x332: {  	v6 =	vmul.f32 v13, v3;
	v13 =	vld [tilespmem:s2+$0xFFFFFED0];
	[tilespmem:s2+$0xFFFFFE50] =	vst v8  }
0x333: {  	s7 =	simm.s32 $0x3;
	v4 =	vld [tilespmem:s2+$0xFFFFFEE0];
	[tilespmem:s2+$0xFFFFFE60] =	vst v9  }
0x334: {  	v8 =	vld [tilespmem:s2+$0xFFFFFF10];
	v9 =	vmul.f32 v14, v3;
	[tilespmem:s2+$0xFFFFFE80] =	vst v6;
	v6 =	vmov s7  }
0x335: {  	[tilespmem:s2+$0xFFFFFE70] =	vst v1;
	v1 =	vmul.f32 v15, v3;
	v14 =	vld [tilespmem:s2+$0xFFFFFF30];
	v6 =	vand.u32 $0xFFFFFFFB, v6  }
0x336: {  	[tilespmem:s2+$0xFFFFFE90] =	vst v9;
	v9 =	vmul.f32 v16, v3;
	v6 =	vbroadcast v6, $0x0;
	v5 =	vld.idx.msk [tilespmem:v5+s15+$0x0], $0xffff  }
0x337: {  	v15 =	vld [tilespmem:s2+$0xFFFFFF40];
	[tilespmem:s2+$0xFFFFFEA0] =	vst v1;
	v7 =	vmul.f32 v7, v3  }
0x338: {  	[tilespmem:s2+$0xFFFFFEB0] =	vst v9;
	v9 =	vld [tilespmem:s2+$0xFFFFFF60];
	v13 =	vmul.f32 v13, v3  }
0x339: {  	[tilespmem:s2+$0xFFFFFEC0] =	vst v7;
	v4 =	vmul.f32 v4, v3;
	v7 =	vld [tilespmem:s2+$0xFFFFFF70]  }
0x33a: {  	v3 =	vmul.f32 v10, v3;
	v10 =	vld [tilespmem:s2+$0xFFFFFF80];
	[tilespmem:s2+$0xFFFFFED0] =	vst v13  }
0x33b: {  	[tilespmem:s2+$0xFFFFFEE0] =	vst v4;
	v13 =	vld [tilespmem:s2+$0xFFFFFFB0];
	v1 =	vmul.f32 v11, v5  }
0x33c: {  	[tilespmem:s2+$0xFFFFFEF0] =	vst v3;
	v6 =	vld.idx.msk [tilespmem:v6+s15+$0x0], $0xffff;
	v4 =	vmul.f32 v8, v5  }
0x33d: {  	s21 =	simm.s32 $0x4;
	v11 =	vld [tilespmem:s2+$0xFFFFFF50];
	v3 =	vmul.f32 v12, v5;
	[tilespmem:s2+$0xFFFFFF00] =	vst v1  }
0x33e: {  	v8 =	vld [tilespmem:s2+$0xFFFFFF90];
	v9 =	vmul.f32 v9, v5;
	v1 =	vmov s21;
	[tilespmem:s2+$0xFFFFFF10] =	vst v4  }
0x33f: {  	v12 =	vld [tilespmem:s2+$0xFFFFFFA0];
	v4 =	vmul.f32 v14, v5;
	[tilespmem:s2+$0xFFFFFF20] =	vst v3;
	v1 =	vand.u32 $0xFFFFFFFC, v1  }
0x340: {  	v3 =	vmul.f32 v15, v5;
	v14 =	vld [tilespmem:s2+$0xFFFFFFC0];
	[tilespmem:s2+$0xFFFFFF60] =	vst v9;
	v1 =	vbroadcast v1, $0x0  }
0x341: {  	v9 =	vld [tilespmem:s2+$0x0];
	[tilespmem:s2+$0xFFFFFF30] =	vst v4;
	v4 =	vmul.f32 v10, v6  }
0x342: {  	s7 =	simm.s32 $0x5;
	v10 =	vld [tilespmem:s2+$0xFFFFFFD0];
	[tilespmem:s2+$0xFFFFFF40] =	vst v3;
	v11 =	vmul.f32 v11, v5  }
0x343: {  	v3 =	vld [tilespmem:s2+$0xFFFFFFE0];
	v5 =	vmul.f32 v7, v5;
	[tilespmem:s2+$0xFFFFFF80] =	vst v4;
	v4 =	vmov s7  }
0x344: {  	v7 =	vld [tilespmem:s2+$0xFFFFFFF0];
	v8 =	vmul.f32 v8, v6;
	[tilespmem:s2+$0xFFFFFF50] =	vst v11;
	v4 =	vand.u32 $0xFFFFFFFD, v4  }
0x345: {  	[tilespmem:s2+$0xFFFFFF70] =	vst v5;
	v5 =	vmul.f32 v12, v6;
	v11 =	vld [tilespmem:s2+$0x10];
	v4 =	vbroadcast v4, $0x0  }
0x346: {  	[tilespmem:s2+$0xFFFFFF90] =	vst v8;
	v8 =	vmul.f32 v13, v6;
	v1 =	vld.idx.msk [tilespmem:v1+s15+$0x0], $0xffff  }
0x347: {  	v12 =	vld [tilespmem:s2+$0x20];
	[tilespmem:s2+$0xFFFFFFA0] =	vst v5;
	v5 =	vmul.f32 v14, v6  }
0x348: {  	v13 =	vld [tilespmem:s2+$0x30];
	[tilespmem:s2+$0xFFFFFFB0] =	vst v8;
	v8 =	vmul.f32 v10, v6  }
0x349: {  	v10 =	vld [tilespmem:s2+$0x40];
	v3 =	vmul.f32 v3, v6;
	[tilespmem:s2+$0xFFFFFFC0] =	vst v5  }
0x34a: {  	v6 =	vmul.f32 v7, v6;
	[tilespmem:s2+$0xFFFFFFD0] =	vst v8;
	v8 =	vld [tilespmem:s2+$0x60]  }
0x34b: {  	[tilespmem:s2+$0xFFFFFFE0] =	vst v3;
	v4 =	vld.idx.msk [tilespmem:v4+s15+$0x0], $0xffff;
	v5 =	vmul.f32 v9, v1  }
0x34c: {  	[tilespmem:s2+$0xFFFFFFF0] =	vst v6;
	v9 =	vld [tilespmem:s2+$0x50];
	v6 =	vmul.f32 v12, v1  }
0x34d: {  	v3 =	vmul.f32 v11, v1;
	v11 =	vld [tilespmem:s2+$0x90];
	[tilespmem:s2+$0x0] =	vst v5  }
0x34e: {  	v7 =	vld [tilespmem:s2+$0x80];
	[tilespmem:s2+$0x20] =	vst v6;
	v6 =	vmul.f32 v10, v1  }
0x34f: {  	v5 =	vld [tilespmem:s2+$0x70];
	[tilespmem:s2+$0x10] =	vst v3;
	v3 =	vmul.f32 v13, v1  }
0x350: {  	v10 =	vld [tilespmem:s2+$0xA0];
	[tilespmem:s2+$0x40] =	vst v6;
	v6 =	vmul.f32 v8, v1  }
0x351: {  	[tilespmem:s2+$0x30] =	vst v3;
	v8 =	vld [tilespmem:s2+$0xC0];
	v3 =	vmul.f32 v9, v1  }
0x352: {  	v9 =	vld [tilespmem:s2+$0xB0];
	v11 =	vmul.f32 v11, v4;
	[tilespmem:s2+$0x60] =	vst v6  }
0x353: {  	v6 =	vld [tilespmem:s2+$0xE0];
	[tilespmem:s2+$0x50] =	vst v3;
	v3 =	vmul.f32 v7, v4  }
0x354: {  	v7 =	vld [tilespmem:s2+$0xD0];
	v5 =	vmul.f32 v5, v1;
	[tilespmem:s2+$0x90] =	vst v11  }
0x355: {  	v11 =	vld [tilespmem:s2+$0x150];
	[tilespmem:s2+$0x80] =	vst v3  }
0x356: {  	[tilespmem:s2+$0x70] =	vst v5;
	v3 =	vmul.f32 v10, v4;
	v5 =	vld [tilespmem:s2+$0xF0]  }
0x357: {  	v10 =	vld [tilespmem:s2+$0x100];
	v9 =	vmul.f32 v9, v4  }
0x358: {  	s21 =	simm.s32 $0x7;
	[tilespmem:s2+$0xA0] =	vst v3;
	v3 =	vmul.f32 v8, v4;
	v8 =	vld [tilespmem:s2+$0x110]  }
0x359: {  	v14 =	vld [tilespmem:s2+$0x180];
	v12 =	vmov s21;
	[tilespmem:s2+$0xB0] =	vst v9;
	v7 =	vmul.f32 v7, v4  }
0x35a: {  	v9 =	vld [tilespmem:s2+$0x120];
	v11 =	vmul.f32 v11, v2;
	[tilespmem:s2+$0xC0] =	vst v3  }
0x35b: {  	s28 =	simm.s32 $0xA;
	v3 =	vmul.f32 v6, v4;
	v6 =	vld [tilespmem:s2+$0x130];
	[tilespmem:s2+$0xD0] =	vst v7;
	v4 =	vmul.f32 v5, v4  }
0x35c: {  	s7 =	simm.s32 $0x8;
	v13 =	vmov s28;
	v5 =	vld [tilespmem:s2+$0x140];
	[tilespmem:s2+$0x150] =	vst v11  }
0x35d: {  	s21 =	simm.s32 $0xF;
	v7 =	vmov s7;
	v10 =	vmul.f32 v10, v2;
	s7 =	simm.s32 $0x9;
	[tilespmem:s2+$0xF0] =	vst v4;
	v4 =	vmul.f32 v8, v2;
	v8 =	vld [tilespmem:s2+$0x160]  }
0x35e: {  	v1 =	vld.idx.msk [tilespmem:v12+s15+$0x0], $0xffff;
	[tilespmem:s2+$0xE0] =	vst v3;
	v7 =	vand.u32 $0xFFFFFFF8, v7;
	v3 =	vmov s21;
	v12 =	vmov s7;
	s7 =	simm.s32 $0xB;
	s21 =	simm.s32 $0xC  }
0x35f: {  	v17 =	vld [tilespmem:s2+$0x190];
	[tilespmem:s2+$0x100] =	vst v10;
	v10 =	vmov s7;
	v15 =	vmov s21;
	s21 =	simm.s32 $0xD;
	v9 =	vmul.f32 v9, v2  }
0x360: {  	v63 =	vmov s21;
	[tilespmem:s2+$0x110] =	vst v4;
	v16 =	vmul.f32 v6, v2;
	v4 =	vbroadcast v7, $0x0;
	v6 =	vld [tilespmem:s2+$0x1A0]  }
0x361: {  	v7 =	vld [tilespmem:s2+$0x1B0];
	[tilespmem:s2+$0x120] =	vst v9;
	v9 =	vmul.f32 v5, v2;
	v5 =	vand.u32 $0xFFFFFFF9, v12;
	v12 =	vand.u32 $0xFFFFFFFA, v13  }
0x362: {  	v13 =	vand.u32 $0xFFFFFFFB, v10;
	[tilespmem:s2+$0x130] =	vst v16;
	v5 =	vbroadcast v5, $0x0;
	v16 =	vmul.f32 v8, v2;
	v8 =	vld [tilespmem:s2+$0x1C0]  }
0x363: {  	v10 =	vbroadcast v12, $0x0;
	[tilespmem:s2+$0x140] =	vst v9;
	v2 =	vand.u32 $0xFFFFFFFC, v15;
	v15 =	vmul.f32 v14, v1;
	v9 =	vld [tilespmem:s2+$0x1D0]  }
0x364: {  	s28 =	simm.s32 $0x10;
	v11 =	vld [tilespmem:s2+$0x1E0];
	s7 =	simm.s32 $0xE;
	v12 =	vbroadcast v13, $0x0;
	v13 =	vmul.f32 v17, v1;
	v14 =	vand.u32 $0xFFFFFFFD, v63;
	[tilespmem:s2+$0x160] =	vst v16  }
.LBB2_9:
0x365: {  	p0 =	slt.u32 s28, $0x48;
	v2 =	vbroadcast v2, $0x0;
	v16 =	vmov s7;
	[tilespmem:s2+$0x180] =	vst v15;
	v6 =	vmul.f32 v6, v1;
	v15 =	vld [tilespmem:s2+$0x1F0]  }
0x366: {  	v14 =	vbroadcast v14, $0x0;
	v16 =	vand.u32 $0xFFFFFFFE, v16;
	v17 =	vld.idx.msk [tilespmem:v3+s15+$0x0], $0xffff;
	[tilespmem:s2+$0x190] =	vst v13;
	v3 =	vmul.f32 v7, v1  }
0x367: {  	v7 =	vld.idx.msk [tilespmem:v4+s15+$0x0], $0xffff;
	v13 =	vbroadcast v16, $0x0;
	[tilespmem:s2+$0x1A0] =	vst v6;
	v4 =	vmul.f32 v8, v1  }
0x368: {  	v6 =	vld.idx.msk [tilespmem:v5+s15+$0x0], $0xffff;
	[tilespmem:s2+$0x1B0] =	vst v3;
	v3 =	vmul.f32 v9, v1  }
0x369: {  	v8 =	vld.idx.msk [tilespmem:v10+s15+$0x0], $0xffff;
	[tilespmem:s2+$0x1C0] =	vst v4;
	v9 =	vmul.f32 v11, v1  }
0x36a: {  	v5 =	vld.idx.msk [tilespmem:v12+s15+$0x0], $0xffff;
	[tilespmem:s2+$0x1D0] =	vst v3;
	v10 =	vmul.f32 v15, v1  }
0x36b: {  	v4 =	vld.idx.msk [tilespmem:v2+s15+$0x0], $0xffff;
	[tilespmem:s2+$0x1E0] =	vst v9  }
0x36c: {  	v1 =	vmov v17;
	v3 =	vld.idx.msk [tilespmem:v14+s15+$0x0], $0xffff;
	[tilespmem:s2+$0x1F0] =	vst v10  }
0x36d: {  	s2 =	sadd.s32 $0x400, s2;
	v2 =	vld.idx.msk [tilespmem:v13+s15+$0x0], $0xffff  }
0x36e: {  	v9 =	vld [tilespmem:s2+$0x170]  }
0x36f: {  	v10 =	vld [tilespmem:s2+$0xFFFFFE00]  }
0x370: {  	v11 =	vld [tilespmem:s2+$0xFFFFFE10]  }
0x371: {  	v12 =	vld [tilespmem:s2+$0xFFFFFE20]  }
0x372: {  	v13 =	vld [tilespmem:s2+$0xFFFFFE30]  }
0x373: {  	v14 =	vld [tilespmem:s2+$0xFFFFFE40];
	v9 =	vmul.f32 v9, v2  }
0x374: {  	v10 =	vmul.f32 v10, v7;
	v15 =	vld [tilespmem:s2+$0xFFFFFE50]  }
0x375: {  	v11 =	vmul.f32 v11, v7;
	v16 =	vld [tilespmem:s2+$0xFFFFFE60];
	[tilespmem:s2+$0x170] =	vst v9  }
0x376: {  	[tilespmem:s2+$0xFFFFFE00] =	vst v10;
	v9 =	vmul.f32 v12, v7;
	v10 =	vld [tilespmem:s2+$0xFFFFFE70]  }
0x377: {  	[tilespmem:s2+$0xFFFFFE10] =	vst v11;
	v11 =	vmul.f32 v13, v7;
	v12 =	vld [tilespmem:s2+$0xFFFFFE80]  }
0x378: {  	[tilespmem:s2+$0xFFFFFE20] =	vst v9;
	v9 =	vmul.f32 v14, v7;
	v13 =	vld [tilespmem:s2+$0xFFFFFE90]  }
0x379: {  	[tilespmem:s2+$0xFFFFFE30] =	vst v11;
	v11 =	vmul.f32 v15, v7;
	v14 =	vld [tilespmem:s2+$0xFFFFFEA0]  }
0x37a: {  	[tilespmem:s2+$0xFFFFFE40] =	vst v9;
	v9 =	vmul.f32 v16, v7;
	v15 =	vld [tilespmem:s2+$0xFFFFFEB0]  }
0x37b: {  	[tilespmem:s2+$0xFFFFFE50] =	vst v11;
	v7 =	vmul.f32 v10, v7;
	v10 =	vld [tilespmem:s2+$0xFFFFFEC0]  }
0x37c: {  	[tilespmem:s2+$0xFFFFFE60] =	vst v9;
	v9 =	vmul.f32 v12, v6;
	v11 =	vld [tilespmem:s2+$0xFFFFFED0]  }
0x37d: {  	[tilespmem:s2+$0xFFFFFE70] =	vst v7;
	v7 =	vmul.f32 v13, v6;
	v12 =	vld [tilespmem:s2+$0xFFFFFEE0]  }
0x37e: {  	[tilespmem:s2+$0xFFFFFE80] =	vst v9;
	v9 =	vmul.f32 v14, v6;
	v13 =	vld [tilespmem:s2+$0xFFFFFEF0]  }
0x37f: {  	[tilespmem:s2+$0xFFFFFE90] =	vst v7;
	v7 =	vmul.f32 v15, v6;
	v14 =	vld [tilespmem:s2+$0xFFFFFF00]  }
0x380: {  	[tilespmem:s2+$0xFFFFFEA0] =	vst v9;
	v9 =	vmul.f32 v10, v6;
	v10 =	vld [tilespmem:s2+$0xFFFFFF10]  }
0x381: {  	[tilespmem:s2+$0xFFFFFEB0] =	vst v7;
	v7 =	vmul.f32 v11, v6;
	v11 =	vld [tilespmem:s2+$0xFFFFFF20]  }
0x382: {  	[tilespmem:s2+$0xFFFFFEC0] =	vst v9;
	v9 =	vmul.f32 v12, v6;
	v12 =	vld [tilespmem:s2+$0xFFFFFF30]  }
0x383: {  	[tilespmem:s2+$0xFFFFFED0] =	vst v7;
	v6 =	vmul.f32 v13, v6;
	v7 =	vld [tilespmem:s2+$0xFFFFFF40]  }
0x384: {  	[tilespmem:s2+$0xFFFFFEE0] =	vst v9;
	v9 =	vmul.f32 v14, v8;
	v13 =	vld [tilespmem:s2+$0xFFFFFF50]  }
0x385: {  	[tilespmem:s2+$0xFFFFFEF0] =	vst v6;
	v6 =	vmul.f32 v10, v8;
	v10 =	vld [tilespmem:s2+$0xFFFFFF60]  }
0x386: {  	[tilespmem:s2+$0xFFFFFF00] =	vst v9;
	v9 =	vmul.f32 v11, v8;
	v11 =	vld [tilespmem:s2+$0xFFFFFF70]  }
0x387: {  	[tilespmem:s2+$0xFFFFFF10] =	vst v6;
	v6 =	vmul.f32 v12, v8;
	v12 =	vld [tilespmem:s2+$0xFFFFFF80]  }
0x388: {  	[tilespmem:s2+$0xFFFFFF20] =	vst v9;
	v7 =	vmul.f32 v7, v8;
	v9 =	vld [tilespmem:s2+$0xFFFFFF90]  }
0x389: {  	[tilespmem:s2+$0xFFFFFF30] =	vst v6;
	v6 =	vmul.f32 v13, v8;
	v13 =	vld [tilespmem:s2+$0xFFFFFFA0]  }
0x38a: {  	[tilespmem:s2+$0xFFFFFF40] =	vst v7;
	v7 =	vmul.f32 v10, v8;
	v10 =	vld [tilespmem:s2+$0xFFFFFFB0]  }
0x38b: {  	[tilespmem:s2+$0xFFFFFF50] =	vst v6;
	v6 =	vmul.f32 v11, v8;
	v8 =	vld [tilespmem:s2+$0xFFFFFFC0]  }
0x38c: {  	[tilespmem:s2+$0xFFFFFF60] =	vst v7;
	v7 =	vmul.f32 v12, v5;
	v11 =	vld [tilespmem:s2+$0xFFFFFFD0]  }
0x38d: {  	[tilespmem:s2+$0xFFFFFF70] =	vst v6;
	v6 =	vmul.f32 v9, v5;
	v9 =	vld [tilespmem:s2+$0xFFFFFFE0]  }
0x38e: {  	[tilespmem:s2+$0xFFFFFF80] =	vst v7;
	v7 =	vmul.f32 v13, v5;
	v12 =	vld [tilespmem:s2+$0xFFFFFFF0]  }
0x38f: {  	[tilespmem:s2+$0xFFFFFF90] =	vst v6;
	v6 =	vmul.f32 v10, v5;
	v10 =	vld [tilespmem:s2+$0x0]  }
0x390: {  	[tilespmem:s2+$0xFFFFFFA0] =	vst v7;
	v7 =	vmul.f32 v8, v5;
	v8 =	vld [tilespmem:s2+$0x10]  }
0x391: {  	[tilespmem:s2+$0xFFFFFFB0] =	vst v6;
	v6 =	vmul.f32 v11, v5;
	v11 =	vld [tilespmem:s2+$0x20]  }
0x392: {  	[tilespmem:s2+$0xFFFFFFC0] =	vst v7;
	v7 =	vmul.f32 v9, v5;
	v9 =	vld [tilespmem:s2+$0x30]  }
0x393: {  	[tilespmem:s2+$0xFFFFFFD0] =	vst v6;
	v5 =	vmul.f32 v12, v5;
	v6 =	vld [tilespmem:s2+$0x40]  }
0x394: {  	[tilespmem:s2+$0xFFFFFFE0] =	vst v7;
	v7 =	vmul.f32 v10, v4;
	v10 =	vld [tilespmem:s2+$0x50]  }
0x395: {  	[tilespmem:s2+$0xFFFFFFF0] =	vst v5;
	v5 =	vmul.f32 v8, v4;
	v8 =	vld [tilespmem:s2+$0x60]  }
0x396: {  	[tilespmem:s2+$0x0] =	vst v7;
	v7 =	vmul.f32 v11, v4;
	v11 =	vld [tilespmem:s2+$0x70]  }
0x397: {  	[tilespmem:s2+$0x10] =	vst v5;
	v5 =	vmul.f32 v9, v4;
	v9 =	vld [tilespmem:s2+$0x80]  }
0x398: {  	[tilespmem:s2+$0x20] =	vst v7;
	v6 =	vmul.f32 v6, v4;
	v7 =	vld [tilespmem:s2+$0x90]  }
0x399: {  	[tilespmem:s2+$0x30] =	vst v5;
	v5 =	vmul.f32 v10, v4;
	v10 =	vld [tilespmem:s2+$0xA0]  }
0x39a: {  	[tilespmem:s2+$0x40] =	vst v6;
	v6 =	vmul.f32 v8, v4;
	v8 =	vld [tilespmem:s2+$0xB0]  }
0x39b: {  	[tilespmem:s2+$0x50] =	vst v5;
	v4 =	vmul.f32 v11, v4;
	v5 =	vld [tilespmem:s2+$0xC0]  }
0x39c: {  	[tilespmem:s2+$0x60] =	vst v6;
	v6 =	vmul.f32 v9, v3;
	v9 =	vld [tilespmem:s2+$0xD0]  }
0x39d: {  	[tilespmem:s2+$0x70] =	vst v4;
	v4 =	vmul.f32 v7, v3;
	v7 =	vld [tilespmem:s2+$0xE0]  }
0x39e: {  	[tilespmem:s2+$0x80] =	vst v6;
	v6 =	vmul.f32 v10, v3;
	v10 =	vld [tilespmem:s2+$0xF0]  }
0x39f: {  	[tilespmem:s2+$0x90] =	vst v4;
	v4 =	vmul.f32 v8, v3;
	v8 =	vld [tilespmem:s2+$0x100]  }
0x3a0: {  	[tilespmem:s2+$0xA0] =	vst v6;
	v5 =	vmul.f32 v5, v3;
	v6 =	vld [tilespmem:s2+$0x110]  }
0x3a1: {  	[tilespmem:s2+$0xB0] =	vst v4;
	v4 =	vmul.f32 v9, v3;
	v9 =	vld [tilespmem:s2+$0x120]  }
0x3a2: {  	[tilespmem:s2+$0xC0] =	vst v5;
	v5 =	vmul.f32 v7, v3;
	v7 =	vld [tilespmem:s2+$0x130]  }
0x3a3: {  	[tilespmem:s2+$0xD0] =	vst v4;
	v4 =	vmul.f32 v10, v3;
	v10 =	vld [tilespmem:s2+$0x140]  }
0x3a4: {  	s1 =	sadd.s32 $0x7, s28;
	v3 =	vmov s28;
	[tilespmem:s2+$0xE0] =	vst v5;
	v5 =	vmul.f32 v8, v2;
	v8 =	vld [tilespmem:s2+$0x150]  }
0x3a5: {  	s7 =	sadd.s32 $0x1, s28;
	s21 =	sadd.s32 $0x2, s28;
	v11 =	vand.u32 $0xFFFFFFF8, v3;
	v3 =	vmov s1;
	[tilespmem:s2+$0xF0] =	vst v4;
	v4 =	vmul.f32 v6, v2;
	v12 =	vld [tilespmem:s2+$0x160]  }
0x3a6: {  	v14 =	vmov s21;
	v13 =	vmov s7;
	s7 =	sadd.s32 $0x4, s28;
	s1 =	sadd.s32 $0x3, s28;
	[tilespmem:s2+$0x100] =	vst v5;
	v5 =	vmul.f32 v9, v2;
	v9 =	vld [tilespmem:s2+$0x180]  }
0x3a7: {  	v16 =	vmov s7;
	v15 =	vmov s1;
	s1 =	sadd.s32 $0x5, s28;
	[tilespmem:s2+$0x110] =	vst v4;
	v7 =	vmul.f32 v7, v2;
	v17 =	vld [tilespmem:s2+$0x190]  }
.Ltmp3:
0x3a8: {  	v4 =	vbroadcast v11, $0x0;
	v11 =	vmov s1;
	[tilespmem:s2+$0x120] =	vst v5;
	v10 =	vmul.f32 v10, v2;
	v6 =	vld [tilespmem:s2+$0x1A0];
	(pc) =	sbr.rel @p0 .LBB2_9-.Ltmp3, $4  }
0x3a9: {  	v5 =	vand.u32 $0xFFFFFFF9, v13;
	v13 =	vand.u32 $0xFFFFFFFA, v14;
	[tilespmem:s2+$0x130] =	vst v7;
	v14 =	vmul.f32 v8, v2;
	v7 =	vld [tilespmem:s2+$0x1B0]  }
0x3aa: {  	v18 =	vand.u32 $0xFFFFFFFB, v15;
	v5 =	vbroadcast v5, $0x0;
	[tilespmem:s2+$0x140] =	vst v10;
	v19 =	vmul.f32 v12, v2;
	v8 =	vld [tilespmem:s2+$0x1C0]  }
0x3ab: {  	v10 =	vbroadcast v13, $0x0;
	v2 =	vand.u32 $0xFFFFFFFC, v16;
	[tilespmem:s2+$0x150] =	vst v14;
	v15 =	vmul.f32 v9, v1;
	v9 =	vld [tilespmem:s2+$0x1D0]  }
0x3ac: {  	s7 =	sadd.s32 $0x6, s28;
	s28 =	sadd.s32 $0x8, s28;
	v12 =	vbroadcast v18, $0x0;
	v14 =	vand.u32 $0xFFFFFFFD, v11;
	[tilespmem:s2+$0x160] =	vst v19;
	v13 =	vmul.f32 v17, v1;
	v11 =	vld [tilespmem:s2+$0x1E0]  }
0x3ad: {  	_ =	sdelay $0x2  }
0x3ae: {  	v16 =	vld [tilespmem:s2+$0x1F0]  }
0x3af: {  	v18 =	vld.idx.msk [tilespmem:v4+s15+$0x0], $0xffff  }
0x3b0: {  	v23 =	vld.idx.msk [tilespmem:v5+s15+$0x0], $0xffff  }
0x3b1: {  	v22 =	vbroadcast v2, $0x0;
	v2 =	vmov s7;
	v10 =	vld.idx.msk [tilespmem:v10+s15+$0x0], $0xffff  }
0x3b2: {  	v17 =	vand.u32 $0xFFFFFFFE, v2;
	v2 =	vld.idx.msk [tilespmem:v3+s15+$0x0], $0xffff  }
0x3b3: {  	s28 =	sadd.s32 $0x400, s2;
	v12 =	vld.idx.msk [tilespmem:v12+s15+$0x0], $0xffff  }
0x3b4: {  	v24 =	vld [tilespmem:s28+$0x170]  }
0x3b5: {  	v26 =	vld [tilespmem:s28+$0xFFFFFE00]  }
0x3b6: {  	v28 =	vld [tilespmem:s28+$0xFFFFFE10]  }
0x3b7: {  	[tilespmem:s2+$0x180] =	vst v15;
	v6 =	vmul.f32 v6, v1;
	v30 =	vld [tilespmem:s28+$0xFFFFFE20]  }
0x3b8: {  	[tilespmem:s2+$0x190] =	vst v13;
	v7 =	vmul.f32 v7, v1;
	v31 =	vld [tilespmem:s28+$0xFFFFFE30]  }
0x3b9: {  	v32 =	vld [tilespmem:s28+$0xFFFFFE40];
	[tilespmem:s2+$0x1A0] =	vst v6;
	v25 =	vmul.f32 v8, v1  }
0x3ba: {  	v33 =	vld [tilespmem:s28+$0xFFFFFE50];
	[tilespmem:s2+$0x1B0] =	vst v7;
	v27 =	vmul.f32 v9, v1  }
0x3bb: {  	v34 =	vld [tilespmem:s28+$0xFFFFFE60];
	[tilespmem:s2+$0x1C0] =	vst v25;
	v29 =	vmul.f32 v11, v1  }
0x3bc: {  	v35 =	vld [tilespmem:s28+$0xFFFFFE70];
	[tilespmem:s2+$0x1D0] =	vst v27;
	v1 =	vmul.f32 v16, v1  }
0x3bd: {  	v36 =	vld [tilespmem:s28+$0xFFFFFE80];
	[tilespmem:s2+$0x1E0] =	vst v29;
	v9 =	vmul.f32 v28, v18  }
0x3be: {  	v37 =	vld [tilespmem:s28+$0xFFFFFE90];
	[tilespmem:s2+$0x1F0] =	vst v1;
	v1 =	vmul.f32 v26, v18  }
0x3bf: {  	v39 =	vld [tilespmem:s28+$0xFFFFFEA0];
	v7 =	vmul.f32 v31, v18;
	[tilespmem:s28+$0xFFFFFE10] =	vst v9  }
0x3c0: {  	v40 =	vld [tilespmem:s28+$0xFFFFFEB0];
	[tilespmem:s28+$0xFFFFFE00] =	vst v1;
	v1 =	vmul.f32 v30, v18  }
0x3c1: {  	v42 =	vld [tilespmem:s28+$0xFFFFFEC0];
	v38 =	vmul.f32 v33, v18;
	[tilespmem:s28+$0xFFFFFE30] =	vst v7  }
0x3c2: {  	v43 =	vld [tilespmem:s28+$0xFFFFFED0];
	[tilespmem:s28+$0xFFFFFE20] =	vst v1;
	v1 =	vmul.f32 v32, v18  }
0x3c3: {  	v44 =	vld [tilespmem:s28+$0xFFFFFEE0];
	v41 =	vmul.f32 v35, v18;
	[tilespmem:s28+$0xFFFFFE50] =	vst v38  }
0x3c4: {  	v45 =	vld [tilespmem:s28+$0xFFFFFEF0];
	[tilespmem:s28+$0xFFFFFE40] =	vst v1;
	v1 =	vmul.f32 v34, v18  }
0x3c5: {  	v47 =	vld [tilespmem:s28+$0xFFFFFF00];
	v6 =	vmul.f32 v37, v23;
	[tilespmem:s28+$0xFFFFFE70] =	vst v41  }
0x3c6: {  	v48 =	vld [tilespmem:s28+$0xFFFFFF10];
	[tilespmem:s28+$0xFFFFFE60] =	vst v1;
	v1 =	vmul.f32 v36, v23  }
0x3c7: {  	v50 =	vld [tilespmem:s28+$0xFFFFFF20];
	v46 =	vmul.f32 v40, v23;
	[tilespmem:s28+$0xFFFFFE90] =	vst v6  }
0x3c8: {  	v51 =	vld [tilespmem:s28+$0xFFFFFF30];
	[tilespmem:s28+$0xFFFFFE80] =	vst v1;
	v1 =	vmul.f32 v39, v23  }
0x3c9: {  	v53 =	vld [tilespmem:s28+$0xFFFFFF40];
	v49 =	vmul.f32 v43, v23;
	[tilespmem:s28+$0xFFFFFEB0] =	vst v46  }
0x3ca: {  	v54 =	vld [tilespmem:s28+$0xFFFFFF50];
	[tilespmem:s28+$0xFFFFFEA0] =	vst v1;
	v1 =	vmul.f32 v42, v23  }
0x3cb: {  	v56 =	vld [tilespmem:s28+$0xFFFFFF60];
	v52 =	vmul.f32 v45, v23;
	[tilespmem:s28+$0xFFFFFED0] =	vst v49  }
0x3cc: {  	v57 =	vld [tilespmem:s28+$0xFFFFFF70];
	[tilespmem:s28+$0xFFFFFEC0] =	vst v1;
	v1 =	vmul.f32 v44, v23  }
0x3cd: {  	v14 =	vbroadcast v14, $0x0;
	v59 =	vld [tilespmem:s28+$0xFFFFFF80];
	v55 =	vmul.f32 v48, v10;
	[tilespmem:s28+$0xFFFFFEF0] =	vst v52  }
0x3ce: {  	v60 =	vld [tilespmem:s28+$0xFFFFFF90];
	[tilespmem:s28+$0xFFFFFEE0] =	vst v1;
	v1 =	vmul.f32 v47, v10  }
0x3cf: {  	v62 =	vld [tilespmem:s28+$0xFFFFFFA0];
	v58 =	vmul.f32 v51, v10;
	[tilespmem:s28+$0xFFFFFF10] =	vst v55  }
0x3d0: {  	v63 =	vld [tilespmem:s28+$0xFFFFFFB0];
	v3 =	vbroadcast v17, $0x0;
	[tilespmem:s28+$0xFFFFFF00] =	vst v1;
	v1 =	vmul.f32 v50, v10  }
0x3d1: {  	v15 =	vld [tilespmem:s28+$0xFFFFFFC0];
	v61 =	vmul.f32 v54, v10;
	[tilespmem:s28+$0xFFFFFF30] =	vst v58  }
0x3d2: {  	v19 =	vld [tilespmem:s28+$0xFFFFFFF0];
	[tilespmem:s28+$0xFFFFFF20] =	vst v1;
	v1 =	vmul.f32 v53, v10  }
0x3d3: {  	v4 =	vld.idx.msk [tilespmem:v14+s15+$0x0], $0xffff;
	v14 =	vmul.f32 v57, v10;
	[tilespmem:s28+$0xFFFFFF50] =	vst v61  }
0x3d4: {  	v5 =	vld.idx.msk [tilespmem:v22+s15+$0x0], $0xffff;
	[tilespmem:s28+$0xFFFFFF40] =	vst v1;
	v1 =	vmul.f32 v56, v10  }
0x3d5: {  	v17 =	vmul.f32 v60, v12;
	v22 =	vld [tilespmem:s28+$0x10];
	[tilespmem:s28+$0xFFFFFF70] =	vst v14  }
0x3d6: {  	v3 =	vld.idx.msk [tilespmem:v3+s15+$0x0], $0xffff;
	[tilespmem:s28+$0xFFFFFF60] =	vst v1;
	v1 =	vmul.f32 v59, v12  }
0x3d7: {  	v20 =	vmul.f32 v63, v12;
	[tilespmem:s28+$0xFFFFFF90] =	vst v17;
	v18 =	vld [tilespmem:s28+$0xFFFFFFE0]  }
0x3d8: {  	v25 =	vld [tilespmem:s28+$0x30];
	[tilespmem:s28+$0xFFFFFF80] =	vst v1;
	v1 =	vmul.f32 v62, v12  }
0x3d9: {  	v21 =	vld [tilespmem:s28+$0x0];
	v26 =	vmul.f32 v19, v12;
	[tilespmem:s28+$0xFFFFFFB0] =	vst v20  }
0x3da: {  	v28 =	vld [tilespmem:s28+$0x50];
	[tilespmem:s28+$0xFFFFFFA0] =	vst v1;
	v1 =	vmul.f32 v15, v12  }
0x3db: {  	[tilespmem:s28+$0xFFFFFFF0] =	vst v26;
	v29 =	vmul.f32 v22, v5;
	v13 =	vmul.f32 v24, v3;
	v24 =	vld [tilespmem:s28+$0x20]  }
0x3dc: {  	v37 =	vld [tilespmem:s28+$0xB0];
	[tilespmem:s28+$0xFFFFFFC0] =	vst v1;
	v1 =	vmul.f32 v18, v12  }
0x3dd: {  	v27 =	vld [tilespmem:s28+$0x40];
	v32 =	vmul.f32 v25, v5;
	[tilespmem:s28+$0x10] =	vst v29  }
0x3de: {  	[tilespmem:s28+$0xFFFFFFE0] =	vst v1;
	v1 =	vmul.f32 v21, v5  }
0x3df: {  	v30 =	vld [tilespmem:s28+$0x60];
	v35 =	vmul.f32 v28, v5;
	[tilespmem:s28+$0x30] =	vst v32  }
0x3e0: {  	v45 =	vld [tilespmem:s28+$0x110];
	[tilespmem:s28+$0x0] =	vst v1;
	v1 =	vmul.f32 v24, v5  }
0x3e1: {  	v33 =	vld [tilespmem:s28+$0x80];
	v43 =	vmul.f32 v37, v4;
	[tilespmem:s28+$0x50] =	vst v35  }
0x3e2: {  	v48 =	vld [tilespmem:s28+$0x130];
	[tilespmem:s28+$0x20] =	vst v1;
	v1 =	vmul.f32 v27, v5  }
0x3e3: {  	[tilespmem:s28+$0xB0] =	vst v43;
	v36 =	vld [tilespmem:s28+$0xA0]  }
0x3e4: {  	v34 =	vld [tilespmem:s28+$0x90];
	[tilespmem:s28+$0x40] =	vst v1;
	v1 =	vmul.f32 v30, v5  }
0x3e5: {  	v38 =	vld [tilespmem:s28+$0xC0];
	v51 =	vmul.f32 v45, v3;
	[tilespmem:s28+$0x170] =	vst v13  }
0x3e6: {  	v16 =	vld [tilespmem:s28+$0xFFFFFFD0];
	[tilespmem:s28+$0x60] =	vst v1;
	v1 =	vmul.f32 v33, v4  }
0x3e7: {  	v41 =	vld [tilespmem:s28+$0xE0];
	v54 =	vmul.f32 v48, v3;
	[tilespmem:s28+$0x110] =	vst v51  }
0x3e8: {  	v39 =	vld [tilespmem:s28+$0xD0];
	[tilespmem:s28+$0x80] =	vst v1;
	v1 =	vmul.f32 v36, v4  }
0x3e9: {  	[tilespmem:s28+$0x130] =	vst v54;
	v40 =	vmul.f32 v34, v4;
	v44 =	vld [tilespmem:s28+$0x100]  }
0x3ea: {  	v50 =	vld [tilespmem:s28+$0x150];
	[tilespmem:s28+$0xA0] =	vst v1;
	v1 =	vmul.f32 v38, v4  }
0x3eb: {  	[tilespmem:s28+$0x90] =	vst v40;
	v23 =	vmul.f32 v16, v12;
	v47 =	vld [tilespmem:s28+$0x120]  }
0x3ec: {  	v53 =	vld [tilespmem:s28+$0x180];
	[tilespmem:s28+$0xC0] =	vst v1;
	v1 =	vmul.f32 v41, v4  }
0x3ed: {  	v49 =	vld [tilespmem:s28+$0x140];
	v46 =	vmul.f32 v39, v4;
	[tilespmem:s28+$0xFFFFFFD0] =	vst v23  }
0x3ee: {  	v56 =	vld [tilespmem:s28+$0x1A0];
	[tilespmem:s28+$0xE0] =	vst v1;
	v1 =	vmul.f32 v44, v3  }
0x3ef: {  	v52 =	vld [tilespmem:s28+$0x160];
	[tilespmem:s28+$0xD0] =	vst v46;
	v57 =	vmul.f32 v50, v3  }
0x3f0: {  	v31 =	vld [tilespmem:s28+$0x70];
	[tilespmem:s28+$0x100] =	vst v1;
	v1 =	vmul.f32 v47, v3  }
0x3f1: {  	v55 =	vld [tilespmem:s28+$0x190];
	[tilespmem:s28+$0x150] =	vst v57;
	v59 =	vmul.f32 v53, v2  }
0x3f2: {  	v42 =	vld [tilespmem:s28+$0xF0];
	[tilespmem:s28+$0x120] =	vst v1;
	v1 =	vmul.f32 v49, v3  }
0x3f3: {  	v58 =	vld [tilespmem:s28+$0x1B0];
	[tilespmem:s28+$0x180] =	vst v59;
	v62 =	vmul.f32 v56, v2  }
0x3f4: {  	[tilespmem:s28+$0x140] =	vst v1;
	v1 =	vmul.f32 v52, v3;
	v3 =	vld [tilespmem:s28+$0x1C0]  }
0x3f5: {  	v60 =	vld [tilespmem:s28+$0x1D0];
	[tilespmem:s28+$0x1A0] =	vst v62;
	v5 =	vmul.f32 v31, v5  }
0x3f6: {  	v61 =	vld [tilespmem:s28+$0x1E0];
	[tilespmem:s28+$0x160] =	vst v1;
	v1 =	vmul.f32 v55, v2  }
0x3f7: {  	v63 =	vld [tilespmem:s28+$0x1F0];
	[tilespmem:s28+$0x70] =	vst v5;
	v4 =	vmul.f32 v42, v4  }
0x3f8: {  	[tilespmem:s28+$0x190] =	vst v1;
	v1 =	vmul.f32 v58, v2  }
0x3f9: {  	[tilespmem:s28+$0xF0] =	vst v4;
	v3 =	vmul.f32 v3, v2  }
0x3fa: {  	[tilespmem:s28+$0x1B0] =	vst v1;
	v1 =	vmul.f32 v60, v2  }
0x3fb: {  	[tilespmem:s28+$0x1C0] =	vst v3;
	v3 =	vmul.f32 v61, v2  }
0x3fc: {  	[tilespmem:s28+$0x1D0] =	vst v1;
	v1 =	vmul.f32 v63, v2  }
0x3fd: {  	[tilespmem:s28+$0x1E0] =	vst v3  }
0x3fe: {  	s1 =	simm.s32 $0x5300;
	[tilespmem:s28+$0x1F0] =	vst v1  }
0x3ff: {  	[spmem:s3] =	stream.indirect.scatter.add.f32 [tilespmem:s10], [sflag:$0x7], $0x80, s1, s14, $0xb8;
	[tilespmem:$0x1E680] =	vst v63  }
0x400: {  	s8 =	sadd.s32 $0x1, s8;
	s28 =	rddreg [dreg:$0x14]  }
0x401: {  	p0 =	sne.s32 s8, $0x3D;
	s1 =	sadd.s32 s20, s28  }
.Ltmp4:
0x402: {  	s1 =	sshrl.u32 s1, $0x3;
	(pc) =	sbr.rel @p0 .LBB2_6-.Ltmp4, $4  }
0x403: {  	s1 =	sadd.s32 s22, s1  }
0x404: {  	[tilespmem:s11], [sflag:$0x3] =	stream.linear.gather [hbm4b:s1+s5], $0x50, $0x38;
	[tilespmem:$0x1E680] =	vst v63  }
0x405: {  	s21 =	smov.u32 s22;
	s1 =	sadd.s32 $0x9C40, s1  }
0x406: {  	[tilespmem:s12], [sflag:$0x3] =	stream.linear.gather [hbm4b:s1+s5], $0x50, $0x38;
	[tilespmem:$0x1E680] =	vst v63  }
0x407: {  	_ =	swait.ge [sflag:s29], $0x2800  }
0x408: {  	[sflag:s29] =	ssyncset.done $0x0  }
0x409: {  	[sflag:s29] =	ssyncadd.s32 $0xFFFFD800  }
0x40a: {  	_ =	swait.ge [sflag:s30], $0x50  }
0x40b: {  	[sflag:s30] =	ssyncset.done $0x0  }
0x40c: {  	[sflag:s30] =	ssyncadd.s32 $0xFFFFFFB0  }
0x40d: {  	_ =	swait.ge [sflag:s13], $0x50  }
0x40e: {  	[sflag:s13] =	ssyncset.done $0x0  }
0x40f: {  	[sflag:s13] =	ssyncadd.s32 $0xFFFFFFB0  }
0x410: {  	_ =	swait.ge [sflag:s13], $0x50  }
0x411: {  	[sflag:s13] =	ssyncset.done $0x0  }
0x412: {  	[sflag:s13] =	ssyncadd.s32 $0xFFFFFFB0  }
0x413: {  	_ =	swait.ge [sflag:s31], $0x2800  }
0x414: {  	[sflag:s31] =	ssyncset.done $0x0  }
0x415: {  	[sflag:s31] =	ssyncadd.s32 $0xFFFFD800  }
0x416: {  	v1 =	vld [tilespmem:$0x5000]  }
0x417: {  	v2 =	vld [tilespmem:$0x5100]  }
0x418: {  	v3 =	vld [tilespmem:$0x5010]  }
0x419: {  	v4 =	vld [tilespmem:$0x5110]  }
0x41a: {  	v5 =	vld [tilespmem:$0x5020]  }
0x41b: {  	v6 =	vld [tilespmem:$0x5120]  }
0x41c: {  	v7 =	vld [tilespmem:$0x5030]  }
0x41d: {  	v8 =	vld [tilespmem:$0x5130]  }
0x41e: {  	v9 =	vld [tilespmem:$0x5040]  }
0x41f: {  	s1 =	simm.s32 $0x0;
	v10 =	vld [tilespmem:$0x5140];
	[tilespmem:$0x5300] =	vst v2  }
0x420: {  	v1 =	vld.idx.msk [tilespmem:v1+s1+$0x0], $0xffff  }
0x421: {  	[tilespmem:$0x5310] =	vst v4;
	v2 =	vld.idx.msk [tilespmem:v2+s9+$0x0], $0xffff  }
0x422: {  	v3 =	vld.idx.msk [tilespmem:v3+s1+$0x0], $0xffff  }
0x423: {  	[tilespmem:$0x5320] =	vst v6;
	v4 =	vld.idx.msk [tilespmem:v4+s9+$0x0], $0xffff  }
0x424: {  	v5 =	vld.idx.msk [tilespmem:v5+s1+$0x0], $0xffff  }
0x425: {  	[tilespmem:$0x5340] =	vst v10;
	v6 =	vld.idx.msk [tilespmem:v6+s9+$0x0], $0xffff  }
0x426: {  	[tilespmem:$0x5330] =	vst v8;
	v9 =	vld.idx.msk [tilespmem:v9+s1+$0x0], $0xffff;
	v1 =	vadd.f32 v2, v1  }
0x427: {  	v2 =	vld.idx.msk [tilespmem:v7+s1+$0x0], $0xffff  }
0x428: {  	v7 =	vld.idx.msk [tilespmem:v8+s9+$0x0], $0xffff;
	v8 =	vmul.f32 $2.000000030e-01, v1  }
0x429: {  	v10 =	vld.idx.msk [tilespmem:v10+s9+$0x0], $0xffff;
	vm0 =	vge.f32 v1, $0.0e+00  }
0x42a: {  	v3 =	vadd.f32 v4, v3;
	v1 =	vsel vm0, v1, v8  }
0x42b: {  	v1 =	vmul.f32 $1.442695020e+00, v1  }
0x42c: {  	v5 =	vadd.f32 v6, v5;
	v4 =	vmul.f32 $2.000000030e-01, v3  }
0x42d: {  	vm12 =	vge.f32 v3, $0.0e+00;
	(erf) = vpow2.f32 v1;
	v1 =	vadd.f32 v7, v2  }
0x42e: {  	v2 =	vsel vm12, v3, v4;
	v3 =	vmul.f32 $2.000000030e-01, v5;
	v4 =	vadd.f32 v10, v9  }
0x42f: {  	vm13 =	vge.f32 v5, $0.0e+00;
	v2 =	vmul.f32 $1.442695020e+00, v2;
	v6 =	vmul.f32 $2.000000030e-01, v1  }
0x430: {  	v3 =	vsel vm13, v5, v3;
	vm14 =	vge.f32 v1, $0.0e+00;
	v5 =	vmul.f32 $2.000000030e-01, v4  }
0x431: {  	vm15 =	vge.f32 v4, $0.0e+00;
	v3 =	vmul.f32 $1.442695020e+00, v3;
	v1 =	vsel vm14, v1, v6  }
0x432: {  	(erf) = vpow2.f32 v2;
	v2 =	vsel vm15, v4, v5;
	v1 =	vmul.f32 $1.442695020e+00, v1  }
0x433: {  	(erf) = vpow2.f32 v3;
	v2 =	vmul.f32 $1.442695020e+00, v2  }
0x434: {  	(erf) = vpow2.f32 v1  }
0x435: {  	(erf) = vpow2.f32 v2;
	_ =	sdelay $0x4  }
0x436: {  	v1 =	vpop (erf)  }
0x437: {  	s7 =	simm.s32 $0x6;
	[tilespmem:$0x5200] =	vst v1;
	v1 =	vmov s1;
	v2 =	vpop (erf)  }
0x438: {  	v1 =	vand.u32 $0xFFFFFFF8, v1;
	[tilespmem:$0x5210] =	vst v2;
	v2 =	vmov s7;
	v3 =	vpop (erf)  }
0x439: {  	v1 =	vbroadcast v1, $0x0;
	v2 =	vand.u32 $0xFFFFFFFE, v2;
	[tilespmem:$0x5220] =	vst v3;
	v4 =	vpop (erf)  }
0x43a: {  	v2 =	vbroadcast v2, $0x0;
	[tilespmem:$0x5230] =	vst v4;
	v3 =	vpop (erf)  }
0x43b: {  	[tilespmem:$0x5240] =	vst v3  }
0x43c: {  	[spmem:s4] =	stream.indirect.scatter.add.f32 [tilespmem:s15], [sflag:$0x5], $0x1, s12, s14, $0xb8;
	[tilespmem:$0x1E680] =	vst v63  }
0x43d: {  	_ = 	snop  }
0x43e: {  	[tilespmem:s10], [sflag:$0x1] =	stream.indirect.gather [hbm4b:s6+s14], $0x80, s11, s14, $0xb8;
	[tilespmem:$0x1E680] =	vst v63  }
0x43f: {  	v1 =	vld.idx.msk [tilespmem:v1+s25+$0x0], $0xffff  }
0x440: {  	s2 =	simm.s32 $0x7E00;
	v2 =	vld.idx.msk [tilespmem:v2+s25+$0x0], $0xffff  }
0x441: {  	v4 =	vld [tilespmem:s2+$0x170]  }
0x442: {  	v5 =	vld [tilespmem:s2+$0xFFFFFE00]  }
0x443: {  	v6 =	vld [tilespmem:s2+$0xFFFFFE10]  }
0x444: {  	v7 =	vld [tilespmem:s2+$0xFFFFFE20]  }
0x445: {  	s8 =	simm.s32 $0x1;
	v8 =	vld [tilespmem:s2+$0xFFFFFE30]  }
0x446: {  	v3 =	vmov s8;
	v9 =	vld [tilespmem:s2+$0xFFFFFE40]  }
0x447: {  	v3 =	vand.u32 $0xFFFFFFF9, v3;
	v10 =	vld [tilespmem:s2+$0xFFFFFE50]  }
0x448: {  	v3 =	vbroadcast v3, $0x0;
	v11 =	vld [tilespmem:s2+$0xFFFFFE60]  }
0x449: {  	v12 =	vld [tilespmem:s2+$0xFFFFFE70]  }
0x44a: {  	v13 =	vld [tilespmem:s2+$0xFFFFFE80]  }
0x44b: {  	v14 =	vld [tilespmem:s2+$0xFFFFFE90];
	v5 =	vmul.f32 v5, v1  }
0x44c: {  	v15 =	vld [tilespmem:s2+$0xFFFFFEA0];
	v4 =	vmul.f32 v4, v2  }
0x44d: {  	v16 =	vld [tilespmem:s2+$0xFFFFFEB0];
	v6 =	vmul.f32 v6, v1;
	[tilespmem:s2+$0xFFFFFE00] =	vst v5  }
0x44e: {  	s16 =	simm.s32 $0x2;
	v3 =	vld.idx.msk [tilespmem:v3+s25+$0x0], $0xffff;
	v8 =	vmul.f32 v8, v1;
	[tilespmem:s2+$0x170] =	vst v4  }
0x44f: {  	v9 =	vmul.f32 v9, v1;
	v5 =	vmov s16;
	v4 =	vmul.f32 v7, v1;
	v7 =	vld [tilespmem:s2+$0xFFFFFEC0];
	[tilespmem:s2+$0xFFFFFE10] =	vst v6  }
0x450: {  	[tilespmem:s2+$0xFFFFFE30] =	vst v8;
	v8 =	vmul.f32 v10, v1;
	v10 =	vld [tilespmem:s2+$0xFFFFFEF0];
	v5 =	vand.u32 $0xFFFFFFFA, v5  }
0x451: {  	[tilespmem:s2+$0xFFFFFE40] =	vst v9;
	v9 =	vmul.f32 v11, v1;
	v11 =	vld [tilespmem:s2+$0xFFFFFF00];
	v5 =	vbroadcast v5, $0x0  }
0x452: {  	v1 =	vmul.f32 v12, v1;
	v12 =	vld [tilespmem:s2+$0xFFFFFF20];
	[tilespmem:s2+$0xFFFFFE20] =	vst v4  }
0x453: {  	v6 =	vmul.f32 v13, v3;
	v13 =	vld [tilespmem:s2+$0xFFFFFED0];
	[tilespmem:s2+$0xFFFFFE50] =	vst v8  }
0x454: {  	s20 =	simm.s32 $0x3;
	v4 =	vld [tilespmem:s2+$0xFFFFFEE0];
	[tilespmem:s2+$0xFFFFFE60] =	vst v9  }
0x455: {  	v8 =	vld [tilespmem:s2+$0xFFFFFF10];
	v9 =	vmul.f32 v14, v3;
	[tilespmem:s2+$0xFFFFFE80] =	vst v6;
	v6 =	vmov s20  }
0x456: {  	[tilespmem:s2+$0xFFFFFE70] =	vst v1;
	v1 =	vmul.f32 v15, v3;
	v14 =	vld [tilespmem:s2+$0xFFFFFF30];
	v6 =	vand.u32 $0xFFFFFFFB, v6  }
0x457: {  	[tilespmem:s2+$0xFFFFFE90] =	vst v9;
	v9 =	vmul.f32 v16, v3;
	v6 =	vbroadcast v6, $0x0;
	v5 =	vld.idx.msk [tilespmem:v5+s25+$0x0], $0xffff  }
0x458: {  	v15 =	vld [tilespmem:s2+$0xFFFFFF40];
	[tilespmem:s2+$0xFFFFFEA0] =	vst v1;
	v7 =	vmul.f32 v7, v3  }
0x459: {  	[tilespmem:s2+$0xFFFFFEB0] =	vst v9;
	v9 =	vld [tilespmem:s2+$0xFFFFFF60];
	v13 =	vmul.f32 v13, v3  }
0x45a: {  	[tilespmem:s2+$0xFFFFFEC0] =	vst v7;
	v4 =	vmul.f32 v4, v3;
	v7 =	vld [tilespmem:s2+$0xFFFFFF70]  }
0x45b: {  	v3 =	vmul.f32 v10, v3;
	v10 =	vld [tilespmem:s2+$0xFFFFFF80];
	[tilespmem:s2+$0xFFFFFED0] =	vst v13  }
0x45c: {  	[tilespmem:s2+$0xFFFFFEE0] =	vst v4;
	v13 =	vld [tilespmem:s2+$0xFFFFFFB0];
	v1 =	vmul.f32 v11, v5  }
0x45d: {  	[tilespmem:s2+$0xFFFFFEF0] =	vst v3;
	v6 =	vld.idx.msk [tilespmem:v6+s25+$0x0], $0xffff;
	v4 =	vmul.f32 v8, v5  }
0x45e: {  	s22 =	simm.s32 $0x4;
	v11 =	vld [tilespmem:s2+$0xFFFFFF50];
	v3 =	vmul.f32 v12, v5;
	[tilespmem:s2+$0xFFFFFF00] =	vst v1  }
0x45f: {  	v8 =	vld [tilespmem:s2+$0xFFFFFF90];
	v9 =	vmul.f32 v9, v5;
	v1 =	vmov s22;
	[tilespmem:s2+$0xFFFFFF10] =	vst v4  }
0x460: {  	v12 =	vld [tilespmem:s2+$0xFFFFFFA0];
	v4 =	vmul.f32 v14, v5;
	[tilespmem:s2+$0xFFFFFF20] =	vst v3;
	v1 =	vand.u32 $0xFFFFFFFC, v1  }
0x461: {  	v3 =	vmul.f32 v15, v5;
	v14 =	vld [tilespmem:s2+$0xFFFFFFC0];
	[tilespmem:s2+$0xFFFFFF60] =	vst v9;
	v1 =	vbroadcast v1, $0x0  }
0x462: {  	v9 =	vld [tilespmem:s2+$0x0];
	[tilespmem:s2+$0xFFFFFF30] =	vst v4;
	v4 =	vmul.f32 v10, v6  }
0x463: {  	s28 =	simm.s32 $0x5;
	v10 =	vld [tilespmem:s2+$0xFFFFFFD0];
	[tilespmem:s2+$0xFFFFFF40] =	vst v3;
	v11 =	vmul.f32 v11, v5  }
0x464: {  	v3 =	vld [tilespmem:s2+$0xFFFFFFE0];
	v5 =	vmul.f32 v7, v5;
	[tilespmem:s2+$0xFFFFFF80] =	vst v4;
	v4 =	vmov s28  }
0x465: {  	v7 =	vld [tilespmem:s2+$0xFFFFFFF0];
	v8 =	vmul.f32 v8, v6;
	[tilespmem:s2+$0xFFFFFF50] =	vst v11;
	v4 =	vand.u32 $0xFFFFFFFD, v4  }
0x466: {  	[tilespmem:s2+$0xFFFFFF70] =	vst v5;
	v5 =	vmul.f32 v12, v6;
	v11 =	vld [tilespmem:s2+$0x10];
	v4 =	vbroadcast v4, $0x0  }
0x467: {  	[tilespmem:s2+$0xFFFFFF90] =	vst v8;
	v8 =	vmul.f32 v13, v6;
	v1 =	vld.idx.msk [tilespmem:v1+s25+$0x0], $0xffff  }
0x468: {  	v12 =	vld [tilespmem:s2+$0x20];
	[tilespmem:s2+$0xFFFFFFA0] =	vst v5;
	v5 =	vmul.f32 v14, v6  }
0x469: {  	v13 =	vld [tilespmem:s2+$0x30];
	[tilespmem:s2+$0xFFFFFFB0] =	vst v8;
	v8 =	vmul.f32 v10, v6  }
0x46a: {  	v10 =	vld [tilespmem:s2+$0x40];
	v3 =	vmul.f32 v3, v6;
	[tilespmem:s2+$0xFFFFFFC0] =	vst v5  }
0x46b: {  	v6 =	vmul.f32 v7, v6;
	[tilespmem:s2+$0xFFFFFFD0] =	vst v8;
	v8 =	vld [tilespmem:s2+$0x60]  }
0x46c: {  	[tilespmem:s2+$0xFFFFFFE0] =	vst v3;
	v4 =	vld.idx.msk [tilespmem:v4+s25+$0x0], $0xffff;
	v5 =	vmul.f32 v9, v1  }
0x46d: {  	[tilespmem:s2+$0xFFFFFFF0] =	vst v6;
	v9 =	vld [tilespmem:s2+$0x50];
	v6 =	vmul.f32 v12, v1  }
0x46e: {  	v3 =	vmul.f32 v11, v1;
	v11 =	vld [tilespmem:s2+$0x90];
	[tilespmem:s2+$0x0] =	vst v5  }
0x46f: {  	v7 =	vld [tilespmem:s2+$0x80];
	[tilespmem:s2+$0x20] =	vst v6;
	v6 =	vmul.f32 v10, v1  }
0x470: {  	v5 =	vld [tilespmem:s2+$0x70];
	[tilespmem:s2+$0x10] =	vst v3;
	v3 =	vmul.f32 v13, v1  }
0x471: {  	v10 =	vld [tilespmem:s2+$0xA0];
	[tilespmem:s2+$0x40] =	vst v6;
	v6 =	vmul.f32 v8, v1  }
0x472: {  	[tilespmem:s2+$0x30] =	vst v3;
	v8 =	vld [tilespmem:s2+$0xC0];
	v3 =	vmul.f32 v9, v1  }
0x473: {  	v9 =	vld [tilespmem:s2+$0xB0];
	v11 =	vmul.f32 v11, v4;
	[tilespmem:s2+$0x60] =	vst v6  }
0x474: {  	v6 =	vld [tilespmem:s2+$0xE0];
	[tilespmem:s2+$0x50] =	vst v3;
	v3 =	vmul.f32 v7, v4  }
0x475: {  	v7 =	vld [tilespmem:s2+$0xD0];
	v5 =	vmul.f32 v5, v1;
	[tilespmem:s2+$0x90] =	vst v11  }
0x476: {  	v11 =	vld [tilespmem:s2+$0x150];
	[tilespmem:s2+$0x80] =	vst v3  }
0x477: {  	[tilespmem:s2+$0x70] =	vst v5;
	v3 =	vmul.f32 v10, v4;
	v5 =	vld [tilespmem:s2+$0xF0]  }
0x478: {  	v10 =	vld [tilespmem:s2+$0x100];
	v9 =	vmul.f32 v9, v4  }
0x479: {  	s7 =	simm.s32 $0x7;
	[tilespmem:s2+$0xA0] =	vst v3;
	v3 =	vmul.f32 v8, v4;
	v8 =	vld [tilespmem:s2+$0x110]  }
0x47a: {  	v14 =	vld [tilespmem:s2+$0x180];
	v12 =	vmov s7;
	[tilespmem:s2+$0xB0] =	vst v9;
	v7 =	vmul.f32 v7, v4  }
0x47b: {  	v9 =	vld [tilespmem:s2+$0x120];
	v11 =	vmul.f32 v11, v2;
	[tilespmem:s2+$0xC0] =	vst v3  }
0x47c: {  	s22 =	simm.s32 $0xC;
	v3 =	vmul.f32 v6, v4;
	v6 =	vld [tilespmem:s2+$0x130];
	[tilespmem:s2+$0xD0] =	vst v7;
	v4 =	vmul.f32 v5, v4  }
0x47d: {  	s8 =	simm.s32 $0x8;
	v15 =	vmov s22;
	v5 =	vld [tilespmem:s2+$0x140];
	[tilespmem:s2+$0x150] =	vst v11  }
0x47e: {  	s28 =	simm.s32 $0xD;
	s7 =	simm.s32 $0x9;
	v7 =	vmov s8;
	v10 =	vmul.f32 v10, v2;
	[tilespmem:s2+$0xF0] =	vst v4;
	v4 =	vmul.f32 v8, v2;
	v8 =	vld [tilespmem:s2+$0x160]  }
0x47f: {  	s16 =	simm.s32 $0xF;
	v18 =	vmov s28;
	v1 =	vld.idx.msk [tilespmem:v12+s25+$0x0], $0xffff;
	v12 =	vmov s7;
	s8 =	simm.s32 $0xA;
	[tilespmem:s2+$0xE0] =	vst v3;
	v7 =	vand.u32 $0xFFFFFFF8, v7  }
0x480: {  	v17 =	vld [tilespmem:s2+$0x190];
	s20 =	simm.s32 $0xB;
	v3 =	vmov s16;
	v13 =	vmov s8;
	[tilespmem:s2+$0x100] =	vst v10;
	v9 =	vmul.f32 v9, v2  }
0x481: {  	v10 =	vmov s20;
	[tilespmem:s2+$0x110] =	vst v4;
	v16 =	vmul.f32 v6, v2;
	v4 =	vbroadcast v7, $0x0;
	v6 =	vld [tilespmem:s2+$0x1A0]  }
0x482: {  	v7 =	vld [tilespmem:s2+$0x1B0];
	[tilespmem:s2+$0x120] =	vst v9;
	v9 =	vmul.f32 v5, v2;
	v5 =	vand.u32 $0xFFFFFFF9, v12;
	v12 =	vand.u32 $0xFFFFFFFA, v13  }
0x483: {  	v13 =	vand.u32 $0xFFFFFFFB, v10;
	[tilespmem:s2+$0x130] =	vst v16;
	v5 =	vbroadcast v5, $0x0;
	v16 =	vmul.f32 v8, v2;
	v8 =	vld [tilespmem:s2+$0x1C0]  }
0x484: {  	v10 =	vbroadcast v12, $0x0;
	[tilespmem:s2+$0x140] =	vst v9;
	v2 =	vand.u32 $0xFFFFFFFC, v15;
	v15 =	vmul.f32 v14, v1;
	v9 =	vld [tilespmem:s2+$0x1D0]  }
0x485: {  	s7 =	simm.s32 $0xE;
	v11 =	vld [tilespmem:s2+$0x1E0];
	s8 =	simm.s32 $0x10;
	v12 =	vbroadcast v13, $0x0;
	v13 =	vmul.f32 v17, v1;
	v14 =	vand.u32 $0xFFFFFFFD, v18;
	[tilespmem:s2+$0x160] =	vst v16  }
.LBB2_12:
0x486: {  	p0 =	slt.u32 s8, $0x48;
	v2 =	vbroadcast v2, $0x0;
	v16 =	vmov s7;
	[tilespmem:s2+$0x180] =	vst v15;
	v6 =	vmul.f32 v6, v1;
	v15 =	vld [tilespmem:s2+$0x1F0]  }
0x487: {  	v14 =	vbroadcast v14, $0x0;
	v16 =	vand.u32 $0xFFFFFFFE, v16;
	v17 =	vld.idx.msk [tilespmem:v3+s25+$0x0], $0xffff;
	[tilespmem:s2+$0x190] =	vst v13;
	v3 =	vmul.f32 v7, v1  }
0x488: {  	v7 =	vld.idx.msk [tilespmem:v4+s25+$0x0], $0xffff;
	v13 =	vbroadcast v16, $0x0;
	[tilespmem:s2+$0x1A0] =	vst v6;
	v4 =	vmul.f32 v8, v1  }
0x489: {  	v6 =	vld.idx.msk [tilespmem:v5+s25+$0x0], $0xffff;
	[tilespmem:s2+$0x1B0] =	vst v3;
	v3 =	vmul.f32 v9, v1  }
0x48a: {  	v8 =	vld.idx.msk [tilespmem:v10+s25+$0x0], $0xffff;
	[tilespmem:s2+$0x1C0] =	vst v4;
	v9 =	vmul.f32 v11, v1  }
0x48b: {  	v5 =	vld.idx.msk [tilespmem:v12+s25+$0x0], $0xffff;
	[tilespmem:s2+$0x1D0] =	vst v3;
	v10 =	vmul.f32 v15, v1  }
0x48c: {  	v4 =	vld.idx.msk [tilespmem:v2+s25+$0x0], $0xffff;
	[tilespmem:s2+$0x1E0] =	vst v9  }
0x48d: {  	v1 =	vmov v17;
	v3 =	vld.idx.msk [tilespmem:v14+s25+$0x0], $0xffff;
	[tilespmem:s2+$0x1F0] =	vst v10  }
0x48e: {  	s2 =	sadd.s32 $0x400, s2;
	v2 =	vld.idx.msk [tilespmem:v13+s25+$0x0], $0xffff  }
0x48f: {  	v9 =	vld [tilespmem:s2+$0x170]  }
0x490: {  	v10 =	vld [tilespmem:s2+$0xFFFFFE00]  }
0x491: {  	v11 =	vld [tilespmem:s2+$0xFFFFFE10]  }
0x492: {  	v12 =	vld [tilespmem:s2+$0xFFFFFE20]  }
0x493: {  	v13 =	vld [tilespmem:s2+$0xFFFFFE30]  }
0x494: {  	v14 =	vld [tilespmem:s2+$0xFFFFFE40];
	v9 =	vmul.f32 v9, v2  }
0x495: {  	v10 =	vmul.f32 v10, v7;
	v15 =	vld [tilespmem:s2+$0xFFFFFE50]  }
0x496: {  	v11 =	vmul.f32 v11, v7;
	v16 =	vld [tilespmem:s2+$0xFFFFFE60];
	[tilespmem:s2+$0x170] =	vst v9  }
0x497: {  	[tilespmem:s2+$0xFFFFFE00] =	vst v10;
	v9 =	vmul.f32 v12, v7;
	v10 =	vld [tilespmem:s2+$0xFFFFFE70]  }
0x498: {  	[tilespmem:s2+$0xFFFFFE10] =	vst v11;
	v11 =	vmul.f32 v13, v7;
	v12 =	vld [tilespmem:s2+$0xFFFFFE80]  }
0x499: {  	[tilespmem:s2+$0xFFFFFE20] =	vst v9;
	v9 =	vmul.f32 v14, v7;
	v13 =	vld [tilespmem:s2+$0xFFFFFE90]  }
0x49a: {  	[tilespmem:s2+$0xFFFFFE30] =	vst v11;
	v11 =	vmul.f32 v15, v7;
	v14 =	vld [tilespmem:s2+$0xFFFFFEA0]  }
0x49b: {  	[tilespmem:s2+$0xFFFFFE40] =	vst v9;
	v9 =	vmul.f32 v16, v7;
	v15 =	vld [tilespmem:s2+$0xFFFFFEB0]  }
0x49c: {  	[tilespmem:s2+$0xFFFFFE50] =	vst v11;
	v7 =	vmul.f32 v10, v7;
	v10 =	vld [tilespmem:s2+$0xFFFFFEC0]  }
0x49d: {  	[tilespmem:s2+$0xFFFFFE60] =	vst v9;
	v9 =	vmul.f32 v12, v6;
	v11 =	vld [tilespmem:s2+$0xFFFFFED0]  }
0x49e: {  	[tilespmem:s2+$0xFFFFFE70] =	vst v7;
	v7 =	vmul.f32 v13, v6;
	v12 =	vld [tilespmem:s2+$0xFFFFFEE0]  }
0x49f: {  	[tilespmem:s2+$0xFFFFFE80] =	vst v9;
	v9 =	vmul.f32 v14, v6;
	v13 =	vld [tilespmem:s2+$0xFFFFFEF0]  }
0x4a0: {  	[tilespmem:s2+$0xFFFFFE90] =	vst v7;
	v7 =	vmul.f32 v15, v6;
	v14 =	vld [tilespmem:s2+$0xFFFFFF00]  }
0x4a1: {  	[tilespmem:s2+$0xFFFFFEA0] =	vst v9;
	v9 =	vmul.f32 v10, v6;
	v10 =	vld [tilespmem:s2+$0xFFFFFF10]  }
0x4a2: {  	[tilespmem:s2+$0xFFFFFEB0] =	vst v7;
	v7 =	vmul.f32 v11, v6;
	v11 =	vld [tilespmem:s2+$0xFFFFFF20]  }
0x4a3: {  	[tilespmem:s2+$0xFFFFFEC0] =	vst v9;
	v9 =	vmul.f32 v12, v6;
	v12 =	vld [tilespmem:s2+$0xFFFFFF30]  }
0x4a4: {  	[tilespmem:s2+$0xFFFFFED0] =	vst v7;
	v6 =	vmul.f32 v13, v6;
	v7 =	vld [tilespmem:s2+$0xFFFFFF40]  }
0x4a5: {  	[tilespmem:s2+$0xFFFFFEE0] =	vst v9;
	v9 =	vmul.f32 v14, v8;
	v13 =	vld [tilespmem:s2+$0xFFFFFF50]  }
0x4a6: {  	[tilespmem:s2+$0xFFFFFEF0] =	vst v6;
	v6 =	vmul.f32 v10, v8;
	v10 =	vld [tilespmem:s2+$0xFFFFFF60]  }
0x4a7: {  	[tilespmem:s2+$0xFFFFFF00] =	vst v9;
	v9 =	vmul.f32 v11, v8;
	v11 =	vld [tilespmem:s2+$0xFFFFFF70]  }
0x4a8: {  	[tilespmem:s2+$0xFFFFFF10] =	vst v6;
	v6 =	vmul.f32 v12, v8;
	v12 =	vld [tilespmem:s2+$0xFFFFFF80]  }
0x4a9: {  	[tilespmem:s2+$0xFFFFFF20] =	vst v9;
	v7 =	vmul.f32 v7, v8;
	v9 =	vld [tilespmem:s2+$0xFFFFFF90]  }
0x4aa: {  	[tilespmem:s2+$0xFFFFFF30] =	vst v6;
	v6 =	vmul.f32 v13, v8;
	v13 =	vld [tilespmem:s2+$0xFFFFFFA0]  }
0x4ab: {  	[tilespmem:s2+$0xFFFFFF40] =	vst v7;
	v7 =	vmul.f32 v10, v8;
	v10 =	vld [tilespmem:s2+$0xFFFFFFB0]  }
0x4ac: {  	[tilespmem:s2+$0xFFFFFF50] =	vst v6;
	v6 =	vmul.f32 v11, v8;
	v8 =	vld [tilespmem:s2+$0xFFFFFFC0]  }
0x4ad: {  	[tilespmem:s2+$0xFFFFFF60] =	vst v7;
	v7 =	vmul.f32 v12, v5;
	v11 =	vld [tilespmem:s2+$0xFFFFFFD0]  }
0x4ae: {  	[tilespmem:s2+$0xFFFFFF70] =	vst v6;
	v6 =	vmul.f32 v9, v5;
	v9 =	vld [tilespmem:s2+$0xFFFFFFE0]  }
0x4af: {  	[tilespmem:s2+$0xFFFFFF80] =	vst v7;
	v7 =	vmul.f32 v13, v5;
	v12 =	vld [tilespmem:s2+$0xFFFFFFF0]  }
0x4b0: {  	[tilespmem:s2+$0xFFFFFF90] =	vst v6;
	v6 =	vmul.f32 v10, v5;
	v10 =	vld [tilespmem:s2+$0x0]  }
0x4b1: {  	[tilespmem:s2+$0xFFFFFFA0] =	vst v7;
	v7 =	vmul.f32 v8, v5;
	v8 =	vld [tilespmem:s2+$0x10]  }
0x4b2: {  	[tilespmem:s2+$0xFFFFFFB0] =	vst v6;
	v6 =	vmul.f32 v11, v5;
	v11 =	vld [tilespmem:s2+$0x20]  }
0x4b3: {  	[tilespmem:s2+$0xFFFFFFC0] =	vst v7;
	v7 =	vmul.f32 v9, v5;
	v9 =	vld [tilespmem:s2+$0x30]  }
0x4b4: {  	[tilespmem:s2+$0xFFFFFFD0] =	vst v6;
	v5 =	vmul.f32 v12, v5;
	v6 =	vld [tilespmem:s2+$0x40]  }
0x4b5: {  	[tilespmem:s2+$0xFFFFFFE0] =	vst v7;
	v7 =	vmul.f32 v10, v4;
	v10 =	vld [tilespmem:s2+$0x50]  }
0x4b6: {  	[tilespmem:s2+$0xFFFFFFF0] =	vst v5;
	v5 =	vmul.f32 v8, v4;
	v8 =	vld [tilespmem:s2+$0x60]  }
0x4b7: {  	[tilespmem:s2+$0x0] =	vst v7;
	v7 =	vmul.f32 v11, v4;
	v11 =	vld [tilespmem:s2+$0x70]  }
0x4b8: {  	[tilespmem:s2+$0x10] =	vst v5;
	v5 =	vmul.f32 v9, v4;
	v9 =	vld [tilespmem:s2+$0x80]  }
0x4b9: {  	[tilespmem:s2+$0x20] =	vst v7;
	v6 =	vmul.f32 v6, v4;
	v7 =	vld [tilespmem:s2+$0x90]  }
0x4ba: {  	[tilespmem:s2+$0x30] =	vst v5;
	v5 =	vmul.f32 v10, v4;
	v10 =	vld [tilespmem:s2+$0xA0]  }
0x4bb: {  	[tilespmem:s2+$0x40] =	vst v6;
	v6 =	vmul.f32 v8, v4;
	v8 =	vld [tilespmem:s2+$0xB0]  }
0x4bc: {  	[tilespmem:s2+$0x50] =	vst v5;
	v4 =	vmul.f32 v11, v4;
	v5 =	vld [tilespmem:s2+$0xC0]  }
0x4bd: {  	[tilespmem:s2+$0x60] =	vst v6;
	v6 =	vmul.f32 v9, v3;
	v9 =	vld [tilespmem:s2+$0xD0]  }
0x4be: {  	[tilespmem:s2+$0x70] =	vst v4;
	v4 =	vmul.f32 v7, v3;
	v7 =	vld [tilespmem:s2+$0xE0]  }
0x4bf: {  	[tilespmem:s2+$0x80] =	vst v6;
	v6 =	vmul.f32 v10, v3;
	v10 =	vld [tilespmem:s2+$0xF0]  }
0x4c0: {  	[tilespmem:s2+$0x90] =	vst v4;
	v4 =	vmul.f32 v8, v3;
	v8 =	vld [tilespmem:s2+$0x100]  }
0x4c1: {  	[tilespmem:s2+$0xA0] =	vst v6;
	v5 =	vmul.f32 v5, v3;
	v6 =	vld [tilespmem:s2+$0x110]  }
0x4c2: {  	[tilespmem:s2+$0xB0] =	vst v4;
	v4 =	vmul.f32 v9, v3;
	v9 =	vld [tilespmem:s2+$0x120]  }
0x4c3: {  	[tilespmem:s2+$0xC0] =	vst v5;
	v5 =	vmul.f32 v7, v3;
	v7 =	vld [tilespmem:s2+$0x130]  }
0x4c4: {  	[tilespmem:s2+$0xD0] =	vst v4;
	v4 =	vmul.f32 v10, v3;
	v10 =	vld [tilespmem:s2+$0x140]  }
0x4c5: {  	s1 =	sadd.s32 $0x7, s8;
	v3 =	vmov s8;
	[tilespmem:s2+$0xE0] =	vst v5;
	v5 =	vmul.f32 v8, v2;
	v8 =	vld [tilespmem:s2+$0x150]  }
0x4c6: {  	s7 =	sadd.s32 $0x1, s8;
	s16 =	sadd.s32 $0x2, s8;
	v11 =	vand.u32 $0xFFFFFFF8, v3;
	v3 =	vmov s1;
	[tilespmem:s2+$0xF0] =	vst v4;
	v4 =	vmul.f32 v6, v2;
	v12 =	vld [tilespmem:s2+$0x160]  }
0x4c7: {  	v14 =	vmov s16;
	v13 =	vmov s7;
	s7 =	sadd.s32 $0x4, s8;
	s1 =	sadd.s32 $0x3, s8;
	[tilespmem:s2+$0x100] =	vst v5;
	v5 =	vmul.f32 v9, v2;
	v9 =	vld [tilespmem:s2+$0x180]  }
0x4c8: {  	v16 =	vmov s7;
	v15 =	vmov s1;
	s1 =	sadd.s32 $0x5, s8;
	[tilespmem:s2+$0x110] =	vst v4;
	v7 =	vmul.f32 v7, v2;
	v17 =	vld [tilespmem:s2+$0x190]  }
.Ltmp5:
0x4c9: {  	v4 =	vbroadcast v11, $0x0;
	v11 =	vmov s1;
	[tilespmem:s2+$0x120] =	vst v5;
	v10 =	vmul.f32 v10, v2;
	v6 =	vld [tilespmem:s2+$0x1A0];
	(pc) =	sbr.rel @p0 .LBB2_12-.Ltmp5, $4  }
0x4ca: {  	v5 =	vand.u32 $0xFFFFFFF9, v13;
	v13 =	vand.u32 $0xFFFFFFFA, v14;
	[tilespmem:s2+$0x130] =	vst v7;
	v14 =	vmul.f32 v8, v2;
	v7 =	vld [tilespmem:s2+$0x1B0]  }
0x4cb: {  	v18 =	vand.u32 $0xFFFFFFFB, v15;
	v5 =	vbroadcast v5, $0x0;
	[tilespmem:s2+$0x140] =	vst v10;
	v19 =	vmul.f32 v12, v2;
	v8 =	vld [tilespmem:s2+$0x1C0]  }
0x4cc: {  	v10 =	vbroadcast v13, $0x0;
	v2 =	vand.u32 $0xFFFFFFFC, v16;
	[tilespmem:s2+$0x150] =	vst v14;
	v15 =	vmul.f32 v9, v1;
	v9 =	vld [tilespmem:s2+$0x1D0]  }
0x4cd: {  	s7 =	sadd.s32 $0x6, s8;
	s8 =	sadd.s32 $0x8, s8;
	v12 =	vbroadcast v18, $0x0;
	v14 =	vand.u32 $0xFFFFFFFD, v11;
	[tilespmem:s2+$0x160] =	vst v19;
	v13 =	vmul.f32 v17, v1;
	v11 =	vld [tilespmem:s2+$0x1E0]  }
0x4ce: {  	_ =	sdelay $0x2  }
0x4cf: {  	v16 =	vld [tilespmem:s2+$0x1F0]  }
0x4d0: {  	v18 =	vld.idx.msk [tilespmem:v4+s25+$0x0], $0xffff  }
0x4d1: {  	[tilespmem:s2+$0x180] =	vst v15;
	v15 =	vbroadcast v2, $0x0;
	v2 =	vmov s7;
	v10 =	vld.idx.msk [tilespmem:v10+s25+$0x0], $0xffff  }
0x4d2: {  	v17 =	vand.u32 $0xFFFFFFFE, v2;
	v2 =	vld.idx.msk [tilespmem:v3+s25+$0x0], $0xffff  }
0x4d3: {  	s8 =	sadd.s32 $0x400, s2;
	v12 =	vld.idx.msk [tilespmem:v12+s25+$0x0], $0xffff  }
0x4d4: {  	v14 =	vbroadcast v14, $0x0;
	v6 =	vmul.f32 v6, v1;
	[tilespmem:s2+$0x190] =	vst v13;
	v13 =	vld [tilespmem:s8+$0x170]  }
0x4d5: {  	v7 =	vmul.f32 v7, v1;
	v3 =	vbroadcast v17, $0x0;
	v17 =	vld.idx.msk [tilespmem:v5+s25+$0x0], $0xffff  }
0x4d6: {  	[tilespmem:s2+$0x1A0] =	vst v6;
	v6 =	vmul.f32 v8, v1;
	v8 =	vld [tilespmem:s8+$0xFFFFFE00]  }
0x4d7: {  	[tilespmem:s2+$0x1B0] =	vst v7;
	v7 =	vmul.f32 v9, v1;
	v9 =	vld [tilespmem:s8+$0xFFFFFE10]  }
0x4d8: {  	[tilespmem:s2+$0x1C0] =	vst v6;
	v6 =	vmul.f32 v11, v1;
	v11 =	vld [tilespmem:s8+$0xFFFFFE20]  }
0x4d9: {  	[tilespmem:s2+$0x1D0] =	vst v7;
	v7 =	vld [tilespmem:s8+$0xFFFFFE30]  }
0x4da: {  	v5 =	vld.idx.msk [tilespmem:v15+s25+$0x0], $0xffff  }
0x4db: {  	v1 =	vmul.f32 v16, v1;
	v4 =	vld.idx.msk [tilespmem:v14+s25+$0x0], $0xffff  }
0x4dc: {  	[tilespmem:s2+$0x1E0] =	vst v6;
	v6 =	vld [tilespmem:s8+$0xFFFFFE40]  }
0x4dd: {  	[tilespmem:s2+$0x1F0] =	vst v1;
	v1 =	vmul.f32 v8, v18;
	v3 =	vld.idx.msk [tilespmem:v3+s25+$0x0], $0xffff  }
0x4de: {  	v8 =	vld [tilespmem:s8+$0xFFFFFE50];
	v9 =	vmul.f32 v9, v18  }
0x4df: {  	v14 =	vld [tilespmem:s8+$0xFFFFFE60];
	[tilespmem:s8+$0xFFFFFE00] =	vst v1;
	v1 =	vmul.f32 v11, v18  }
0x4e0: {  	v11 =	vld [tilespmem:s8+$0xFFFFFE70];
	[tilespmem:s8+$0xFFFFFE10] =	vst v9;
	v7 =	vmul.f32 v7, v18  }
0x4e1: {  	v9 =	vld [tilespmem:s8+$0xFFFFFE80];
	[tilespmem:s8+$0xFFFFFE20] =	vst v1;
	v1 =	vmul.f32 v6, v18  }
0x4e2: {  	v6 =	vld [tilespmem:s8+$0xFFFFFE90];
	[tilespmem:s8+$0xFFFFFE30] =	vst v7;
	v13 =	vmul.f32 v13, v3  }
0x4e3: {  	v7 =	vmul.f32 v8, v18;
	v8 =	vld [tilespmem:s8+$0xFFFFFEA0];
	[tilespmem:s8+$0xFFFFFE40] =	vst v1  }
0x4e4: {  	v1 =	vmul.f32 v14, v18;
	[tilespmem:s8+$0x170] =	vst v13;
	v13 =	vld [tilespmem:s8+$0xFFFFFEB0]  }
0x4e5: {  	[tilespmem:s8+$0xFFFFFE50] =	vst v7;
	v7 =	vmul.f32 v11, v18;
	v11 =	vld [tilespmem:s8+$0xFFFFFEC0]  }
0x4e6: {  	[tilespmem:s8+$0xFFFFFE60] =	vst v1;
	v1 =	vmul.f32 v9, v17;
	v9 =	vld [tilespmem:s8+$0xFFFFFED0]  }
0x4e7: {  	[tilespmem:s8+$0xFFFFFE70] =	vst v7;
	v6 =	vmul.f32 v6, v17;
	v7 =	vld [tilespmem:s8+$0xFFFFFEE0]  }
0x4e8: {  	[tilespmem:s8+$0xFFFFFE80] =	vst v1;
	v1 =	vmul.f32 v8, v17;
	v8 =	vld [tilespmem:s8+$0xFFFFFEF0]  }
0x4e9: {  	[tilespmem:s8+$0xFFFFFE90] =	vst v6;
	v6 =	vmul.f32 v13, v17;
	v13 =	vld [tilespmem:s8+$0xFFFFFF00]  }
0x4ea: {  	[tilespmem:s8+$0xFFFFFEA0] =	vst v1;
	v1 =	vmul.f32 v11, v17;
	v11 =	vld [tilespmem:s8+$0xFFFFFF10]  }
0x4eb: {  	[tilespmem:s8+$0xFFFFFEB0] =	vst v6;
	v6 =	vmul.f32 v9, v17;
	v9 =	vld [tilespmem:s8+$0xFFFFFF20]  }
0x4ec: {  	[tilespmem:s8+$0xFFFFFEC0] =	vst v1;
	v1 =	vmul.f32 v7, v17;
	v7 =	vld [tilespmem:s8+$0xFFFFFF30]  }
0x4ed: {  	[tilespmem:s8+$0xFFFFFED0] =	vst v6;
	v6 =	vmul.f32 v8, v17;
	v8 =	vld [tilespmem:s8+$0xFFFFFF40]  }
0x4ee: {  	[tilespmem:s8+$0xFFFFFEE0] =	vst v1;
	v1 =	vmul.f32 v13, v10;
	v13 =	vld [tilespmem:s8+$0xFFFFFF50]  }
0x4ef: {  	[tilespmem:s8+$0xFFFFFEF0] =	vst v6;
	v6 =	vmul.f32 v11, v10;
	v11 =	vld [tilespmem:s8+$0xFFFFFF60]  }
0x4f0: {  	[tilespmem:s8+$0xFFFFFF00] =	vst v1;
	v1 =	vmul.f32 v9, v10;
	v9 =	vld [tilespmem:s8+$0xFFFFFF70]  }
0x4f1: {  	[tilespmem:s8+$0xFFFFFF10] =	vst v6;
	v6 =	vmul.f32 v7, v10;
	v7 =	vld [tilespmem:s8+$0xFFFFFF80]  }
0x4f2: {  	[tilespmem:s8+$0xFFFFFF20] =	vst v1;
	v1 =	vmul.f32 v8, v10;
	v8 =	vld [tilespmem:s8+$0xFFFFFF90]  }
0x4f3: {  	[tilespmem:s8+$0xFFFFFF30] =	vst v6;
	v6 =	vmul.f32 v13, v10;
	v13 =	vld [tilespmem:s8+$0xFFFFFFA0]  }
0x4f4: {  	[tilespmem:s8+$0xFFFFFF40] =	vst v1;
	v1 =	vmul.f32 v11, v10;
	v11 =	vld [tilespmem:s8+$0xFFFFFFB0]  }
0x4f5: {  	[tilespmem:s8+$0xFFFFFF50] =	vst v6;
	v6 =	vmul.f32 v9, v10;
	v9 =	vld [tilespmem:s8+$0xFFFFFFC0]  }
0x4f6: {  	[tilespmem:s8+$0xFFFFFF60] =	vst v1;
	v1 =	vmul.f32 v7, v12;
	v7 =	vld [tilespmem:s8+$0xFFFFFFD0]  }
0x4f7: {  	[tilespmem:s8+$0xFFFFFF70] =	vst v6;
	v6 =	vmul.f32 v8, v12;
	v8 =	vld [tilespmem:s8+$0xFFFFFFE0]  }
0x4f8: {  	v10 =	vld [tilespmem:s8+$0xFFFFFFF0];
	[tilespmem:s8+$0xFFFFFF80] =	vst v1;
	v1 =	vmul.f32 v13, v12  }
0x4f9: {  	[tilespmem:s8+$0xFFFFFF90] =	vst v6;
	v6 =	vmul.f32 v11, v12;
	v11 =	vld [tilespmem:s8+$0x0]  }
0x4fa: {  	[tilespmem:s8+$0xFFFFFFA0] =	vst v1;
	v1 =	vmul.f32 v9, v12;
	v9 =	vld [tilespmem:s8+$0x10]  }
0x4fb: {  	[tilespmem:s8+$0xFFFFFFB0] =	vst v6;
	v6 =	vmul.f32 v7, v12;
	v7 =	vld [tilespmem:s8+$0x20]  }
0x4fc: {  	[tilespmem:s8+$0xFFFFFFC0] =	vst v1;
	v1 =	vmul.f32 v8, v12;
	v8 =	vld [tilespmem:s8+$0x30]  }
0x4fd: {  	[tilespmem:s8+$0xFFFFFFD0] =	vst v6;
	v6 =	vmul.f32 v10, v12;
	v10 =	vld [tilespmem:s8+$0x40]  }
0x4fe: {  	[tilespmem:s8+$0xFFFFFFE0] =	vst v1;
	v1 =	vmul.f32 v11, v5;
	v11 =	vld [tilespmem:s8+$0x50]  }
0x4ff: {  	[tilespmem:s8+$0xFFFFFFF0] =	vst v6;
	v6 =	vmul.f32 v9, v5;
	v9 =	vld [tilespmem:s8+$0x60]  }
0x500: {  	[tilespmem:s8+$0x0] =	vst v1;
	v1 =	vmul.f32 v7, v5;
	v7 =	vld [tilespmem:s8+$0x70]  }
0x501: {  	[tilespmem:s8+$0x10] =	vst v6;
	v6 =	vmul.f32 v8, v5;
	v8 =	vld [tilespmem:s8+$0x80]  }
0x502: {  	[tilespmem:s8+$0x20] =	vst v1;
	v1 =	vmul.f32 v10, v5;
	v10 =	vld [tilespmem:s8+$0x90]  }
0x503: {  	[tilespmem:s8+$0x30] =	vst v6;
	v6 =	vmul.f32 v11, v5;
	v11 =	vld [tilespmem:s8+$0xA0]  }
0x504: {  	[tilespmem:s8+$0x40] =	vst v1;
	v1 =	vmul.f32 v9, v5;
	v9 =	vld [tilespmem:s8+$0xB0]  }
0x505: {  	[tilespmem:s8+$0x50] =	vst v6;
	v5 =	vmul.f32 v7, v5;
	v6 =	vld [tilespmem:s8+$0xC0]  }
0x506: {  	v7 =	vld [tilespmem:s8+$0xD0];
	[tilespmem:s8+$0x60] =	vst v1;
	v1 =	vmul.f32 v8, v4  }
0x507: {  	v8 =	vld [tilespmem:s8+$0xE0];
	[tilespmem:s8+$0x70] =	vst v5;
	v5 =	vmul.f32 v10, v4  }
0x508: {  	v10 =	vld [tilespmem:s8+$0xF0];
	[tilespmem:s8+$0x80] =	vst v1;
	v1 =	vmul.f32 v11, v4  }
0x509: {  	[tilespmem:s8+$0x90] =	vst v5;
	v5 =	vmul.f32 v9, v4;
	v9 =	vld [tilespmem:s8+$0x100]  }
0x50a: {  	[tilespmem:s8+$0xA0] =	vst v1;
	v1 =	vmul.f32 v6, v4;
	v6 =	vld [tilespmem:s8+$0x110]  }
0x50b: {  	[tilespmem:s8+$0xB0] =	vst v5;
	v5 =	vmul.f32 v7, v4;
	v7 =	vld [tilespmem:s8+$0x120]  }
0x50c: {  	[tilespmem:s8+$0xC0] =	vst v1;
	v1 =	vmul.f32 v8, v4;
	v8 =	vld [tilespmem:s8+$0x130]  }
0x50d: {  	v4 =	vmul.f32 v10, v4;
	[tilespmem:s8+$0xD0] =	vst v5;
	v5 =	vld [tilespmem:s8+$0x140]  }
0x50e: {  	[tilespmem:s8+$0xE0] =	vst v1;
	v1 =	vmul.f32 v9, v3;
	v9 =	vld [tilespmem:s8+$0x150]  }
0x50f: {  	[tilespmem:s8+$0xF0] =	vst v4;
	v4 =	vmul.f32 v6, v3;
	v6 =	vld [tilespmem:s8+$0x160]  }
0x510: {  	[tilespmem:s8+$0x100] =	vst v1;
	v1 =	vmul.f32 v7, v3;
	v7 =	vld [tilespmem:s8+$0x180]  }
0x511: {  	[tilespmem:s8+$0x110] =	vst v4;
	v4 =	vmul.f32 v8, v3;
	v8 =	vld [tilespmem:s8+$0x190]  }
0x512: {  	[tilespmem:s8+$0x120] =	vst v1;
	v1 =	vmul.f32 v5, v3;
	v5 =	vld [tilespmem:s8+$0x1A0]  }
0x513: {  	[tilespmem:s8+$0x130] =	vst v4;
	v4 =	vmul.f32 v9, v3;
	v9 =	vld [tilespmem:s8+$0x1B0]  }
0x514: {  	[tilespmem:s8+$0x140] =	vst v1;
	v1 =	vmul.f32 v6, v3;
	v3 =	vld [tilespmem:s8+$0x1C0]  }
0x515: {  	v6 =	vld [tilespmem:s8+$0x1D0];
	[tilespmem:s8+$0x150] =	vst v4;
	v4 =	vmul.f32 v7, v2  }
0x516: {  	v7 =	vld [tilespmem:s8+$0x1E0];
	[tilespmem:s8+$0x160] =	vst v1;
	v1 =	vmul.f32 v8, v2  }
0x517: {  	[tilespmem:s8+$0x180] =	vst v4;
	v4 =	vmul.f32 v5, v2;
	v5 =	vld [tilespmem:s8+$0x1F0]  }
0x518: {  	[tilespmem:s8+$0x190] =	vst v1;
	v1 =	vmul.f32 v9, v2  }
0x519: {  	[tilespmem:s8+$0x1A0] =	vst v4;
	v3 =	vmul.f32 v3, v2  }
0x51a: {  	[tilespmem:s8+$0x1B0] =	vst v1;
	v1 =	vmul.f32 v6, v2  }
0x51b: {  	[tilespmem:s8+$0x1C0] =	vst v3;
	v3 =	vmul.f32 v7, v2  }
0x51c: {  	[tilespmem:s8+$0x1D0] =	vst v1;
	v1 =	vmul.f32 v5, v2  }
0x51d: {  	s1 =	simm.s32 $0x0;
	[tilespmem:s8+$0x1E0] =	vst v3  }
0x51e: {  	s20 =	simm.s32 $0x6;
	s22 =	simm.s32 $0x5380;
	[tilespmem:s8+$0x1F0] =	vst v1;
	v1 =	vmov s1  }
0x51f: {  	v2 =	vmov s20;
	[spmem:s3] =	stream.indirect.scatter.add.f32 [tilespmem:s26], [sflag:$0x8], $0x80, s22, s14, $0xb8;
	v1 =	vand.u32 $0xFFFFFFF8, v1;
	[tilespmem:$0x1E680] =	vst v63  }
0x520: {  	v2 =	vand.u32 $0xFFFFFFFE, v2;
	_ =	swait.ge [sflag:s19], $0x2800;
	v1 =	vbroadcast v1, $0x0  }
0x521: {  	v2 =	vbroadcast v2, $0x0;
	[sflag:s19] =	ssyncset.done $0x0  }
0x522: {  	[sflag:s19] =	ssyncadd.s32 $0xFFFFD800  }
0x523: {  	_ =	swait.ge [sflag:s23], $0x50  }
0x524: {  	[sflag:s23] =	ssyncset.done $0x0  }
0x525: {  	[sflag:s23] =	ssyncadd.s32 $0xFFFFFFB0  }
0x526: {  	v1 =	vld.idx.msk [tilespmem:v1+s15+$0x0], $0xffff  }
0x527: {  	s28 =	simm.s32 $0x1;
	s2 =	simm.s32 $0x5600;
	v2 =	vld.idx.msk [tilespmem:v2+s15+$0x0], $0xffff  }
0x528: {  	v3 =	vmov s28;
	v4 =	vld [tilespmem:s2+$0x170]  }
0x529: {  	v3 =	vand.u32 $0xFFFFFFF9, v3;
	v5 =	vld [tilespmem:s2+$0xFFFFFE00]  }
0x52a: {  	v3 =	vbroadcast v3, $0x0;
	v6 =	vld [tilespmem:s2+$0xFFFFFE10]  }
0x52b: {  	v7 =	vld [tilespmem:s2+$0xFFFFFE20]  }
0x52c: {  	v8 =	vld [tilespmem:s2+$0xFFFFFE30]  }
0x52d: {  	v9 =	vld [tilespmem:s2+$0xFFFFFE40]  }
0x52e: {  	v10 =	vld [tilespmem:s2+$0xFFFFFE50]  }
0x52f: {  	v11 =	vld [tilespmem:s2+$0xFFFFFE60]  }
0x530: {  	v3 =	vld.idx.msk [tilespmem:v3+s15+$0x0], $0xffff  }
0x531: {  	v12 =	vld [tilespmem:s2+$0xFFFFFE70]  }
0x532: {  	v13 =	vld [tilespmem:s2+$0xFFFFFE80];
	v5 =	vmul.f32 v5, v1  }
0x533: {  	v14 =	vld [tilespmem:s2+$0xFFFFFE90];
	v4 =	vmul.f32 v4, v2  }
0x534: {  	v15 =	vld [tilespmem:s2+$0xFFFFFEA0];
	v6 =	vmul.f32 v6, v1;
	[tilespmem:s2+$0xFFFFFE00] =	vst v5  }
0x535: {  	s7 =	simm.s32 $0x2;
	v16 =	vld [tilespmem:s2+$0xFFFFFEB0];
	v8 =	vmul.f32 v8, v1;
	[tilespmem:s2+$0x170] =	vst v4  }
0x536: {  	v9 =	vmul.f32 v9, v1;
	v5 =	vmov s7;
	v4 =	vmul.f32 v7, v1;
	v7 =	vld [tilespmem:s2+$0xFFFFFEC0];
	[tilespmem:s2+$0xFFFFFE10] =	vst v6  }
0x537: {  	v6 =	vmul.f32 v13, v3;
	v13 =	vld [tilespmem:s2+$0xFFFFFED0];
	[tilespmem:s2+$0xFFFFFE30] =	vst v8;
	v5 =	vand.u32 $0xFFFFFFFA, v5  }
0x538: {  	v8 =	vmul.f32 v10, v1;
	v10 =	vld [tilespmem:s2+$0xFFFFFEF0];
	[tilespmem:s2+$0xFFFFFE40] =	vst v9;
	v5 =	vbroadcast v5, $0x0  }
0x539: {  	v9 =	vmul.f32 v11, v1;
	v11 =	vld [tilespmem:s2+$0xFFFFFF00];
	[tilespmem:s2+$0xFFFFFE20] =	vst v4  }
0x53a: {  	v1 =	vmul.f32 v12, v1;
	v12 =	vld [tilespmem:s2+$0xFFFFFF20];
	[tilespmem:s2+$0xFFFFFE80] =	vst v6  }
0x53b: {  	s8 =	simm.s32 $0x3;
	v4 =	vld [tilespmem:s2+$0xFFFFFEE0];
	[tilespmem:s2+$0xFFFFFE50] =	vst v8  }
0x53c: {  	v6 =	vmov s8;
	v8 =	vld [tilespmem:s2+$0xFFFFFF10];
	[tilespmem:s2+$0xFFFFFE60] =	vst v9;
	v9 =	vmul.f32 v14, v3  }
0x53d: {  	[tilespmem:s2+$0xFFFFFE70] =	vst v1;
	v1 =	vmul.f32 v15, v3;
	v14 =	vld [tilespmem:s2+$0xFFFFFF30];
	v6 =	vand.u32 $0xFFFFFFFB, v6  }
0x53e: {  	v6 =	vbroadcast v6, $0x0;
	[tilespmem:s2+$0xFFFFFE90] =	vst v9;
	v9 =	vmul.f32 v16, v3;
	v5 =	vld.idx.msk [tilespmem:v5+s15+$0x0], $0xffff  }
0x53f: {  	v15 =	vld [tilespmem:s2+$0xFFFFFF40];
	[tilespmem:s2+$0xFFFFFEA0] =	vst v1;
	v7 =	vmul.f32 v7, v3  }
0x540: {  	v13 =	vmul.f32 v13, v3;
	[tilespmem:s2+$0xFFFFFEB0] =	vst v9;
	v9 =	vld [tilespmem:s2+$0xFFFFFF60]  }
0x541: {  	[tilespmem:s2+$0xFFFFFEC0] =	vst v7;
	v4 =	vmul.f32 v4, v3;
	v7 =	vld [tilespmem:s2+$0xFFFFFF70]  }
0x542: {  	[tilespmem:s2+$0xFFFFFED0] =	vst v13;
	v3 =	vmul.f32 v10, v3;
	v10 =	vld [tilespmem:s2+$0xFFFFFF80]  }
0x543: {  	v13 =	vld [tilespmem:s2+$0xFFFFFFB0];
	[tilespmem:s2+$0xFFFFFEE0] =	vst v4;
	v1 =	vmul.f32 v11, v5  }
0x544: {  	[tilespmem:s2+$0xFFFFFEF0] =	vst v3;
	v6 =	vld.idx.msk [tilespmem:v6+s15+$0x0], $0xffff;
	v4 =	vmul.f32 v8, v5  }
0x545: {  	s16 =	simm.s32 $0x4;
	v11 =	vld [tilespmem:s2+$0xFFFFFF50];
	v3 =	vmul.f32 v12, v5;
	[tilespmem:s2+$0xFFFFFF00] =	vst v1  }
0x546: {  	v8 =	vld [tilespmem:s2+$0xFFFFFF90];
	v9 =	vmul.f32 v9, v5;
	v1 =	vmov s16;
	[tilespmem:s2+$0xFFFFFF10] =	vst v4  }
0x547: {  	v12 =	vld [tilespmem:s2+$0xFFFFFFA0];
	v4 =	vmul.f32 v14, v5;
	[tilespmem:s2+$0xFFFFFF20] =	vst v3;
	v1 =	vand.u32 $0xFFFFFFFC, v1  }
0x548: {  	v3 =	vmul.f32 v15, v5;
	v14 =	vld [tilespmem:s2+$0xFFFFFFC0];
	[tilespmem:s2+$0xFFFFFF60] =	vst v9;
	v1 =	vbroadcast v1, $0x0  }
0x549: {  	v9 =	vld [tilespmem:s2+$0x0];
	[tilespmem:s2+$0xFFFFFF30] =	vst v4;
	v4 =	vmul.f32 v10, v6  }
0x54a: {  	s20 =	simm.s32 $0x5;
	v10 =	vld [tilespmem:s2+$0xFFFFFFD0];
	[tilespmem:s2+$0xFFFFFF40] =	vst v3;
	v11 =	vmul.f32 v11, v5  }
0x54b: {  	v3 =	vld [tilespmem:s2+$0xFFFFFFE0];
	v5 =	vmul.f32 v7, v5;
	[tilespmem:s2+$0xFFFFFF80] =	vst v4;
	v4 =	vmov s20  }
0x54c: {  	v7 =	vld [tilespmem:s2+$0xFFFFFFF0];
	v8 =	vmul.f32 v8, v6;
	[tilespmem:s2+$0xFFFFFF50] =	vst v11;
	v4 =	vand.u32 $0xFFFFFFFD, v4  }
0x54d: {  	[tilespmem:s2+$0xFFFFFF70] =	vst v5;
	v5 =	vmul.f32 v12, v6;
	v11 =	vld [tilespmem:s2+$0x10];
	v4 =	vbroadcast v4, $0x0  }
0x54e: {  	[tilespmem:s2+$0xFFFFFF90] =	vst v8;
	v8 =	vmul.f32 v13, v6;
	v1 =	vld.idx.msk [tilespmem:v1+s15+$0x0], $0xffff  }
0x54f: {  	v12 =	vld [tilespmem:s2+$0x20];
	[tilespmem:s2+$0xFFFFFFA0] =	vst v5;
	v5 =	vmul.f32 v14, v6  }
0x550: {  	v13 =	vld [tilespmem:s2+$0x30];
	[tilespmem:s2+$0xFFFFFFB0] =	vst v8;
	v8 =	vmul.f32 v10, v6  }
0x551: {  	v10 =	vld [tilespmem:s2+$0x40];
	v3 =	vmul.f32 v3, v6;
	[tilespmem:s2+$0xFFFFFFC0] =	vst v5  }
0x552: {  	v6 =	vmul.f32 v7, v6;
	[tilespmem:s2+$0xFFFFFFD0] =	vst v8;
	v8 =	vld [tilespmem:s2+$0x60]  }
0x553: {  	[tilespmem:s2+$0xFFFFFFE0] =	vst v3;
	v4 =	vld.idx.msk [tilespmem:v4+s15+$0x0], $0xffff;
	v5 =	vmul.f32 v9, v1  }
0x554: {  	[tilespmem:s2+$0xFFFFFFF0] =	vst v6;
	v9 =	vld [tilespmem:s2+$0x50];
	v6 =	vmul.f32 v12, v1  }
0x555: {  	v3 =	vmul.f32 v11, v1;
	v11 =	vld [tilespmem:s2+$0x90];
	[tilespmem:s2+$0x0] =	vst v5  }
0x556: {  	v7 =	vld [tilespmem:s2+$0x80];
	[tilespmem:s2+$0x20] =	vst v6;
	v6 =	vmul.f32 v10, v1  }
0x557: {  	v5 =	vld [tilespmem:s2+$0x70];
	[tilespmem:s2+$0x10] =	vst v3;
	v3 =	vmul.f32 v13, v1  }
0x558: {  	v10 =	vld [tilespmem:s2+$0xA0];
	[tilespmem:s2+$0x40] =	vst v6;
	v6 =	vmul.f32 v8, v1  }
0x559: {  	[tilespmem:s2+$0x30] =	vst v3;
	v8 =	vld [tilespmem:s2+$0xC0];
	v3 =	vmul.f32 v9, v1  }
0x55a: {  	v9 =	vld [tilespmem:s2+$0xB0];
	v11 =	vmul.f32 v11, v4;
	[tilespmem:s2+$0x60] =	vst v6  }
0x55b: {  	v6 =	vld [tilespmem:s2+$0xE0];
	[tilespmem:s2+$0x50] =	vst v3;
	v3 =	vmul.f32 v7, v4  }
0x55c: {  	v7 =	vld [tilespmem:s2+$0xD0];
	v5 =	vmul.f32 v5, v1;
	[tilespmem:s2+$0x90] =	vst v11  }
0x55d: {  	v11 =	vld [tilespmem:s2+$0x150];
	[tilespmem:s2+$0x80] =	vst v3  }
0x55e: {  	[tilespmem:s2+$0x70] =	vst v5;
	v3 =	vmul.f32 v10, v4;
	v5 =	vld [tilespmem:s2+$0xF0]  }
0x55f: {  	v10 =	vld [tilespmem:s2+$0x100];
	v9 =	vmul.f32 v9, v4  }
0x560: {  	[tilespmem:s2+$0xA0] =	vst v3;
	v3 =	vmul.f32 v8, v4;
	v8 =	vld [tilespmem:s2+$0x110]  }
0x561: {  	s22 =	simm.s32 $0x7;
	[tilespmem:s2+$0xB0] =	vst v9;
	v7 =	vmul.f32 v7, v4  }
0x562: {  	v12 =	vmov s22;
	v9 =	vld [tilespmem:s2+$0x120];
	v11 =	vmul.f32 v11, v2;
	[tilespmem:s2+$0xC0] =	vst v3  }
0x563: {  	v3 =	vmul.f32 v6, v4;
	v6 =	vld [tilespmem:s2+$0x130];
	[tilespmem:s2+$0xD0] =	vst v7;
	v4 =	vmul.f32 v5, v4  }
0x564: {  	v5 =	vld [tilespmem:s2+$0x140];
	[tilespmem:s2+$0x150] =	vst v11  }
0x565: {  	s16 =	simm.s32 $0xA;
	s22 =	simm.s32 $0xC;
	v10 =	vmul.f32 v10, v2;
	[tilespmem:s2+$0xF0] =	vst v4;
	v4 =	vmul.f32 v8, v2;
	v8 =	vld [tilespmem:s2+$0x160]  }
0x566: {  	s28 =	simm.s32 $0x8;
	s8 =	simm.s32 $0x9;
	v14 =	vld [tilespmem:s2+$0x180];
	v15 =	vmov s22;
	v13 =	vmov s16;
	[tilespmem:s2+$0xE0] =	vst v3  }
0x567: {  	s7 =	simm.s32 $0xF;
	v1 =	vld.idx.msk [tilespmem:v12+s15+$0x0], $0xffff;
	v12 =	vmov s8;
	v7 =	vmov s28;
	[tilespmem:s2+$0x100] =	vst v10;
	v9 =	vmul.f32 v9, v2  }
0x568: {  	v17 =	vld [tilespmem:s2+$0x190];
	s20 =	simm.s32 $0xB;
	s28 =	simm.s32 $0xD;
	v7 =	vand.u32 $0xFFFFFFF8, v7;
	v3 =	vmov s7;
	[tilespmem:s2+$0x110] =	vst v4;
	v16 =	vmul.f32 v6, v2  }
0x569: {  	v63 =	vmov s28;
	v10 =	vmov s20;
	v6 =	vld [tilespmem:s2+$0x1A0];
	[tilespmem:s2+$0x120] =	vst v9;
	v9 =	vmul.f32 v5, v2  }
0x56a: {  	v4 =	vbroadcast v7, $0x0;
	v7 =	vld [tilespmem:s2+$0x1B0];
	v5 =	vand.u32 $0xFFFFFFF9, v12;
	[tilespmem:s2+$0x130] =	vst v16;
	v16 =	vmul.f32 v8, v2  }
0x56b: {  	v12 =	vand.u32 $0xFFFFFFFA, v13;
	v13 =	vand.u32 $0xFFFFFFFB, v10;
	v5 =	vbroadcast v5, $0x0;
	[tilespmem:s2+$0x140] =	vst v9;
	v8 =	vld [tilespmem:s2+$0x1C0]  }
0x56c: {  	s22 =	simm.s32 $0x9;
	v10 =	vbroadcast v12, $0x0;
	v2 =	vand.u32 $0xFFFFFFFC, v15;
	v15 =	vmul.f32 v14, v1;
	v9 =	vld [tilespmem:s2+$0x1D0];
	[tilespmem:s2+$0x160] =	vst v16  }
0x56d: {  	s8 =	simm.s32 $0x10;
	v11 =	vld [tilespmem:s2+$0x1E0];
	s7 =	simm.s32 $0xE;
	v12 =	vbroadcast v13, $0x0;
	v13 =	vmul.f32 v17, v1;
	v14 =	vand.u32 $0xFFFFFFFD, v63;
	s20 =	rddreg [dreg:$0xe]  }
.LBB2_14:
0x56e: {  	p0 =	slt.u32 s8, $0x48;
	v2 =	vbroadcast v2, $0x0;
	v16 =	vmov s7;
	[tilespmem:s2+$0x180] =	vst v15;
	v6 =	vmul.f32 v6, v1;
	v15 =	vld [tilespmem:s2+$0x1F0]  }
0x56f: {  	v14 =	vbroadcast v14, $0x0;
	v16 =	vand.u32 $0xFFFFFFFE, v16;
	v17 =	vld.idx.msk [tilespmem:v3+s15+$0x0], $0xffff;
	[tilespmem:s2+$0x190] =	vst v13;
	v3 =	vmul.f32 v7, v1  }
0x570: {  	v7 =	vld.idx.msk [tilespmem:v4+s15+$0x0], $0xffff;
	v13 =	vbroadcast v16, $0x0;
	[tilespmem:s2+$0x1A0] =	vst v6;
	v4 =	vmul.f32 v8, v1  }
0x571: {  	v6 =	vld.idx.msk [tilespmem:v5+s15+$0x0], $0xffff;
	[tilespmem:s2+$0x1B0] =	vst v3;
	v3 =	vmul.f32 v9, v1  }
0x572: {  	v8 =	vld.idx.msk [tilespmem:v10+s15+$0x0], $0xffff;
	[tilespmem:s2+$0x1C0] =	vst v4;
	v9 =	vmul.f32 v11, v1  }
0x573: {  	v5 =	vld.idx.msk [tilespmem:v12+s15+$0x0], $0xffff;
	[tilespmem:s2+$0x1D0] =	vst v3;
	v10 =	vmul.f32 v15, v1  }
0x574: {  	v4 =	vld.idx.msk [tilespmem:v2+s15+$0x0], $0xffff;
	[tilespmem:s2+$0x1E0] =	vst v9  }
0x575: {  	v1 =	vmov v17;
	v3 =	vld.idx.msk [tilespmem:v14+s15+$0x0], $0xffff;
	[tilespmem:s2+$0x1F0] =	vst v10  }
0x576: {  	s2 =	sadd.s32 $0x400, s2;
	v2 =	vld.idx.msk [tilespmem:v13+s15+$0x0], $0xffff  }
0x577: {  	v9 =	vld [tilespmem:s2+$0x170]  }
0x578: {  	v10 =	vld [tilespmem:s2+$0xFFFFFE00]  }
0x579: {  	v11 =	vld [tilespmem:s2+$0xFFFFFE10]  }
0x57a: {  	v12 =	vld [tilespmem:s2+$0xFFFFFE20]  }
0x57b: {  	v13 =	vld [tilespmem:s2+$0xFFFFFE30]  }
0x57c: {  	v14 =	vld [tilespmem:s2+$0xFFFFFE40];
	v9 =	vmul.f32 v9, v2  }
0x57d: {  	v10 =	vmul.f32 v10, v7;
	v15 =	vld [tilespmem:s2+$0xFFFFFE50]  }
0x57e: {  	v11 =	vmul.f32 v11, v7;
	v16 =	vld [tilespmem:s2+$0xFFFFFE60];
	[tilespmem:s2+$0x170] =	vst v9  }
0x57f: {  	[tilespmem:s2+$0xFFFFFE00] =	vst v10;
	v9 =	vmul.f32 v12, v7;
	v10 =	vld [tilespmem:s2+$0xFFFFFE70]  }
0x580: {  	[tilespmem:s2+$0xFFFFFE10] =	vst v11;
	v11 =	vmul.f32 v13, v7;
	v12 =	vld [tilespmem:s2+$0xFFFFFE80]  }
0x581: {  	[tilespmem:s2+$0xFFFFFE20] =	vst v9;
	v9 =	vmul.f32 v14, v7;
	v13 =	vld [tilespmem:s2+$0xFFFFFE90]  }
0x582: {  	[tilespmem:s2+$0xFFFFFE30] =	vst v11;
	v11 =	vmul.f32 v15, v7;
	v14 =	vld [tilespmem:s2+$0xFFFFFEA0]  }
0x583: {  	[tilespmem:s2+$0xFFFFFE40] =	vst v9;
	v9 =	vmul.f32 v16, v7;
	v15 =	vld [tilespmem:s2+$0xFFFFFEB0]  }
0x584: {  	[tilespmem:s2+$0xFFFFFE50] =	vst v11;
	v7 =	vmul.f32 v10, v7;
	v10 =	vld [tilespmem:s2+$0xFFFFFEC0]  }
0x585: {  	[tilespmem:s2+$0xFFFFFE60] =	vst v9;
	v9 =	vmul.f32 v12, v6;
	v11 =	vld [tilespmem:s2+$0xFFFFFED0]  }
0x586: {  	[tilespmem:s2+$0xFFFFFE70] =	vst v7;
	v7 =	vmul.f32 v13, v6;
	v12 =	vld [tilespmem:s2+$0xFFFFFEE0]  }
0x587: {  	[tilespmem:s2+$0xFFFFFE80] =	vst v9;
	v9 =	vmul.f32 v14, v6;
	v13 =	vld [tilespmem:s2+$0xFFFFFEF0]  }
0x588: {  	[tilespmem:s2+$0xFFFFFE90] =	vst v7;
	v7 =	vmul.f32 v15, v6;
	v14 =	vld [tilespmem:s2+$0xFFFFFF00]  }
0x589: {  	[tilespmem:s2+$0xFFFFFEA0] =	vst v9;
	v9 =	vmul.f32 v10, v6;
	v10 =	vld [tilespmem:s2+$0xFFFFFF10]  }
0x58a: {  	[tilespmem:s2+$0xFFFFFEB0] =	vst v7;
	v7 =	vmul.f32 v11, v6;
	v11 =	vld [tilespmem:s2+$0xFFFFFF20]  }
0x58b: {  	[tilespmem:s2+$0xFFFFFEC0] =	vst v9;
	v9 =	vmul.f32 v12, v6;
	v12 =	vld [tilespmem:s2+$0xFFFFFF30]  }
0x58c: {  	[tilespmem:s2+$0xFFFFFED0] =	vst v7;
	v6 =	vmul.f32 v13, v6;
	v7 =	vld [tilespmem:s2+$0xFFFFFF40]  }
0x58d: {  	[tilespmem:s2+$0xFFFFFEE0] =	vst v9;
	v9 =	vmul.f32 v14, v8;
	v13 =	vld [tilespmem:s2+$0xFFFFFF50]  }
0x58e: {  	[tilespmem:s2+$0xFFFFFEF0] =	vst v6;
	v6 =	vmul.f32 v10, v8;
	v10 =	vld [tilespmem:s2+$0xFFFFFF60]  }
0x58f: {  	[tilespmem:s2+$0xFFFFFF00] =	vst v9;
	v9 =	vmul.f32 v11, v8;
	v11 =	vld [tilespmem:s2+$0xFFFFFF70]  }
0x590: {  	[tilespmem:s2+$0xFFFFFF10] =	vst v6;
	v6 =	vmul.f32 v12, v8;
	v12 =	vld [tilespmem:s2+$0xFFFFFF80]  }
0x591: {  	[tilespmem:s2+$0xFFFFFF20] =	vst v9;
	v7 =	vmul.f32 v7, v8;
	v9 =	vld [tilespmem:s2+$0xFFFFFF90]  }
0x592: {  	[tilespmem:s2+$0xFFFFFF30] =	vst v6;
	v6 =	vmul.f32 v13, v8;
	v13 =	vld [tilespmem:s2+$0xFFFFFFA0]  }
0x593: {  	[tilespmem:s2+$0xFFFFFF40] =	vst v7;
	v7 =	vmul.f32 v10, v8;
	v10 =	vld [tilespmem:s2+$0xFFFFFFB0]  }
0x594: {  	[tilespmem:s2+$0xFFFFFF50] =	vst v6;
	v6 =	vmul.f32 v11, v8;
	v8 =	vld [tilespmem:s2+$0xFFFFFFC0]  }
0x595: {  	[tilespmem:s2+$0xFFFFFF60] =	vst v7;
	v7 =	vmul.f32 v12, v5;
	v11 =	vld [tilespmem:s2+$0xFFFFFFD0]  }
0x596: {  	[tilespmem:s2+$0xFFFFFF70] =	vst v6;
	v6 =	vmul.f32 v9, v5;
	v9 =	vld [tilespmem:s2+$0xFFFFFFE0]  }
0x597: {  	[tilespmem:s2+$0xFFFFFF80] =	vst v7;
	v7 =	vmul.f32 v13, v5;
	v12 =	vld [tilespmem:s2+$0xFFFFFFF0]  }
0x598: {  	[tilespmem:s2+$0xFFFFFF90] =	vst v6;
	v6 =	vmul.f32 v10, v5;
	v10 =	vld [tilespmem:s2+$0x0]  }
0x599: {  	[tilespmem:s2+$0xFFFFFFA0] =	vst v7;
	v7 =	vmul.f32 v8, v5;
	v8 =	vld [tilespmem:s2+$0x10]  }
0x59a: {  	[tilespmem:s2+$0xFFFFFFB0] =	vst v6;
	v6 =	vmul.f32 v11, v5;
	v11 =	vld [tilespmem:s2+$0x20]  }
0x59b: {  	[tilespmem:s2+$0xFFFFFFC0] =	vst v7;
	v7 =	vmul.f32 v9, v5;
	v9 =	vld [tilespmem:s2+$0x30]  }
0x59c: {  	[tilespmem:s2+$0xFFFFFFD0] =	vst v6;
	v5 =	vmul.f32 v12, v5;
	v6 =	vld [tilespmem:s2+$0x40]  }
0x59d: {  	[tilespmem:s2+$0xFFFFFFE0] =	vst v7;
	v7 =	vmul.f32 v10, v4;
	v10 =	vld [tilespmem:s2+$0x50]  }
0x59e: {  	[tilespmem:s2+$0xFFFFFFF0] =	vst v5;
	v5 =	vmul.f32 v8, v4;
	v8 =	vld [tilespmem:s2+$0x60]  }
0x59f: {  	[tilespmem:s2+$0x0] =	vst v7;
	v7 =	vmul.f32 v11, v4;
	v11 =	vld [tilespmem:s2+$0x70]  }
0x5a0: {  	[tilespmem:s2+$0x10] =	vst v5;
	v5 =	vmul.f32 v9, v4;
	v9 =	vld [tilespmem:s2+$0x80]  }
0x5a1: {  	[tilespmem:s2+$0x20] =	vst v7;
	v6 =	vmul.f32 v6, v4;
	v7 =	vld [tilespmem:s2+$0x90]  }
0x5a2: {  	[tilespmem:s2+$0x30] =	vst v5;
	v5 =	vmul.f32 v10, v4;
	v10 =	vld [tilespmem:s2+$0xA0]  }
0x5a3: {  	[tilespmem:s2+$0x40] =	vst v6;
	v6 =	vmul.f32 v8, v4;
	v8 =	vld [tilespmem:s2+$0xB0]  }
0x5a4: {  	[tilespmem:s2+$0x50] =	vst v5;
	v4 =	vmul.f32 v11, v4;
	v5 =	vld [tilespmem:s2+$0xC0]  }
0x5a5: {  	[tilespmem:s2+$0x60] =	vst v6;
	v6 =	vmul.f32 v9, v3;
	v9 =	vld [tilespmem:s2+$0xD0]  }
0x5a6: {  	[tilespmem:s2+$0x70] =	vst v4;
	v4 =	vmul.f32 v7, v3;
	v7 =	vld [tilespmem:s2+$0xE0]  }
0x5a7: {  	[tilespmem:s2+$0x80] =	vst v6;
	v6 =	vmul.f32 v10, v3;
	v10 =	vld [tilespmem:s2+$0xF0]  }
0x5a8: {  	[tilespmem:s2+$0x90] =	vst v4;
	v4 =	vmul.f32 v8, v3;
	v8 =	vld [tilespmem:s2+$0x100]  }
0x5a9: {  	[tilespmem:s2+$0xA0] =	vst v6;
	v5 =	vmul.f32 v5, v3;
	v6 =	vld [tilespmem:s2+$0x110]  }
0x5aa: {  	[tilespmem:s2+$0xB0] =	vst v4;
	v4 =	vmul.f32 v9, v3;
	v9 =	vld [tilespmem:s2+$0x120]  }
0x5ab: {  	[tilespmem:s2+$0xC0] =	vst v5;
	v5 =	vmul.f32 v7, v3;
	v7 =	vld [tilespmem:s2+$0x130]  }
0x5ac: {  	[tilespmem:s2+$0xD0] =	vst v4;
	v4 =	vmul.f32 v10, v3;
	v10 =	vld [tilespmem:s2+$0x140]  }
0x5ad: {  	s1 =	sadd.s32 $0x7, s8;
	v3 =	vmov s8;
	[tilespmem:s2+$0xE0] =	vst v5;
	v5 =	vmul.f32 v8, v2;
	v8 =	vld [tilespmem:s2+$0x150]  }
0x5ae: {  	s7 =	sadd.s32 $0x1, s8;
	s16 =	sadd.s32 $0x2, s8;
	v11 =	vand.u32 $0xFFFFFFF8, v3;
	v3 =	vmov s1;
	[tilespmem:s2+$0xF0] =	vst v4;
	v4 =	vmul.f32 v6, v2;
	v12 =	vld [tilespmem:s2+$0x160]  }
0x5af: {  	v14 =	vmov s16;
	v13 =	vmov s7;
	s7 =	sadd.s32 $0x4, s8;
	s1 =	sadd.s32 $0x3, s8;
	[tilespmem:s2+$0x100] =	vst v5;
	v5 =	vmul.f32 v9, v2;
	v9 =	vld [tilespmem:s2+$0x180]  }
0x5b0: {  	v16 =	vmov s7;
	v15 =	vmov s1;
	s1 =	sadd.s32 $0x5, s8;
	[tilespmem:s2+$0x110] =	vst v4;
	v7 =	vmul.f32 v7, v2;
	v17 =	vld [tilespmem:s2+$0x190]  }
.Ltmp6:
0x5b1: {  	v4 =	vbroadcast v11, $0x0;
	v11 =	vmov s1;
	[tilespmem:s2+$0x120] =	vst v5;
	v10 =	vmul.f32 v10, v2;
	v6 =	vld [tilespmem:s2+$0x1A0];
	(pc) =	sbr.rel @p0 .LBB2_14-.Ltmp6, $4  }
0x5b2: {  	v5 =	vand.u32 $0xFFFFFFF9, v13;
	v13 =	vand.u32 $0xFFFFFFFA, v14;
	[tilespmem:s2+$0x130] =	vst v7;
	v14 =	vmul.f32 v8, v2;
	v7 =	vld [tilespmem:s2+$0x1B0]  }
0x5b3: {  	v18 =	vand.u32 $0xFFFFFFFB, v15;
	v5 =	vbroadcast v5, $0x0;
	[tilespmem:s2+$0x140] =	vst v10;
	v19 =	vmul.f32 v12, v2;
	v8 =	vld [tilespmem:s2+$0x1C0]  }
0x5b4: {  	v10 =	vbroadcast v13, $0x0;
	v2 =	vand.u32 $0xFFFFFFFC, v16;
	[tilespmem:s2+$0x150] =	vst v14;
	v15 =	vmul.f32 v9, v1;
	v9 =	vld [tilespmem:s2+$0x1D0]  }
0x5b5: {  	s7 =	sadd.s32 $0x6, s8;
	s8 =	sadd.s32 $0x8, s8;
	v12 =	vbroadcast v18, $0x0;
	v14 =	vand.u32 $0xFFFFFFFD, v11;
	[tilespmem:s2+$0x160] =	vst v19;
	v13 =	vmul.f32 v17, v1;
	v11 =	vld [tilespmem:s2+$0x1E0]  }
0x5b6: {  	_ =	sdelay $0x2  }
0x5b7: {  	v16 =	vld [tilespmem:s2+$0x1F0]  }
0x5b8: {  	v18 =	vld.idx.msk [tilespmem:v4+s15+$0x0], $0xffff  }
0x5b9: {  	v23 =	vld.idx.msk [tilespmem:v5+s15+$0x0], $0xffff  }
0x5ba: {  	v22 =	vbroadcast v2, $0x0;
	v2 =	vmov s7;
	v10 =	vld.idx.msk [tilespmem:v10+s15+$0x0], $0xffff  }
0x5bb: {  	v17 =	vand.u32 $0xFFFFFFFE, v2;
	v2 =	vld.idx.msk [tilespmem:v3+s15+$0x0], $0xffff  }
0x5bc: {  	s8 =	sadd.s32 $0x400, s2;
	v12 =	vld.idx.msk [tilespmem:v12+s15+$0x0], $0xffff  }
0x5bd: {  	v24 =	vld [tilespmem:s8+$0x170]  }
0x5be: {  	v26 =	vld [tilespmem:s8+$0xFFFFFE00]  }
0x5bf: {  	v28 =	vld [tilespmem:s8+$0xFFFFFE10]  }
0x5c0: {  	[tilespmem:s2+$0x180] =	vst v15;
	v6 =	vmul.f32 v6, v1;
	v30 =	vld [tilespmem:s8+$0xFFFFFE20]  }
0x5c1: {  	[tilespmem:s2+$0x190] =	vst v13;
	v7 =	vmul.f32 v7, v1;
	v31 =	vld [tilespmem:s8+$0xFFFFFE30]  }
0x5c2: {  	v32 =	vld [tilespmem:s8+$0xFFFFFE40];
	[tilespmem:s2+$0x1A0] =	vst v6;
	v25 =	vmul.f32 v8, v1  }
0x5c3: {  	v33 =	vld [tilespmem:s8+$0xFFFFFE50];
	[tilespmem:s2+$0x1B0] =	vst v7;
	v27 =	vmul.f32 v9, v1  }
0x5c4: {  	v34 =	vld [tilespmem:s8+$0xFFFFFE60];
	[tilespmem:s2+$0x1C0] =	vst v25;
	v29 =	vmul.f32 v11, v1  }
0x5c5: {  	v35 =	vld [tilespmem:s8+$0xFFFFFE70];
	[tilespmem:s2+$0x1D0] =	vst v27;
	v1 =	vmul.f32 v16, v1  }
0x5c6: {  	v36 =	vld [tilespmem:s8+$0xFFFFFE80];
	[tilespmem:s2+$0x1E0] =	vst v29;
	v9 =	vmul.f32 v28, v18  }
0x5c7: {  	v37 =	vld [tilespmem:s8+$0xFFFFFE90];
	[tilespmem:s2+$0x1F0] =	vst v1;
	v1 =	vmul.f32 v26, v18  }
0x5c8: {  	v39 =	vld [tilespmem:s8+$0xFFFFFEA0];
	v7 =	vmul.f32 v31, v18;
	[tilespmem:s8+$0xFFFFFE10] =	vst v9  }
0x5c9: {  	v40 =	vld [tilespmem:s8+$0xFFFFFEB0];
	[tilespmem:s8+$0xFFFFFE00] =	vst v1;
	v1 =	vmul.f32 v30, v18  }
0x5ca: {  	v42 =	vld [tilespmem:s8+$0xFFFFFEC0];
	v38 =	vmul.f32 v33, v18;
	[tilespmem:s8+$0xFFFFFE30] =	vst v7  }
0x5cb: {  	v43 =	vld [tilespmem:s8+$0xFFFFFED0];
	[tilespmem:s8+$0xFFFFFE20] =	vst v1;
	v1 =	vmul.f32 v32, v18  }
0x5cc: {  	v44 =	vld [tilespmem:s8+$0xFFFFFEE0];
	v41 =	vmul.f32 v35, v18;
	[tilespmem:s8+$0xFFFFFE50] =	vst v38  }
0x5cd: {  	v45 =	vld [tilespmem:s8+$0xFFFFFEF0];
	[tilespmem:s8+$0xFFFFFE40] =	vst v1;
	v1 =	vmul.f32 v34, v18  }
0x5ce: {  	v47 =	vld [tilespmem:s8+$0xFFFFFF00];
	v6 =	vmul.f32 v37, v23;
	[tilespmem:s8+$0xFFFFFE70] =	vst v41  }
0x5cf: {  	v48 =	vld [tilespmem:s8+$0xFFFFFF10];
	[tilespmem:s8+$0xFFFFFE60] =	vst v1;
	v1 =	vmul.f32 v36, v23  }
0x5d0: {  	v50 =	vld [tilespmem:s8+$0xFFFFFF20];
	v46 =	vmul.f32 v40, v23;
	[tilespmem:s8+$0xFFFFFE90] =	vst v6  }
0x5d1: {  	v51 =	vld [tilespmem:s8+$0xFFFFFF30];
	[tilespmem:s8+$0xFFFFFE80] =	vst v1;
	v1 =	vmul.f32 v39, v23  }
0x5d2: {  	v53 =	vld [tilespmem:s8+$0xFFFFFF40];
	v49 =	vmul.f32 v43, v23;
	[tilespmem:s8+$0xFFFFFEB0] =	vst v46  }
0x5d3: {  	v54 =	vld [tilespmem:s8+$0xFFFFFF50];
	[tilespmem:s8+$0xFFFFFEA0] =	vst v1;
	v1 =	vmul.f32 v42, v23  }
0x5d4: {  	v56 =	vld [tilespmem:s8+$0xFFFFFF60];
	v52 =	vmul.f32 v45, v23;
	[tilespmem:s8+$0xFFFFFED0] =	vst v49  }
0x5d5: {  	v57 =	vld [tilespmem:s8+$0xFFFFFF70];
	[tilespmem:s8+$0xFFFFFEC0] =	vst v1;
	v1 =	vmul.f32 v44, v23  }
0x5d6: {  	v14 =	vbroadcast v14, $0x0;
	v59 =	vld [tilespmem:s8+$0xFFFFFF80];
	v55 =	vmul.f32 v48, v10;
	[tilespmem:s8+$0xFFFFFEF0] =	vst v52  }
0x5d7: {  	v60 =	vld [tilespmem:s8+$0xFFFFFF90];
	[tilespmem:s8+$0xFFFFFEE0] =	vst v1;
	v1 =	vmul.f32 v47, v10  }
0x5d8: {  	v62 =	vld [tilespmem:s8+$0xFFFFFFA0];
	v58 =	vmul.f32 v51, v10;
	[tilespmem:s8+$0xFFFFFF10] =	vst v55  }
0x5d9: {  	v63 =	vld [tilespmem:s8+$0xFFFFFFB0];
	v3 =	vbroadcast v17, $0x0;
	[tilespmem:s8+$0xFFFFFF00] =	vst v1;
	v1 =	vmul.f32 v50, v10  }
0x5da: {  	v15 =	vld [tilespmem:s8+$0xFFFFFFC0];
	v61 =	vmul.f32 v54, v10;
	[tilespmem:s8+$0xFFFFFF30] =	vst v58  }
0x5db: {  	v19 =	vld [tilespmem:s8+$0xFFFFFFF0];
	[tilespmem:s8+$0xFFFFFF20] =	vst v1;
	v1 =	vmul.f32 v53, v10  }
0x5dc: {  	v4 =	vld.idx.msk [tilespmem:v14+s15+$0x0], $0xffff;
	v14 =	vmul.f32 v57, v10;
	[tilespmem:s8+$0xFFFFFF50] =	vst v61  }
0x5dd: {  	v5 =	vld.idx.msk [tilespmem:v22+s15+$0x0], $0xffff;
	[tilespmem:s8+$0xFFFFFF40] =	vst v1;
	v1 =	vmul.f32 v56, v10  }
0x5de: {  	v17 =	vmul.f32 v60, v12;
	v22 =	vld [tilespmem:s8+$0x10];
	[tilespmem:s8+$0xFFFFFF70] =	vst v14  }
0x5df: {  	v3 =	vld.idx.msk [tilespmem:v3+s15+$0x0], $0xffff;
	[tilespmem:s8+$0xFFFFFF60] =	vst v1;
	v1 =	vmul.f32 v59, v12  }
0x5e0: {  	v20 =	vmul.f32 v63, v12;
	[tilespmem:s8+$0xFFFFFF90] =	vst v17;
	v18 =	vld [tilespmem:s8+$0xFFFFFFE0]  }
0x5e1: {  	v25 =	vld [tilespmem:s8+$0x30];
	[tilespmem:s8+$0xFFFFFF80] =	vst v1;
	v1 =	vmul.f32 v62, v12  }
0x5e2: {  	v21 =	vld [tilespmem:s8+$0x0];
	v26 =	vmul.f32 v19, v12;
	[tilespmem:s8+$0xFFFFFFB0] =	vst v20  }
0x5e3: {  	v28 =	vld [tilespmem:s8+$0x50];
	[tilespmem:s8+$0xFFFFFFA0] =	vst v1;
	v1 =	vmul.f32 v15, v12  }
0x5e4: {  	[tilespmem:s8+$0xFFFFFFF0] =	vst v26;
	v29 =	vmul.f32 v22, v5;
	v13 =	vmul.f32 v24, v3;
	v24 =	vld [tilespmem:s8+$0x20]  }
0x5e5: {  	v37 =	vld [tilespmem:s8+$0xB0];
	[tilespmem:s8+$0xFFFFFFC0] =	vst v1;
	v1 =	vmul.f32 v18, v12  }
0x5e6: {  	v27 =	vld [tilespmem:s8+$0x40];
	v32 =	vmul.f32 v25, v5;
	[tilespmem:s8+$0x10] =	vst v29  }
0x5e7: {  	[tilespmem:s8+$0xFFFFFFE0] =	vst v1;
	v1 =	vmul.f32 v21, v5  }
0x5e8: {  	v30 =	vld [tilespmem:s8+$0x60];
	v35 =	vmul.f32 v28, v5;
	[tilespmem:s8+$0x30] =	vst v32  }
0x5e9: {  	v45 =	vld [tilespmem:s8+$0x110];
	[tilespmem:s8+$0x0] =	vst v1;
	v1 =	vmul.f32 v24, v5  }
0x5ea: {  	v33 =	vld [tilespmem:s8+$0x80];
	v43 =	vmul.f32 v37, v4;
	[tilespmem:s8+$0x50] =	vst v35  }
0x5eb: {  	v48 =	vld [tilespmem:s8+$0x130];
	[tilespmem:s8+$0x20] =	vst v1;
	v1 =	vmul.f32 v27, v5  }
0x5ec: {  	[tilespmem:s8+$0xB0] =	vst v43;
	v36 =	vld [tilespmem:s8+$0xA0]  }
0x5ed: {  	v34 =	vld [tilespmem:s8+$0x90];
	[tilespmem:s8+$0x40] =	vst v1;
	v1 =	vmul.f32 v30, v5  }
0x5ee: {  	v38 =	vld [tilespmem:s8+$0xC0];
	v51 =	vmul.f32 v45, v3;
	[tilespmem:s8+$0x170] =	vst v13  }
0x5ef: {  	v16 =	vld [tilespmem:s8+$0xFFFFFFD0];
	[tilespmem:s8+$0x60] =	vst v1;
	v1 =	vmul.f32 v33, v4  }
0x5f0: {  	v41 =	vld [tilespmem:s8+$0xE0];
	v54 =	vmul.f32 v48, v3;
	[tilespmem:s8+$0x110] =	vst v51  }
0x5f1: {  	v39 =	vld [tilespmem:s8+$0xD0];
	[tilespmem:s8+$0x80] =	vst v1;
	v1 =	vmul.f32 v36, v4  }
0x5f2: {  	[tilespmem:s8+$0x130] =	vst v54;
	v40 =	vmul.f32 v34, v4;
	v44 =	vld [tilespmem:s8+$0x100]  }
0x5f3: {  	v50 =	vld [tilespmem:s8+$0x150];
	[tilespmem:s8+$0xA0] =	vst v1;
	v1 =	vmul.f32 v38, v4  }
0x5f4: {  	[tilespmem:s8+$0x90] =	vst v40;
	v23 =	vmul.f32 v16, v12;
	v47 =	vld [tilespmem:s8+$0x120]  }
0x5f5: {  	v53 =	vld [tilespmem:s8+$0x180];
	[tilespmem:s8+$0xC0] =	vst v1;
	v1 =	vmul.f32 v41, v4  }
0x5f6: {  	v49 =	vld [tilespmem:s8+$0x140];
	v46 =	vmul.f32 v39, v4;
	[tilespmem:s8+$0xFFFFFFD0] =	vst v23  }
0x5f7: {  	v56 =	vld [tilespmem:s8+$0x1A0];
	[tilespmem:s8+$0xE0] =	vst v1;
	v1 =	vmul.f32 v44, v3  }
0x5f8: {  	v52 =	vld [tilespmem:s8+$0x160];
	[tilespmem:s8+$0xD0] =	vst v46;
	v57 =	vmul.f32 v50, v3  }
0x5f9: {  	v31 =	vld [tilespmem:s8+$0x70];
	[tilespmem:s8+$0x100] =	vst v1;
	v1 =	vmul.f32 v47, v3  }
0x5fa: {  	v55 =	vld [tilespmem:s8+$0x190];
	[tilespmem:s8+$0x150] =	vst v57;
	v59 =	vmul.f32 v53, v2  }
0x5fb: {  	v42 =	vld [tilespmem:s8+$0xF0];
	[tilespmem:s8+$0x120] =	vst v1;
	v1 =	vmul.f32 v49, v3  }
0x5fc: {  	v58 =	vld [tilespmem:s8+$0x1B0];
	[tilespmem:s8+$0x180] =	vst v59;
	v62 =	vmul.f32 v56, v2  }
0x5fd: {  	[tilespmem:s8+$0x140] =	vst v1;
	v1 =	vmul.f32 v52, v3;
	v3 =	vld [tilespmem:s8+$0x1C0]  }
0x5fe: {  	v60 =	vld [tilespmem:s8+$0x1D0];
	[tilespmem:s8+$0x1A0] =	vst v62;
	v5 =	vmul.f32 v31, v5  }
0x5ff: {  	v61 =	vld [tilespmem:s8+$0x1E0];
	[tilespmem:s8+$0x160] =	vst v1;
	v1 =	vmul.f32 v55, v2  }
0x600: {  	v63 =	vld [tilespmem:s8+$0x1F0];
	[tilespmem:s8+$0x70] =	vst v5;
	v4 =	vmul.f32 v42, v4  }
0x601: {  	[tilespmem:s8+$0x190] =	vst v1;
	v1 =	vmul.f32 v58, v2  }
0x602: {  	[tilespmem:s8+$0xF0] =	vst v4;
	v3 =	vmul.f32 v3, v2  }
0x603: {  	[tilespmem:s8+$0x1B0] =	vst v1;
	v1 =	vmul.f32 v60, v2  }
0x604: {  	[tilespmem:s8+$0x1C0] =	vst v3;
	v3 =	vmul.f32 v61, v2  }
0x605: {  	[tilespmem:s8+$0x1D0] =	vst v1;
	v1 =	vmul.f32 v63, v2  }
0x606: {  	[tilespmem:s8+$0x1E0] =	vst v3  }
0x607: {  	s1 =	simm.s32 $0x5300;
	[tilespmem:s8+$0x1F0] =	vst v1  }
0x608: {  	[spmem:s3] =	stream.indirect.scatter.add.f32 [tilespmem:s10], [sflag:$0x7], $0x80, s1, s14, $0xb8;
	[tilespmem:$0x1E680] =	vst v63  }
0x609: {  	_ =	swait.ge [sflag:s0], $0x2800  }
0x60a: {  	[sflag:s0] =	ssyncset.done $0x0  }
0x60b: {  	[sflag:s0] =	ssyncadd.s32 $0xFFFFD800  }
0x60c: {  	_ =	swait.ge [sflag:s31], $0x2800  }
0x60d: {  	[sflag:s31] =	ssyncset.done $0x0  }
0x60e: {  	[sflag:s31] =	ssyncadd.s32 $0xFFFFD800  }
0x60f: {  	s7 =	stileid.u32;
	[bflag:$0x0] =	sbarrier.arrive $0xFFFF  }
0x610: {  	s1 =	sshll.u32 s7, $0x6;
	s16 =	rddreg [dreg:$0x6]  }
0x611: {  	s1 =	sor.u32 $0x1C09, s1;
	s28 =	rddreg [dreg:$0x15];
	s8 =	sshrl.u32 s16, $0x3  }
0x612: {  	[hbm:s28], [sflag:s1] =	dma.local [spmem:s8], $0x2800  }
0x613: {  	_ =	swait.ge [sflag:s22], $0x2800  }
0x614: {  	[sflag:s22] =	ssyncset.done $0x0  }
0x615: {  	s8 =	sshrl.u32 s20, $0x3;
	s28 =	rddreg [dreg:$0x16];
	[sflag:s22] =	ssyncadd.s32 $0xFFFFD800  }
0x616: {  	[hbm:s28], [sflag:s1] =	dma.local [spmem:s8], $0x50  }
0x617: {  	_ =	swait.ge [sflag:s22], $0x50  }
0x618: {  	s8 =	rddreg [dreg:$0x1f]  }
0x619: {  	s28 =	rddreg [dreg:$0x17];
	s2 =	sadd.s32 $0x1, s8  }
0x61a: {  	p0 =	sne.s32 s2, s28  }
.Ltmp7:
0x61b: {  	_ = 	snop;
	(pc) =	sbr.rel @p0 .LBB2_1-.Ltmp7, $3  }
0x61c: {  	_ =	sdelay $0x1  }
0x61d: {  	[sflag:s22] =	ssyncset.done $0x0  }
0x61e: {  	[sflag:s22] =	ssyncadd.s32 $0xFFFFFFB0  }
0x61f: {  	_ =	sfence.sel $0x180000  }
0x620: {  	[bflag:$0x0] =	sbarrier.arrive $0xFFFF  }
0x621: {  	_ =	strace $0x90000047  }
0x622: {  	s0 =	stileid.u32;
	[bflag:$0x2] =	sbarrier.arrive $0xFFFF  }
0x623: {  	p0 =	sne.s32 s0, $0x0;
	s0 =	rddreg [dreg:$0x4]  }
0x624: {  	s0 =	sadd.s32 @!p0 $0x100000, s0  }
0x625: {  	[sflag:s0] =	ssyncadd.tile.s32 @!p0 $0x1;
	_ =	shalt  }
.Lfunc_end2:
_tile_overlayer_lowered:
.L_overlay_start_2:
0x626: {  	(tag) =	ssettag $0x2  }
0x627: {  	s0 =	rddreg [dreg:$0x0];
	s2 =	stileid.u32  }
0x628: {  	s1 =	rddreg [dreg:$0x1];
	p0 =	sne.s32 s2, $0x0  }
0x629: {  	s3 =	rddreg [dreg:$0x2];
	[bflag:$0x3] =	sbarrier.arrive $0xFFFF;
	s2 =	simm.s32 @!p0 $0x1C09  }
0x62a: {  	[timem:s3], [sflag:s2] =	dma.local @!p0 [hbm:s0], s1  }
0x62b: {  	s0 =	simm.s32 @!p0 $0x9  }
0x62c: {  	_ =	swait.ge @!p0 [sflag:s0], s1  }
0x62d: {  	s1 =	ssub.s32 @!p0 $0x0, s1;
	[sflag:s0] =	ssyncset.done @!p0 $0x0  }
0x62e: {  	[sflag:s0] =	ssyncadd.s32 @!p0 s1  }
0x62f: {  	[bflag:$0x3] =	sbarrier.arrive $0xFFFF  }
0x630: {  	_ =	shalt  }

</sc_bundles>
